<compile_context>
chip_gen: v7x
topology: tpu7x:2x2x1
jax: 0.10.2.dev20260603
libtpu: 0.0.44.dev20260713+nightly
codegen_flags: <defaults>
</compile_context>

<pallas_src>
import functools
import jax
import jax.numpy as jnp
from jax import lax
from jax.experimental import pallas as pl
from jax.experimental.pallas import tpu as pltpu
from jax.experimental.pallas import tpu_sc as plsc

N = 10000
E = 320000
IN_CH = 128
HID = 16
HEADS = 8
D1 = HEADS * HID
D2 = 64
TW1 = D1 + 16
TW2 = D2 + 16

NC = 2
NS = 16
NW = NC * NS
CHUNK = 80
EPT = E // NW
N_CHUNKS = EPT // CHUNK
ROWS_PER_SUB = N // NS

BLK = 400


def _leaky(x):
    return jnp.maximum(x, 0.2 * x)


def _perm_interleave(d):
    j = jnp.arange(d)
    src = 32 * (j // 32) + (j % 32) // 2 + 16 * (j % 2)
    return (jnp.arange(d)[:, None] == src[None, :]).astype(jnp.float32)


def _tc1_body(x_ref, w_ref, atts_ref, attd_ref, sel_ref, selT_ref, p_ref,
              r32_ref, hta_ref, tb_ref, wsh_ref, ws_ref):
    h = jnp.dot(x_ref[...], w_ref[...], preferred_element_type=jnp.float32)
    a_s = jnp.dot(h * atts_ref[...], sel_ref[...],
                  preferred_element_type=jnp.float32)
    a_d = jnp.dot(h * attd_ref[...], sel_ref[...],
                  preferred_element_type=jnp.float32)
    hp = jnp.dot(h, p_ref[...], preferred_element_type=jnp.float32)
    rep = jnp.dot(a_s, r32_ref[...], preferred_element_type=jnp.float32)
    hta_ref[...] = jnp.concatenate([hp, rep], axis=1).astype(jnp.bfloat16)
    tb_ref[...] = jnp.concatenate([a_d, a_d], axis=1)
    ws = jnp.exp(_leaky(a_s + a_d))
    ws_ref[...] = ws
    wrep = jnp.dot(ws, selT_ref[...], preferred_element_type=jnp.float32)
    wsh_ref[...] = h * wrep


def _tc1(x, W1, atts_row, attd_row, sel, selT, P1, R32):
    grid = (N // BLK,)
    return pl.pallas_call(
        _tc1_body,
        grid=grid,
        in_specs=[
            pl.BlockSpec((BLK, IN_CH), lambda i: (i, 0)),
            pl.BlockSpec((IN_CH, D1), lambda i: (0, 0)),
            pl.BlockSpec((1, D1), lambda i: (0, 0)),
            pl.BlockSpec((1, D1), lambda i: (0, 0)),
            pl.BlockSpec((D1, HEADS), lambda i: (0, 0)),
            pl.BlockSpec((HEADS, D1), lambda i: (0, 0)),
            pl.BlockSpec((D1, D1), lambda i: (0, 0)),
            pl.BlockSpec((HEADS, 32), lambda i: (0, 0)),
        ],
        out_specs=[
            pl.BlockSpec((BLK, D1 + 32), lambda i: (i, 0)),
            pl.BlockSpec((BLK, 16), lambda i: (i, 0)),
            pl.BlockSpec((BLK, D1), lambda i: (i, 0)),
            pl.BlockSpec((BLK, HEADS), lambda i: (i, 0)),
        ],
        out_shape=[
            jax.ShapeDtypeStruct((N, D1 + 32), jnp.bfloat16),
            jax.ShapeDtypeStruct((N, 16), jnp.float32),
            jax.ShapeDtypeStruct((N, D1), jnp.float32),
            jax.ShapeDtypeStruct((N, HEADS), jnp.float32),
        ],
    )(x, W1, atts_row, attd_row, sel, selT, P1, R32)


def _make_sc_edge(D, multi_head):
    TW = D + 16
    TB = D + 32
    mesh = plsc.VectorSubcoreMesh(core_axis_name="c", subcore_axis_name="s")

    @functools.partial(
        pl.kernel,
        mesh=mesh,
        compiler_params=pltpu.CompilerParams(use_tc_tiling_on_sc=False,
                                             needs_layout_passes=False),
        out_type=jax.ShapeDtypeStruct((NC, N, TW), jnp.float32),
        scratch_types=dict(
            acc_sh=pltpu.VMEM_SHARED((N, TW), jnp.float32),
            sidx_v=[[pltpu.VMEM((CHUNK // 2,), jnp.int32)] * 2] * 2,
            didx_v=[pltpu.VMEM((CHUNK,), jnp.int32)] * 2,
            tb_v=[pltpu.VMEM((CHUNK, 16), jnp.float32)] * 2,
            hta_v=[pltpu.VMEM((CHUNK, TB), jnp.bfloat16)] * 2,
            msg_v=pltpu.VMEM((CHUNK, TW), jnp.float32),
            sem_h=[pltpu.SemaphoreType.DMA] * 2,
            sem_b=[pltpu.SemaphoreType.DMA] * 2,
            sem_si=[pltpu.SemaphoreType.DMA] * 2,
            sem_di=[pltpu.SemaphoreType.DMA] * 2,
        ),
    )
    def k(hta_hbm, tb_hbm, src_hbm, dst_hbm,
          outp_hbm,
          acc_sh, sidx_v, didx_v, tb_v, hta_v, msg_v,
          sem_h, sem_b, sem_si, sem_di):
        cid = lax.axis_index("c")
        sid = lax.axis_index("s")
        wid = cid * NS + sid

        def zrow_body(c, carry):
            for t in range(TW // 16):
                msg_v[c, pl.ds(16 * t, 16)] = jnp.zeros((16,), jnp.float32)
            return carry

        lax.fori_loop(0, CHUNK, zrow_body, 0, unroll=4)
        r0 = sid * ROWS_PER_SUB
        nfull = ROWS_PER_SUB // CHUNK
        rem = ROWS_PER_SUB - nfull * CHUNK
        for jf in range(nfull):
            pltpu.sync_copy(msg_v,
                            acc_sh.at[pl.ds(r0 + jf * CHUNK, CHUNK), :])
        pltpu.sync_copy(msg_v.at[pl.ds(0, rem), :],
                        acc_sh.at[pl.ds(r0 + nfull * CHUNK, rem), :])
        plsc.subcore_barrier()

        ebase = wid * EPT

        H2 = CHUNK // 2

        def issue_idx(c, p):
            cc = jnp.minimum(c, N_CHUNKS - 1)
            base = ebase + cc * CHUNK
            d1 = pltpu.async_copy(src_hbm.at[pl.ds(base, H2)],
                                  sidx_v[p][0], sem_si[p])
            d2 = pltpu.async_copy(src_hbm.at[pl.ds(base + H2, H2)],
                                  sidx_v[p][1], sem_si[p])
            d3 = pltpu.async_copy(dst_hbm.at[pl.ds(base, CHUNK)],
                                  didx_v[p], sem_di[p])
            return (d1, d2, d3)

        def issue_gathers(p):
            d1 = pltpu.async_copy(hta_hbm.at[sidx_v[p][0]],
                                  hta_v[p].at[pl.ds(0, H2), :], sem_h[p])
            d2 = pltpu.async_copy(hta_hbm.at[sidx_v[p][1]],
                                  hta_v[p].at[pl.ds(H2, H2), :], sem_h[p])
            d3 = pltpu.async_copy(tb_hbm.at[didx_v[p]], tb_v[p], sem_b[p])
            return (d1, d2, d3)

        def wait_all(descs):
            for d in descs:
                d.wait()

        def process(p):
            hta = hta_v[p]
            tb = tb_v[p]

            mask_hi = jnp.int32(-65536)

            @plsc.parallel_loop(0, CHUNK, unroll=2)
            def edge_body(c):
                ti = plsc.bitcast(hta[c, pl.ds(D, 32)], jnp.int32)
                asv = plsc.bitcast(ti << 16, jnp.float32)
                alpha = asv + tb[c, :]
                wrow = jnp.exp(jnp.maximum(alpha, 0.2 * alpha))
                msg_v[c, pl.ds(D, 16)] = wrow
                for j in range(D // 32):
                    hi = plsc.bitcast(hta[c, pl.ds(32 * j, 32)], jnp.int32)
                    ha = plsc.bitcast(hi << 16, jnp.float32)
                    hb2 = plsc.bitcast(hi & mask_hi, jnp.float32)
                    wa = wrow[2 * j] if multi_head else wrow[0]
                    wb = wrow[2 * j + 1] if multi_head else wrow[0]
                    msg_v[c, pl.ds(32 * j, 16)] = ha * wa
                    msg_v[c, pl.ds(32 * j + 16, 16)] = hb2 * wb

            pltpu.sync_copy(msg_v, acc_sh.at[didx_v[p]], add=True)

        def load_idx_sync(c, p):
            base = ebase + c * CHUNK
            pltpu.sync_copy(src_hbm.at[pl.ds(base, H2)], sidx_v[p][0])
            pltpu.sync_copy(src_hbm.at[pl.ds(base + H2, H2)], sidx_v[p][1])
            pltpu.sync_copy(dst_hbm.at[pl.ds(base, CHUNK)], didx_v[p])

        load_idx_sync(0, 0)
        wait_all(issue_gathers(0))
        process(0)
        load_idx_sync(1, 0)
        wait_all(issue_gathers(0))
        load_idx_sync(2, 1)

        def pair_body(g, carry):
            c0 = 1 + 2 * g
            g1 = issue_gathers(1)
            process(0)
            i0 = issue_idx(c0 + 2, 0)
            wait_all(g1)
            wait_all(i0)
            g0 = issue_gathers(0)
            process(1)
            i1 = issue_idx(c0 + 3, 1)
            wait_all(g0)
            wait_all(i1)
            return carry

        lax.fori_loop(0, (N_CHUNKS - 1) // 2, pair_body, 0)

        plsc.subcore_barrier()
        pltpu.sync_copy(acc_sh.at[pl.ds(r0, ROWS_PER_SUB), :],
                        outp_hbm.at[cid, pl.ds(r0, ROWS_PER_SUB), :])

    return k


_sc_edge_l1 = _make_sc_edge(D1, True)
_sc_edge_l2 = _make_sc_edge(D2, False)


def _tc2_body(o0_ref, o1_ref, wsh_ref, ws_ref, selT_ref,
              b1_ref, w2_ref, atts2_ref, attd2_ref, p2_ref,
              hta2_ref, tb2_ref, wsh2_ref, ws2_ref):
    ws = ws_ref[...]
    num = o0_ref[...][:, :D1] + o1_ref[...][:, :D1] + wsh_ref[...]
    den8 = o0_ref[...][:, D1:D1 + HEADS] + o1_ref[...][:, D1:D1 + HEADS] + ws
    den = jnp.dot(den8, selT_ref[...], preferred_element_type=jnp.float32)
    g = jnp.maximum(num / den + b1_ref[...], 0.0)
    h2 = jnp.dot(g, w2_ref[...], preferred_element_type=jnp.float32)
    t_s = jnp.sum(h2 * atts2_ref[...], axis=1, keepdims=True)
    t_d = jnp.sum(h2 * attd2_ref[...], axis=1, keepdims=True)
    h2p = jnp.dot(h2, p2_ref[...], preferred_element_type=jnp.float32)
    rep = jnp.broadcast_to(t_s, (BLK, 32))
    hta2_ref[...] = jnp.concatenate([h2p, rep], axis=1).astype(jnp.bfloat16)
    tb2_ref[...] = jnp.broadcast_to(t_d, (BLK, 16))
    ws2 = jnp.exp(_leaky(t_s + t_d))
    ws2_ref[...] = jnp.broadcast_to(ws2, (BLK, 16))
    wsh2_ref[...] = h2 * ws2


def _tc2(o0, o1, wsh1, ws1, selT, b1row, W2, atts2, attd2, P2):
    grid = (N // BLK,)
    return pl.pallas_call(
        _tc2_body,
        grid=grid,
        in_specs=[
            pl.BlockSpec((BLK, TW1), lambda i: (i, 0)),
            pl.BlockSpec((BLK, TW1), lambda i: (i, 0)),
            pl.BlockSpec((BLK, D1), lambda i: (i, 0)),
            pl.BlockSpec((BLK, HEADS), lambda i: (i, 0)),
            pl.BlockSpec((HEADS, D1), lambda i: (0, 0)),
            pl.BlockSpec((1, D1), lambda i: (0, 0)),
            pl.BlockSpec((D1, D2), lambda i: (0, 0)),
            pl.BlockSpec((1, D2), lambda i: (0, 0)),
            pl.BlockSpec((1, D2), lambda i: (0, 0)),
            pl.BlockSpec((D2, D2), lambda i: (0, 0)),
        ],
        out_specs=[
            pl.BlockSpec((BLK, D2 + 32), lambda i: (i, 0)),
            pl.BlockSpec((BLK, 16), lambda i: (i, 0)),
            pl.BlockSpec((BLK, D2), lambda i: (i, 0)),
            pl.BlockSpec((BLK, 16), lambda i: (i, 0)),
        ],
        out_shape=[
            jax.ShapeDtypeStruct((N, D2 + 32), jnp.bfloat16),
            jax.ShapeDtypeStruct((N, 16), jnp.float32),
            jax.ShapeDtypeStruct((N, D2), jnp.float32),
            jax.ShapeDtypeStruct((N, 16), jnp.float32),
        ],
    )(o0, o1, wsh1, ws1, selT, b1row, W2, atts2, attd2, P2)


def _tc3_body(p0_ref, p1_ref, wsh2_ref, ws2_ref, b2_ref, out_ref):
    ws = ws2_ref[...][:, 0:1]
    den = p0_ref[...][:, D2:D2 + 1] + p1_ref[...][:, D2:D2 + 1] + ws
    num = p0_ref[...][:, :D2] + p1_ref[...][:, :D2] + wsh2_ref[...]
    out_ref[...] = num / den + b2_ref[...]


def _tc3(p0, p1, wsh2, ws2, b2row):
    grid = (N // BLK,)
    return pl.pallas_call(
        _tc3_body,
        grid=grid,
        in_specs=[
            pl.BlockSpec((BLK, TW2), lambda i: (i, 0)),
            pl.BlockSpec((BLK, TW2), lambda i: (i, 0)),
            pl.BlockSpec((BLK, D2), lambda i: (i, 0)),
            pl.BlockSpec((BLK, 16), lambda i: (i, 0)),
            pl.BlockSpec((1, D2), lambda i: (0, 0)),
        ],
        out_specs=pl.BlockSpec((BLK, D2), lambda i: (i, 0)),
        out_shape=jax.ShapeDtypeStruct((N, D2), jnp.float32),
    )(p0, p1, wsh2, ws2, b2row)


@jax.jit
def _run(x, edge_index, W1, att_src1, att_dst1, b1, W2, att_src2, att_dst2,
         b2):
    f32 = jnp.float32
    src = edge_index[0]
    dst = edge_index[1]

    col = jnp.arange(D1) // HID
    sel = (col[:, None] == jnp.arange(HEADS)[None, :]).astype(f32)
    selT = sel.T
    P1 = _perm_interleave(D1)
    P2 = _perm_interleave(D2)
    R32 = (jnp.arange(HEADS)[:, None]
           == ((jnp.arange(32) // 2) % HEADS)[None, :]).astype(f32)

    hta1, tb1, wsh1, ws1 = _tc1(x, W1, att_src1.reshape(1, D1),
                                att_dst1.reshape(1, D1), sel, selT, P1, R32)

    outp1 = _sc_edge_l1(hta1, tb1, src, dst)

    hta2, tb2, wsh2, ws2 = _tc2(
        outp1[0], outp1[1], wsh1, ws1, selT,
        b1.reshape(1, D1), W2, att_src2.reshape(1, D2),
        att_dst2.reshape(1, D2), P2)

    outp2 = _sc_edge_l2(hta2, tb2, src, dst)

    return _tc3(outp2[0], outp2[1], wsh2, ws2, b2.reshape(1, D2))


def kernel(x, edge_index, W1, att_src1, att_dst1, b1, W2, att_src2, att_dst2,
           b2):
    return _run(x, edge_index, W1, att_src1, att_dst1, b1, W2, att_src2,
                att_dst2, b2)

# --- scband reference (transcript-rebuilt; emitter-appended) ---
"""Pipeline reference for scband-gat-77730318123060 (READ-ONLY COPY).

The authoritative reference and input builder live on the scoring server;
editing this copy changes nothing except your own understanding.
"""

import jax, jax.numpy as jnp
import numpy as np

N = 10000
E = 320000
IN_CH = 128
HID = 16
HEADS = 8
OUT_CH = 64


def setup_inputs(seed: int = 0) -> dict:
    key = jax.random.key(seed)
    ks = jax.random.split(key, 12)
    x = jax.random.normal(ks[0], (N, IN_CH), dtype=jnp.float32)
    edge_index = jax.random.randint(ks[1], (2, E), 0, N, dtype=jnp.int32)
    # conv1 params: heads=8, out=HID, concat=True
    W1 = jax.random.normal(ks[2], (IN_CH, HEADS * HID), dtype=jnp.float32) * (1.0 / np.sqrt(IN_CH))
    att_src1 = jax.random.normal(ks[3], (1, HEADS, HID), dtype=jnp.float32) * 0.1
    att_dst1 = jax.random.normal(ks[4], (1, HEADS, HID), dtype=jnp.float32) * 0.1
    b1 = jnp.zeros((HEADS * HID,), dtype=jnp.float32)
    # conv2 params: heads=1, out=OUT_CH, concat=False
    W2 = jax.random.normal(ks[5], (HEADS * HID, OUT_CH), dtype=jnp.float32) * (1.0 / np.sqrt(HEADS * HID))
    att_src2 = jax.random.normal(ks[6], (1, 1, OUT_CH), dtype=jnp.float32) * 0.1
    att_dst2 = jax.random.normal(ks[7], (1, 1, OUT_CH), dtype=jnp.float32) * 0.1
    b2 = jnp.zeros((OUT_CH,), dtype=jnp.float32)
    return {"x": x, "edge_index": edge_index,
            "W1": W1, "att_src1": att_src1, "att_dst1": att_dst1, "b1": b1,
            "W2": W2, "att_src2": att_src2, "att_dst2": att_dst2, "b2": b2}


def _gat_conv(x, edge_index, W, att_src, att_dst, bias, heads, out_ch, concat):
    # Faithful PyG GATConv (add_self_loops=True, negative_slope=0.2, dropout inactive in eval)
    n = x.shape[0]
    loop = jnp.arange(n, dtype=edge_index.dtype)
    ei = jnp.concatenate([edge_index, jnp.stack([loop, loop], axis=0)], axis=1)
    src, dst = ei[0], ei[1]
    h = (x @ W).reshape(n, heads, out_ch)
    a_src = jnp.sum(h * att_src, axis=-1)  # [n, heads]
    a_dst = jnp.sum(h * att_dst, axis=-1)  # [n, heads]
    alpha = a_src[src] + a_dst[dst]  # gather per edge
    alpha = jax.nn.leaky_relu(alpha, negative_slope=0.2)
    # softmax over incoming edges of each dst node
    amax = jax.ops.segment_max(alpha, dst, num_segments=n)
    amax = jnp.where(jnp.isfinite(amax), amax, 0.0)
    ex = jnp.exp(alpha - amax[dst])
    denom = jax.ops.segment_sum(ex, dst, num_segments=n)
    att = ex / (denom[dst] + 1e-16)
    msg = h[src] * att[:, :, None]  # gather + weight
    out = jax.ops.segment_sum(msg, dst, num_segments=n)  # scatter-add
    if concat:
        out = out.reshape(n, heads * out_ch)
    else:
        out = out.mean(axis=1)
    return out + bias


def reference(x, edge_index, W1, att_src1, att_dst1, b1, W2, att_src2, att_dst2, b2):
    # dropout(p=0.6) is identity in eval mode
    h = _gat_conv(x, edge_index, W1, att_src1, att_dst1, b1, HEADS, HID, True)
    h = jax.nn.relu(h)
    out = _gat_conv(h, edge_index, W2, att_src2, att_dst2, b2, 1, OUT_CH, False)
    return out

if __name__ == "__main__":
    import jax
    _d = setup_inputs()
    print(jax.jit(kernel)(*tuple(_d.values())))

</pallas_src>

<mosaic_0001>
#map = affine_map<(d0, d1) -> (0, 0)>
#map1 = affine_map<(d0, d1) -> (0)>
#map2 = affine_map<(d0, d1) -> (0, 0, 0)>
module attributes {stable_mosaic.version = 14 : i64} {
  func.func @k(%arg0: i32, %arg1: i32, %arg2: memref<10000x160xbf16, #tpu.memory_space<hbm>>, %arg3: memref<10000x16xf32, #tpu.memory_space<hbm>>, %arg4: memref<320000xi32, #tpu.memory_space<hbm>>, %arg5: memref<320000xi32, #tpu.memory_space<hbm>>, %arg6: memref<2x10000x144xf32, #tpu.memory_space<hbm>>, %arg7: memref<10000x144xf32, #tpu.memory_space<vmem_shared>>, %arg8: memref<80xi32, #tpu.memory_space<vmem>>, %arg9: memref<80xi32, #tpu.memory_space<vmem>>, %arg10: memref<80x160xbf16, #tpu.memory_space<vmem>>, %arg11: memref<80x160xbf16, #tpu.memory_space<vmem>>, %arg12: memref<80x144xf32, #tpu.memory_space<vmem>>, %arg13: memref<!tpu.dma_semaphore, #tpu.memory_space<semaphore_mem>>, %arg14: memref<!tpu.dma_semaphore, #tpu.memory_space<semaphore_mem>>, %arg15: memref<!tpu.dma_semaphore, #tpu.memory_space<semaphore_mem>>, %arg16: memref<!tpu.dma_semaphore, #tpu.memory_space<semaphore_mem>>, %arg17: memref<!tpu.dma_semaphore, #tpu.memory_space<semaphore_mem>>, %arg18: memref<!tpu.dma_semaphore, #tpu.memory_space<semaphore_mem>>, %arg19: memref<!tpu.dma_semaphore, #tpu.memory_space<semaphore_mem>>, %arg20: memref<!tpu.dma_semaphore, #tpu.memory_space<semaphore_mem>>, %arg21: memref<40xi32, #tpu.memory_space<vmem>>, %arg22: memref<40xi32, #tpu.memory_space<vmem>>, %arg23: memref<40xi32, #tpu.memory_space<vmem>>, %arg24: memref<40xi32, #tpu.memory_space<vmem>>, %arg25: memref<80x16xf32, #tpu.memory_space<vmem>>, %arg26: memref<80x16xf32, #tpu.memory_space<vmem>>) attributes {dimension_semantics = [#tpu.dimension_semantics<core_parallel>, #tpu.dimension_semantics<subcore_parallel>], iteration_bounds = array<i64: 2, 16>, scalar_prefetch = 0 : i64, scratch_operands = 20 : i64, tpu.core_type = #tpu.core_type<sc_vector_subcore>, window_params = [{transform_indices = #map}, {transform_indices = #map}, {transform_indices = #map1}, {transform_indices = #map1}, {transform_indices = #map2}]} {
    %mul3A = arith.constant 16 : i32
    %mul3A_0 = arith.muli %arg0, %mul3A : i32
    %add3A = arith.addi %mul3A_0, %arg1 : i32
    %scan3A = arith.constant 0 : i32
    %scan3A_1 = arith.constant 0 : i32
    %scan3A_2 = arith.constant 80 : i32
    %scan3A_3 = arith.addi %scan3A_1, %scan3A_2 : i32
    %scan3A_4 = arith.constant 4 : i32
    scf.for %scan3A_106 = %scan3A_1 to %scan3A_3 step %scan3A_4  : i32 {
      %broadcast_in_dim3A = arith.constant 0.000000e+00 : f32
      %broadcast_in_dim3A_107 = vector.broadcast %broadcast_in_dim3A : f32 to vector<16xf32>
      %swap3A = arith.index_cast %scan3A_106 : i32 to index
      %swap3A_108 = arith.constant 0 : index
      %swap3A_109 = tpu.vector_load %arg12[%swap3A, %swap3A_108] {strides = array<i32>} : memref<80x144xf32, #tpu.memory_space<vmem>>, vector<16xf32>,
      tpu.vector_store %arg12[%swap3A, %swap3A_108], %broadcast_in_dim3A_107 {strides = array<i32>} : memref<80x144xf32, #tpu.memory_space<vmem>>, vector<16xf32>,
      %broadcast_in_dim3A_110 = arith.constant 0.000000e+00 : f32
      %broadcast_in_dim3A_111 = vector.broadcast %broadcast_in_dim3A_110 : f32 to vector<16xf32>
      %swap3A_112 = arith.index_cast %scan3A_106 : i32 to index
      %swap3A_113 = arith.constant 16 : index
      %swap3A_114 = tpu.vector_load %arg12[%swap3A_112, %swap3A_113] {strides = array<i32>} : memref<80x144xf32, #tpu.memory_space<vmem>>, vector<16xf32>,
      tpu.vector_store %arg12[%swap3A_112, %swap3A_113], %broadcast_in_dim3A_111 {strides = array<i32>} : memref<80x144xf32, #tpu.memory_space<vmem>>, vector<16xf32>,
      %broadcast_in_dim3A_115 = arith.constant 0.000000e+00 : f32
      %broadcast_in_dim3A_116 = vector.broadcast %broadcast_in_dim3A_115 : f32 to vector<16xf32>
      %swap3A_117 = arith.index_cast %scan3A_106 : i32 to index
      %swap3A_118 = arith.constant 32 : index
      %swap3A_119 = tpu.vector_load %arg12[%swap3A_117, %swap3A_118] {strides = array<i32>} : memref<80x144xf32, #tpu.memory_space<vmem>>, vector<16xf32>,
      tpu.vector_store %arg12[%swap3A_117, %swap3A_118], %broadcast_in_dim3A_116 {strides = array<i32>} : memref<80x144xf32, #tpu.memory_space<vmem>>, vector<16xf32>,
      %broadcast_in_dim3A_120 = arith.constant 0.000000e+00 : f32
      %broadcast_in_dim3A_121 = vector.broadcast %broadcast_in_dim3A_120 : f32 to vector<16xf32>
      %swap3A_122 = arith.index_cast %scan3A_106 : i32 to index
      %swap3A_123 = arith.constant 48 : index
      %swap3A_124 = tpu.vector_load %arg12[%swap3A_122, %swap3A_123] {strides = array<i32>} : memref<80x144xf32, #tpu.memory_space<vmem>>, vector<16xf32>,
      tpu.vector_store %arg12[%swap3A_122, %swap3A_123], %broadcast_in_dim3A_121 {strides = array<i32>} : memref<80x144xf32, #tpu.memory_space<vmem>>, vector<16xf32>,
      %broadcast_in_dim3A_125 = arith.constant 0.000000e+00 : f32
      %broadcast_in_dim3A_126 = vector.broadcast %broadcast_in_dim3A_125 : f32 to vector<16xf32>
      %swap3A_127 = arith.index_cast %scan3A_106 : i32 to index
      %swap3A_128 = arith.constant 64 : index
      %swap3A_129 = tpu.vector_load %arg12[%swap3A_127, %swap3A_128] {strides = array<i32>} : memref<80x144xf32, #tpu.memory_space<vmem>>, vector<16xf32>,
      tpu.vector_store %arg12[%swap3A_127, %swap3A_128], %broadcast_in_dim3A_126 {strides = array<i32>} : memref<80x144xf32, #tpu.memory_space<vmem>>, vector<16xf32>,
      %broadcast_in_dim3A_130 = arith.constant 0.000000e+00 : f32
      %broadcast_in_dim3A_131 = vector.broadcast %broadcast_in_dim3A_130 : f32 to vector<16xf32>
      %swap3A_132 = arith.index_cast %scan3A_106 : i32 to index
      %swap3A_133 = arith.constant 80 : index
      %swap3A_134 = tpu.vector_load %arg12[%swap3A_132, %swap3A_133] {strides = array<i32>} : memref<80x144xf32, #tpu.memory_space<vmem>>, vector<16xf32>,
      tpu.vector_store %arg12[%swap3A_132, %swap3A_133], %broadcast_in_dim3A_131 {strides = array<i32>} : memref<80x144xf32, #tpu.memory_space<vmem>>, vector<16xf32>,
      %broadcast_in_dim3A_135 = arith.constant 0.000000e+00 : f32
      %broadcast_in_dim3A_136 = vector.broadcast %broadcast_in_dim3A_135 : f32 to vector<16xf32>
      %swap3A_137 = arith.index_cast %scan3A_106 : i32 to index
      %swap3A_138 = arith.constant 96 : index
      %swap3A_139 = tpu.vector_load %arg12[%swap3A_137, %swap3A_138] {strides = array<i32>} : memref<80x144xf32, #tpu.memory_space<vmem>>, vector<16xf32>,
      tpu.vector_store %arg12[%swap3A_137, %swap3A_138], %broadcast_in_dim3A_136 {strides = array<i32>} : memref<80x144xf32, #tpu.memory_space<vmem>>, vector<16xf32>,
      %broadcast_in_dim3A_140 = arith.constant 0.000000e+00 : f32
      %broadcast_in_dim3A_141 = vector.broadcast %broadcast_in_dim3A_140 : f32 to vector<16xf32>
      %swap3A_142 = arith.index_cast %scan3A_106 : i32 to index
      %swap3A_143 = arith.constant 112 : index
      %swap3A_144 = tpu.vector_load %arg12[%swap3A_142, %swap3A_143] {strides = array<i32>} : memref<80x144xf32, #tpu.memory_space<vmem>>, vector<16xf32>,
      tpu.vector_store %arg12[%swap3A_142, %swap3A_143], %broadcast_in_dim3A_141 {strides = array<i32>} : memref<80x144xf32, #tpu.memory_space<vmem>>, vector<16xf32>,
      %broadcast_in_dim3A_145 = arith.constant 0.000000e+00 : f32
      %broadcast_in_dim3A_146 = vector.broadcast %broadcast_in_dim3A_145 : f32 to vector<16xf32>
      %swap3A_147 = arith.index_cast %scan3A_106 : i32 to index
      %swap3A_148 = arith.constant 128 : index
      %swap3A_149 = tpu.vector_load %arg12[%swap3A_147, %swap3A_148] {strides = array<i32>} : memref<80x144xf32, #tpu.memory_space<vmem>>, vector<16xf32>,
      tpu.vector_store %arg12[%swap3A_147, %swap3A_148], %broadcast_in_dim3A_146 {strides = array<i32>} : memref<80x144xf32, #tpu.memory_space<vmem>>, vector<16xf32>,
      %scan3A_150 = arith.constant 1 : i32
      %scan3A_151 = arith.addi %scan3A_106, %scan3A_150 : i32
      %broadcast_in_dim3A_152 = arith.constant 0.000000e+00 : f32
      %broadcast_in_dim3A_153 = vector.broadcast %broadcast_in_dim3A_152 : f32 to vector<16xf32>
      %swap3A_154 = arith.index_cast %scan3A_151 : i32 to index
      %swap3A_155 = arith.constant 0 : index
      %swap3A_156 = tpu.vector_load %arg12[%swap3A_154, %swap3A_155] {strides = array<i32>} : memref<80x144xf32, #tpu.memory_space<vmem>>, vector<16xf32>,
      tpu.vector_store %arg12[%swap3A_154, %swap3A_155], %broadcast_in_dim3A_153 {strides = array<i32>} : memref<80x144xf32, #tpu.memory_space<vmem>>, vector<16xf32>,
      %broadcast_in_dim3A_157 = arith.constant 0.000000e+00 : f32
      %broadcast_in_dim3A_158 = vector.broadcast %broadcast_in_dim3A_157 : f32 to vector<16xf32>
      %swap3A_159 = arith.index_cast %scan3A_151 : i32 to index
      %swap3A_160 = arith.constant 16 : index
      %swap3A_161 = tpu.vector_load %arg12[%swap3A_159, %swap3A_160] {strides = array<i32>} : memref<80x144xf32, #tpu.memory_space<vmem>>, vector<16xf32>,
      tpu.vector_store %arg12[%swap3A_159, %swap3A_160], %broadcast_in_dim3A_158 {strides = array<i32>} : memref<80x144xf32, #tpu.memory_space<vmem>>, vector<16xf32>,
      %broadcast_in_dim3A_162 = arith.constant 0.000000e+00 : f32
      %broadcast_in_dim3A_163 = vector.broadcast %broadcast_in_dim3A_162 : f32 to vector<16xf32>
      %swap3A_164 = arith.index_cast %scan3A_151 : i32 to index
      %swap3A_165 = arith.constant 32 : index
      %swap3A_166 = tpu.vector_load %arg12[%swap3A_164, %swap3A_165] {strides = array<i32>} : memref<80x144xf32, #tpu.memory_space<vmem>>, vector<16xf32>,
      tpu.vector_store %arg12[%swap3A_164, %swap3A_165], %broadcast_in_dim3A_163 {strides = array<i32>} : memref<80x144xf32, #tpu.memory_space<vmem>>, vector<16xf32>,
      %broadcast_in_dim3A_167 = arith.constant 0.000000e+00 : f32
      %broadcast_in_dim3A_168 = vector.broadcast %broadcast_in_dim3A_167 : f32 to vector<16xf32>
      %swap3A_169 = arith.index_cast %scan3A_151 : i32 to index
      %swap3A_170 = arith.constant 48 : index
      %swap3A_171 = tpu.vector_load %arg12[%swap3A_169, %swap3A_170] {strides = array<i32>} : memref<80x144xf32, #tpu.memory_space<vmem>>, vector<16xf32>,
      tpu.vector_store %arg12[%swap3A_169, %swap3A_170], %broadcast_in_dim3A_168 {strides = array<i32>} : memref<80x144xf32, #tpu.memory_space<vmem>>, vector<16xf32>,
      %broadcast_in_dim3A_172 = arith.constant 0.000000e+00 : f32
      %broadcast_in_dim3A_173 = vector.broadcast %broadcast_in_dim3A_172 : f32 to vector<16xf32>
      %swap3A_174 = arith.index_cast %scan3A_151 : i32 to index
      %swap3A_175 = arith.constant 64 : index
      %swap3A_176 = tpu.vector_load %arg12[%swap3A_174, %swap3A_175] {strides = array<i32>} : memref<80x144xf32, #tpu.memory_space<vmem>>, vector<16xf32>,
      tpu.vector_store %arg12[%swap3A_174, %swap3A_175], %broadcast_in_dim3A_173 {strides = array<i32>} : memref<80x144xf32, #tpu.memory_space<vmem>>, vector<16xf32>,
      %broadcast_in_dim3A_177 = arith.constant 0.000000e+00 : f32
      %broadcast_in_dim3A_178 = vector.broadcast %broadcast_in_dim3A_177 : f32 to vector<16xf32>
      %swap3A_179 = arith.index_cast %scan3A_151 : i32 to index
      %swap3A_180 = arith.constant 80 : index
      %swap3A_181 = tpu.vector_load %arg12[%swap3A_179, %swap3A_180] {strides = array<i32>} : memref<80x144xf32, #tpu.memory_space<vmem>>, vector<16xf32>,
      tpu.vector_store %arg12[%swap3A_179, %swap3A_180], %broadcast_in_dim3A_178 {strides = array<i32>} : memref<80x144xf32, #tpu.memory_space<vmem>>, vector<16xf32>,
      %broadcast_in_dim3A_182 = arith.constant 0.000000e+00 : f32
      %broadcast_in_dim3A_183 = vector.broadcast %broadcast_in_dim3A_182 : f32 to vector<16xf32>
      %swap3A_184 = arith.index_cast %scan3A_151 : i32 to index
      %swap3A_185 = arith.constant 96 : index
      %swap3A_186 = tpu.vector_load %arg12[%swap3A_184, %swap3A_185] {strides = array<i32>} : memref<80x144xf32, #tpu.memory_space<vmem>>, vector<16xf32>,
      tpu.vector_store %arg12[%swap3A_184, %swap3A_185], %broadcast_in_dim3A_183 {strides = array<i32>} : memref<80x144xf32, #tpu.memory_space<vmem>>, vector<16xf32>,
      %broadcast_in_dim3A_187 = arith.constant 0.000000e+00 : f32
      %broadcast_in_dim3A_188 = vector.broadcast %broadcast_in_dim3A_187 : f32 to vector<16xf32>
      %swap3A_189 = arith.index_cast %scan3A_151 : i32 to index
      %swap3A_190 = arith.constant 112 : index
      %swap3A_191 = tpu.vector_load %arg12[%swap3A_189, %swap3A_190] {strides = array<i32>} : memref<80x144xf32, #tpu.memory_space<vmem>>, vector<16xf32>,
      tpu.vector_store %arg12[%swap3A_189, %swap3A_190], %broadcast_in_dim3A_188 {strides = array<i32>} : memref<80x144xf32, #tpu.memory_space<vmem>>, vector<16xf32>,
      %broadcast_in_dim3A_192 = arith.constant 0.000000e+00 : f32
      %broadcast_in_dim3A_193 = vector.broadcast %broadcast_in_dim3A_192 : f32 to vector<16xf32>
      %swap3A_194 = arith.index_cast %scan3A_151 : i32 to index
      %swap3A_195 = arith.constant 128 : index
      %swap3A_196 = tpu.vector_load %arg12[%swap3A_194, %swap3A_195] {strides = array<i32>} : memref<80x144xf32, #tpu.memory_space<vmem>>, vector<16xf32>,
      tpu.vector_store %arg12[%swap3A_194, %swap3A_195], %broadcast_in_dim3A_193 {strides = array<i32>} : memref<80x144xf32, #tpu.memory_space<vmem>>, vector<16xf32>,
      %scan3A_197 = arith.constant 2 : i32
      %scan3A_198 = arith.addi %scan3A_106, %scan3A_197 : i32
      %broadcast_in_dim3A_199 = arith.constant 0.000000e+00 : f32
      %broadcast_in_dim3A_200 = vector.broadcast %broadcast_in_dim3A_199 : f32 to vector<16xf32>
      %swap3A_201 = arith.index_cast %scan3A_198 : i32 to index
      %swap3A_202 = arith.constant 0 : index
      %swap3A_203 = tpu.vector_load %arg12[%swap3A_201, %swap3A_202] {strides = array<i32>} : memref<80x144xf32, #tpu.memory_space<vmem>>, vector<16xf32>,
      tpu.vector_store %arg12[%swap3A_201, %swap3A_202], %broadcast_in_dim3A_200 {strides = array<i32>} : memref<80x144xf32, #tpu.memory_space<vmem>>, vector<16xf32>,
      %broadcast_in_dim3A_204 = arith.constant 0.000000e+00 : f32
      %broadcast_in_dim3A_205 = vector.broadcast %broadcast_in_dim3A_204 : f32 to vector<16xf32>
      %swap3A_206 = arith.index_cast %scan3A_198 : i32 to index
      %swap3A_207 = arith.constant 16 : index
      %swap3A_208 = tpu.vector_load %arg12[%swap3A_206, %swap3A_207] {strides = array<i32>} : memref<80x144xf32, #tpu.memory_space<vmem>>, vector<16xf32>,
      tpu.vector_store %arg12[%swap3A_206, %swap3A_207], %broadcast_in_dim3A_205 {strides = array<i32>} : memref<80x144xf32, #tpu.memory_space<vmem>>, vector<16xf32>,
      %broadcast_in_dim3A_209 = arith.constant 0.000000e+00 : f32
      %broadcast_in_dim3A_210 = vector.broadcast %broadcast_in_dim3A_209 : f32 to vector<16xf32>
      %swap3A_211 = arith.index_cast %scan3A_198 : i32 to index
      %swap3A_212 = arith.constant 32 : index
      %swap3A_213 = tpu.vector_load %arg12[%swap3A_211, %swap3A_212] {strides = array<i32>} : memref<80x144xf32, #tpu.memory_space<vmem>>, vector<16xf32>,
      tpu.vector_store %arg12[%swap3A_211, %swap3A_212], %broadcast_in_dim3A_210 {strides = array<i32>} : memref<80x144xf32, #tpu.memory_space<vmem>>, vector<16xf32>,
      %broadcast_in_dim3A_214 = arith.constant 0.000000e+00 : f32
      %broadcast_in_dim3A_215 = vector.broadcast %broadcast_in_dim3A_214 : f32 to vector<16xf32>
      %swap3A_216 = arith.index_cast %scan3A_198 : i32 to index
      %swap3A_217 = arith.constant 48 : index
      %swap3A_218 = tpu.vector_load %arg12[%swap3A_216, %swap3A_217] {strides = array<i32>} : memref<80x144xf32, #tpu.memory_space<vmem>>, vector<16xf32>,
      tpu.vector_store %arg12[%swap3A_216, %swap3A_217], %broadcast_in_dim3A_215 {strides = array<i32>} : memref<80x144xf32, #tpu.memory_space<vmem>>, vector<16xf32>,
      %broadcast_in_dim3A_219 = arith.constant 0.000000e+00 : f32
      %broadcast_in_dim3A_220 = vector.broadcast %broadcast_in_dim3A_219 : f32 to vector<16xf32>
      %swap3A_221 = arith.index_cast %scan3A_198 : i32 to index
      %swap3A_222 = arith.constant 64 : index
      %swap3A_223 = tpu.vector_load %arg12[%swap3A_221, %swap3A_222] {strides = array<i32>} : memref<80x144xf32, #tpu.memory_space<vmem>>, vector<16xf32>,
      tpu.vector_store %arg12[%swap3A_221, %swap3A_222], %broadcast_in_dim3A_220 {strides = array<i32>} : memref<80x144xf32, #tpu.memory_space<vmem>>, vector<16xf32>,
      %broadcast_in_dim3A_224 = arith.constant 0.000000e+00 : f32
      %broadcast_in_dim3A_225 = vector.broadcast %broadcast_in_dim3A_224 : f32 to vector<16xf32>
      %swap3A_226 = arith.index_cast %scan3A_198 : i32 to index
      %swap3A_227 = arith.constant 80 : index
      %swap3A_228 = tpu.vector_load %arg12[%swap3A_226, %swap3A_227] {strides = array<i32>} : memref<80x144xf32, #tpu.memory_space<vmem>>, vector<16xf32>,
      tpu.vector_store %arg12[%swap3A_226, %swap3A_227], %broadcast_in_dim3A_225 {strides = array<i32>} : memref<80x144xf32, #tpu.memory_space<vmem>>, vector<16xf32>,
      %broadcast_in_dim3A_229 = arith.constant 0.000000e+00 : f32
      %broadcast_in_dim3A_230 = vector.broadcast %broadcast_in_dim3A_229 : f32 to vector<16xf32>
      %swap3A_231 = arith.index_cast %scan3A_198 : i32 to index
      %swap3A_232 = arith.constant 96 : index
      %swap3A_233 = tpu.vector_load %arg12[%swap3A_231, %swap3A_232] {strides = array<i32>} : memref<80x144xf32, #tpu.memory_space<vmem>>, vector<16xf32>,
      tpu.vector_store %arg12[%swap3A_231, %swap3A_232], %broadcast_in_dim3A_230 {strides = array<i32>} : memref<80x144xf32, #tpu.memory_space<vmem>>, vector<16xf32>,
      %broadcast_in_dim3A_234 = arith.constant 0.000000e+00 : f32
      %broadcast_in_dim3A_235 = vector.broadcast %broadcast_in_dim3A_234 : f32 to vector<16xf32>
      %swap3A_236 = arith.index_cast %scan3A_198 : i32 to index
      %swap3A_237 = arith.constant 112 : index
      %swap3A_238 = tpu.vector_load %arg12[%swap3A_236, %swap3A_237] {strides = array<i32>} : memref<80x144xf32, #tpu.memory_space<vmem>>, vector<16xf32>,
      tpu.vector_store %arg12[%swap3A_236, %swap3A_237], %broadcast_in_dim3A_235 {strides = array<i32>} : memref<80x144xf32, #tpu.memory_space<vmem>>, vector<16xf32>,
      %broadcast_in_dim3A_239 = arith.constant 0.000000e+00 : f32
      %broadcast_in_dim3A_240 = vector.broadcast %broadcast_in_dim3A_239 : f32 to vector<16xf32>
      %swap3A_241 = arith.index_cast %scan3A_198 : i32 to index
      %swap3A_242 = arith.constant 128 : index
      %swap3A_243 = tpu.vector_load %arg12[%swap3A_241, %swap3A_242] {strides = array<i32>} : memref<80x144xf32, #tpu.memory_space<vmem>>, vector<16xf32>,
      tpu.vector_store %arg12[%swap3A_241, %swap3A_242], %broadcast_in_dim3A_240 {strides = array<i32>} : memref<80x144xf32, #tpu.memory_space<vmem>>, vector<16xf32>,
      %scan3A_244 = arith.constant 3 : i32
      %scan3A_245 = arith.addi %scan3A_106, %scan3A_244 : i32
      %broadcast_in_dim3A_246 = arith.constant 0.000000e+00 : f32
      %broadcast_in_dim3A_247 = vector.broadcast %broadcast_in_dim3A_246 : f32 to vector<16xf32>
      %swap3A_248 = arith.index_cast %scan3A_245 : i32 to index
      %swap3A_249 = arith.constant 0 : index
      %swap3A_250 = tpu.vector_load %arg12[%swap3A_248, %swap3A_249] {strides = array<i32>} : memref<80x144xf32, #tpu.memory_space<vmem>>, vector<16xf32>,
      tpu.vector_store %arg12[%swap3A_248, %swap3A_249], %broadcast_in_dim3A_247 {strides = array<i32>} : memref<80x144xf32, #tpu.memory_space<vmem>>, vector<16xf32>,
      %broadcast_in_dim3A_251 = arith.constant 0.000000e+00 : f32
      %broadcast_in_dim3A_252 = vector.broadcast %broadcast_in_dim3A_251 : f32 to vector<16xf32>
      %swap3A_253 = arith.index_cast %scan3A_245 : i32 to index
      %swap3A_254 = arith.constant 16 : index
      %swap3A_255 = tpu.vector_load %arg12[%swap3A_253, %swap3A_254] {strides = array<i32>} : memref<80x144xf32, #tpu.memory_space<vmem>>, vector<16xf32>,
      tpu.vector_store %arg12[%swap3A_253, %swap3A_254], %broadcast_in_dim3A_252 {strides = array<i32>} : memref<80x144xf32, #tpu.memory_space<vmem>>, vector<16xf32>,
      %broadcast_in_dim3A_256 = arith.constant 0.000000e+00 : f32
      %broadcast_in_dim3A_257 = vector.broadcast %broadcast_in_dim3A_256 : f32 to vector<16xf32>
      %swap3A_258 = arith.index_cast %scan3A_245 : i32 to index
      %swap3A_259 = arith.constant 32 : index
      %swap3A_260 = tpu.vector_load %arg12[%swap3A_258, %swap3A_259] {strides = array<i32>} : memref<80x144xf32, #tpu.memory_space<vmem>>, vector<16xf32>,
      tpu.vector_store %arg12[%swap3A_258, %swap3A_259], %broadcast_in_dim3A_257 {strides = array<i32>} : memref<80x144xf32, #tpu.memory_space<vmem>>, vector<16xf32>,
      %broadcast_in_dim3A_261 = arith.constant 0.000000e+00 : f32
      %broadcast_in_dim3A_262 = vector.broadcast %broadcast_in_dim3A_261 : f32 to vector<16xf32>
      %swap3A_263 = arith.index_cast %scan3A_245 : i32 to index
      %swap3A_264 = arith.constant 48 : index
      %swap3A_265 = tpu.vector_load %arg12[%swap3A_263, %swap3A_264] {strides = array<i32>} : memref<80x144xf32, #tpu.memory_space<vmem>>, vector<16xf32>,
      tpu.vector_store %arg12[%swap3A_263, %swap3A_264], %broadcast_in_dim3A_262 {strides = array<i32>} : memref<80x144xf32, #tpu.memory_space<vmem>>, vector<16xf32>,
      %broadcast_in_dim3A_266 = arith.constant 0.000000e+00 : f32
      %broadcast_in_dim3A_267 = vector.broadcast %broadcast_in_dim3A_266 : f32 to vector<16xf32>
      %swap3A_268 = arith.index_cast %scan3A_245 : i32 to index
      %swap3A_269 = arith.constant 64 : index
      %swap3A_270 = tpu.vector_load %arg12[%swap3A_268, %swap3A_269] {strides = array<i32>} : memref<80x144xf32, #tpu.memory_space<vmem>>, vector<16xf32>,
      tpu.vector_store %arg12[%swap3A_268, %swap3A_269], %broadcast_in_dim3A_267 {strides = array<i32>} : memref<80x144xf32, #tpu.memory_space<vmem>>, vector<16xf32>,
      %broadcast_in_dim3A_271 = arith.constant 0.000000e+00 : f32
      %broadcast_in_dim3A_272 = vector.broadcast %broadcast_in_dim3A_271 : f32 to vector<16xf32>
      %swap3A_273 = arith.index_cast %scan3A_245 : i32 to index
      %swap3A_274 = arith.constant 80 : index
      %swap3A_275 = tpu.vector_load %arg12[%swap3A_273, %swap3A_274] {strides = array<i32>} : memref<80x144xf32, #tpu.memory_space<vmem>>, vector<16xf32>,
      tpu.vector_store %arg12[%swap3A_273, %swap3A_274], %broadcast_in_dim3A_272 {strides = array<i32>} : memref<80x144xf32, #tpu.memory_space<vmem>>, vector<16xf32>,
      %broadcast_in_dim3A_276 = arith.constant 0.000000e+00 : f32
      %broadcast_in_dim3A_277 = vector.broadcast %broadcast_in_dim3A_276 : f32 to vector<16xf32>
      %swap3A_278 = arith.index_cast %scan3A_245 : i32 to index
      %swap3A_279 = arith.constant 96 : index
      %swap3A_280 = tpu.vector_load %arg12[%swap3A_278, %swap3A_279] {strides = array<i32>} : memref<80x144xf32, #tpu.memory_space<vmem>>, vector<16xf32>,
      tpu.vector_store %arg12[%swap3A_278, %swap3A_279], %broadcast_in_dim3A_277 {strides = array<i32>} : memref<80x144xf32, #tpu.memory_space<vmem>>, vector<16xf32>,
      %broadcast_in_dim3A_281 = arith.constant 0.000000e+00 : f32
      %broadcast_in_dim3A_282 = vector.broadcast %broadcast_in_dim3A_281 : f32 to vector<16xf32>
      %swap3A_283 = arith.index_cast %scan3A_245 : i32 to index
      %swap3A_284 = arith.constant 112 : index
      %swap3A_285 = tpu.vector_load %arg12[%swap3A_283, %swap3A_284] {strides = array<i32>} : memref<80x144xf32, #tpu.memory_space<vmem>>, vector<16xf32>,
      tpu.vector_store %arg12[%swap3A_283, %swap3A_284], %broadcast_in_dim3A_282 {strides = array<i32>} : memref<80x144xf32, #tpu.memory_space<vmem>>, vector<16xf32>,
      %broadcast_in_dim3A_286 = arith.constant 0.000000e+00 : f32
      %broadcast_in_dim3A_287 = vector.broadcast %broadcast_in_dim3A_286 : f32 to vector<16xf32>
      %swap3A_288 = arith.index_cast %scan3A_245 : i32 to index
      %swap3A_289 = arith.constant 128 : index
      %swap3A_290 = tpu.vector_load %arg12[%swap3A_288, %swap3A_289] {strides = array<i32>} : memref<80x144xf32, #tpu.memory_space<vmem>>, vector<16xf32>,
      tpu.vector_store %arg12[%swap3A_288, %swap3A_289], %broadcast_in_dim3A_287 {strides = array<i32>} : memref<80x144xf32, #tpu.memory_space<vmem>>, vector<16xf32>,
    }
    %scan3A_5 = arith.constant 80 : i32
    %mul3A_6 = arith.constant 625 : i32
    %mul3A_7 = arith.muli %arg1, %mul3A_6 : i32
    %add3A_8 = arith.constant 0 : i32
    %add3A_9 = arith.addi %mul3A_7, %add3A_8 : i32
    "tpu.region"() ({
      %run_scoped3A = tpu.sem_alloc : memref<!tpu.dma_semaphore, #tpu.memory_space<semaphore_mem>>
      %dma_start3A_106 = arith.constant 0 : i32
      %dma_start3A_107 = tpu.memref_slice %arg7[%add3A_9, %dma_start3A_106] : memref<10000x144xf32, #tpu.memory_space<vmem_shared>> -> memref<80x144xf32, #tpu.memory_space<vmem_shared>>
      %dma_start3A_108 = arith.constant 0 : i32
      %dma_start3A_109 = tpu.memref_slice %arg7[%add3A_9, %dma_start3A_108] : memref<10000x144xf32, #tpu.memory_space<vmem_shared>> -> memref<80x144xf32, #tpu.memory_space<vmem_shared>>
      tpu.enqueue_dma source(%arg12 : memref<80x144xf32, #tpu.memory_space<vmem>>) target(%dma_start3A_109 : memref<80x144xf32, #tpu.memory_space<vmem_shared>>) target_semaphore(%run_scoped3A : memref<!tpu.dma_semaphore, #tpu.memory_space<semaphore_mem>>)
      %dma_wait3A_110 = arith.constant 0 : i32
      %dma_wait3A_111 = tpu.memref_slice %arg7[%add3A_9, %dma_wait3A_110] : memref<10000x144xf32, #tpu.memory_space<vmem_shared>> -> memref<80x144xf32, #tpu.memory_space<vmem_shared>>
      %dma_wait3A_112 = arith.constant 0 : i32
      %dma_wait3A_113 = tpu.memref_slice %arg7[%add3A_9, %dma_wait3A_112] : memref<10000x144xf32, #tpu.memory_space<vmem_shared>> -> memref<80x144xf32, #tpu.memory_space<vmem_shared>>
      tpu.wait_dma2 semaphore(%run_scoped3A : memref<!tpu.dma_semaphore, #tpu.memory_space<semaphore_mem>>) src(%arg12 : memref<80x144xf32, #tpu.memory_space<vmem>>) dst(%dma_wait3A_113 : memref<80x144xf32, #tpu.memory_space<vmem_shared>>)
      tpu.yield
    }) : () -> ()
    %add3A_10 = arith.constant 80 : i32
    %add3A_11 = arith.addi %mul3A_7, %add3A_10 : i32
    "tpu.region"() ({
      %run_scoped3A = tpu.sem_alloc : memref<!tpu.dma_semaphore, #tpu.memory_space<semaphore_mem>>
      %dma_start3A_106 = arith.constant 0 : i32
      %dma_start3A_107 = tpu.memref_slice %arg7[%add3A_11, %dma_start3A_106] : memref<10000x144xf32, #tpu.memory_space<vmem_shared>> -> memref<80x144xf32, #tpu.memory_space<vmem_shared>>
      %dma_start3A_108 = arith.constant 0 : i32
      %dma_start3A_109 = tpu.memref_slice %arg7[%add3A_11, %dma_start3A_108] : memref<10000x144xf32, #tpu.memory_space<vmem_shared>> -> memref<80x144xf32, #tpu.memory_space<vmem_shared>>
      tpu.enqueue_dma source(%arg12 : memref<80x144xf32, #tpu.memory_space<vmem>>) target(%dma_start3A_109 : memref<80x144xf32, #tpu.memory_space<vmem_shared>>) target_semaphore(%run_scoped3A : memref<!tpu.dma_semaphore, #tpu.memory_space<semaphore_mem>>)
      %dma_wait3A_110 = arith.constant 0 : i32
      %dma_wait3A_111 = tpu.memref_slice %arg7[%add3A_11, %dma_wait3A_110] : memref<10000x144xf32, #tpu.memory_space<vmem_shared>> -> memref<80x144xf32, #tpu.memory_space<vmem_shared>>
      %dma_wait3A_112 = arith.constant 0 : i32
      %dma_wait3A_113 = tpu.memref_slice %arg7[%add3A_11, %dma_wait3A_112] : memref<10000x144xf32, #tpu.memory_space<vmem_shared>> -> memref<80x144xf32, #tpu.memory_space<vmem_shared>>
      tpu.wait_dma2 semaphore(%run_scoped3A : memref<!tpu.dma_semaphore, #tpu.memory_space<semaphore_mem>>) src(%arg12 : memref<80x144xf32, #tpu.memory_space<vmem>>) dst(%dma_wait3A_113 : memref<80x144xf32, #tpu.memory_space<vmem_shared>>)
      tpu.yield
    }) : () -> ()
    %add3A_12 = arith.constant 160 : i32
    %add3A_13 = arith.addi %mul3A_7, %add3A_12 : i32
    "tpu.region"() ({
      %run_scoped3A = tpu.sem_alloc : memref<!tpu.dma_semaphore, #tpu.memory_space<semaphore_mem>>
      %dma_start3A_106 = arith.constant 0 : i32
      %dma_start3A_107 = tpu.memref_slice %arg7[%add3A_13, %dma_start3A_106] : memref<10000x144xf32, #tpu.memory_space<vmem_shared>> -> memref<80x144xf32, #tpu.memory_space<vmem_shared>>
      %dma_start3A_108 = arith.constant 0 : i32
      %dma_start3A_109 = tpu.memref_slice %arg7[%add3A_13, %dma_start3A_108] : memref<10000x144xf32, #tpu.memory_space<vmem_shared>> -> memref<80x144xf32, #tpu.memory_space<vmem_shared>>
      tpu.enqueue_dma source(%arg12 : memref<80x144xf32, #tpu.memory_space<vmem>>) target(%dma_start3A_109 : memref<80x144xf32, #tpu.memory_space<vmem_shared>>) target_semaphore(%run_scoped3A : memref<!tpu.dma_semaphore, #tpu.memory_space<semaphore_mem>>)
      %dma_wait3A_110 = arith.constant 0 : i32
      %dma_wait3A_111 = tpu.memref_slice %arg7[%add3A_13, %dma_wait3A_110] : memref<10000x144xf32, #tpu.memory_space<vmem_shared>> -> memref<80x144xf32, #tpu.memory_space<vmem_shared>>
      %dma_wait3A_112 = arith.constant 0 : i32
      %dma_wait3A_113 = tpu.memref_slice %arg7[%add3A_13, %dma_wait3A_112] : memref<10000x144xf32, #tpu.memory_space<vmem_shared>> -> memref<80x144xf32, #tpu.memory_space<vmem_shared>>
      tpu.wait_dma2 semaphore(%run_scoped3A : memref<!tpu.dma_semaphore, #tpu.memory_space<semaphore_mem>>) src(%arg12 : memref<80x144xf32, #tpu.memory_space<vmem>>) dst(%dma_wait3A_113 : memref<80x144xf32, #tpu.memory_space<vmem_shared>>)
      tpu.yield
    }) : () -> ()
    %add3A_14 = arith.constant 240 : i32
    %add3A_15 = arith.addi %mul3A_7, %add3A_14 : i32
    "tpu.region"() ({
      %run_scoped3A = tpu.sem_alloc : memref<!tpu.dma_semaphore, #tpu.memory_space<semaphore_mem>>
      %dma_start3A_106 = arith.constant 0 : i32
      %dma_start3A_107 = tpu.memref_slice %arg7[%add3A_15, %dma_start3A_106] : memref<10000x144xf32, #tpu.memory_space<vmem_shared>> -> memref<80x144xf32, #tpu.memory_space<vmem_shared>>
      %dma_start3A_108 = arith.constant 0 : i32
      %dma_start3A_109 = tpu.memref_slice %arg7[%add3A_15, %dma_start3A_108] : memref<10000x144xf32, #tpu.memory_space<vmem_shared>> -> memref<80x144xf32, #tpu.memory_space<vmem_shared>>
      tpu.enqueue_dma source(%arg12 : memref<80x144xf32, #tpu.memory_space<vmem>>) target(%dma_start3A_109 : memref<80x144xf32, #tpu.memory_space<vmem_shared>>) target_semaphore(%run_scoped3A : memref<!tpu.dma_semaphore, #tpu.memory_space<semaphore_mem>>)
      %dma_wait3A_110 = arith.constant 0 : i32
      %dma_wait3A_111 = tpu.memref_slice %arg7[%add3A_15, %dma_wait3A_110] : memref<10000x144xf32, #tpu.memory_space<vmem_shared>> -> memref<80x144xf32, #tpu.memory_space<vmem_shared>>
      %dma_wait3A_112 = arith.constant 0 : i32
      %dma_wait3A_113 = tpu.memref_slice %arg7[%add3A_15, %dma_wait3A_112] : memref<10000x144xf32, #tpu.memory_space<vmem_shared>> -> memref<80x144xf32, #tpu.memory_space<vmem_shared>>
      tpu.wait_dma2 semaphore(%run_scoped3A : memref<!tpu.dma_semaphore, #tpu.memory_space<semaphore_mem>>) src(%arg12 : memref<80x144xf32, #tpu.memory_space<vmem>>) dst(%dma_wait3A_113 : memref<80x144xf32, #tpu.memory_space<vmem_shared>>)
      tpu.yield
    }) : () -> ()
    %add3A_16 = arith.constant 320 : i32
    %add3A_17 = arith.addi %mul3A_7, %add3A_16 : i32
    "tpu.region"() ({
      %run_scoped3A = tpu.sem_alloc : memref<!tpu.dma_semaphore, #tpu.memory_space<semaphore_mem>>
      %dma_start3A_106 = arith.constant 0 : i32
      %dma_start3A_107 = tpu.memref_slice %arg7[%add3A_17, %dma_start3A_106] : memref<10000x144xf32, #tpu.memory_space<vmem_shared>> -> memref<80x144xf32, #tpu.memory_space<vmem_shared>>
      %dma_start3A_108 = arith.constant 0 : i32
      %dma_start3A_109 = tpu.memref_slice %arg7[%add3A_17, %dma_start3A_108] : memref<10000x144xf32, #tpu.memory_space<vmem_shared>> -> memref<80x144xf32, #tpu.memory_space<vmem_shared>>
      tpu.enqueue_dma source(%arg12 : memref<80x144xf32, #tpu.memory_space<vmem>>) target(%dma_start3A_109 : memref<80x144xf32, #tpu.memory_space<vmem_shared>>) target_semaphore(%run_scoped3A : memref<!tpu.dma_semaphore, #tpu.memory_space<semaphore_mem>>)
      %dma_wait3A_110 = arith.constant 0 : i32
      %dma_wait3A_111 = tpu.memref_slice %arg7[%add3A_17, %dma_wait3A_110] : memref<10000x144xf32, #tpu.memory_space<vmem_shared>> -> memref<80x144xf32, #tpu.memory_space<vmem_shared>>
      %dma_wait3A_112 = arith.constant 0 : i32
      %dma_wait3A_113 = tpu.memref_slice %arg7[%add3A_17, %dma_wait3A_112] : memref<10000x144xf32, #tpu.memory_space<vmem_shared>> -> memref<80x144xf32, #tpu.memory_space<vmem_shared>>
      tpu.wait_dma2 semaphore(%run_scoped3A : memref<!tpu.dma_semaphore, #tpu.memory_space<semaphore_mem>>) src(%arg12 : memref<80x144xf32, #tpu.memory_space<vmem>>) dst(%dma_wait3A_113 : memref<80x144xf32, #tpu.memory_space<vmem_shared>>)
      tpu.yield
    }) : () -> ()
    %add3A_18 = arith.constant 400 : i32
    %add3A_19 = arith.addi %mul3A_7, %add3A_18 : i32
    "tpu.region"() ({
      %run_scoped3A = tpu.sem_alloc : memref<!tpu.dma_semaphore, #tpu.memory_space<semaphore_mem>>
      %dma_start3A_106 = arith.constant 0 : i32
      %dma_start3A_107 = tpu.memref_slice %arg7[%add3A_19, %dma_start3A_106] : memref<10000x144xf32, #tpu.memory_space<vmem_shared>> -> memref<80x144xf32, #tpu.memory_space<vmem_shared>>
      %dma_start3A_108 = arith.constant 0 : i32
      %dma_start3A_109 = tpu.memref_slice %arg7[%add3A_19, %dma_start3A_108] : memref<10000x144xf32, #tpu.memory_space<vmem_shared>> -> memref<80x144xf32, #tpu.memory_space<vmem_shared>>
      tpu.enqueue_dma source(%arg12 : memref<80x144xf32, #tpu.memory_space<vmem>>) target(%dma_start3A_109 : memref<80x144xf32, #tpu.memory_space<vmem_shared>>) target_semaphore(%run_scoped3A : memref<!tpu.dma_semaphore, #tpu.memory_space<semaphore_mem>>)
      %dma_wait3A_110 = arith.constant 0 : i32
      %dma_wait3A_111 = tpu.memref_slice %arg7[%add3A_19, %dma_wait3A_110] : memref<10000x144xf32, #tpu.memory_space<vmem_shared>> -> memref<80x144xf32, #tpu.memory_space<vmem_shared>>
      %dma_wait3A_112 = arith.constant 0 : i32
      %dma_wait3A_113 = tpu.memref_slice %arg7[%add3A_19, %dma_wait3A_112] : memref<10000x144xf32, #tpu.memory_space<vmem_shared>> -> memref<80x144xf32, #tpu.memory_space<vmem_shared>>
      tpu.wait_dma2 semaphore(%run_scoped3A : memref<!tpu.dma_semaphore, #tpu.memory_space<semaphore_mem>>) src(%arg12 : memref<80x144xf32, #tpu.memory_space<vmem>>) dst(%dma_wait3A_113 : memref<80x144xf32, #tpu.memory_space<vmem_shared>>)
      tpu.yield
    }) : () -> ()
    %add3A_20 = arith.constant 480 : i32
    %add3A_21 = arith.addi %mul3A_7, %add3A_20 : i32
    "tpu.region"() ({
      %run_scoped3A = tpu.sem_alloc : memref<!tpu.dma_semaphore, #tpu.memory_space<semaphore_mem>>
      %dma_start3A_106 = arith.constant 0 : i32
      %dma_start3A_107 = tpu.memref_slice %arg7[%add3A_21, %dma_start3A_106] : memref<10000x144xf32, #tpu.memory_space<vmem_shared>> -> memref<80x144xf32, #tpu.memory_space<vmem_shared>>
      %dma_start3A_108 = arith.constant 0 : i32
      %dma_start3A_109 = tpu.memref_slice %arg7[%add3A_21, %dma_start3A_108] : memref<10000x144xf32, #tpu.memory_space<vmem_shared>> -> memref<80x144xf32, #tpu.memory_space<vmem_shared>>
      tpu.enqueue_dma source(%arg12 : memref<80x144xf32, #tpu.memory_space<vmem>>) target(%dma_start3A_109 : memref<80x144xf32, #tpu.memory_space<vmem_shared>>) target_semaphore(%run_scoped3A : memref<!tpu.dma_semaphore, #tpu.memory_space<semaphore_mem>>)
      %dma_wait3A_110 = arith.constant 0 : i32
      %dma_wait3A_111 = tpu.memref_slice %arg7[%add3A_21, %dma_wait3A_110] : memref<10000x144xf32, #tpu.memory_space<vmem_shared>> -> memref<80x144xf32, #tpu.memory_space<vmem_shared>>
      %dma_wait3A_112 = arith.constant 0 : i32
      %dma_wait3A_113 = tpu.memref_slice %arg7[%add3A_21, %dma_wait3A_112] : memref<10000x144xf32, #tpu.memory_space<vmem_shared>> -> memref<80x144xf32, #tpu.memory_space<vmem_shared>>
      tpu.wait_dma2 semaphore(%run_scoped3A : memref<!tpu.dma_semaphore, #tpu.memory_space<semaphore_mem>>) src(%arg12 : memref<80x144xf32, #tpu.memory_space<vmem>>) dst(%dma_wait3A_113 : memref<80x144xf32, #tpu.memory_space<vmem_shared>>)
      tpu.yield
    }) : () -> ()
    %add3A_22 = arith.constant 560 : i32
    %add3A_23 = arith.addi %mul3A_7, %add3A_22 : i32
    "tpu.region"() ({
      %run_scoped3A = tpu.sem_alloc : memref<!tpu.dma_semaphore, #tpu.memory_space<semaphore_mem>>
      %dma_start3A_106 = arith.constant 0 : i32
      %dma_start3A_107 = arith.constant 0 : i32
      %dma_start3A_108 = tpu.memref_slice %arg12[%dma_start3A_106, %dma_start3A_107] : memref<80x144xf32, #tpu.memory_space<vmem>> -> memref<65x144xf32, #tpu.memory_space<vmem>>
      %dma_start3A_109 = arith.constant 0 : i32
      %dma_start3A_110 = tpu.memref_slice %arg7[%add3A_23, %dma_start3A_109] : memref<10000x144xf32, #tpu.memory_space<vmem_shared>> -> memref<65x144xf32, #tpu.memory_space<vmem_shared>>
      %dma_start3A_111 = arith.constant 0 : i32
      %dma_start3A_112 = tpu.memref_slice %arg7[%add3A_23, %dma_start3A_111] : memref<10000x144xf32, #tpu.memory_space<vmem_shared>> -> memref<65x144xf32, #tpu.memory_space<vmem_shared>>
      %dma_start3A_113 = arith.constant 0 : i32
      %dma_start3A_114 = arith.constant 0 : i32
      %dma_start3A_115 = tpu.memref_slice %arg12[%dma_start3A_113, %dma_start3A_114] : memref<80x144xf32, #tpu.memory_space<vmem>> -> memref<65x144xf32, #tpu.memory_space<vmem>>
      tpu.enqueue_dma source(%dma_start3A_115 : memref<65x144xf32, #tpu.memory_space<vmem>>) target(%dma_start3A_112 : memref<65x144xf32, #tpu.memory_space<vmem_shared>>) target_semaphore(%run_scoped3A : memref<!tpu.dma_semaphore, #tpu.memory_space<semaphore_mem>>)
      %dma_wait3A_116 = arith.constant 0 : i32
      %dma_wait3A_117 = arith.constant 0 : i32
      %dma_wait3A_118 = tpu.memref_slice %arg12[%dma_wait3A_116, %dma_wait3A_117] : memref<80x144xf32, #tpu.memory_space<vmem>> -> memref<65x144xf32, #tpu.memory_space<vmem>>
      %dma_wait3A_119 = arith.constant 0 : i32
      %dma_wait3A_120 = tpu.memref_slice %arg7[%add3A_23, %dma_wait3A_119] : memref<10000x144xf32, #tpu.memory_space<vmem_shared>> -> memref<65x144xf32, #tpu.memory_space<vmem_shared>>
      %dma_wait3A_121 = arith.constant 0 : i32
      %dma_wait3A_122 = tpu.memref_slice %arg7[%add3A_23, %dma_wait3A_121] : memref<10000x144xf32, #tpu.memory_space<vmem_shared>> -> memref<65x144xf32, #tpu.memory_space<vmem_shared>>
      %dma_wait3A_123 = arith.constant 0 : i32
      %dma_wait3A_124 = arith.constant 0 : i32
      %dma_wait3A_125 = tpu.memref_slice %arg12[%dma_wait3A_123, %dma_wait3A_124] : memref<80x144xf32, #tpu.memory_space<vmem>> -> memref<65x144xf32, #tpu.memory_space<vmem>>
      tpu.wait_dma2 semaphore(%run_scoped3A : memref<!tpu.dma_semaphore, #tpu.memory_space<semaphore_mem>>) src(%dma_wait3A_125 : memref<65x144xf32, #tpu.memory_space<vmem>>) dst(%dma_wait3A_122 : memref<65x144xf32, #tpu.memory_space<vmem_shared>>)
      tpu.yield
    }) : () -> ()
    %barrier3A = arith.constant 0 : index
    tpu.barrier barrier_id(%barrier3A)
    %mul3A_24 = arith.constant 10000 : i32
    %mul3A_25 = arith.muli %add3A, %mul3A_24 : i32
    %add3A_26 = arith.constant 0 : i32
    %add3A_27 = arith.addi %mul3A_25, %add3A_26 : i32
    "tpu.region"() ({
      %run_scoped3A = tpu.sem_alloc : memref<!tpu.dma_semaphore, #tpu.memory_space<semaphore_mem>>
      %dma_start3A_106 = tpu.memref_slice %arg4[%add3A_27] : memref<320000xi32, #tpu.memory_space<hbm>> -> memref<40xi32, #tpu.memory_space<hbm>>
      %dma_start3A_107 = tpu.memref_slice %arg4[%add3A_27] : memref<320000xi32, #tpu.memory_space<hbm>> -> memref<40xi32, #tpu.memory_space<hbm>>
      tpu.enqueue_dma source(%dma_start3A_107 : memref<40xi32, #tpu.memory_space<hbm>>) target(%arg21 : memref<40xi32, #tpu.memory_space<vmem>>) target_semaphore(%run_scoped3A : memref<!tpu.dma_semaphore, #tpu.memory_space<semaphore_mem>>)
      %dma_wait3A_108 = tpu.memref_slice %arg4[%add3A_27] : memref<320000xi32, #tpu.memory_space<hbm>> -> memref<40xi32, #tpu.memory_space<hbm>>
      %dma_wait3A_109 = tpu.memref_slice %arg4[%add3A_27] : memref<320000xi32, #tpu.memory_space<hbm>> -> memref<40xi32, #tpu.memory_space<hbm>>
      tpu.wait_dma2 semaphore(%run_scoped3A : memref<!tpu.dma_semaphore, #tpu.memory_space<semaphore_mem>>) src(%dma_wait3A_109 : memref<40xi32, #tpu.memory_space<hbm>>) dst(%arg21 : memref<40xi32, #tpu.memory_space<vmem>>)
      tpu.yield
    }) : () -> ()
    %add3A_28 = arith.constant 40 : i32
    %add3A_29 = arith.addi %add3A_27, %add3A_28 : i32
    "tpu.region"() ({
      %run_scoped3A = tpu.sem_alloc : memref<!tpu.dma_semaphore, #tpu.memory_space<semaphore_mem>>
      %dma_start3A_106 = tpu.memref_slice %arg4[%add3A_29] : memref<320000xi32, #tpu.memory_space<hbm>> -> memref<40xi32, #tpu.memory_space<hbm>>
      %dma_start3A_107 = tpu.memref_slice %arg4[%add3A_29] : memref<320000xi32, #tpu.memory_space<hbm>> -> memref<40xi32, #tpu.memory_space<hbm>>
      tpu.enqueue_dma source(%dma_start3A_107 : memref<40xi32, #tpu.memory_space<hbm>>) target(%arg22 : memref<40xi32, #tpu.memory_space<vmem>>) target_semaphore(%run_scoped3A : memref<!tpu.dma_semaphore, #tpu.memory_space<semaphore_mem>>)
      %dma_wait3A_108 = tpu.memref_slice %arg4[%add3A_29] : memref<320000xi32, #tpu.memory_space<hbm>> -> memref<40xi32, #tpu.memory_space<hbm>>
      %dma_wait3A_109 = tpu.memref_slice %arg4[%add3A_29] : memref<320000xi32, #tpu.memory_space<hbm>> -> memref<40xi32, #tpu.memory_space<hbm>>
      tpu.wait_dma2 semaphore(%run_scoped3A : memref<!tpu.dma_semaphore, #tpu.memory_space<semaphore_mem>>) src(%dma_wait3A_109 : memref<40xi32, #tpu.memory_space<hbm>>) dst(%arg22 : memref<40xi32, #tpu.memory_space<vmem>>)
      tpu.yield
    }) : () -> ()
    "tpu.region"() ({
      %run_scoped3A = tpu.sem_alloc : memref<!tpu.dma_semaphore, #tpu.memory_space<semaphore_mem>>
      %dma_start3A_106 = tpu.memref_slice %arg5[%add3A_27] : memref<320000xi32, #tpu.memory_space<hbm>> -> memref<80xi32, #tpu.memory_space<hbm>>
      %dma_start3A_107 = tpu.memref_slice %arg5[%add3A_27] : memref<320000xi32, #tpu.memory_space<hbm>> -> memref<80xi32, #tpu.memory_space<hbm>>
      tpu.enqueue_dma source(%dma_start3A_107 : memref<80xi32, #tpu.memory_space<hbm>>) target(%arg8 : memref<80xi32, #tpu.memory_space<vmem>>) target_semaphore(%run_scoped3A : memref<!tpu.dma_semaphore, #tpu.memory_space<semaphore_mem>>)
      %dma_wait3A_108 = tpu.memref_slice %arg5[%add3A_27] : memref<320000xi32, #tpu.memory_space<hbm>> -> memref<80xi32, #tpu.memory_space<hbm>>
      %dma_wait3A_109 = tpu.memref_slice %arg5[%add3A_27] : memref<320000xi32, #tpu.memory_space<hbm>> -> memref<80xi32, #tpu.memory_space<hbm>>
      tpu.wait_dma2 semaphore(%run_scoped3A : memref<!tpu.dma_semaphore, #tpu.memory_space<semaphore_mem>>) src(%dma_wait3A_109 : memref<80xi32, #tpu.memory_space<hbm>>) dst(%arg8 : memref<80xi32, #tpu.memory_space<vmem>>)
      tpu.yield
    }) : () -> ()
    %dma_start3A = arith.constant 0 : i32
    %dma_start3A_30 = arith.constant 0 : i32
    %dma_start3A_31 = tpu.memref_slice %arg10[%dma_start3A, %dma_start3A_30] : memref<80x160xbf16, #tpu.memory_space<vmem>> -> memref<40x160xbf16, #tpu.memory_space<vmem>>
    %dma_start3A_32 = arith.constant 0 : i32
    %dma_start3A_33 = arith.constant 0 : i32
    %dma_start3A_34 = tpu.memref_slice %arg2[%dma_start3A_32, %dma_start3A_33] : memref<10000x160xbf16, #tpu.memory_space<hbm>> -> memref<10000x160xbf16, #tpu.memory_space<hbm>>
    tpu.enqueue_indirect_dma source(%dma_start3A_34 : memref<10000x160xbf16, #tpu.memory_space<hbm>>) target(%dma_start3A_31 : memref<40x160xbf16, #tpu.memory_space<vmem>>) offsets(%arg21 : memref<40xi32, #tpu.memory_space<vmem>>) semaphore(%arg17 : memref<!tpu.dma_semaphore, #tpu.memory_space<semaphore_mem>>)
    %dma_start3A_35 = arith.constant 40 : i32
    %dma_start3A_36 = arith.constant 0 : i32
    %dma_start3A_37 = tpu.memref_slice %arg10[%dma_start3A_35, %dma_start3A_36] : memref<80x160xbf16, #tpu.memory_space<vmem>> -> memref<40x160xbf16, #tpu.memory_space<vmem>>
    %dma_start3A_38 = arith.constant 0 : i32
    %dma_start3A_39 = arith.constant 0 : i32
    %dma_start3A_40 = tpu.memref_slice %arg2[%dma_start3A_38, %dma_start3A_39] : memref<10000x160xbf16, #tpu.memory_space<hbm>> -> memref<10000x160xbf16, #tpu.memory_space<hbm>>
    tpu.enqueue_indirect_dma source(%dma_start3A_40 : memref<10000x160xbf16, #tpu.memory_space<hbm>>) target(%dma_start3A_37 : memref<40x160xbf16, #tpu.memory_space<vmem>>) offsets(%arg22 : memref<40xi32, #tpu.memory_space<vmem>>) semaphore(%arg17 : memref<!tpu.dma_semaphore, #tpu.memory_space<semaphore_mem>>)
    %dma_start3A_41 = arith.constant 0 : i32
    %dma_start3A_42 = arith.constant 0 : i32
    %dma_start3A_43 = tpu.memref_slice %arg3[%dma_start3A_41, %dma_start3A_42] : memref<10000x16xf32, #tpu.memory_space<hbm>> -> memref<10000x16xf32, #tpu.memory_space<hbm>>
    tpu.enqueue_indirect_dma source(%dma_start3A_43 : memref<10000x16xf32, #tpu.memory_space<hbm>>) target(%arg25 : memref<80x16xf32, #tpu.memory_space<vmem>>) offsets(%arg8 : memref<80xi32, #tpu.memory_space<vmem>>) semaphore(%arg13 : memref<!tpu.dma_semaphore, #tpu.memory_space<semaphore_mem>>)
    %dma_wait3A = arith.constant 0 : i32
    %dma_wait3A_44 = arith.constant 0 : i32
    %dma_wait3A_45 = tpu.memref_slice %arg10[%dma_wait3A, %dma_wait3A_44] : memref<80x160xbf16, #tpu.memory_space<vmem>> -> memref<40x160xbf16, #tpu.memory_space<vmem>>
    %dma_wait3A_46 = arith.constant 0 : i32
    %dma_wait3A_47 = arith.constant 0 : i32
    %dma_wait3A_48 = tpu.memref_slice %arg2[%dma_wait3A_46, %dma_wait3A_47] : memref<10000x160xbf16, #tpu.memory_space<hbm>> -> memref<10000x160xbf16, #tpu.memory_space<hbm>>
    tpu.wait_indirect_dma semaphore(%arg17 : memref<!tpu.dma_semaphore, #tpu.memory_space<semaphore_mem>>) src(%dma_wait3A_48 : memref<10000x160xbf16, #tpu.memory_space<hbm>>) dst(%dma_wait3A_45 : memref<40x160xbf16, #tpu.memory_space<vmem>>)
    %dma_wait3A_49 = arith.constant 40 : i32
    %dma_wait3A_50 = arith.constant 0 : i32
    %dma_wait3A_51 = tpu.memref_slice %arg10[%dma_wait3A_49, %dma_wait3A_50] : memref<80x160xbf16, #tpu.memory_space<vmem>> -> memref<40x160xbf16, #tpu.memory_space<vmem>>
    %dma_wait3A_52 = arith.constant 0 : i32
    %dma_wait3A_53 = arith.constant 0 : i32
    %dma_wait3A_54 = tpu.memref_slice %arg2[%dma_wait3A_52, %dma_wait3A_53] : memref<10000x160xbf16, #tpu.memory_space<hbm>> -> memref<10000x160xbf16, #tpu.memory_space<hbm>>
    tpu.wait_indirect_dma semaphore(%arg17 : memref<!tpu.dma_semaphore, #tpu.memory_space<semaphore_mem>>) src(%dma_wait3A_54 : memref<10000x160xbf16, #tpu.memory_space<hbm>>) dst(%dma_wait3A_51 : memref<40x160xbf16, #tpu.memory_space<vmem>>)
    %dma_wait3A_55 = arith.constant 0 : i32
    %dma_wait3A_56 = arith.constant 0 : i32
    %dma_wait3A_57 = tpu.memref_slice %arg3[%dma_wait3A_55, %dma_wait3A_56] : memref<10000x16xf32, #tpu.memory_space<hbm>> -> memref<10000x16xf32, #tpu.memory_space<hbm>>
    tpu.wait_indirect_dma semaphore(%arg13 : memref<!tpu.dma_semaphore, #tpu.memory_space<semaphore_mem>>) src(%dma_wait3A_57 : memref<10000x16xf32, #tpu.memory_space<hbm>>) dst(%arg25 : memref<80x16xf32, #tpu.memory_space<vmem>>)
    %parallel_loop3A = arith.constant 0 : i32
    %parallel_loop3A_58 = arith.constant 80 : i32
    %parallel_loop3A_59 = arith.constant 1 : i32
    %parallel_loop3A_60 = arith.constant -65536 : i32
    scf.for %parallel_loop3A_106 = %parallel_loop3A to %parallel_loop3A_58 step %parallel_loop3A_59  : i32 {
      %parallel_loop3A_107 = arith.index_cast %parallel_loop3A_106 : i32 to index
      %parallel_loop3A_108 = arith.constant 128 : index
      %parallel_loop3A_109 = tpu.vector_load %arg10[%parallel_loop3A_107, %parallel_loop3A_108] {strides = array<i32>} : memref<80x160xbf16, #tpu.memory_space<vmem>>, vector<32xbf16>,
      %parallel_loop3A_110 = vector.bitcast %parallel_loop3A_109 : vector<32xbf16> to vector<16xi32>
      %parallel_loop3A_111 = arith.constant 16 : i32
      %parallel_loop3A_112 = vector.broadcast %parallel_loop3A_111 : i32 to vector<16xi32>
      %parallel_loop3A_113 = arith.shli %parallel_loop3A_110, %parallel_loop3A_112 : vector<16xi32>
      %parallel_loop3A_114 = vector.bitcast %parallel_loop3A_113 : vector<16xi32> to vector<16xf32>
      %parallel_loop3A_115 = arith.index_cast %parallel_loop3A_106 : i32 to index
      %parallel_loop3A_116 = arith.constant 0 : index
      %parallel_loop3A_117 = tpu.vector_load %arg25[%parallel_loop3A_115, %parallel_loop3A_116] {strides = array<i32>} : memref<80x16xf32, #tpu.memory_space<vmem>>, vector<16xf32>,
      %parallel_loop3A_118 = arith.addf %parallel_loop3A_114, %parallel_loop3A_117 : vector<16xf32>
      %parallel_loop3A_119 = arith.constant 2.000000e-01 : f32
      %parallel_loop3A_120 = vector.broadcast %parallel_loop3A_119 : f32 to vector<16xf32>
      %parallel_loop3A_121 = arith.mulf %parallel_loop3A_120, %parallel_loop3A_118 : vector<16xf32>
      %parallel_loop3A_122 = arith.maximumf %parallel_loop3A_118, %parallel_loop3A_121 : vector<16xf32>
      %parallel_loop3A_123 = math.exp %parallel_loop3A_122 : vector<16xf32>
      %parallel_loop3A_124 = arith.index_cast %parallel_loop3A_106 : i32 to index
      %parallel_loop3A_125 = arith.constant 128 : index
      %parallel_loop3A_126 = tpu.vector_load %arg12[%parallel_loop3A_124, %parallel_loop3A_125] {strides = array<i32>} : memref<80x144xf32, #tpu.memory_space<vmem>>, vector<16xf32>,
      tpu.vector_store %arg12[%parallel_loop3A_124, %parallel_loop3A_125], %parallel_loop3A_123 {strides = array<i32>} : memref<80x144xf32, #tpu.memory_space<vmem>>, vector<16xf32>,
      %parallel_loop3A_127 = arith.index_cast %parallel_loop3A_106 : i32 to index
      %parallel_loop3A_128 = arith.constant 0 : index
      %parallel_loop3A_129 = tpu.vector_load %arg10[%parallel_loop3A_127, %parallel_loop3A_128] {strides = array<i32>} : memref<80x160xbf16, #tpu.memory_space<vmem>>, vector<32xbf16>,
      %parallel_loop3A_130 = vector.bitcast %parallel_loop3A_129 : vector<32xbf16> to vector<16xi32>
      %parallel_loop3A_131 = arith.constant 16 : i32
      %parallel_loop3A_132 = vector.broadcast %parallel_loop3A_131 : i32 to vector<16xi32>
      %parallel_loop3A_133 = arith.shli %parallel_loop3A_130, %parallel_loop3A_132 : vector<16xi32>
      %parallel_loop3A_134 = vector.bitcast %parallel_loop3A_133 : vector<16xi32> to vector<16xf32>
      %parallel_loop3A_135 = vector.broadcast %parallel_loop3A_60 : i32 to vector<16xi32>
      %parallel_loop3A_136 = arith.andi %parallel_loop3A_130, %parallel_loop3A_135 : vector<16xi32>
      %parallel_loop3A_137 = vector.bitcast %parallel_loop3A_136 : vector<16xi32> to vector<16xf32>
      %parallel_loop3A_138 = vector.extract_strided_slice %parallel_loop3A_123 {offsets = [0], sizes = [1], strides = [1]} : vector<16xf32> to vector<1xf32>
      %parallel_loop3A_139 = vector.extract %parallel_loop3A_138[0] : f32 from vector<1xf32>
      %parallel_loop3A_140 = vector.extract_strided_slice %parallel_loop3A_123 {offsets = [1], sizes = [1], strides = [1]} : vector<16xf32> to vector<1xf32>
      %parallel_loop3A_141 = vector.extract %parallel_loop3A_140[0] : f32 from vector<1xf32>
      %parallel_loop3A_142 = vector.broadcast %parallel_loop3A_139 : f32 to vector<16xf32>
      %parallel_loop3A_143 = arith.mulf %parallel_loop3A_134, %parallel_loop3A_142 : vector<16xf32>
      %parallel_loop3A_144 = arith.index_cast %parallel_loop3A_106 : i32 to index
      %parallel_loop3A_145 = arith.constant 0 : index
      %parallel_loop3A_146 = tpu.vector_load %arg12[%parallel_loop3A_144, %parallel_loop3A_145] {strides = array<i32>} : memref<80x144xf32, #tpu.memory_space<vmem>>, vector<16xf32>,
      tpu.vector_store %arg12[%parallel_loop3A_144, %parallel_loop3A_145], %parallel_loop3A_143 {strides = array<i32>} : memref<80x144xf32, #tpu.memory_space<vmem>>, vector<16xf32>,
      %parallel_loop3A_147 = vector.broadcast %parallel_loop3A_141 : f32 to vector<16xf32>
      %parallel_loop3A_148 = arith.mulf %parallel_loop3A_137, %parallel_loop3A_147 : vector<16xf32>
      %parallel_loop3A_149 = arith.index_cast %parallel_loop3A_106 : i32 to index
      %parallel_loop3A_150 = arith.constant 16 : index
      %parallel_loop3A_151 = tpu.vector_load %arg12[%parallel_loop3A_149, %parallel_loop3A_150] {strides = array<i32>} : memref<80x144xf32, #tpu.memory_space<vmem>>, vector<16xf32>,
      tpu.vector_store %arg12[%parallel_loop3A_149, %parallel_loop3A_150], %parallel_loop3A_148 {strides = array<i32>} : memref<80x144xf32, #tpu.memory_space<vmem>>, vector<16xf32>,
      %parallel_loop3A_152 = arith.index_cast %parallel_loop3A_106 : i32 to index
      %parallel_loop3A_153 = arith.constant 32 : index
      %parallel_loop3A_154 = tpu.vector_load %arg10[%parallel_loop3A_152, %parallel_loop3A_153] {strides = array<i32>} : memref<80x160xbf16, #tpu.memory_space<vmem>>, vector<32xbf16>,
      %parallel_loop3A_155 = vector.bitcast %parallel_loop3A_154 : vector<32xbf16> to vector<16xi32>
      %parallel_loop3A_156 = arith.constant 16 : i32
      %parallel_loop3A_157 = vector.broadcast %parallel_loop3A_156 : i32 to vector<16xi32>
      %parallel_loop3A_158 = arith.shli %parallel_loop3A_155, %parallel_loop3A_157 : vector<16xi32>
      %parallel_loop3A_159 = vector.bitcast %parallel_loop3A_158 : vector<16xi32> to vector<16xf32>
      %parallel_loop3A_160 = vector.broadcast %parallel_loop3A_60 : i32 to vector<16xi32>
      %parallel_loop3A_161 = arith.andi %parallel_loop3A_155, %parallel_loop3A_160 : vector<16xi32>
      %parallel_loop3A_162 = vector.bitcast %parallel_loop3A_161 : vector<16xi32> to vector<16xf32>
      %parallel_loop3A_163 = vector.extract_strided_slice %parallel_loop3A_123 {offsets = [2], sizes = [1], strides = [1]} : vector<16xf32> to vector<1xf32>
      %parallel_loop3A_164 = vector.extract %parallel_loop3A_163[0] : f32 from vector<1xf32>
      %parallel_loop3A_165 = vector.extract_strided_slice %parallel_loop3A_123 {offsets = [3], sizes = [1], strides = [1]} : vector<16xf32> to vector<1xf32>
      %parallel_loop3A_166 = vector.extract %parallel_loop3A_165[0] : f32 from vector<1xf32>
      %parallel_loop3A_167 = vector.broadcast %parallel_loop3A_164 : f32 to vector<16xf32>
      %parallel_loop3A_168 = arith.mulf %parallel_loop3A_159, %parallel_loop3A_167 : vector<16xf32>
      %parallel_loop3A_169 = arith.index_cast %parallel_loop3A_106 : i32 to index
      %parallel_loop3A_170 = arith.constant 32 : index
      %parallel_loop3A_171 = tpu.vector_load %arg12[%parallel_loop3A_169, %parallel_loop3A_170] {strides = array<i32>} : memref<80x144xf32, #tpu.memory_space<vmem>>, vector<16xf32>,
      tpu.vector_store %arg12[%parallel_loop3A_169, %parallel_loop3A_170], %parallel_loop3A_168 {strides = array<i32>} : memref<80x144xf32, #tpu.memory_space<vmem>>, vector<16xf32>,
      %parallel_loop3A_172 = vector.broadcast %parallel_loop3A_166 : f32 to vector<16xf32>
      %parallel_loop3A_173 = arith.mulf %parallel_loop3A_162, %parallel_loop3A_172 : vector<16xf32>
      %parallel_loop3A_174 = arith.index_cast %parallel_loop3A_106 : i32 to index
      %parallel_loop3A_175 = arith.constant 48 : index
      %parallel_loop3A_176 = tpu.vector_load %arg12[%parallel_loop3A_174, %parallel_loop3A_175] {strides = array<i32>} : memref<80x144xf32, #tpu.memory_space<vmem>>, vector<16xf32>,
      tpu.vector_store %arg12[%parallel_loop3A_174, %parallel_loop3A_175], %parallel_loop3A_173 {strides = array<i32>} : memref<80x144xf32, #tpu.memory_space<vmem>>, vector<16xf32>,
      %parallel_loop3A_177 = arith.index_cast %parallel_loop3A_106 : i32 to index
      %parallel_loop3A_178 = arith.constant 64 : index
      %parallel_loop3A_179 = tpu.vector_load %arg10[%parallel_loop3A_177, %parallel_loop3A_178] {strides = array<i32>} : memref<80x160xbf16, #tpu.memory_space<vmem>>, vector<32xbf16>,
      %parallel_loop3A_180 = vector.bitcast %parallel_loop3A_179 : vector<32xbf16> to vector<16xi32>
      %parallel_loop3A_181 = arith.constant 16 : i32
      %parallel_loop3A_182 = vector.broadcast %parallel_loop3A_181 : i32 to vector<16xi32>
      %parallel_loop3A_183 = arith.shli %parallel_loop3A_180, %parallel_loop3A_182 : vector<16xi32>
      %parallel_loop3A_184 = vector.bitcast %parallel_loop3A_183 : vector<16xi32> to vector<16xf32>
      %parallel_loop3A_185 = vector.broadcast %parallel_loop3A_60 : i32 to vector<16xi32>
      %parallel_loop3A_186 = arith.andi %parallel_loop3A_180, %parallel_loop3A_185 : vector<16xi32>
      %parallel_loop3A_187 = vector.bitcast %parallel_loop3A_186 : vector<16xi32> to vector<16xf32>
      %parallel_loop3A_188 = vector.extract_strided_slice %parallel_loop3A_123 {offsets = [4], sizes = [1], strides = [1]} : vector<16xf32> to vector<1xf32>
      %parallel_loop3A_189 = vector.extract %parallel_loop3A_188[0] : f32 from vector<1xf32>
      %parallel_loop3A_190 = vector.extract_strided_slice %parallel_loop3A_123 {offsets = [5], sizes = [1], strides = [1]} : vector<16xf32> to vector<1xf32>
      %parallel_loop3A_191 = vector.extract %parallel_loop3A_190[0] : f32 from vector<1xf32>
      %parallel_loop3A_192 = vector.broadcast %parallel_loop3A_189 : f32 to vector<16xf32>
      %parallel_loop3A_193 = arith.mulf %parallel_loop3A_184, %parallel_loop3A_192 : vector<16xf32>
      %parallel_loop3A_194 = arith.index_cast %parallel_loop3A_106 : i32 to index
      %parallel_loop3A_195 = arith.constant 64 : index
      %parallel_loop3A_196 = tpu.vector_load %arg12[%parallel_loop3A_194, %parallel_loop3A_195] {strides = array<i32>} : memref<80x144xf32, #tpu.memory_space<vmem>>, vector<16xf32>,
      tpu.vector_store %arg12[%parallel_loop3A_194, %parallel_loop3A_195], %parallel_loop3A_193 {strides = array<i32>} : memref<80x144xf32, #tpu.memory_space<vmem>>, vector<16xf32>,
      %parallel_loop3A_197 = vector.broadcast %parallel_loop3A_191 : f32 to vector<16xf32>
      %parallel_loop3A_198 = arith.mulf %parallel_loop3A_187, %parallel_loop3A_197 : vector<16xf32>
      %parallel_loop3A_199 = arith.index_cast %parallel_loop3A_106 : i32 to index
      %parallel_loop3A_200 = arith.constant 80 : index
      %parallel_loop3A_201 = tpu.vector_load %arg12[%parallel_loop3A_199, %parallel_loop3A_200] {strides = array<i32>} : memref<80x144xf32, #tpu.memory_space<vmem>>, vector<16xf32>,
      tpu.vector_store %arg12[%parallel_loop3A_199, %parallel_loop3A_200], %parallel_loop3A_198 {strides = array<i32>} : memref<80x144xf32, #tpu.memory_space<vmem>>, vector<16xf32>,
      %parallel_loop3A_202 = arith.index_cast %parallel_loop3A_106 : i32 to index
      %parallel_loop3A_203 = arith.constant 96 : index
      %parallel_loop3A_204 = tpu.vector_load %arg10[%parallel_loop3A_202, %parallel_loop3A_203] {strides = array<i32>} : memref<80x160xbf16, #tpu.memory_space<vmem>>, vector<32xbf16>,
      %parallel_loop3A_205 = vector.bitcast %parallel_loop3A_204 : vector<32xbf16> to vector<16xi32>
      %parallel_loop3A_206 = arith.constant 16 : i32
      %parallel_loop3A_207 = vector.broadcast %parallel_loop3A_206 : i32 to vector<16xi32>
      %parallel_loop3A_208 = arith.shli %parallel_loop3A_205, %parallel_loop3A_207 : vector<16xi32>
      %parallel_loop3A_209 = vector.bitcast %parallel_loop3A_208 : vector<16xi32> to vector<16xf32>
      %parallel_loop3A_210 = vector.broadcast %parallel_loop3A_60 : i32 to vector<16xi32>
      %parallel_loop3A_211 = arith.andi %parallel_loop3A_205, %parallel_loop3A_210 : vector<16xi32>
      %parallel_loop3A_212 = vector.bitcast %parallel_loop3A_211 : vector<16xi32> to vector<16xf32>
      %parallel_loop3A_213 = vector.extract_strided_slice %parallel_loop3A_123 {offsets = [6], sizes = [1], strides = [1]} : vector<16xf32> to vector<1xf32>
      %parallel_loop3A_214 = vector.extract %parallel_loop3A_213[0] : f32 from vector<1xf32>
      %parallel_loop3A_215 = vector.extract_strided_slice %parallel_loop3A_123 {offsets = [7], sizes = [1], strides = [1]} : vector<16xf32> to vector<1xf32>
      %parallel_loop3A_216 = vector.extract %parallel_loop3A_215[0] : f32 from vector<1xf32>
      %parallel_loop3A_217 = vector.broadcast %parallel_loop3A_214 : f32 to vector<16xf32>
      %parallel_loop3A_218 = arith.mulf %parallel_loop3A_209, %parallel_loop3A_217 : vector<16xf32>
      %parallel_loop3A_219 = arith.index_cast %parallel_loop3A_106 : i32 to index
      %parallel_loop3A_220 = arith.constant 96 : index
      %parallel_loop3A_221 = tpu.vector_load %arg12[%parallel_loop3A_219, %parallel_loop3A_220] {strides = array<i32>} : memref<80x144xf32, #tpu.memory_space<vmem>>, vector<16xf32>,
      tpu.vector_store %arg12[%parallel_loop3A_219, %parallel_loop3A_220], %parallel_loop3A_218 {strides = array<i32>} : memref<80x144xf32, #tpu.memory_space<vmem>>, vector<16xf32>,
      %parallel_loop3A_222 = vector.broadcast %parallel_loop3A_216 : f32 to vector<16xf32>
      %parallel_loop3A_223 = arith.mulf %parallel_loop3A_212, %parallel_loop3A_222 : vector<16xf32>
      %parallel_loop3A_224 = arith.index_cast %parallel_loop3A_106 : i32 to index
      %parallel_loop3A_225 = arith.constant 112 : index
      %parallel_loop3A_226 = tpu.vector_load %arg12[%parallel_loop3A_224, %parallel_loop3A_225] {strides = array<i32>} : memref<80x144xf32, #tpu.memory_space<vmem>>, vector<16xf32>,
      tpu.vector_store %arg12[%parallel_loop3A_224, %parallel_loop3A_225], %parallel_loop3A_223 {strides = array<i32>} : memref<80x144xf32, #tpu.memory_space<vmem>>, vector<16xf32>,
    } {sc.loop_unroll_factor = 2 : i64, sc.parallel_access}
    "tpu.region"() ({
      %run_scoped3A = tpu.sem_alloc : memref<!tpu.dma_semaphore, #tpu.memory_space<semaphore_mem>>
      %dma_start3A_106 = arith.constant 0 : i32
      %dma_start3A_107 = arith.constant 0 : i32
      %dma_start3A_108 = tpu.memref_slice %arg7[%dma_start3A_106, %dma_start3A_107] : memref<10000x144xf32, #tpu.memory_space<vmem_shared>> -> memref<10000x144xf32, #tpu.memory_space<vmem_shared>>
      tpu.enqueue_indirect_dma source(%arg12 : memref<80x144xf32, #tpu.memory_space<vmem>>) target(%dma_start3A_108 : memref<10000x144xf32, #tpu.memory_space<vmem_shared>>) offsets(%arg8 : memref<80xi32, #tpu.memory_space<vmem>>) semaphore(%run_scoped3A : memref<!tpu.dma_semaphore, #tpu.memory_space<semaphore_mem>>) {add = true}
      %dma_wait3A_109 = arith.constant 0 : i32
      %dma_wait3A_110 = arith.constant 0 : i32
      %dma_wait3A_111 = tpu.memref_slice %arg7[%dma_wait3A_109, %dma_wait3A_110] : memref<10000x144xf32, #tpu.memory_space<vmem_shared>> -> memref<10000x144xf32, #tpu.memory_space<vmem_shared>>
      tpu.wait_indirect_dma semaphore(%run_scoped3A : memref<!tpu.dma_semaphore, #tpu.memory_space<semaphore_mem>>) src(%arg12 : memref<80x144xf32, #tpu.memory_space<vmem>>) dst(%dma_wait3A_111 : memref<10000x144xf32, #tpu.memory_space<vmem_shared>>)
      tpu.yield
    }) : () -> ()
    %add3A_61 = arith.constant 80 : i32
    %add3A_62 = arith.addi %mul3A_25, %add3A_61 : i32
    "tpu.region"() ({
      %run_scoped3A = tpu.sem_alloc : memref<!tpu.dma_semaphore, #tpu.memory_space<semaphore_mem>>
      %dma_start3A_106 = tpu.memref_slice %arg4[%add3A_62] : memref<320000xi32, #tpu.memory_space<hbm>> -> memref<40xi32, #tpu.memory_space<hbm>>
      %dma_start3A_107 = tpu.memref_slice %arg4[%add3A_62] : memref<320000xi32, #tpu.memory_space<hbm>> -> memref<40xi32, #tpu.memory_space<hbm>>
      tpu.enqueue_dma source(%dma_start3A_107 : memref<40xi32, #tpu.memory_space<hbm>>) target(%arg21 : memref<40xi32, #tpu.memory_space<vmem>>) target_semaphore(%run_scoped3A : memref<!tpu.dma_semaphore, #tpu.memory_space<semaphore_mem>>)
      %dma_wait3A_108 = tpu.memref_slice %arg4[%add3A_62] : memref<320000xi32, #tpu.memory_space<hbm>> -> memref<40xi32, #tpu.memory_space<hbm>>
      %dma_wait3A_109 = tpu.memref_slice %arg4[%add3A_62] : memref<320000xi32, #tpu.memory_space<hbm>> -> memref<40xi32, #tpu.memory_space<hbm>>
      tpu.wait_dma2 semaphore(%run_scoped3A : memref<!tpu.dma_semaphore, #tpu.memory_space<semaphore_mem>>) src(%dma_wait3A_109 : memref<40xi32, #tpu.memory_space<hbm>>) dst(%arg21 : memref<40xi32, #tpu.memory_space<vmem>>)
      tpu.yield
    }) : () -> ()
    %add3A_63 = arith.constant 40 : i32
    %add3A_64 = arith.addi %add3A_62, %add3A_63 : i32
    "tpu.region"() ({
      %run_scoped3A = tpu.sem_alloc : memref<!tpu.dma_semaphore, #tpu.memory_space<semaphore_mem>>
      %dma_start3A_106 = tpu.memref_slice %arg4[%add3A_64] : memref<320000xi32, #tpu.memory_space<hbm>> -> memref<40xi32, #tpu.memory_space<hbm>>
      %dma_start3A_107 = tpu.memref_slice %arg4[%add3A_64] : memref<320000xi32, #tpu.memory_space<hbm>> -> memref<40xi32, #tpu.memory_space<hbm>>
      tpu.enqueue_dma source(%dma_start3A_107 : memref<40xi32, #tpu.memory_space<hbm>>) target(%arg22 : memref<40xi32, #tpu.memory_space<vmem>>) target_semaphore(%run_scoped3A : memref<!tpu.dma_semaphore, #tpu.memory_space<semaphore_mem>>)
      %dma_wait3A_108 = tpu.memref_slice %arg4[%add3A_64] : memref<320000xi32, #tpu.memory_space<hbm>> -> memref<40xi32, #tpu.memory_space<hbm>>
      %dma_wait3A_109 = tpu.memref_slice %arg4[%add3A_64] : memref<320000xi32, #tpu.memory_space<hbm>> -> memref<40xi32, #tpu.memory_space<hbm>>
      tpu.wait_dma2 semaphore(%run_scoped3A : memref<!tpu.dma_semaphore, #tpu.memory_space<semaphore_mem>>) src(%dma_wait3A_109 : memref<40xi32, #tpu.memory_space<hbm>>) dst(%arg22 : memref<40xi32, #tpu.memory_space<vmem>>)
      tpu.yield
    }) : () -> ()
    "tpu.region"() ({
      %run_scoped3A = tpu.sem_alloc : memref<!tpu.dma_semaphore, #tpu.memory_space<semaphore_mem>>
      %dma_start3A_106 = tpu.memref_slice %arg5[%add3A_62] : memref<320000xi32, #tpu.memory_space<hbm>> -> memref<80xi32, #tpu.memory_space<hbm>>
      %dma_start3A_107 = tpu.memref_slice %arg5[%add3A_62] : memref<320000xi32, #tpu.memory_space<hbm>> -> memref<80xi32, #tpu.memory_space<hbm>>
      tpu.enqueue_dma source(%dma_start3A_107 : memref<80xi32, #tpu.memory_space<hbm>>) target(%arg8 : memref<80xi32, #tpu.memory_space<vmem>>) target_semaphore(%run_scoped3A : memref<!tpu.dma_semaphore, #tpu.memory_space<semaphore_mem>>)
      %dma_wait3A_108 = tpu.memref_slice %arg5[%add3A_62] : memref<320000xi32, #tpu.memory_space<hbm>> -> memref<80xi32, #tpu.memory_space<hbm>>
      %dma_wait3A_109 = tpu.memref_slice %arg5[%add3A_62] : memref<320000xi32, #tpu.memory_space<hbm>> -> memref<80xi32, #tpu.memory_space<hbm>>
      tpu.wait_dma2 semaphore(%run_scoped3A : memref<!tpu.dma_semaphore, #tpu.memory_space<semaphore_mem>>) src(%dma_wait3A_109 : memref<80xi32, #tpu.memory_space<hbm>>) dst(%arg8 : memref<80xi32, #tpu.memory_space<vmem>>)
      tpu.yield
    }) : () -> ()
    %dma_start3A_65 = arith.constant 0 : i32
    %dma_start3A_66 = arith.constant 0 : i32
    %dma_start3A_67 = tpu.memref_slice %arg10[%dma_start3A_65, %dma_start3A_66] : memref<80x160xbf16, #tpu.memory_space<vmem>> -> memref<40x160xbf16, #tpu.memory_space<vmem>>
    %dma_start3A_68 = arith.constant 0 : i32
    %dma_start3A_69 = arith.constant 0 : i32
    %dma_start3A_70 = tpu.memref_slice %arg2[%dma_start3A_68, %dma_start3A_69] : memref<10000x160xbf16, #tpu.memory_space<hbm>> -> memref<10000x160xbf16, #tpu.memory_space<hbm>>
    tpu.enqueue_indirect_dma source(%dma_start3A_70 : memref<10000x160xbf16, #tpu.memory_space<hbm>>) target(%dma_start3A_67 : memref<40x160xbf16, #tpu.memory_space<vmem>>) offsets(%arg21 : memref<40xi32, #tpu.memory_space<vmem>>) semaphore(%arg17 : memref<!tpu.dma_semaphore, #tpu.memory_space<semaphore_mem>>)
    %dma_start3A_71 = arith.constant 40 : i32
    %dma_start3A_72 = arith.constant 0 : i32
    %dma_start3A_73 = tpu.memref_slice %arg10[%dma_start3A_71, %dma_start3A_72] : memref<80x160xbf16, #tpu.memory_space<vmem>> -> memref<40x160xbf16, #tpu.memory_space<vmem>>
    %dma_start3A_74 = arith.constant 0 : i32
    %dma_start3A_75 = arith.constant 0 : i32
    %dma_start3A_76 = tpu.memref_slice %arg2[%dma_start3A_74, %dma_start3A_75] : memref<10000x160xbf16, #tpu.memory_space<hbm>> -> memref<10000x160xbf16, #tpu.memory_space<hbm>>
    tpu.enqueue_indirect_dma source(%dma_start3A_76 : memref<10000x160xbf16, #tpu.memory_space<hbm>>) target(%dma_start3A_73 : memref<40x160xbf16, #tpu.memory_space<vmem>>) offsets(%arg22 : memref<40xi32, #tpu.memory_space<vmem>>) semaphore(%arg17 : memref<!tpu.dma_semaphore, #tpu.memory_space<semaphore_mem>>)
    %dma_start3A_77 = arith.constant 0 : i32
    %dma_start3A_78 = arith.constant 0 : i32
    %dma_start3A_79 = tpu.memref_slice %arg3[%dma_start3A_77, %dma_start3A_78] : memref<10000x16xf32, #tpu.memory_space<hbm>> -> memref<10000x16xf32, #tpu.memory_space<hbm>>
    tpu.enqueue_indirect_dma source(%dma_start3A_79 : memref<10000x16xf32, #tpu.memory_space<hbm>>) target(%arg25 : memref<80x16xf32, #tpu.memory_space<vmem>>) offsets(%arg8 : memref<80xi32, #tpu.memory_space<vmem>>) semaphore(%arg13 : memref<!tpu.dma_semaphore, #tpu.memory_space<semaphore_mem>>)
    %dma_wait3A_80 = arith.constant 0 : i32
    %dma_wait3A_81 = arith.constant 0 : i32
    %dma_wait3A_82 = tpu.memref_slice %arg10[%dma_wait3A_80, %dma_wait3A_81] : memref<80x160xbf16, #tpu.memory_space<vmem>> -> memref<40x160xbf16, #tpu.memory_space<vmem>>
    %dma_wait3A_83 = arith.constant 0 : i32
    %dma_wait3A_84 = arith.constant 0 : i32
    %dma_wait3A_85 = tpu.memref_slice %arg2[%dma_wait3A_83, %dma_wait3A_84] : memref<10000x160xbf16, #tpu.memory_space<hbm>> -> memref<10000x160xbf16, #tpu.memory_space<hbm>>
    tpu.wait_indirect_dma semaphore(%arg17 : memref<!tpu.dma_semaphore, #tpu.memory_space<semaphore_mem>>) src(%dma_wait3A_85 : memref<10000x160xbf16, #tpu.memory_space<hbm>>) dst(%dma_wait3A_82 : memref<40x160xbf16, #tpu.memory_space<vmem>>)
    %dma_wait3A_86 = arith.constant 40 : i32
    %dma_wait3A_87 = arith.constant 0 : i32
    %dma_wait3A_88 = tpu.memref_slice %arg10[%dma_wait3A_86, %dma_wait3A_87] : memref<80x160xbf16, #tpu.memory_space<vmem>> -> memref<40x160xbf16, #tpu.memory_space<vmem>>
    %dma_wait3A_89 = arith.constant 0 : i32
    %dma_wait3A_90 = arith.constant 0 : i32
    %dma_wait3A_91 = tpu.memref_slice %arg2[%dma_wait3A_89, %dma_wait3A_90] : memref<10000x160xbf16, #tpu.memory_space<hbm>> -> memref<10000x160xbf16, #tpu.memory_space<hbm>>
    tpu.wait_indirect_dma semaphore(%arg17 : memref<!tpu.dma_semaphore, #tpu.memory_space<semaphore_mem>>) src(%dma_wait3A_91 : memref<10000x160xbf16, #tpu.memory_space<hbm>>) dst(%dma_wait3A_88 : memref<40x160xbf16, #tpu.memory_space<vmem>>)
    %dma_wait3A_92 = arith.constant 0 : i32
    %dma_wait3A_93 = arith.constant 0 : i32
    %dma_wait3A_94 = tpu.memref_slice %arg3[%dma_wait3A_92, %dma_wait3A_93] : memref<10000x16xf32, #tpu.memory_space<hbm>> -> memref<10000x16xf32, #tpu.memory_space<hbm>>
    tpu.wait_indirect_dma semaphore(%arg13 : memref<!tpu.dma_semaphore, #tpu.memory_space<semaphore_mem>>) src(%dma_wait3A_94 : memref<10000x16xf32, #tpu.memory_space<hbm>>) dst(%arg25 : memref<80x16xf32, #tpu.memory_space<vmem>>)
    %add3A_95 = arith.constant 160 : i32
    %add3A_96 = arith.addi %mul3A_25, %add3A_95 : i32
    "tpu.region"() ({
      %run_scoped3A = tpu.sem_alloc : memref<!tpu.dma_semaphore, #tpu.memory_space<semaphore_mem>>
      %dma_start3A_106 = tpu.memref_slice %arg4[%add3A_96] : memref<320000xi32, #tpu.memory_space<hbm>> -> memref<40xi32, #tpu.memory_space<hbm>>
      %dma_start3A_107 = tpu.memref_slice %arg4[%add3A_96] : memref<320000xi32, #tpu.memory_space<hbm>> -> memref<40xi32, #tpu.memory_space<hbm>>
      tpu.enqueue_dma source(%dma_start3A_107 : memref<40xi32, #tpu.memory_space<hbm>>) target(%arg23 : memref<40xi32, #tpu.memory_space<vmem>>) target_semaphore(%run_scoped3A : memref<!tpu.dma_semaphore, #tpu.memory_space<semaphore_mem>>)
      %dma_wait3A_108 = tpu.memref_slice %arg4[%add3A_96] : memref<320000xi32, #tpu.memory_space<hbm>> -> memref<40xi32, #tpu.memory_space<hbm>>
      %dma_wait3A_109 = tpu.memref_slice %arg4[%add3A_96] : memref<320000xi32, #tpu.memory_space<hbm>> -> memref<40xi32, #tpu.memory_space<hbm>>
      tpu.wait_dma2 semaphore(%run_scoped3A : memref<!tpu.dma_semaphore, #tpu.memory_space<semaphore_mem>>) src(%dma_wait3A_109 : memref<40xi32, #tpu.memory_space<hbm>>) dst(%arg23 : memref<40xi32, #tpu.memory_space<vmem>>)
      tpu.yield
    }) : () -> ()
    %add3A_97 = arith.constant 40 : i32
    %add3A_98 = arith.addi %add3A_96, %add3A_97 : i32
    "tpu.region"() ({
      %run_scoped3A = tpu.sem_alloc : memref<!tpu.dma_semaphore, #tpu.memory_space<semaphore_mem>>
      %dma_start3A_106 = tpu.memref_slice %arg4[%add3A_98] : memref<320000xi32, #tpu.memory_space<hbm>> -> memref<40xi32, #tpu.memory_space<hbm>>
      %dma_start3A_107 = tpu.memref_slice %arg4[%add3A_98] : memref<320000xi32, #tpu.memory_space<hbm>> -> memref<40xi32, #tpu.memory_space<hbm>>
      tpu.enqueue_dma source(%dma_start3A_107 : memref<40xi32, #tpu.memory_space<hbm>>) target(%arg24 : memref<40xi32, #tpu.memory_space<vmem>>) target_semaphore(%run_scoped3A : memref<!tpu.dma_semaphore, #tpu.memory_space<semaphore_mem>>)
      %dma_wait3A_108 = tpu.memref_slice %arg4[%add3A_98] : memref<320000xi32, #tpu.memory_space<hbm>> -> memref<40xi32, #tpu.memory_space<hbm>>
      %dma_wait3A_109 = tpu.memref_slice %arg4[%add3A_98] : memref<320000xi32, #tpu.memory_space<hbm>> -> memref<40xi32, #tpu.memory_space<hbm>>
      tpu.wait_dma2 semaphore(%run_scoped3A : memref<!tpu.dma_semaphore, #tpu.memory_space<semaphore_mem>>) src(%dma_wait3A_109 : memref<40xi32, #tpu.memory_space<hbm>>) dst(%arg24 : memref<40xi32, #tpu.memory_space<vmem>>)
      tpu.yield
    }) : () -> ()
    "tpu.region"() ({
      %run_scoped3A = tpu.sem_alloc : memref<!tpu.dma_semaphore, #tpu.memory_space<semaphore_mem>>
      %dma_start3A_106 = tpu.memref_slice %arg5[%add3A_96] : memref<320000xi32, #tpu.memory_space<hbm>> -> memref<80xi32, #tpu.memory_space<hbm>>
      %dma_start3A_107 = tpu.memref_slice %arg5[%add3A_96] : memref<320000xi32, #tpu.memory_space<hbm>> -> memref<80xi32, #tpu.memory_space<hbm>>
      tpu.enqueue_dma source(%dma_start3A_107 : memref<80xi32, #tpu.memory_space<hbm>>) target(%arg9 : memref<80xi32, #tpu.memory_space<vmem>>) target_semaphore(%run_scoped3A : memref<!tpu.dma_semaphore, #tpu.memory_space<semaphore_mem>>)
      %dma_wait3A_108 = tpu.memref_slice %arg5[%add3A_96] : memref<320000xi32, #tpu.memory_space<hbm>> -> memref<80xi32, #tpu.memory_space<hbm>>
      %dma_wait3A_109 = tpu.memref_slice %arg5[%add3A_96] : memref<320000xi32, #tpu.memory_space<hbm>> -> memref<80xi32, #tpu.memory_space<hbm>>
      tpu.wait_dma2 semaphore(%run_scoped3A : memref<!tpu.dma_semaphore, #tpu.memory_space<semaphore_mem>>) src(%dma_wait3A_109 : memref<80xi32, #tpu.memory_space<hbm>>) dst(%arg9 : memref<80xi32, #tpu.memory_space<vmem>>)
      tpu.yield
    }) : () -> ()
    %scan3A_99 = arith.constant 0 : i32
    %scan3A_100 = arith.constant 0 : i32
    %scan3A_101 = arith.constant 62 : i32
    %scan3A_102 = arith.addi %scan3A_100, %scan3A_101 : i32
    %scan3A_103 = arith.constant 1 : i32
    scf.for %scan3A_106 = %scan3A_100 to %scan3A_102 step %scan3A_103  : i32 {
      %mul3A_107 = arith.constant 2 : i32
      %mul3A_108 = arith.muli %mul3A_107, %scan3A_106 : i32
      %add3A_109 = arith.constant 1 : i32
      %add3A_110 = arith.addi %add3A_109, %mul3A_108 : i32
      %dma_start3A_111 = arith.constant 0 : i32
      %dma_start3A_112 = arith.constant 0 : i32
      %dma_start3A_113 = tpu.memref_slice %arg11[%dma_start3A_111, %dma_start3A_112] : memref<80x160xbf16, #tpu.memory_space<vmem>> -> memref<40x160xbf16, #tpu.memory_space<vmem>>
      %dma_start3A_114 = arith.constant 0 : i32
      %dma_start3A_115 = arith.constant 0 : i32
      %dma_start3A_116 = tpu.memref_slice %arg2[%dma_start3A_114, %dma_start3A_115] : memref<10000x160xbf16, #tpu.memory_space<hbm>> -> memref<10000x160xbf16, #tpu.memory_space<hbm>>
      tpu.enqueue_indirect_dma source(%dma_start3A_116 : memref<10000x160xbf16, #tpu.memory_space<hbm>>) target(%dma_start3A_113 : memref<40x160xbf16, #tpu.memory_space<vmem>>) offsets(%arg23 : memref<40xi32, #tpu.memory_space<vmem>>) semaphore(%arg18 : memref<!tpu.dma_semaphore, #tpu.memory_space<semaphore_mem>>)
      %dma_start3A_117 = arith.constant 40 : i32
      %dma_start3A_118 = arith.constant 0 : i32
      %dma_start3A_119 = tpu.memref_slice %arg11[%dma_start3A_117, %dma_start3A_118] : memref<80x160xbf16, #tpu.memory_space<vmem>> -> memref<40x160xbf16, #tpu.memory_space<vmem>>
      %dma_start3A_120 = arith.constant 0 : i32
      %dma_start3A_121 = arith.constant 0 : i32
      %dma_start3A_122 = tpu.memref_slice %arg2[%dma_start3A_120, %dma_start3A_121] : memref<10000x160xbf16, #tpu.memory_space<hbm>> -> memref<10000x160xbf16, #tpu.memory_space<hbm>>
      tpu.enqueue_indirect_dma source(%dma_start3A_122 : memref<10000x160xbf16, #tpu.memory_space<hbm>>) target(%dma_start3A_119 : memref<40x160xbf16, #tpu.memory_space<vmem>>) offsets(%arg24 : memref<40xi32, #tpu.memory_space<vmem>>) semaphore(%arg18 : memref<!tpu.dma_semaphore, #tpu.memory_space<semaphore_mem>>)
      %dma_start3A_123 = arith.constant 0 : i32
      %dma_start3A_124 = arith.constant 0 : i32
      %dma_start3A_125 = tpu.memref_slice %arg3[%dma_start3A_123, %dma_start3A_124] : memref<10000x16xf32, #tpu.memory_space<hbm>> -> memref<10000x16xf32, #tpu.memory_space<hbm>>
      tpu.enqueue_indirect_dma source(%dma_start3A_125 : memref<10000x16xf32, #tpu.memory_space<hbm>>) target(%arg26 : memref<80x16xf32, #tpu.memory_space<vmem>>) offsets(%arg9 : memref<80xi32, #tpu.memory_space<vmem>>) semaphore(%arg14 : memref<!tpu.dma_semaphore, #tpu.memory_space<semaphore_mem>>)
      %parallel_loop3A_126 = arith.constant 0 : i32
      %parallel_loop3A_127 = arith.constant 80 : i32
      %parallel_loop3A_128 = arith.constant 1 : i32
      %parallel_loop3A_129 = arith.constant -65536 : i32
      scf.for %parallel_loop3A_220 = %parallel_loop3A_126 to %parallel_loop3A_127 step %parallel_loop3A_128  : i32 {
        %parallel_loop3A_221 = arith.index_cast %parallel_loop3A_220 : i32 to index
        %parallel_loop3A_222 = arith.constant 128 : index
        %parallel_loop3A_223 = tpu.vector_load %arg10[%parallel_loop3A_221, %parallel_loop3A_222] {strides = array<i32>} : memref<80x160xbf16, #tpu.memory_space<vmem>>, vector<32xbf16>,
        %parallel_loop3A_224 = vector.bitcast %parallel_loop3A_223 : vector<32xbf16> to vector<16xi32>
        %parallel_loop3A_225 = arith.constant 16 : i32
        %parallel_loop3A_226 = vector.broadcast %parallel_loop3A_225 : i32 to vector<16xi32>
        %parallel_loop3A_227 = arith.shli %parallel_loop3A_224, %parallel_loop3A_226 : vector<16xi32>
        %parallel_loop3A_228 = vector.bitcast %parallel_loop3A_227 : vector<16xi32> to vector<16xf32>
        %parallel_loop3A_229 = arith.index_cast %parallel_loop3A_220 : i32 to index
        %parallel_loop3A_230 = arith.constant 0 : index
        %parallel_loop3A_231 = tpu.vector_load %arg25[%parallel_loop3A_229, %parallel_loop3A_230] {strides = array<i32>} : memref<80x16xf32, #tpu.memory_space<vmem>>, vector<16xf32>,
        %parallel_loop3A_232 = arith.addf %parallel_loop3A_228, %parallel_loop3A_231 : vector<16xf32>
        %parallel_loop3A_233 = arith.constant 2.000000e-01 : f32
        %parallel_loop3A_234 = vector.broadcast %parallel_loop3A_233 : f32 to vector<16xf32>
        %parallel_loop3A_235 = arith.mulf %parallel_loop3A_234, %parallel_loop3A_232 : vector<16xf32>
        %parallel_loop3A_236 = arith.maximumf %parallel_loop3A_232, %parallel_loop3A_235 : vector<16xf32>
        %parallel_loop3A_237 = math.exp %parallel_loop3A_236 : vector<16xf32>
        %parallel_loop3A_238 = arith.index_cast %parallel_loop3A_220 : i32 to index
        %parallel_loop3A_239 = arith.constant 128 : index
        %parallel_loop3A_240 = tpu.vector_load %arg12[%parallel_loop3A_238, %parallel_loop3A_239] {strides = array<i32>} : memref<80x144xf32, #tpu.memory_space<vmem>>, vector<16xf32>,
        tpu.vector_store %arg12[%parallel_loop3A_238, %parallel_loop3A_239], %parallel_loop3A_237 {strides = array<i32>} : memref<80x144xf32, #tpu.memory_space<vmem>>, vector<16xf32>,
        %parallel_loop3A_241 = arith.index_cast %parallel_loop3A_220 : i32 to index
        %parallel_loop3A_242 = arith.constant 0 : index
        %parallel_loop3A_243 = tpu.vector_load %arg10[%parallel_loop3A_241, %parallel_loop3A_242] {strides = array<i32>} : memref<80x160xbf16, #tpu.memory_space<vmem>>, vector<32xbf16>,
        %parallel_loop3A_244 = vector.bitcast %parallel_loop3A_243 : vector<32xbf16> to vector<16xi32>
        %parallel_loop3A_245 = arith.constant 16 : i32
        %parallel_loop3A_246 = vector.broadcast %parallel_loop3A_245 : i32 to vector<16xi32>
        %parallel_loop3A_247 = arith.shli %parallel_loop3A_244, %parallel_loop3A_246 : vector<16xi32>
        %parallel_loop3A_248 = vector.bitcast %parallel_loop3A_247 : vector<16xi32> to vector<16xf32>
        %parallel_loop3A_249 = vector.broadcast %parallel_loop3A_129 : i32 to vector<16xi32>
        %parallel_loop3A_250 = arith.andi %parallel_loop3A_244, %parallel_loop3A_249 : vector<16xi32>
        %parallel_loop3A_251 = vector.bitcast %parallel_loop3A_250 : vector<16xi32> to vector<16xf32>
        %parallel_loop3A_252 = vector.extract_strided_slice %parallel_loop3A_237 {offsets = [0], sizes = [1], strides = [1]} : vector<16xf32> to vector<1xf32>
        %parallel_loop3A_253 = vector.extract %parallel_loop3A_252[0] : f32 from vector<1xf32>
        %parallel_loop3A_254 = vector.extract_strided_slice %parallel_loop3A_237 {offsets = [1], sizes = [1], strides = [1]} : vector<16xf32> to vector<1xf32>
        %parallel_loop3A_255 = vector.extract %parallel_loop3A_254[0] : f32 from vector<1xf32>
        %parallel_loop3A_256 = vector.broadcast %parallel_loop3A_253 : f32 to vector<16xf32>
        %parallel_loop3A_257 = arith.mulf %parallel_loop3A_248, %parallel_loop3A_256 : vector<16xf32>
        %parallel_loop3A_258 = arith.index_cast %parallel_loop3A_220 : i32 to index
        %parallel_loop3A_259 = arith.constant 0 : index
        %parallel_loop3A_260 = tpu.vector_load %arg12[%parallel_loop3A_258, %parallel_loop3A_259] {strides = array<i32>} : memref<80x144xf32, #tpu.memory_space<vmem>>, vector<16xf32>,
        tpu.vector_store %arg12[%parallel_loop3A_258, %parallel_loop3A_259], %parallel_loop3A_257 {strides = array<i32>} : memref<80x144xf32, #tpu.memory_space<vmem>>, vector<16xf32>,
        %parallel_loop3A_261 = vector.broadcast %parallel_loop3A_255 : f32 to vector<16xf32>
        %parallel_loop3A_262 = arith.mulf %parallel_loop3A_251, %parallel_loop3A_261 : vector<16xf32>
        %parallel_loop3A_263 = arith.index_cast %parallel_loop3A_220 : i32 to index
        %parallel_loop3A_264 = arith.constant 16 : index
        %parallel_loop3A_265 = tpu.vector_load %arg12[%parallel_loop3A_263, %parallel_loop3A_264] {strides = array<i32>} : memref<80x144xf32, #tpu.memory_space<vmem>>, vector<16xf32>,
        tpu.vector_store %arg12[%parallel_loop3A_263, %parallel_loop3A_264], %parallel_loop3A_262 {strides = array<i32>} : memref<80x144xf32, #tpu.memory_space<vmem>>, vector<16xf32>,
        %parallel_loop3A_266 = arith.index_cast %parallel_loop3A_220 : i32 to index
        %parallel_loop3A_267 = arith.constant 32 : index
        %parallel_loop3A_268 = tpu.vector_load %arg10[%parallel_loop3A_266, %parallel_loop3A_267] {strides = array<i32>} : memref<80x160xbf16, #tpu.memory_space<vmem>>, vector<32xbf16>,
        %parallel_loop3A_269 = vector.bitcast %parallel_loop3A_268 : vector<32xbf16> to vector<16xi32>
        %parallel_loop3A_270 = arith.constant 16 : i32
        %parallel_loop3A_271 = vector.broadcast %parallel_loop3A_270 : i32 to vector<16xi32>
        %parallel_loop3A_272 = arith.shli %parallel_loop3A_269, %parallel_loop3A_271 : vector<16xi32>
        %parallel_loop3A_273 = vector.bitcast %parallel_loop3A_272 : vector<16xi32> to vector<16xf32>
        %parallel_loop3A_274 = vector.broadcast %parallel_loop3A_129 : i32 to vector<16xi32>
        %parallel_loop3A_275 = arith.andi %parallel_loop3A_269, %parallel_loop3A_274 : vector<16xi32>
        %parallel_loop3A_276 = vector.bitcast %parallel_loop3A_275 : vector<16xi32> to vector<16xf32>
        %parallel_loop3A_277 = vector.extract_strided_slice %parallel_loop3A_237 {offsets = [2], sizes = [1], strides = [1]} : vector<16xf32> to vector<1xf32>
        %parallel_loop3A_278 = vector.extract %parallel_loop3A_277[0] : f32 from vector<1xf32>
        %parallel_loop3A_279 = vector.extract_strided_slice %parallel_loop3A_237 {offsets = [3], sizes = [1], strides = [1]} : vector<16xf32> to vector<1xf32>
        %parallel_loop3A_280 = vector.extract %parallel_loop3A_279[0] : f32 from vector<1xf32>
        %parallel_loop3A_281 = vector.broadcast %parallel_loop3A_278 : f32 to vector<16xf32>
        %parallel_loop3A_282 = arith.mulf %parallel_loop3A_273, %parallel_loop3A_281 : vector<16xf32>
        %parallel_loop3A_283 = arith.index_cast %parallel_loop3A_220 : i32 to index
        %parallel_loop3A_284 = arith.constant 32 : index
        %parallel_loop3A_285 = tpu.vector_load %arg12[%parallel_loop3A_283, %parallel_loop3A_284] {strides = array<i32>} : memref<80x144xf32, #tpu.memory_space<vmem>>, vector<16xf32>,
        tpu.vector_store %arg12[%parallel_loop3A_283, %parallel_loop3A_284], %parallel_loop3A_282 {strides = array<i32>} : memref<80x144xf32, #tpu.memory_space<vmem>>, vector<16xf32>,
        %parallel_loop3A_286 = vector.broadcast %parallel_loop3A_280 : f32 to vector<16xf32>
        %parallel_loop3A_287 = arith.mulf %parallel_loop3A_276, %parallel_loop3A_286 : vector<16xf32>
        %parallel_loop3A_288 = arith.index_cast %parallel_loop3A_220 : i32 to index
        %parallel_loop3A_289 = arith.constant 48 : index
        %parallel_loop3A_290 = tpu.vector_load %arg12[%parallel_loop3A_288, %parallel_loop3A_289] {strides = array<i32>} : memref<80x144xf32, #tpu.memory_space<vmem>>, vector<16xf32>,
        tpu.vector_store %arg12[%parallel_loop3A_288, %parallel_loop3A_289], %parallel_loop3A_287 {strides = array<i32>} : memref<80x144xf32, #tpu.memory_space<vmem>>, vector<16xf32>,
        %parallel_loop3A_291 = arith.index_cast %parallel_loop3A_220 : i32 to index
        %parallel_loop3A_292 = arith.constant 64 : index
        %parallel_loop3A_293 = tpu.vector_load %arg10[%parallel_loop3A_291, %parallel_loop3A_292] {strides = array<i32>} : memref<80x160xbf16, #tpu.memory_space<vmem>>, vector<32xbf16>,
        %parallel_loop3A_294 = vector.bitcast %parallel_loop3A_293 : vector<32xbf16> to vector<16xi32>
        %parallel_loop3A_295 = arith.constant 16 : i32
        %parallel_loop3A_296 = vector.broadcast %parallel_loop3A_295 : i32 to vector<16xi32>
        %parallel_loop3A_297 = arith.shli %parallel_loop3A_294, %parallel_loop3A_296 : vector<16xi32>
        %parallel_loop3A_298 = vector.bitcast %parallel_loop3A_297 : vector<16xi32> to vector<16xf32>
        %parallel_loop3A_299 = vector.broadcast %parallel_loop3A_129 : i32 to vector<16xi32>
        %parallel_loop3A_300 = arith.andi %parallel_loop3A_294, %parallel_loop3A_299 : vector<16xi32>
        %parallel_loop3A_301 = vector.bitcast %parallel_loop3A_300 : vector<16xi32> to vector<16xf32>
        %parallel_loop3A_302 = vector.extract_strided_slice %parallel_loop3A_237 {offsets = [4], sizes = [1], strides = [1]} : vector<16xf32> to vector<1xf32>
        %parallel_loop3A_303 = vector.extract %parallel_loop3A_302[0] : f32 from vector<1xf32>
        %parallel_loop3A_304 = vector.extract_strided_slice %parallel_loop3A_237 {offsets = [5], sizes = [1], strides = [1]} : vector<16xf32> to vector<1xf32>
        %parallel_loop3A_305 = vector.extract %parallel_loop3A_304[0] : f32 from vector<1xf32>
        %parallel_loop3A_306 = vector.broadcast %parallel_loop3A_303 : f32 to vector<16xf32>
        %parallel_loop3A_307 = arith.mulf %parallel_loop3A_298, %parallel_loop3A_306 : vector<16xf32>
        %parallel_loop3A_308 = arith.index_cast %parallel_loop3A_220 : i32 to index
        %parallel_loop3A_309 = arith.constant 64 : index
        %parallel_loop3A_310 = tpu.vector_load %arg12[%parallel_loop3A_308, %parallel_loop3A_309] {strides = array<i32>} : memref<80x144xf32, #tpu.memory_space<vmem>>, vector<16xf32>,
        tpu.vector_store %arg12[%parallel_loop3A_308, %parallel_loop3A_309], %parallel_loop3A_307 {strides = array<i32>} : memref<80x144xf32, #tpu.memory_space<vmem>>, vector<16xf32>,
        %parallel_loop3A_311 = vector.broadcast %parallel_loop3A_305 : f32 to vector<16xf32>
        %parallel_loop3A_312 = arith.mulf %parallel_loop3A_301, %parallel_loop3A_311 : vector<16xf32>
        %parallel_loop3A_313 = arith.index_cast %parallel_loop3A_220 : i32 to index
        %parallel_loop3A_314 = arith.constant 80 : index
        %parallel_loop3A_315 = tpu.vector_load %arg12[%parallel_loop3A_313, %parallel_loop3A_314] {strides = array<i32>} : memref<80x144xf32, #tpu.memory_space<vmem>>, vector<16xf32>,
        tpu.vector_store %arg12[%parallel_loop3A_313, %parallel_loop3A_314], %parallel_loop3A_312 {strides = array<i32>} : memref<80x144xf32, #tpu.memory_space<vmem>>, vector<16xf32>,
        %parallel_loop3A_316 = arith.index_cast %parallel_loop3A_220 : i32 to index
        %parallel_loop3A_317 = arith.constant 96 : index
        %parallel_loop3A_318 = tpu.vector_load %arg10[%parallel_loop3A_316, %parallel_loop3A_317] {strides = array<i32>} : memref<80x160xbf16, #tpu.memory_space<vmem>>, vector<32xbf16>,
        %parallel_loop3A_319 = vector.bitcast %parallel_loop3A_318 : vector<32xbf16> to vector<16xi32>
        %parallel_loop3A_320 = arith.constant 16 : i32
        %parallel_loop3A_321 = vector.broadcast %parallel_loop3A_320 : i32 to vector<16xi32>
        %parallel_loop3A_322 = arith.shli %parallel_loop3A_319, %parallel_loop3A_321 : vector<16xi32>
        %parallel_loop3A_323 = vector.bitcast %parallel_loop3A_322 : vector<16xi32> to vector<16xf32>
        %parallel_loop3A_324 = vector.broadcast %parallel_loop3A_129 : i32 to vector<16xi32>
        %parallel_loop3A_325 = arith.andi %parallel_loop3A_319, %parallel_loop3A_324 : vector<16xi32>
        %parallel_loop3A_326 = vector.bitcast %parallel_loop3A_325 : vector<16xi32> to vector<16xf32>
        %parallel_loop3A_327 = vector.extract_strided_slice %parallel_loop3A_237 {offsets = [6], sizes = [1], strides = [1]} : vector<16xf32> to vector<1xf32>
        %parallel_loop3A_328 = vector.extract %parallel_loop3A_327[0] : f32 from vector<1xf32>
        %parallel_loop3A_329 = vector.extract_strided_slice %parallel_loop3A_237 {offsets = [7], sizes = [1], strides = [1]} : vector<16xf32> to vector<1xf32>
        %parallel_loop3A_330 = vector.extract %parallel_loop3A_329[0] : f32 from vector<1xf32>
        %parallel_loop3A_331 = vector.broadcast %parallel_loop3A_328 : f32 to vector<16xf32>
        %parallel_loop3A_332 = arith.mulf %parallel_loop3A_323, %parallel_loop3A_331 : vector<16xf32>
        %parallel_loop3A_333 = arith.index_cast %parallel_loop3A_220 : i32 to index
        %parallel_loop3A_334 = arith.constant 96 : index
        %parallel_loop3A_335 = tpu.vector_load %arg12[%parallel_loop3A_333, %parallel_loop3A_334] {strides = array<i32>} : memref<80x144xf32, #tpu.memory_space<vmem>>, vector<16xf32>,
        tpu.vector_store %arg12[%parallel_loop3A_333, %parallel_loop3A_334], %parallel_loop3A_332 {strides = array<i32>} : memref<80x144xf32, #tpu.memory_space<vmem>>, vector<16xf32>,
        %parallel_loop3A_336 = vector.broadcast %parallel_loop3A_330 : f32 to vector<16xf32>
        %parallel_loop3A_337 = arith.mulf %parallel_loop3A_326, %parallel_loop3A_336 : vector<16xf32>
        %parallel_loop3A_338 = arith.index_cast %parallel_loop3A_220 : i32 to index
        %parallel_loop3A_339 = arith.constant 112 : index
        %parallel_loop3A_340 = tpu.vector_load %arg12[%parallel_loop3A_338, %parallel_loop3A_339] {strides = array<i32>} : memref<80x144xf32, #tpu.memory_space<vmem>>, vector<16xf32>,
        tpu.vector_store %arg12[%parallel_loop3A_338, %parallel_loop3A_339], %parallel_loop3A_337 {strides = array<i32>} : memref<80x144xf32, #tpu.memory_space<vmem>>, vector<16xf32>,
      } {sc.loop_unroll_factor = 2 : i64, sc.parallel_access}
      "tpu.region"() ({
        %run_scoped3A = tpu.sem_alloc : memref<!tpu.dma_semaphore, #tpu.memory_space<semaphore_mem>>
        %dma_start3A_220 = arith.constant 0 : i32
        %dma_start3A_221 = arith.constant 0 : i32
        %dma_start3A_222 = tpu.memref_slice %arg7[%dma_start3A_220, %dma_start3A_221] : memref<10000x144xf32, #tpu.memory_space<vmem_shared>> -> memref<10000x144xf32, #tpu.memory_space<vmem_shared>>
        tpu.enqueue_indirect_dma source(%arg12 : memref<80x144xf32, #tpu.memory_space<vmem>>) target(%dma_start3A_222 : memref<10000x144xf32, #tpu.memory_space<vmem_shared>>) offsets(%arg8 : memref<80xi32, #tpu.memory_space<vmem>>) semaphore(%run_scoped3A : memref<!tpu.dma_semaphore, #tpu.memory_space<semaphore_mem>>) {add = true}
        %dma_wait3A_223 = arith.constant 0 : i32
        %dma_wait3A_224 = arith.constant 0 : i32
        %dma_wait3A_225 = tpu.memref_slice %arg7[%dma_wait3A_223, %dma_wait3A_224] : memref<10000x144xf32, #tpu.memory_space<vmem_shared>> -> memref<10000x144xf32, #tpu.memory_space<vmem_shared>>
        tpu.wait_indirect_dma semaphore(%run_scoped3A : memref<!tpu.dma_semaphore, #tpu.memory_space<semaphore_mem>>) src(%arg12 : memref<80x144xf32, #tpu.memory_space<vmem>>) dst(%dma_wait3A_225 : memref<10000x144xf32, #tpu.memory_space<vmem_shared>>)
        tpu.yield
      }) : () -> ()
      %add3A_130 = arith.constant 2 : i32
      %add3A_131 = arith.addi %add3A_110, %add3A_130 : i32
      %min3A = arith.constant 124 : i32
      %min3A_132 = arith.minsi %add3A_131, %min3A : i32
      %mul3A_133 = arith.constant 80 : i32
      %mul3A_134 = arith.muli %min3A_132, %mul3A_133 : i32
      %add3A_135 = arith.addi %mul3A_25, %mul3A_134 : i32
      %dma_start3A_136 = tpu.memref_slice %arg4[%add3A_135] : memref<320000xi32, #tpu.memory_space<hbm>> -> memref<40xi32, #tpu.memory_space<hbm>>
      %dma_start3A_137 = tpu.memref_slice %arg4[%add3A_135] : memref<320000xi32, #tpu.memory_space<hbm>> -> memref<40xi32, #tpu.memory_space<hbm>>
      tpu.enqueue_dma source(%dma_start3A_137 : memref<40xi32, #tpu.memory_space<hbm>>) target(%arg21 : memref<40xi32, #tpu.memory_space<vmem>>) target_semaphore(%arg19 : memref<!tpu.dma_semaphore, #tpu.memory_space<semaphore_mem>>)
      %add3A_138 = arith.constant 40 : i32
      %add3A_139 = arith.addi %add3A_135, %add3A_138 : i32
      %dma_start3A_140 = tpu.memref_slice %arg4[%add3A_139] : memref<320000xi32, #tpu.memory_space<hbm>> -> memref<40xi32, #tpu.memory_space<hbm>>
      %dma_start3A_141 = tpu.memref_slice %arg4[%add3A_139] : memref<320000xi32, #tpu.memory_space<hbm>> -> memref<40xi32, #tpu.memory_space<hbm>>
      tpu.enqueue_dma source(%dma_start3A_141 : memref<40xi32, #tpu.memory_space<hbm>>) target(%arg22 : memref<40xi32, #tpu.memory_space<vmem>>) target_semaphore(%arg19 : memref<!tpu.dma_semaphore, #tpu.memory_space<semaphore_mem>>)
      %dma_start3A_142 = tpu.memref_slice %arg5[%add3A_135] : memref<320000xi32, #tpu.memory_space<hbm>> -> memref<80xi32, #tpu.memory_space<hbm>>
      %dma_start3A_143 = tpu.memref_slice %arg5[%add3A_135] : memref<320000xi32, #tpu.memory_space<hbm>> -> memref<80xi32, #tpu.memory_space<hbm>>
      tpu.enqueue_dma source(%dma_start3A_143 : memref<80xi32, #tpu.memory_space<hbm>>) target(%arg8 : memref<80xi32, #tpu.memory_space<vmem>>) target_semaphore(%arg15 : memref<!tpu.dma_semaphore, #tpu.memory_space<semaphore_mem>>)
      %dma_wait3A_144 = arith.constant 0 : i32
      %dma_wait3A_145 = arith.constant 0 : i32
      %dma_wait3A_146 = tpu.memref_slice %arg11[%dma_wait3A_144, %dma_wait3A_145] : memref<80x160xbf16, #tpu.memory_space<vmem>> -> memref<40x160xbf16, #tpu.memory_space<vmem>>
      %dma_wait3A_147 = arith.constant 0 : i32
      %dma_wait3A_148 = arith.constant 0 : i32
      %dma_wait3A_149 = tpu.memref_slice %arg2[%dma_wait3A_147, %dma_wait3A_148] : memref<10000x160xbf16, #tpu.memory_space<hbm>> -> memref<10000x160xbf16, #tpu.memory_space<hbm>>
      tpu.wait_indirect_dma semaphore(%arg18 : memref<!tpu.dma_semaphore, #tpu.memory_space<semaphore_mem>>) src(%dma_wait3A_149 : memref<10000x160xbf16, #tpu.memory_space<hbm>>) dst(%dma_wait3A_146 : memref<40x160xbf16, #tpu.memory_space<vmem>>)
      %dma_wait3A_150 = arith.constant 40 : i32
      %dma_wait3A_151 = arith.constant 0 : i32
      %dma_wait3A_152 = tpu.memref_slice %arg11[%dma_wait3A_150, %dma_wait3A_151] : memref<80x160xbf16, #tpu.memory_space<vmem>> -> memref<40x160xbf16, #tpu.memory_space<vmem>>
      %dma_wait3A_153 = arith.constant 0 : i32
      %dma_wait3A_154 = arith.constant 0 : i32
      %dma_wait3A_155 = tpu.memref_slice %arg2[%dma_wait3A_153, %dma_wait3A_154] : memref<10000x160xbf16, #tpu.memory_space<hbm>> -> memref<10000x160xbf16, #tpu.memory_space<hbm>>
      tpu.wait_indirect_dma semaphore(%arg18 : memref<!tpu.dma_semaphore, #tpu.memory_space<semaphore_mem>>) src(%dma_wait3A_155 : memref<10000x160xbf16, #tpu.memory_space<hbm>>) dst(%dma_wait3A_152 : memref<40x160xbf16, #tpu.memory_space<vmem>>)
      %dma_wait3A_156 = arith.constant 0 : i32
      %dma_wait3A_157 = arith.constant 0 : i32
      %dma_wait3A_158 = tpu.memref_slice %arg3[%dma_wait3A_156, %dma_wait3A_157] : memref<10000x16xf32, #tpu.memory_space<hbm>> -> memref<10000x16xf32, #tpu.memory_space<hbm>>
      tpu.wait_indirect_dma semaphore(%arg14 : memref<!tpu.dma_semaphore, #tpu.memory_space<semaphore_mem>>) src(%dma_wait3A_158 : memref<10000x16xf32, #tpu.memory_space<hbm>>) dst(%arg26 : memref<80x16xf32, #tpu.memory_space<vmem>>)
      %dma_wait3A_159 = tpu.memref_slice %arg4[%add3A_135] : memref<320000xi32, #tpu.memory_space<hbm>> -> memref<40xi32, #tpu.memory_space<hbm>>
      %dma_wait3A_160 = tpu.memref_slice %arg4[%add3A_135] : memref<320000xi32, #tpu.memory_space<hbm>> -> memref<40xi32, #tpu.memory_space<hbm>>
      tpu.wait_dma2 semaphore(%arg19 : memref<!tpu.dma_semaphore, #tpu.memory_space<semaphore_mem>>) src(%dma_wait3A_160 : memref<40xi32, #tpu.memory_space<hbm>>) dst(%arg21 : memref<40xi32, #tpu.memory_space<vmem>>)
      %dma_wait3A_161 = tpu.memref_slice %arg4[%add3A_139] : memref<320000xi32, #tpu.memory_space<hbm>> -> memref<40xi32, #tpu.memory_space<hbm>>
      %dma_wait3A_162 = tpu.memref_slice %arg4[%add3A_139] : memref<320000xi32, #tpu.memory_space<hbm>> -> memref<40xi32, #tpu.memory_space<hbm>>
      tpu.wait_dma2 semaphore(%arg19 : memref<!tpu.dma_semaphore, #tpu.memory_space<semaphore_mem>>) src(%dma_wait3A_162 : memref<40xi32, #tpu.memory_space<hbm>>) dst(%arg22 : memref<40xi32, #tpu.memory_space<vmem>>)
      %dma_wait3A_163 = tpu.memref_slice %arg5[%add3A_135] : memref<320000xi32, #tpu.memory_space<hbm>> -> memref<80xi32, #tpu.memory_space<hbm>>
      %dma_wait3A_164 = tpu.memref_slice %arg5[%add3A_135] : memref<320000xi32, #tpu.memory_space<hbm>> -> memref<80xi32, #tpu.memory_space<hbm>>
      tpu.wait_dma2 semaphore(%arg15 : memref<!tpu.dma_semaphore, #tpu.memory_space<semaphore_mem>>) src(%dma_wait3A_164 : memref<80xi32, #tpu.memory_space<hbm>>) dst(%arg8 : memref<80xi32, #tpu.memory_space<vmem>>)
      %dma_start3A_165 = arith.constant 0 : i32
      %dma_start3A_166 = arith.constant 0 : i32
      %dma_start3A_167 = tpu.memref_slice %arg10[%dma_start3A_165, %dma_start3A_166] : memref<80x160xbf16, #tpu.memory_space<vmem>> -> memref<40x160xbf16, #tpu.memory_space<vmem>>
      %dma_start3A_168 = arith.constant 0 : i32
      %dma_start3A_169 = arith.constant 0 : i32
      %dma_start3A_170 = tpu.memref_slice %arg2[%dma_start3A_168, %dma_start3A_169] : memref<10000x160xbf16, #tpu.memory_space<hbm>> -> memref<10000x160xbf16, #tpu.memory_space<hbm>>
      tpu.enqueue_indirect_dma source(%dma_start3A_170 : memref<10000x160xbf16, #tpu.memory_space<hbm>>) target(%dma_start3A_167 : memref<40x160xbf16, #tpu.memory_space<vmem>>) offsets(%arg21 : memref<40xi32, #tpu.memory_space<vmem>>) semaphore(%arg17 : memref<!tpu.dma_semaphore, #tpu.memory_space<semaphore_mem>>)
      %dma_start3A_171 = arith.constant 40 : i32
      %dma_start3A_172 = arith.constant 0 : i32
      %dma_start3A_173 = tpu.memref_slice %arg10[%dma_start3A_171, %dma_start3A_172] : memref<80x160xbf16, #tpu.memory_space<vmem>> -> memref<40x160xbf16, #tpu.memory_space<vmem>>
      %dma_start3A_174 = arith.constant 0 : i32
      %dma_start3A_175 = arith.constant 0 : i32
      %dma_start3A_176 = tpu.memref_slice %arg2[%dma_start3A_174, %dma_start3A_175] : memref<10000x160xbf16, #tpu.memory_space<hbm>> -> memref<10000x160xbf16, #tpu.memory_space<hbm>>
      tpu.enqueue_indirect_dma source(%dma_start3A_176 : memref<10000x160xbf16, #tpu.memory_space<hbm>>) target(%dma_start3A_173 : memref<40x160xbf16, #tpu.memory_space<vmem>>) offsets(%arg22 : memref<40xi32, #tpu.memory_space<vmem>>) semaphore(%arg17 : memref<!tpu.dma_semaphore, #tpu.memory_space<semaphore_mem>>)
      %dma_start3A_177 = arith.constant 0 : i32
      %dma_start3A_178 = arith.constant 0 : i32
      %dma_start3A_179 = tpu.memref_slice %arg3[%dma_start3A_177, %dma_start3A_178] : memref<10000x16xf32, #tpu.memory_space<hbm>> -> memref<10000x16xf32, #tpu.memory_space<hbm>>
      tpu.enqueue_indirect_dma source(%dma_start3A_179 : memref<10000x16xf32, #tpu.memory_space<hbm>>) target(%arg25 : memref<80x16xf32, #tpu.memory_space<vmem>>) offsets(%arg8 : memref<80xi32, #tpu.memory_space<vmem>>) semaphore(%arg13 : memref<!tpu.dma_semaphore, #tpu.memory_space<semaphore_mem>>)
      %parallel_loop3A_180 = arith.constant 0 : i32
      %parallel_loop3A_181 = arith.constant 80 : i32
      %parallel_loop3A_182 = arith.constant 1 : i32
      %parallel_loop3A_183 = arith.constant -65536 : i32
      scf.for %parallel_loop3A_220 = %parallel_loop3A_180 to %parallel_loop3A_181 step %parallel_loop3A_182  : i32 {
        %parallel_loop3A_221 = arith.index_cast %parallel_loop3A_220 : i32 to index
        %parallel_loop3A_222 = arith.constant 128 : index
        %parallel_loop3A_223 = tpu.vector_load %arg11[%parallel_loop3A_221, %parallel_loop3A_222] {strides = array<i32>} : memref<80x160xbf16, #tpu.memory_space<vmem>>, vector<32xbf16>,
        %parallel_loop3A_224 = vector.bitcast %parallel_loop3A_223 : vector<32xbf16> to vector<16xi32>
        %parallel_loop3A_225 = arith.constant 16 : i32
        %parallel_loop3A_226 = vector.broadcast %parallel_loop3A_225 : i32 to vector<16xi32>
        %parallel_loop3A_227 = arith.shli %parallel_loop3A_224, %parallel_loop3A_226 : vector<16xi32>
        %parallel_loop3A_228 = vector.bitcast %parallel_loop3A_227 : vector<16xi32> to vector<16xf32>
        %parallel_loop3A_229 = arith.index_cast %parallel_loop3A_220 : i32 to index
        %parallel_loop3A_230 = arith.constant 0 : index
        %parallel_loop3A_231 = tpu.vector_load %arg26[%parallel_loop3A_229, %parallel_loop3A_230] {strides = array<i32>} : memref<80x16xf32, #tpu.memory_space<vmem>>, vector<16xf32>,
        %parallel_loop3A_232 = arith.addf %parallel_loop3A_228, %parallel_loop3A_231 : vector<16xf32>
        %parallel_loop3A_233 = arith.constant 2.000000e-01 : f32
        %parallel_loop3A_234 = vector.broadcast %parallel_loop3A_233 : f32 to vector<16xf32>
        %parallel_loop3A_235 = arith.mulf %parallel_loop3A_234, %parallel_loop3A_232 : vector<16xf32>
        %parallel_loop3A_236 = arith.maximumf %parallel_loop3A_232, %parallel_loop3A_235 : vector<16xf32>
        %parallel_loop3A_237 = math.exp %parallel_loop3A_236 : vector<16xf32>
        %parallel_loop3A_238 = arith.index_cast %parallel_loop3A_220 : i32 to index
        %parallel_loop3A_239 = arith.constant 128 : index
        %parallel_loop3A_240 = tpu.vector_load %arg12[%parallel_loop3A_238, %parallel_loop3A_239] {strides = array<i32>} : memref<80x144xf32, #tpu.memory_space<vmem>>, vector<16xf32>,
        tpu.vector_store %arg12[%parallel_loop3A_238, %parallel_loop3A_239], %parallel_loop3A_237 {strides = array<i32>} : memref<80x144xf32, #tpu.memory_space<vmem>>, vector<16xf32>,
        %parallel_loop3A_241 = arith.index_cast %parallel_loop3A_220 : i32 to index
        %parallel_loop3A_242 = arith.constant 0 : index
        %parallel_loop3A_243 = tpu.vector_load %arg11[%parallel_loop3A_241, %parallel_loop3A_242] {strides = array<i32>} : memref<80x160xbf16, #tpu.memory_space<vmem>>, vector<32xbf16>,
        %parallel_loop3A_244 = vector.bitcast %parallel_loop3A_243 : vector<32xbf16> to vector<16xi32>
        %parallel_loop3A_245 = arith.constant 16 : i32
        %parallel_loop3A_246 = vector.broadcast %parallel_loop3A_245 : i32 to vector<16xi32>
        %parallel_loop3A_247 = arith.shli %parallel_loop3A_244, %parallel_loop3A_246 : vector<16xi32>
        %parallel_loop3A_248 = vector.bitcast %parallel_loop3A_247 : vector<16xi32> to vector<16xf32>
        %parallel_loop3A_249 = vector.broadcast %parallel_loop3A_183 : i32 to vector<16xi32>
        %parallel_loop3A_250 = arith.andi %parallel_loop3A_244, %parallel_loop3A_249 : vector<16xi32>
        %parallel_loop3A_251 = vector.bitcast %parallel_loop3A_250 : vector<16xi32> to vector<16xf32>
        %parallel_loop3A_252 = vector.extract_strided_slice %parallel_loop3A_237 {offsets = [0], sizes = [1], strides = [1]} : vector<16xf32> to vector<1xf32>
        %parallel_loop3A_253 = vector.extract %parallel_loop3A_252[0] : f32 from vector<1xf32>
        %parallel_loop3A_254 = vector.extract_strided_slice %parallel_loop3A_237 {offsets = [1], sizes = [1], strides = [1]} : vector<16xf32> to vector<1xf32>
        %parallel_loop3A_255 = vector.extract %parallel_loop3A_254[0] : f32 from vector<1xf32>
        %parallel_loop3A_256 = vector.broadcast %parallel_loop3A_253 : f32 to vector<16xf32>
        %parallel_loop3A_257 = arith.mulf %parallel_loop3A_248, %parallel_loop3A_256 : vector<16xf32>
        %parallel_loop3A_258 = arith.index_cast %parallel_loop3A_220 : i32 to index
        %parallel_loop3A_259 = arith.constant 0 : index
        %parallel_loop3A_260 = tpu.vector_load %arg12[%parallel_loop3A_258, %parallel_loop3A_259] {strides = array<i32>} : memref<80x144xf32, #tpu.memory_space<vmem>>, vector<16xf32>,
        tpu.vector_store %arg12[%parallel_loop3A_258, %parallel_loop3A_259], %parallel_loop3A_257 {strides = array<i32>} : memref<80x144xf32, #tpu.memory_space<vmem>>, vector<16xf32>,
        %parallel_loop3A_261 = vector.broadcast %parallel_loop3A_255 : f32 to vector<16xf32>
        %parallel_loop3A_262 = arith.mulf %parallel_loop3A_251, %parallel_loop3A_261 : vector<16xf32>
        %parallel_loop3A_263 = arith.index_cast %parallel_loop3A_220 : i32 to index
        %parallel_loop3A_264 = arith.constant 16 : index
        %parallel_loop3A_265 = tpu.vector_load %arg12[%parallel_loop3A_263, %parallel_loop3A_264] {strides = array<i32>} : memref<80x144xf32, #tpu.memory_space<vmem>>, vector<16xf32>,
        tpu.vector_store %arg12[%parallel_loop3A_263, %parallel_loop3A_264], %parallel_loop3A_262 {strides = array<i32>} : memref<80x144xf32, #tpu.memory_space<vmem>>, vector<16xf32>,
        %parallel_loop3A_266 = arith.index_cast %parallel_loop3A_220 : i32 to index
        %parallel_loop3A_267 = arith.constant 32 : index
        %parallel_loop3A_268 = tpu.vector_load %arg11[%parallel_loop3A_266, %parallel_loop3A_267] {strides = array<i32>} : memref<80x160xbf16, #tpu.memory_space<vmem>>, vector<32xbf16>,
        %parallel_loop3A_269 = vector.bitcast %parallel_loop3A_268 : vector<32xbf16> to vector<16xi32>
        %parallel_loop3A_270 = arith.constant 16 : i32
        %parallel_loop3A_271 = vector.broadcast %parallel_loop3A_270 : i32 to vector<16xi32>
        %parallel_loop3A_272 = arith.shli %parallel_loop3A_269, %parallel_loop3A_271 : vector<16xi32>
        %parallel_loop3A_273 = vector.bitcast %parallel_loop3A_272 : vector<16xi32> to vector<16xf32>
        %parallel_loop3A_274 = vector.broadcast %parallel_loop3A_183 : i32 to vector<16xi32>
        %parallel_loop3A_275 = arith.andi %parallel_loop3A_269, %parallel_loop3A_274 : vector<16xi32>
        %parallel_loop3A_276 = vector.bitcast %parallel_loop3A_275 : vector<16xi32> to vector<16xf32>
        %parallel_loop3A_277 = vector.extract_strided_slice %parallel_loop3A_237 {offsets = [2], sizes = [1], strides = [1]} : vector<16xf32> to vector<1xf32>
        %parallel_loop3A_278 = vector.extract %parallel_loop3A_277[0] : f32 from vector<1xf32>
        %parallel_loop3A_279 = vector.extract_strided_slice %parallel_loop3A_237 {offsets = [3], sizes = [1], strides = [1]} : vector<16xf32> to vector<1xf32>
        %parallel_loop3A_280 = vector.extract %parallel_loop3A_279[0] : f32 from vector<1xf32>
        %parallel_loop3A_281 = vector.broadcast %parallel_loop3A_278 : f32 to vector<16xf32>
        %parallel_loop3A_282 = arith.mulf %parallel_loop3A_273, %parallel_loop3A_281 : vector<16xf32>
        %parallel_loop3A_283 = arith.index_cast %parallel_loop3A_220 : i32 to index
        %parallel_loop3A_284 = arith.constant 32 : index
        %parallel_loop3A_285 = tpu.vector_load %arg12[%parallel_loop3A_283, %parallel_loop3A_284] {strides = array<i32>} : memref<80x144xf32, #tpu.memory_space<vmem>>, vector<16xf32>,
        tpu.vector_store %arg12[%parallel_loop3A_283, %parallel_loop3A_284], %parallel_loop3A_282 {strides = array<i32>} : memref<80x144xf32, #tpu.memory_space<vmem>>, vector<16xf32>,
        %parallel_loop3A_286 = vector.broadcast %parallel_loop3A_280 : f32 to vector<16xf32>
        %parallel_loop3A_287 = arith.mulf %parallel_loop3A_276, %parallel_loop3A_286 : vector<16xf32>
        %parallel_loop3A_288 = arith.index_cast %parallel_loop3A_220 : i32 to index
        %parallel_loop3A_289 = arith.constant 48 : index
        %parallel_loop3A_290 = tpu.vector_load %arg12[%parallel_loop3A_288, %parallel_loop3A_289] {strides = array<i32>} : memref<80x144xf32, #tpu.memory_space<vmem>>, vector<16xf32>,
        tpu.vector_store %arg12[%parallel_loop3A_288, %parallel_loop3A_289], %parallel_loop3A_287 {strides = array<i32>} : memref<80x144xf32, #tpu.memory_space<vmem>>, vector<16xf32>,
        %parallel_loop3A_291 = arith.index_cast %parallel_loop3A_220 : i32 to index
        %parallel_loop3A_292 = arith.constant 64 : index
        %parallel_loop3A_293 = tpu.vector_load %arg11[%parallel_loop3A_291, %parallel_loop3A_292] {strides = array<i32>} : memref<80x160xbf16, #tpu.memory_space<vmem>>, vector<32xbf16>,
        %parallel_loop3A_294 = vector.bitcast %parallel_loop3A_293 : vector<32xbf16> to vector<16xi32>
        %parallel_loop3A_295 = arith.constant 16 : i32
        %parallel_loop3A_296 = vector.broadcast %parallel_loop3A_295 : i32 to vector<16xi32>
        %parallel_loop3A_297 = arith.shli %parallel_loop3A_294, %parallel_loop3A_296 : vector<16xi32>
        %parallel_loop3A_298 = vector.bitcast %parallel_loop3A_297 : vector<16xi32> to vector<16xf32>
        %parallel_loop3A_299 = vector.broadcast %parallel_loop3A_183 : i32 to vector<16xi32>
        %parallel_loop3A_300 = arith.andi %parallel_loop3A_294, %parallel_loop3A_299 : vector<16xi32>
        %parallel_loop3A_301 = vector.bitcast %parallel_loop3A_300 : vector<16xi32> to vector<16xf32>
        %parallel_loop3A_302 = vector.extract_strided_slice %parallel_loop3A_237 {offsets = [4], sizes = [1], strides = [1]} : vector<16xf32> to vector<1xf32>
        %parallel_loop3A_303 = vector.extract %parallel_loop3A_302[0] : f32 from vector<1xf32>
        %parallel_loop3A_304 = vector.extract_strided_slice %parallel_loop3A_237 {offsets = [5], sizes = [1], strides = [1]} : vector<16xf32> to vector<1xf32>
        %parallel_loop3A_305 = vector.extract %parallel_loop3A_304[0] : f32 from vector<1xf32>
        %parallel_loop3A_306 = vector.broadcast %parallel_loop3A_303 : f32 to vector<16xf32>
        %parallel_loop3A_307 = arith.mulf %parallel_loop3A_298, %parallel_loop3A_306 : vector<16xf32>
        %parallel_loop3A_308 = arith.index_cast %parallel_loop3A_220 : i32 to index
        %parallel_loop3A_309 = arith.constant 64 : index
        %parallel_loop3A_310 = tpu.vector_load %arg12[%parallel_loop3A_308, %parallel_loop3A_309] {strides = array<i32>} : memref<80x144xf32, #tpu.memory_space<vmem>>, vector<16xf32>,
        tpu.vector_store %arg12[%parallel_loop3A_308, %parallel_loop3A_309], %parallel_loop3A_307 {strides = array<i32>} : memref<80x144xf32, #tpu.memory_space<vmem>>, vector<16xf32>,
        %parallel_loop3A_311 = vector.broadcast %parallel_loop3A_305 : f32 to vector<16xf32>
        %parallel_loop3A_312 = arith.mulf %parallel_loop3A_301, %parallel_loop3A_311 : vector<16xf32>
        %parallel_loop3A_313 = arith.index_cast %parallel_loop3A_220 : i32 to index
        %parallel_loop3A_314 = arith.constant 80 : index
        %parallel_loop3A_315 = tpu.vector_load %arg12[%parallel_loop3A_313, %parallel_loop3A_314] {strides = array<i32>} : memref<80x144xf32, #tpu.memory_space<vmem>>, vector<16xf32>,
        tpu.vector_store %arg12[%parallel_loop3A_313, %parallel_loop3A_314], %parallel_loop3A_312 {strides = array<i32>} : memref<80x144xf32, #tpu.memory_space<vmem>>, vector<16xf32>,
        %parallel_loop3A_316 = arith.index_cast %parallel_loop3A_220 : i32 to index
        %parallel_loop3A_317 = arith.constant 96 : index
        %parallel_loop3A_318 = tpu.vector_load %arg11[%parallel_loop3A_316, %parallel_loop3A_317] {strides = array<i32>} : memref<80x160xbf16, #tpu.memory_space<vmem>>, vector<32xbf16>,
        %parallel_loop3A_319 = vector.bitcast %parallel_loop3A_318 : vector<32xbf16> to vector<16xi32>
        %parallel_loop3A_320 = arith.constant 16 : i32
        %parallel_loop3A_321 = vector.broadcast %parallel_loop3A_320 : i32 to vector<16xi32>
        %parallel_loop3A_322 = arith.shli %parallel_loop3A_319, %parallel_loop3A_321 : vector<16xi32>
        %parallel_loop3A_323 = vector.bitcast %parallel_loop3A_322 : vector<16xi32> to vector<16xf32>
        %parallel_loop3A_324 = vector.broadcast %parallel_loop3A_183 : i32 to vector<16xi32>
        %parallel_loop3A_325 = arith.andi %parallel_loop3A_319, %parallel_loop3A_324 : vector<16xi32>
        %parallel_loop3A_326 = vector.bitcast %parallel_loop3A_325 : vector<16xi32> to vector<16xf32>
        %parallel_loop3A_327 = vector.extract_strided_slice %parallel_loop3A_237 {offsets = [6], sizes = [1], strides = [1]} : vector<16xf32> to vector<1xf32>
        %parallel_loop3A_328 = vector.extract %parallel_loop3A_327[0] : f32 from vector<1xf32>
        %parallel_loop3A_329 = vector.extract_strided_slice %parallel_loop3A_237 {offsets = [7], sizes = [1], strides = [1]} : vector<16xf32> to vector<1xf32>
        %parallel_loop3A_330 = vector.extract %parallel_loop3A_329[0] : f32 from vector<1xf32>
        %parallel_loop3A_331 = vector.broadcast %parallel_loop3A_328 : f32 to vector<16xf32>
        %parallel_loop3A_332 = arith.mulf %parallel_loop3A_323, %parallel_loop3A_331 : vector<16xf32>
        %parallel_loop3A_333 = arith.index_cast %parallel_loop3A_220 : i32 to index
        %parallel_loop3A_334 = arith.constant 96 : index
        %parallel_loop3A_335 = tpu.vector_load %arg12[%parallel_loop3A_333, %parallel_loop3A_334] {strides = array<i32>} : memref<80x144xf32, #tpu.memory_space<vmem>>, vector<16xf32>,
        tpu.vector_store %arg12[%parallel_loop3A_333, %parallel_loop3A_334], %parallel_loop3A_332 {strides = array<i32>} : memref<80x144xf32, #tpu.memory_space<vmem>>, vector<16xf32>,
        %parallel_loop3A_336 = vector.broadcast %parallel_loop3A_330 : f32 to vector<16xf32>
        %parallel_loop3A_337 = arith.mulf %parallel_loop3A_326, %parallel_loop3A_336 : vector<16xf32>
        %parallel_loop3A_338 = arith.index_cast %parallel_loop3A_220 : i32 to index
        %parallel_loop3A_339 = arith.constant 112 : index
        %parallel_loop3A_340 = tpu.vector_load %arg12[%parallel_loop3A_338, %parallel_loop3A_339] {strides = array<i32>} : memref<80x144xf32, #tpu.memory_space<vmem>>, vector<16xf32>,
        tpu.vector_store %arg12[%parallel_loop3A_338, %parallel_loop3A_339], %parallel_loop3A_337 {strides = array<i32>} : memref<80x144xf32, #tpu.memory_space<vmem>>, vector<16xf32>,
      } {sc.loop_unroll_factor = 2 : i64, sc.parallel_access}
      "tpu.region"() ({
        %run_scoped3A = tpu.sem_alloc : memref<!tpu.dma_semaphore, #tpu.memory_space<semaphore_mem>>
        %dma_start3A_220 = arith.constant 0 : i32
        %dma_start3A_221 = arith.constant 0 : i32
        %dma_start3A_222 = tpu.memref_slice %arg7[%dma_start3A_220, %dma_start3A_221] : memref<10000x144xf32, #tpu.memory_space<vmem_shared>> -> memref<10000x144xf32, #tpu.memory_space<vmem_shared>>
        tpu.enqueue_indirect_dma source(%arg12 : memref<80x144xf32, #tpu.memory_space<vmem>>) target(%dma_start3A_222 : memref<10000x144xf32, #tpu.memory_space<vmem_shared>>) offsets(%arg9 : memref<80xi32, #tpu.memory_space<vmem>>) semaphore(%run_scoped3A : memref<!tpu.dma_semaphore, #tpu.memory_space<semaphore_mem>>) {add = true}
        %dma_wait3A_223 = arith.constant 0 : i32
        %dma_wait3A_224 = arith.constant 0 : i32
        %dma_wait3A_225 = tpu.memref_slice %arg7[%dma_wait3A_223, %dma_wait3A_224] : memref<10000x144xf32, #tpu.memory_space<vmem_shared>> -> memref<10000x144xf32, #tpu.memory_space<vmem_shared>>
        tpu.wait_indirect_dma semaphore(%run_scoped3A : memref<!tpu.dma_semaphore, #tpu.memory_space<semaphore_mem>>) src(%arg12 : memref<80x144xf32, #tpu.memory_space<vmem>>) dst(%dma_wait3A_225 : memref<10000x144xf32, #tpu.memory_space<vmem_shared>>)
        tpu.yield
      }) : () -> ()
      %add3A_184 = arith.constant 3 : i32
      %add3A_185 = arith.addi %add3A_110, %add3A_184 : i32
      %min3A_186 = arith.constant 124 : i32
      %min3A_187 = arith.minsi %add3A_185, %min3A_186 : i32
      %mul3A_188 = arith.constant 80 : i32
      %mul3A_189 = arith.muli %min3A_187, %mul3A_188 : i32
      %add3A_190 = arith.addi %mul3A_25, %mul3A_189 : i32
      %dma_start3A_191 = tpu.memref_slice %arg4[%add3A_190] : memref<320000xi32, #tpu.memory_space<hbm>> -> memref<40xi32, #tpu.memory_space<hbm>>
      %dma_start3A_192 = tpu.memref_slice %arg4[%add3A_190] : memref<320000xi32, #tpu.memory_space<hbm>> -> memref<40xi32, #tpu.memory_space<hbm>>
      tpu.enqueue_dma source(%dma_start3A_192 : memref<40xi32, #tpu.memory_space<hbm>>) target(%arg23 : memref<40xi32, #tpu.memory_space<vmem>>) target_semaphore(%arg20 : memref<!tpu.dma_semaphore, #tpu.memory_space<semaphore_mem>>)
      %add3A_193 = arith.constant 40 : i32
      %add3A_194 = arith.addi %add3A_190, %add3A_193 : i32
      %dma_start3A_195 = tpu.memref_slice %arg4[%add3A_194] : memref<320000xi32, #tpu.memory_space<hbm>> -> memref<40xi32, #tpu.memory_space<hbm>>
      %dma_start3A_196 = tpu.memref_slice %arg4[%add3A_194] : memref<320000xi32, #tpu.memory_space<hbm>> -> memref<40xi32, #tpu.memory_space<hbm>>
      tpu.enqueue_dma source(%dma_start3A_196 : memref<40xi32, #tpu.memory_space<hbm>>) target(%arg24 : memref<40xi32, #tpu.memory_space<vmem>>) target_semaphore(%arg20 : memref<!tpu.dma_semaphore, #tpu.memory_space<semaphore_mem>>)
      %dma_start3A_197 = tpu.memref_slice %arg5[%add3A_190] : memref<320000xi32, #tpu.memory_space<hbm>> -> memref<80xi32, #tpu.memory_space<hbm>>
      %dma_start3A_198 = tpu.memref_slice %arg5[%add3A_190] : memref<320000xi32, #tpu.memory_space<hbm>> -> memref<80xi32, #tpu.memory_space<hbm>>
      tpu.enqueue_dma source(%dma_start3A_198 : memref<80xi32, #tpu.memory_space<hbm>>) target(%arg9 : memref<80xi32, #tpu.memory_space<vmem>>) target_semaphore(%arg16 : memref<!tpu.dma_semaphore, #tpu.memory_space<semaphore_mem>>)
      %dma_wait3A_199 = arith.constant 0 : i32
      %dma_wait3A_200 = arith.constant 0 : i32
      %dma_wait3A_201 = tpu.memref_slice %arg10[%dma_wait3A_199, %dma_wait3A_200] : memref<80x160xbf16, #tpu.memory_space<vmem>> -> memref<40x160xbf16, #tpu.memory_space<vmem>>
      %dma_wait3A_202 = arith.constant 0 : i32
      %dma_wait3A_203 = arith.constant 0 : i32
      %dma_wait3A_204 = tpu.memref_slice %arg2[%dma_wait3A_202, %dma_wait3A_203] : memref<10000x160xbf16, #tpu.memory_space<hbm>> -> memref<10000x160xbf16, #tpu.memory_space<hbm>>
      tpu.wait_indirect_dma semaphore(%arg17 : memref<!tpu.dma_semaphore, #tpu.memory_space<semaphore_mem>>) src(%dma_wait3A_204 : memref<10000x160xbf16, #tpu.memory_space<hbm>>) dst(%dma_wait3A_201 : memref<40x160xbf16, #tpu.memory_space<vmem>>)
      %dma_wait3A_205 = arith.constant 40 : i32
      %dma_wait3A_206 = arith.constant 0 : i32
      %dma_wait3A_207 = tpu.memref_slice %arg10[%dma_wait3A_205, %dma_wait3A_206] : memref<80x160xbf16, #tpu.memory_space<vmem>> -> memref<40x160xbf16, #tpu.memory_space<vmem>>
      %dma_wait3A_208 = arith.constant 0 : i32
      %dma_wait3A_209 = arith.constant 0 : i32
      %dma_wait3A_210 = tpu.memref_slice %arg2[%dma_wait3A_208, %dma_wait3A_209] : memref<10000x160xbf16, #tpu.memory_space<hbm>> -> memref<10000x160xbf16, #tpu.memory_space<hbm>>
      tpu.wait_indirect_dma semaphore(%arg17 : memref<!tpu.dma_semaphore, #tpu.memory_space<semaphore_mem>>) src(%dma_wait3A_210 : memref<10000x160xbf16, #tpu.memory_space<hbm>>) dst(%dma_wait3A_207 : memref<40x160xbf16, #tpu.memory_space<vmem>>)
      %dma_wait3A_211 = arith.constant 0 : i32
      %dma_wait3A_212 = arith.constant 0 : i32
      %dma_wait3A_213 = tpu.memref_slice %arg3[%dma_wait3A_211, %dma_wait3A_212] : memref<10000x16xf32, #tpu.memory_space<hbm>> -> memref<10000x16xf32, #tpu.memory_space<hbm>>
      tpu.wait_indirect_dma semaphore(%arg13 : memref<!tpu.dma_semaphore, #tpu.memory_space<semaphore_mem>>) src(%dma_wait3A_213 : memref<10000x16xf32, #tpu.memory_space<hbm>>) dst(%arg25 : memref<80x16xf32, #tpu.memory_space<vmem>>)
      %dma_wait3A_214 = tpu.memref_slice %arg4[%add3A_190] : memref<320000xi32, #tpu.memory_space<hbm>> -> memref<40xi32, #tpu.memory_space<hbm>>
      %dma_wait3A_215 = tpu.memref_slice %arg4[%add3A_190] : memref<320000xi32, #tpu.memory_space<hbm>> -> memref<40xi32, #tpu.memory_space<hbm>>
      tpu.wait_dma2 semaphore(%arg20 : memref<!tpu.dma_semaphore, #tpu.memory_space<semaphore_mem>>) src(%dma_wait3A_215 : memref<40xi32, #tpu.memory_space<hbm>>) dst(%arg23 : memref<40xi32, #tpu.memory_space<vmem>>)
      %dma_wait3A_216 = tpu.memref_slice %arg4[%add3A_194] : memref<320000xi32, #tpu.memory_space<hbm>> -> memref<40xi32, #tpu.memory_space<hbm>>
      %dma_wait3A_217 = tpu.memref_slice %arg4[%add3A_194] : memref<320000xi32, #tpu.memory_space<hbm>> -> memref<40xi32, #tpu.memory_space<hbm>>
      tpu.wait_dma2 semaphore(%arg20 : memref<!tpu.dma_semaphore, #tpu.memory_space<semaphore_mem>>) src(%dma_wait3A_217 : memref<40xi32, #tpu.memory_space<hbm>>) dst(%arg24 : memref<40xi32, #tpu.memory_space<vmem>>)
      %dma_wait3A_218 = tpu.memref_slice %arg5[%add3A_190] : memref<320000xi32, #tpu.memory_space<hbm>> -> memref<80xi32, #tpu.memory_space<hbm>>
      %dma_wait3A_219 = tpu.memref_slice %arg5[%add3A_190] : memref<320000xi32, #tpu.memory_space<hbm>> -> memref<80xi32, #tpu.memory_space<hbm>>
      tpu.wait_dma2 semaphore(%arg16 : memref<!tpu.dma_semaphore, #tpu.memory_space<semaphore_mem>>) src(%dma_wait3A_219 : memref<80xi32, #tpu.memory_space<hbm>>) dst(%arg9 : memref<80xi32, #tpu.memory_space<vmem>>)
    }
    %scan3A_104 = arith.constant 62 : i32
    %barrier3A_105 = arith.constant 0 : index
    tpu.barrier barrier_id(%barrier3A_105)
    "tpu.region"() ({
      %run_scoped3A = tpu.sem_alloc : memref<!tpu.dma_semaphore, #tpu.memory_space<semaphore_mem>>
      %dma_start3A_106 = arith.constant 0 : i32
      %dma_start3A_107 = tpu.memref_slice %arg6[%arg0, %mul3A_7, %dma_start3A_106] : memref<2x10000x144xf32, #tpu.memory_space<hbm>> -> memref<1x625x144xf32, #tpu.memory_space<hbm>>
      %dma_start3A_108 = tpu.memref_squeeze %dma_start3A_107 : memref<1x625x144xf32, #tpu.memory_space<hbm>> -> memref<625x144xf32, #tpu.memory_space<hbm>>
      %dma_start3A_109 = arith.constant 0 : i32
      %dma_start3A_110 = tpu.memref_slice %arg7[%mul3A_7, %dma_start3A_109] : memref<10000x144xf32, #tpu.memory_space<vmem_shared>> -> memref<625x144xf32, #tpu.memory_space<vmem_shared>>
      tpu.enqueue_dma source(%dma_start3A_110 : memref<625x144xf32, #tpu.memory_space<vmem_shared>>) target(%dma_start3A_108 : memref<625x144xf32, #tpu.memory_space<hbm>>) target_semaphore(%run_scoped3A : memref<!tpu.dma_semaphore, #tpu.memory_space<semaphore_mem>>)
      %dma_wait3A_111 = arith.constant 0 : i32
      %dma_wait3A_112 = tpu.memref_slice %arg6[%arg0, %mul3A_7, %dma_wait3A_111] : memref<2x10000x144xf32, #tpu.memory_space<hbm>> -> memref<1x625x144xf32, #tpu.memory_space<hbm>>
      %dma_wait3A_113 = tpu.memref_squeeze %dma_wait3A_112 : memref<1x625x144xf32, #tpu.memory_space<hbm>> -> memref<625x144xf32, #tpu.memory_space<hbm>>
      %dma_wait3A_114 = arith.constant 0 : i32
      %dma_wait3A_115 = tpu.memref_slice %arg7[%mul3A_7, %dma_wait3A_114] : memref<10000x144xf32, #tpu.memory_space<vmem_shared>> -> memref<625x144xf32, #tpu.memory_space<vmem_shared>>
      tpu.wait_dma2 semaphore(%run_scoped3A : memref<!tpu.dma_semaphore, #tpu.memory_space<semaphore_mem>>) src(%dma_wait3A_115 : memref<625x144xf32, #tpu.memory_space<vmem_shared>>) dst(%dma_wait3A_113 : memref<625x144xf32, #tpu.memory_space<hbm>>)
      tpu.yield
    }) : () -> ()
    return
  }
}

#map = affine_map<(d0, d1) -> (0, 0)>
#map1 = affine_map<(d0, d1) -> (0)>
#map2 = affine_map<(d0, d1) -> (0, 0, 0)>
module attributes {stable_mosaic.version = 14 : i64} {
  func.func @k(%arg0: i32, %arg1: i32, %arg2: memref<10000x96xbf16, #tpu.memory_space<hbm>>, %arg3: memref<10000x16xf32, #tpu.memory_space<hbm>>, %arg4: memref<320000xi32, #tpu.memory_space<hbm>>, %arg5: memref<320000xi32, #tpu.memory_space<hbm>>, %arg6: memref<2x10000x80xf32, #tpu.memory_space<hbm>>, %arg7: memref<10000x80xf32, #tpu.memory_space<vmem_shared>>, %arg8: memref<80xi32, #tpu.memory_space<vmem>>, %arg9: memref<80xi32, #tpu.memory_space<vmem>>, %arg10: memref<80x96xbf16, #tpu.memory_space<vmem>>, %arg11: memref<80x96xbf16, #tpu.memory_space<vmem>>, %arg12: memref<80x80xf32, #tpu.memory_space<vmem>>, %arg13: memref<!tpu.dma_semaphore, #tpu.memory_space<semaphore_mem>>, %arg14: memref<!tpu.dma_semaphore, #tpu.memory_space<semaphore_mem>>, %arg15: memref<!tpu.dma_semaphore, #tpu.memory_space<semaphore_mem>>, %arg16: memref<!tpu.dma_semaphore, #tpu.memory_space<semaphore_mem>>, %arg17: memref<!tpu.dma_semaphore, #tpu.memory_space<semaphore_mem>>, %arg18: memref<!tpu.dma_semaphore, #tpu.memory_space<semaphore_mem>>, %arg19: memref<!tpu.dma_semaphore, #tpu.memory_space<semaphore_mem>>, %arg20: memref<!tpu.dma_semaphore, #tpu.memory_space<semaphore_mem>>, %arg21: memref<40xi32, #tpu.memory_space<vmem>>, %arg22: memref<40xi32, #tpu.memory_space<vmem>>, %arg23: memref<40xi32, #tpu.memory_space<vmem>>, %arg24: memref<40xi32, #tpu.memory_space<vmem>>, %arg25: memref<80x16xf32, #tpu.memory_space<vmem>>, %arg26: memref<80x16xf32, #tpu.memory_space<vmem>>) attributes {dimension_semantics = [#tpu.dimension_semantics<core_parallel>, #tpu.dimension_semantics<subcore_parallel>], iteration_bounds = array<i64: 2, 16>, scalar_prefetch = 0 : i64, scratch_operands = 20 : i64, tpu.core_type = #tpu.core_type<sc_vector_subcore>, window_params = [{transform_indices = #map}, {transform_indices = #map}, {transform_indices = #map1}, {transform_indices = #map1}, {transform_indices = #map2}]} {
    %mul3A = arith.constant 16 : i32
    %mul3A_0 = arith.muli %arg0, %mul3A : i32
    %add3A = arith.addi %mul3A_0, %arg1 : i32
    %scan3A = arith.constant 0 : i32
    %scan3A_1 = arith.constant 0 : i32
    %scan3A_2 = arith.constant 80 : i32
    %scan3A_3 = arith.addi %scan3A_1, %scan3A_2 : i32
    %scan3A_4 = arith.constant 4 : i32
    scf.for %scan3A_106 = %scan3A_1 to %scan3A_3 step %scan3A_4  : i32 {
      %broadcast_in_dim3A = arith.constant 0.000000e+00 : f32
      %broadcast_in_dim3A_107 = vector.broadcast %broadcast_in_dim3A : f32 to vector<16xf32>
      %swap3A = arith.index_cast %scan3A_106 : i32 to index
      %swap3A_108 = arith.constant 0 : index
      %swap3A_109 = tpu.vector_load %arg12[%swap3A, %swap3A_108] {strides = array<i32>} : memref<80x80xf32, #tpu.memory_space<vmem>>, vector<16xf32>,
      tpu.vector_store %arg12[%swap3A, %swap3A_108], %broadcast_in_dim3A_107 {strides = array<i32>} : memref<80x80xf32, #tpu.memory_space<vmem>>, vector<16xf32>,
      %broadcast_in_dim3A_110 = arith.constant 0.000000e+00 : f32
      %broadcast_in_dim3A_111 = vector.broadcast %broadcast_in_dim3A_110 : f32 to vector<16xf32>
      %swap3A_112 = arith.index_cast %scan3A_106 : i32 to index
      %swap3A_113 = arith.constant 16 : index
      %swap3A_114 = tpu.vector_load %arg12[%swap3A_112, %swap3A_113] {strides = array<i32>} : memref<80x80xf32, #tpu.memory_space<vmem>>, vector<16xf32>,
      tpu.vector_store %arg12[%swap3A_112, %swap3A_113], %broadcast_in_dim3A_111 {strides = array<i32>} : memref<80x80xf32, #tpu.memory_space<vmem>>, vector<16xf32>,
      %broadcast_in_dim3A_115 = arith.constant 0.000000e+00 : f32
      %broadcast_in_dim3A_116 = vector.broadcast %broadcast_in_dim3A_115 : f32 to vector<16xf32>
      %swap3A_117 = arith.index_cast %scan3A_106 : i32 to index
      %swap3A_118 = arith.constant 32 : index
      %swap3A_119 = tpu.vector_load %arg12[%swap3A_117, %swap3A_118] {strides = array<i32>} : memref<80x80xf32, #tpu.memory_space<vmem>>, vector<16xf32>,
      tpu.vector_store %arg12[%swap3A_117, %swap3A_118], %broadcast_in_dim3A_116 {strides = array<i32>} : memref<80x80xf32, #tpu.memory_space<vmem>>, vector<16xf32>,
      %broadcast_in_dim3A_120 = arith.constant 0.000000e+00 : f32
      %broadcast_in_dim3A_121 = vector.broadcast %broadcast_in_dim3A_120 : f32 to vector<16xf32>
      %swap3A_122 = arith.index_cast %scan3A_106 : i32 to index
      %swap3A_123 = arith.constant 48 : index
      %swap3A_124 = tpu.vector_load %arg12[%swap3A_122, %swap3A_123] {strides = array<i32>} : memref<80x80xf32, #tpu.memory_space<vmem>>, vector<16xf32>,
      tpu.vector_store %arg12[%swap3A_122, %swap3A_123], %broadcast_in_dim3A_121 {strides = array<i32>} : memref<80x80xf32, #tpu.memory_space<vmem>>, vector<16xf32>,
      %broadcast_in_dim3A_125 = arith.constant 0.000000e+00 : f32
      %broadcast_in_dim3A_126 = vector.broadcast %broadcast_in_dim3A_125 : f32 to vector<16xf32>
      %swap3A_127 = arith.index_cast %scan3A_106 : i32 to index
      %swap3A_128 = arith.constant 64 : index
      %swap3A_129 = tpu.vector_load %arg12[%swap3A_127, %swap3A_128] {strides = array<i32>} : memref<80x80xf32, #tpu.memory_space<vmem>>, vector<16xf32>,
      tpu.vector_store %arg12[%swap3A_127, %swap3A_128], %broadcast_in_dim3A_126 {strides = array<i32>} : memref<80x80xf32, #tpu.memory_space<vmem>>, vector<16xf32>,
      %scan3A_130 = arith.constant 1 : i32
      %scan3A_131 = arith.addi %scan3A_106, %scan3A_130 : i32
      %broadcast_in_dim3A_132 = arith.constant 0.000000e+00 : f32
      %broadcast_in_dim3A_133 = vector.broadcast %broadcast_in_dim3A_132 : f32 to vector<16xf32>
      %swap3A_134 = arith.index_cast %scan3A_131 : i32 to index
      %swap3A_135 = arith.constant 0 : index
      %swap3A_136 = tpu.vector_load %arg12[%swap3A_134, %swap3A_135] {strides = array<i32>} : memref<80x80xf32, #tpu.memory_space<vmem>>, vector<16xf32>,
      tpu.vector_store %arg12[%swap3A_134, %swap3A_135], %broadcast_in_dim3A_133 {strides = array<i32>} : memref<80x80xf32, #tpu.memory_space<vmem>>, vector<16xf32>,
      %broadcast_in_dim3A_137 = arith.constant 0.000000e+00 : f32
      %broadcast_in_dim3A_138 = vector.broadcast %broadcast_in_dim3A_137 : f32 to vector<16xf32>
      %swap3A_139 = arith.index_cast %scan3A_131 : i32 to index
      %swap3A_140 = arith.constant 16 : index
      %swap3A_141 = tpu.vector_load %arg12[%swap3A_139, %swap3A_140] {strides = array<i32>} : memref<80x80xf32, #tpu.memory_space<vmem>>, vector<16xf32>,
      tpu.vector_store %arg12[%swap3A_139, %swap3A_140], %broadcast_in_dim3A_138 {strides = array<i32>} : memref<80x80xf32, #tpu.memory_space<vmem>>, vector<16xf32>,
      %broadcast_in_dim3A_142 = arith.constant 0.000000e+00 : f32
      %broadcast_in_dim3A_143 = vector.broadcast %broadcast_in_dim3A_142 : f32 to vector<16xf32>
      %swap3A_144 = arith.index_cast %scan3A_131 : i32 to index
      %swap3A_145 = arith.constant 32 : index
      %swap3A_146 = tpu.vector_load %arg12[%swap3A_144, %swap3A_145] {strides = array<i32>} : memref<80x80xf32, #tpu.memory_space<vmem>>, vector<16xf32>,
      tpu.vector_store %arg12[%swap3A_144, %swap3A_145], %broadcast_in_dim3A_143 {strides = array<i32>} : memref<80x80xf32, #tpu.memory_space<vmem>>, vector<16xf32>,
      %broadcast_in_dim3A_147 = arith.constant 0.000000e+00 : f32
      %broadcast_in_dim3A_148 = vector.broadcast %broadcast_in_dim3A_147 : f32 to vector<16xf32>
      %swap3A_149 = arith.index_cast %scan3A_131 : i32 to index
      %swap3A_150 = arith.constant 48 : index
      %swap3A_151 = tpu.vector_load %arg12[%swap3A_149, %swap3A_150] {strides = array<i32>} : memref<80x80xf32, #tpu.memory_space<vmem>>, vector<16xf32>,
      tpu.vector_store %arg12[%swap3A_149, %swap3A_150], %broadcast_in_dim3A_148 {strides = array<i32>} : memref<80x80xf32, #tpu.memory_space<vmem>>, vector<16xf32>,
      %broadcast_in_dim3A_152 = arith.constant 0.000000e+00 : f32
      %broadcast_in_dim3A_153 = vector.broadcast %broadcast_in_dim3A_152 : f32 to vector<16xf32>
      %swap3A_154 = arith.index_cast %scan3A_131 : i32 to index
      %swap3A_155 = arith.constant 64 : index
      %swap3A_156 = tpu.vector_load %arg12[%swap3A_154, %swap3A_155] {strides = array<i32>} : memref<80x80xf32, #tpu.memory_space<vmem>>, vector<16xf32>,
      tpu.vector_store %arg12[%swap3A_154, %swap3A_155], %broadcast_in_dim3A_153 {strides = array<i32>} : memref<80x80xf32, #tpu.memory_space<vmem>>, vector<16xf32>,
      %scan3A_157 = arith.constant 2 : i32
      %scan3A_158 = arith.addi %scan3A_106, %scan3A_157 : i32
      %broadcast_in_dim3A_159 = arith.constant 0.000000e+00 : f32
      %broadcast_in_dim3A_160 = vector.broadcast %broadcast_in_dim3A_159 : f32 to vector<16xf32>
      %swap3A_161 = arith.index_cast %scan3A_158 : i32 to index
      %swap3A_162 = arith.constant 0 : index
      %swap3A_163 = tpu.vector_load %arg12[%swap3A_161, %swap3A_162] {strides = array<i32>} : memref<80x80xf32, #tpu.memory_space<vmem>>, vector<16xf32>,
      tpu.vector_store %arg12[%swap3A_161, %swap3A_162], %broadcast_in_dim3A_160 {strides = array<i32>} : memref<80x80xf32, #tpu.memory_space<vmem>>, vector<16xf32>,
      %broadcast_in_dim3A_164 = arith.constant 0.000000e+00 : f32
      %broadcast_in_dim3A_165 = vector.broadcast %broadcast_in_dim3A_164 : f32 to vector<16xf32>
      %swap3A_166 = arith.index_cast %scan3A_158 : i32 to index
      %swap3A_167 = arith.constant 16 : index
      %swap3A_168 = tpu.vector_load %arg12[%swap3A_166, %swap3A_167] {strides = array<i32>} : memref<80x80xf32, #tpu.memory_space<vmem>>, vector<16xf32>,
      tpu.vector_store %arg12[%swap3A_166, %swap3A_167], %broadcast_in_dim3A_165 {strides = array<i32>} : memref<80x80xf32, #tpu.memory_space<vmem>>, vector<16xf32>,
      %broadcast_in_dim3A_169 = arith.constant 0.000000e+00 : f32
      %broadcast_in_dim3A_170 = vector.broadcast %broadcast_in_dim3A_169 : f32 to vector<16xf32>
      %swap3A_171 = arith.index_cast %scan3A_158 : i32 to index
      %swap3A_172 = arith.constant 32 : index
      %swap3A_173 = tpu.vector_load %arg12[%swap3A_171, %swap3A_172] {strides = array<i32>} : memref<80x80xf32, #tpu.memory_space<vmem>>, vector<16xf32>,
      tpu.vector_store %arg12[%swap3A_171, %swap3A_172], %broadcast_in_dim3A_170 {strides = array<i32>} : memref<80x80xf32, #tpu.memory_space<vmem>>, vector<16xf32>,
      %broadcast_in_dim3A_174 = arith.constant 0.000000e+00 : f32
      %broadcast_in_dim3A_175 = vector.broadcast %broadcast_in_dim3A_174 : f32 to vector<16xf32>
      %swap3A_176 = arith.index_cast %scan3A_158 : i32 to index
      %swap3A_177 = arith.constant 48 : index
      %swap3A_178 = tpu.vector_load %arg12[%swap3A_176, %swap3A_177] {strides = array<i32>} : memref<80x80xf32, #tpu.memory_space<vmem>>, vector<16xf32>,
      tpu.vector_store %arg12[%swap3A_176, %swap3A_177], %broadcast_in_dim3A_175 {strides = array<i32>} : memref<80x80xf32, #tpu.memory_space<vmem>>, vector<16xf32>,
      %broadcast_in_dim3A_179 = arith.constant 0.000000e+00 : f32
      %broadcast_in_dim3A_180 = vector.broadcast %broadcast_in_dim3A_179 : f32 to vector<16xf32>
      %swap3A_181 = arith.index_cast %scan3A_158 : i32 to index
      %swap3A_182 = arith.constant 64 : index
      %swap3A_183 = tpu.vector_load %arg12[%swap3A_181, %swap3A_182] {strides = array<i32>} : memref<80x80xf32, #tpu.memory_space<vmem>>, vector<16xf32>,
      tpu.vector_store %arg12[%swap3A_181, %swap3A_182], %broadcast_in_dim3A_180 {strides = array<i32>} : memref<80x80xf32, #tpu.memory_space<vmem>>, vector<16xf32>,
      %scan3A_184 = arith.constant 3 : i32
      %scan3A_185 = arith.addi %scan3A_106, %scan3A_184 : i32
      %broadcast_in_dim3A_186 = arith.constant 0.000000e+00 : f32
      %broadcast_in_dim3A_187 = vector.broadcast %broadcast_in_dim3A_186 : f32 to vector<16xf32>
      %swap3A_188 = arith.index_cast %scan3A_185 : i32 to index
      %swap3A_189 = arith.constant 0 : index
      %swap3A_190 = tpu.vector_load %arg12[%swap3A_188, %swap3A_189] {strides = array<i32>} : memref<80x80xf32, #tpu.memory_space<vmem>>, vector<16xf32>,
      tpu.vector_store %arg12[%swap3A_188, %swap3A_189], %broadcast_in_dim3A_187 {strides = array<i32>} : memref<80x80xf32, #tpu.memory_space<vmem>>, vector<16xf32>,
      %broadcast_in_dim3A_191 = arith.constant 0.000000e+00 : f32
      %broadcast_in_dim3A_192 = vector.broadcast %broadcast_in_dim3A_191 : f32 to vector<16xf32>
      %swap3A_193 = arith.index_cast %scan3A_185 : i32 to index
      %swap3A_194 = arith.constant 16 : index
      %swap3A_195 = tpu.vector_load %arg12[%swap3A_193, %swap3A_194] {strides = array<i32>} : memref<80x80xf32, #tpu.memory_space<vmem>>, vector<16xf32>,
      tpu.vector_store %arg12[%swap3A_193, %swap3A_194], %broadcast_in_dim3A_192 {strides = array<i32>} : memref<80x80xf32, #tpu.memory_space<vmem>>, vector<16xf32>,
      %broadcast_in_dim3A_196 = arith.constant 0.000000e+00 : f32
      %broadcast_in_dim3A_197 = vector.broadcast %broadcast_in_dim3A_196 : f32 to vector<16xf32>
      %swap3A_198 = arith.index_cast %scan3A_185 : i32 to index
      %swap3A_199 = arith.constant 32 : index
      %swap3A_200 = tpu.vector_load %arg12[%swap3A_198, %swap3A_199] {strides = array<i32>} : memref<80x80xf32, #tpu.memory_space<vmem>>, vector<16xf32>,
      tpu.vector_store %arg12[%swap3A_198, %swap3A_199], %broadcast_in_dim3A_197 {strides = array<i32>} : memref<80x80xf32, #tpu.memory_space<vmem>>, vector<16xf32>,
      %broadcast_in_dim3A_201 = arith.constant 0.000000e+00 : f32
      %broadcast_in_dim3A_202 = vector.broadcast %broadcast_in_dim3A_201 : f32 to vector<16xf32>
      %swap3A_203 = arith.index_cast %scan3A_185 : i32 to index
      %swap3A_204 = arith.constant 48 : index
      %swap3A_205 = tpu.vector_load %arg12[%swap3A_203, %swap3A_204] {strides = array<i32>} : memref<80x80xf32, #tpu.memory_space<vmem>>, vector<16xf32>,
      tpu.vector_store %arg12[%swap3A_203, %swap3A_204], %broadcast_in_dim3A_202 {strides = array<i32>} : memref<80x80xf32, #tpu.memory_space<vmem>>, vector<16xf32>,
      %broadcast_in_dim3A_206 = arith.constant 0.000000e+00 : f32
      %broadcast_in_dim3A_207 = vector.broadcast %broadcast_in_dim3A_206 : f32 to vector<16xf32>
      %swap3A_208 = arith.index_cast %scan3A_185 : i32 to index
      %swap3A_209 = arith.constant 64 : index
      %swap3A_210 = tpu.vector_load %arg12[%swap3A_208, %swap3A_209] {strides = array<i32>} : memref<80x80xf32, #tpu.memory_space<vmem>>, vector<16xf32>,
      tpu.vector_store %arg12[%swap3A_208, %swap3A_209], %broadcast_in_dim3A_207 {strides = array<i32>} : memref<80x80xf32, #tpu.memory_space<vmem>>, vector<16xf32>,
    }
    %scan3A_5 = arith.constant 80 : i32
    %mul3A_6 = arith.constant 625 : i32
    %mul3A_7 = arith.muli %arg1, %mul3A_6 : i32
    %add3A_8 = arith.constant 0 : i32
    %add3A_9 = arith.addi %mul3A_7, %add3A_8 : i32
    "tpu.region"() ({
      %run_scoped3A = tpu.sem_alloc : memref<!tpu.dma_semaphore, #tpu.memory_space<semaphore_mem>>
      %dma_start3A_106 = arith.constant 0 : i32
      %dma_start3A_107 = tpu.memref_slice %arg7[%add3A_9, %dma_start3A_106] : memref<10000x80xf32, #tpu.memory_space<vmem_shared>> -> memref<80x80xf32, #tpu.memory_space<vmem_shared>>
      %dma_start3A_108 = arith.constant 0 : i32
      %dma_start3A_109 = tpu.memref_slice %arg7[%add3A_9, %dma_start3A_108] : memref<10000x80xf32, #tpu.memory_space<vmem_shared>> -> memref<80x80xf32, #tpu.memory_space<vmem_shared>>
      tpu.enqueue_dma source(%arg12 : memref<80x80xf32, #tpu.memory_space<vmem>>) target(%dma_start3A_109 : memref<80x80xf32, #tpu.memory_space<vmem_shared>>) target_semaphore(%run_scoped3A : memref<!tpu.dma_semaphore, #tpu.memory_space<semaphore_mem>>)
      %dma_wait3A_110 = arith.constant 0 : i32
      %dma_wait3A_111 = tpu.memref_slice %arg7[%add3A_9, %dma_wait3A_110] : memref<10000x80xf32, #tpu.memory_space<vmem_shared>> -> memref<80x80xf32, #tpu.memory_space<vmem_shared>>
      %dma_wait3A_112 = arith.constant 0 : i32
      %dma_wait3A_113 = tpu.memref_slice %arg7[%add3A_9, %dma_wait3A_112] : memref<10000x80xf32, #tpu.memory_space<vmem_shared>> -> memref<80x80xf32, #tpu.memory_space<vmem_shared>>
      tpu.wait_dma2 semaphore(%run_scoped3A : memref<!tpu.dma_semaphore, #tpu.memory_space<semaphore_mem>>) src(%arg12 : memref<80x80xf32, #tpu.memory_space<vmem>>) dst(%dma_wait3A_113 : memref<80x80xf32, #tpu.memory_space<vmem_shared>>)
      tpu.yield
    }) : () -> ()
    %add3A_10 = arith.constant 80 : i32
    %add3A_11 = arith.addi %mul3A_7, %add3A_10 : i32
    "tpu.region"() ({
      %run_scoped3A = tpu.sem_alloc : memref<!tpu.dma_semaphore, #tpu.memory_space<semaphore_mem>>
      %dma_start3A_106 = arith.constant 0 : i32
      %dma_start3A_107 = tpu.memref_slice %arg7[%add3A_11, %dma_start3A_106] : memref<10000x80xf32, #tpu.memory_space<vmem_shared>> -> memref<80x80xf32, #tpu.memory_space<vmem_shared>>
      %dma_start3A_108 = arith.constant 0 : i32
      %dma_start3A_109 = tpu.memref_slice %arg7[%add3A_11, %dma_start3A_108] : memref<10000x80xf32, #tpu.memory_space<vmem_shared>> -> memref<80x80xf32, #tpu.memory_space<vmem_shared>>
      tpu.enqueue_dma source(%arg12 : memref<80x80xf32, #tpu.memory_space<vmem>>) target(%dma_start3A_109 : memref<80x80xf32, #tpu.memory_space<vmem_shared>>) target_semaphore(%run_scoped3A : memref<!tpu.dma_semaphore, #tpu.memory_space<semaphore_mem>>)
      %dma_wait3A_110 = arith.constant 0 : i32
      %dma_wait3A_111 = tpu.memref_slice %arg7[%add3A_11, %dma_wait3A_110] : memref<10000x80xf32, #tpu.memory_space<vmem_shared>> -> memref<80x80xf32, #tpu.memory_space<vmem_shared>>
      %dma_wait3A_112 = arith.constant 0 : i32
      %dma_wait3A_113 = tpu.memref_slice %arg7[%add3A_11, %dma_wait3A_112] : memref<10000x80xf32, #tpu.memory_space<vmem_shared>> -> memref<80x80xf32, #tpu.memory_space<vmem_shared>>
      tpu.wait_dma2 semaphore(%run_scoped3A : memref<!tpu.dma_semaphore, #tpu.memory_space<semaphore_mem>>) src(%arg12 : memref<80x80xf32, #tpu.memory_space<vmem>>) dst(%dma_wait3A_113 : memref<80x80xf32, #tpu.memory_space<vmem_shared>>)
      tpu.yield
    }) : () -> ()
    %add3A_12 = arith.constant 160 : i32
    %add3A_13 = arith.addi %mul3A_7, %add3A_12 : i32
    "tpu.region"() ({
      %run_scoped3A = tpu.sem_alloc : memref<!tpu.dma_semaphore, #tpu.memory_space<semaphore_mem>>
      %dma_start3A_106 = arith.constant 0 : i32
      %dma_start3A_107 = tpu.memref_slice %arg7[%add3A_13, %dma_start3A_106] : memref<10000x80xf32, #tpu.memory_space<vmem_shared>> -> memref<80x80xf32, #tpu.memory_space<vmem_shared>>
      %dma_start3A_108 = arith.constant 0 : i32
      %dma_start3A_109 = tpu.memref_slice %arg7[%add3A_13, %dma_start3A_108] : memref<10000x80xf32, #tpu.memory_space<vmem_shared>> -> memref<80x80xf32, #tpu.memory_space<vmem_shared>>
      tpu.enqueue_dma source(%arg12 : memref<80x80xf32, #tpu.memory_space<vmem>>) target(%dma_start3A_109 : memref<80x80xf32, #tpu.memory_space<vmem_shared>>) target_semaphore(%run_scoped3A : memref<!tpu.dma_semaphore, #tpu.memory_space<semaphore_mem>>)
      %dma_wait3A_110 = arith.constant 0 : i32
      %dma_wait3A_111 = tpu.memref_slice %arg7[%add3A_13, %dma_wait3A_110] : memref<10000x80xf32, #tpu.memory_space<vmem_shared>> -> memref<80x80xf32, #tpu.memory_space<vmem_shared>>
      %dma_wait3A_112 = arith.constant 0 : i32
      %dma_wait3A_113 = tpu.memref_slice %arg7[%add3A_13, %dma_wait3A_112] : memref<10000x80xf32, #tpu.memory_space<vmem_shared>> -> memref<80x80xf32, #tpu.memory_space<vmem_shared>>
      tpu.wait_dma2 semaphore(%run_scoped3A : memref<!tpu.dma_semaphore, #tpu.memory_space<semaphore_mem>>) src(%arg12 : memref<80x80xf32, #tpu.memory_space<vmem>>) dst(%dma_wait3A_113 : memref<80x80xf32, #tpu.memory_space<vmem_shared>>)
      tpu.yield
    }) : () -> ()
    %add3A_14 = arith.constant 240 : i32
    %add3A_15 = arith.addi %mul3A_7, %add3A_14 : i32
    "tpu.region"() ({
      %run_scoped3A = tpu.sem_alloc : memref<!tpu.dma_semaphore, #tpu.memory_space<semaphore_mem>>
      %dma_start3A_106 = arith.constant 0 : i32
      %dma_start3A_107 = tpu.memref_slice %arg7[%add3A_15, %dma_start3A_106] : memref<10000x80xf32, #tpu.memory_space<vmem_shared>> -> memref<80x80xf32, #tpu.memory_space<vmem_shared>>
      %dma_start3A_108 = arith.constant 0 : i32
      %dma_start3A_109 = tpu.memref_slice %arg7[%add3A_15, %dma_start3A_108] : memref<10000x80xf32, #tpu.memory_space<vmem_shared>> -> memref<80x80xf32, #tpu.memory_space<vmem_shared>>
      tpu.enqueue_dma source(%arg12 : memref<80x80xf32, #tpu.memory_space<vmem>>) target(%dma_start3A_109 : memref<80x80xf32, #tpu.memory_space<vmem_shared>>) target_semaphore(%run_scoped3A : memref<!tpu.dma_semaphore, #tpu.memory_space<semaphore_mem>>)
      %dma_wait3A_110 = arith.constant 0 : i32
      %dma_wait3A_111 = tpu.memref_slice %arg7[%add3A_15, %dma_wait3A_110] : memref<10000x80xf32, #tpu.memory_space<vmem_shared>> -> memref<80x80xf32, #tpu.memory_space<vmem_shared>>
      %dma_wait3A_112 = arith.constant 0 : i32
      %dma_wait3A_113 = tpu.memref_slice %arg7[%add3A_15, %dma_wait3A_112] : memref<10000x80xf32, #tpu.memory_space<vmem_shared>> -> memref<80x80xf32, #tpu.memory_space<vmem_shared>>
      tpu.wait_dma2 semaphore(%run_scoped3A : memref<!tpu.dma_semaphore, #tpu.memory_space<semaphore_mem>>) src(%arg12 : memref<80x80xf32, #tpu.memory_space<vmem>>) dst(%dma_wait3A_113 : memref<80x80xf32, #tpu.memory_space<vmem_shared>>)
      tpu.yield
    }) : () -> ()
    %add3A_16 = arith.constant 320 : i32
    %add3A_17 = arith.addi %mul3A_7, %add3A_16 : i32
    "tpu.region"() ({
      %run_scoped3A = tpu.sem_alloc : memref<!tpu.dma_semaphore, #tpu.memory_space<semaphore_mem>>
      %dma_start3A_106 = arith.constant 0 : i32
      %dma_start3A_107 = tpu.memref_slice %arg7[%add3A_17, %dma_start3A_106] : memref<10000x80xf32, #tpu.memory_space<vmem_shared>> -> memref<80x80xf32, #tpu.memory_space<vmem_shared>>
      %dma_start3A_108 = arith.constant 0 : i32
      %dma_start3A_109 = tpu.memref_slice %arg7[%add3A_17, %dma_start3A_108] : memref<10000x80xf32, #tpu.memory_space<vmem_shared>> -> memref<80x80xf32, #tpu.memory_space<vmem_shared>>
      tpu.enqueue_dma source(%arg12 : memref<80x80xf32, #tpu.memory_space<vmem>>) target(%dma_start3A_109 : memref<80x80xf32, #tpu.memory_space<vmem_shared>>) target_semaphore(%run_scoped3A : memref<!tpu.dma_semaphore, #tpu.memory_space<semaphore_mem>>)
      %dma_wait3A_110 = arith.constant 0 : i32
      %dma_wait3A_111 = tpu.memref_slice %arg7[%add3A_17, %dma_wait3A_110] : memref<10000x80xf32, #tpu.memory_space<vmem_shared>> -> memref<80x80xf32, #tpu.memory_space<vmem_shared>>
      %dma_wait3A_112 = arith.constant 0 : i32
      %dma_wait3A_113 = tpu.memref_slice %arg7[%add3A_17, %dma_wait3A_112] : memref<10000x80xf32, #tpu.memory_space<vmem_shared>> -> memref<80x80xf32, #tpu.memory_space<vmem_shared>>
      tpu.wait_dma2 semaphore(%run_scoped3A : memref<!tpu.dma_semaphore, #tpu.memory_space<semaphore_mem>>) src(%arg12 : memref<80x80xf32, #tpu.memory_space<vmem>>) dst(%dma_wait3A_113 : memref<80x80xf32, #tpu.memory_space<vmem_shared>>)
      tpu.yield
    }) : () -> ()
    %add3A_18 = arith.constant 400 : i32
    %add3A_19 = arith.addi %mul3A_7, %add3A_18 : i32
    "tpu.region"() ({
      %run_scoped3A = tpu.sem_alloc : memref<!tpu.dma_semaphore, #tpu.memory_space<semaphore_mem>>
      %dma_start3A_106 = arith.constant 0 : i32
      %dma_start3A_107 = tpu.memref_slice %arg7[%add3A_19, %dma_start3A_106] : memref<10000x80xf32, #tpu.memory_space<vmem_shared>> -> memref<80x80xf32, #tpu.memory_space<vmem_shared>>
      %dma_start3A_108 = arith.constant 0 : i32
      %dma_start3A_109 = tpu.memref_slice %arg7[%add3A_19, %dma_start3A_108] : memref<10000x80xf32, #tpu.memory_space<vmem_shared>> -> memref<80x80xf32, #tpu.memory_space<vmem_shared>>
      tpu.enqueue_dma source(%arg12 : memref<80x80xf32, #tpu.memory_space<vmem>>) target(%dma_start3A_109 : memref<80x80xf32, #tpu.memory_space<vmem_shared>>) target_semaphore(%run_scoped3A : memref<!tpu.dma_semaphore, #tpu.memory_space<semaphore_mem>>)
      %dma_wait3A_110 = arith.constant 0 : i32
      %dma_wait3A_111 = tpu.memref_slice %arg7[%add3A_19, %dma_wait3A_110] : memref<10000x80xf32, #tpu.memory_space<vmem_shared>> -> memref<80x80xf32, #tpu.memory_space<vmem_shared>>
      %dma_wait3A_112 = arith.constant 0 : i32
      %dma_wait3A_113 = tpu.memref_slice %arg7[%add3A_19, %dma_wait3A_112] : memref<10000x80xf32, #tpu.memory_space<vmem_shared>> -> memref<80x80xf32, #tpu.memory_space<vmem_shared>>
      tpu.wait_dma2 semaphore(%run_scoped3A : memref<!tpu.dma_semaphore, #tpu.memory_space<semaphore_mem>>) src(%arg12 : memref<80x80xf32, #tpu.memory_space<vmem>>) dst(%dma_wait3A_113 : memref<80x80xf32, #tpu.memory_space<vmem_shared>>)
      tpu.yield
    }) : () -> ()
    %add3A_20 = arith.constant 480 : i32
    %add3A_21 = arith.addi %mul3A_7, %add3A_20 : i32
    "tpu.region"() ({
      %run_scoped3A = tpu.sem_alloc : memref<!tpu.dma_semaphore, #tpu.memory_space<semaphore_mem>>
      %dma_start3A_106 = arith.constant 0 : i32
      %dma_start3A_107 = tpu.memref_slice %arg7[%add3A_21, %dma_start3A_106] : memref<10000x80xf32, #tpu.memory_space<vmem_shared>> -> memref<80x80xf32, #tpu.memory_space<vmem_shared>>
      %dma_start3A_108 = arith.constant 0 : i32
      %dma_start3A_109 = tpu.memref_slice %arg7[%add3A_21, %dma_start3A_108] : memref<10000x80xf32, #tpu.memory_space<vmem_shared>> -> memref<80x80xf32, #tpu.memory_space<vmem_shared>>
      tpu.enqueue_dma source(%arg12 : memref<80x80xf32, #tpu.memory_space<vmem>>) target(%dma_start3A_109 : memref<80x80xf32, #tpu.memory_space<vmem_shared>>) target_semaphore(%run_scoped3A : memref<!tpu.dma_semaphore, #tpu.memory_space<semaphore_mem>>)
      %dma_wait3A_110 = arith.constant 0 : i32
      %dma_wait3A_111 = tpu.memref_slice %arg7[%add3A_21, %dma_wait3A_110] : memref<10000x80xf32, #tpu.memory_space<vmem_shared>> -> memref<80x80xf32, #tpu.memory_space<vmem_shared>>
      %dma_wait3A_112 = arith.constant 0 : i32
      %dma_wait3A_113 = tpu.memref_slice %arg7[%add3A_21, %dma_wait3A_112] : memref<10000x80xf32, #tpu.memory_space<vmem_shared>> -> memref<80x80xf32, #tpu.memory_space<vmem_shared>>
      tpu.wait_dma2 semaphore(%run_scoped3A : memref<!tpu.dma_semaphore, #tpu.memory_space<semaphore_mem>>) src(%arg12 : memref<80x80xf32, #tpu.memory_space<vmem>>) dst(%dma_wait3A_113 : memref<80x80xf32, #tpu.memory_space<vmem_shared>>)
      tpu.yield
    }) : () -> ()
    %add3A_22 = arith.constant 560 : i32
    %add3A_23 = arith.addi %mul3A_7, %add3A_22 : i32
    "tpu.region"() ({
      %run_scoped3A = tpu.sem_alloc : memref<!tpu.dma_semaphore, #tpu.memory_space<semaphore_mem>>
      %dma_start3A_106 = arith.constant 0 : i32
      %dma_start3A_107 = arith.constant 0 : i32
      %dma_start3A_108 = tpu.memref_slice %arg12[%dma_start3A_106, %dma_start3A_107] : memref<80x80xf32, #tpu.memory_space<vmem>> -> memref<65x80xf32, #tpu.memory_space<vmem>>
      %dma_start3A_109 = arith.constant 0 : i32
      %dma_start3A_110 = tpu.memref_slice %arg7[%add3A_23, %dma_start3A_109] : memref<10000x80xf32, #tpu.memory_space<vmem_shared>> -> memref<65x80xf32, #tpu.memory_space<vmem_shared>>
      %dma_start3A_111 = arith.constant 0 : i32
      %dma_start3A_112 = tpu.memref_slice %arg7[%add3A_23, %dma_start3A_111] : memref<10000x80xf32, #tpu.memory_space<vmem_shared>> -> memref<65x80xf32, #tpu.memory_space<vmem_shared>>
      %dma_start3A_113 = arith.constant 0 : i32
      %dma_start3A_114 = arith.constant 0 : i32
      %dma_start3A_115 = tpu.memref_slice %arg12[%dma_start3A_113, %dma_start3A_114] : memref<80x80xf32, #tpu.memory_space<vmem>> -> memref<65x80xf32, #tpu.memory_space<vmem>>
      tpu.enqueue_dma source(%dma_start3A_115 : memref<65x80xf32, #tpu.memory_space<vmem>>) target(%dma_start3A_112 : memref<65x80xf32, #tpu.memory_space<vmem_shared>>) target_semaphore(%run_scoped3A : memref<!tpu.dma_semaphore, #tpu.memory_space<semaphore_mem>>)
      %dma_wait3A_116 = arith.constant 0 : i32
      %dma_wait3A_117 = arith.constant 0 : i32
      %dma_wait3A_118 = tpu.memref_slice %arg12[%dma_wait3A_116, %dma_wait3A_117] : memref<80x80xf32, #tpu.memory_space<vmem>> -> memref<65x80xf32, #tpu.memory_space<vmem>>
      %dma_wait3A_119 = arith.constant 0 : i32
      %dma_wait3A_120 = tpu.memref_slice %arg7[%add3A_23, %dma_wait3A_119] : memref<10000x80xf32, #tpu.memory_space<vmem_shared>> -> memref<65x80xf32, #tpu.memory_space<vmem_shared>>
      %dma_wait3A_121 = arith.constant 0 : i32
      %dma_wait3A_122 = tpu.memref_slice %arg7[%add3A_23, %dma_wait3A_121] : memref<10000x80xf32, #tpu.memory_space<vmem_shared>> -> memref<65x80xf32, #tpu.memory_space<vmem_shared>>
      %dma_wait3A_123 = arith.constant 0 : i32
      %dma_wait3A_124 = arith.constant 0 : i32
      %dma_wait3A_125 = tpu.memref_slice %arg12[%dma_wait3A_123, %dma_wait3A_124] : memref<80x80xf32, #tpu.memory_space<vmem>> -> memref<65x80xf32, #tpu.memory_space<vmem>>
      tpu.wait_dma2 semaphore(%run_scoped3A : memref<!tpu.dma_semaphore, #tpu.memory_space<semaphore_mem>>) src(%dma_wait3A_125 : memref<65x80xf32, #tpu.memory_space<vmem>>) dst(%dma_wait3A_122 : memref<65x80xf32, #tpu.memory_space<vmem_shared>>)
      tpu.yield
    }) : () -> ()
    %barrier3A = arith.constant 0 : index
    tpu.barrier barrier_id(%barrier3A)
    %mul3A_24 = arith.constant 10000 : i32
    %mul3A_25 = arith.muli %add3A, %mul3A_24 : i32
    %add3A_26 = arith.constant 0 : i32
    %add3A_27 = arith.addi %mul3A_25, %add3A_26 : i32
    "tpu.region"() ({
      %run_scoped3A = tpu.sem_alloc : memref<!tpu.dma_semaphore, #tpu.memory_space<semaphore_mem>>
      %dma_start3A_106 = tpu.memref_slice %arg4[%add3A_27] : memref<320000xi32, #tpu.memory_space<hbm>> -> memref<40xi32, #tpu.memory_space<hbm>>
      %dma_start3A_107 = tpu.memref_slice %arg4[%add3A_27] : memref<320000xi32, #tpu.memory_space<hbm>> -> memref<40xi32, #tpu.memory_space<hbm>>
      tpu.enqueue_dma source(%dma_start3A_107 : memref<40xi32, #tpu.memory_space<hbm>>) target(%arg21 : memref<40xi32, #tpu.memory_space<vmem>>) target_semaphore(%run_scoped3A : memref<!tpu.dma_semaphore, #tpu.memory_space<semaphore_mem>>)
      %dma_wait3A_108 = tpu.memref_slice %arg4[%add3A_27] : memref<320000xi32, #tpu.memory_space<hbm>> -> memref<40xi32, #tpu.memory_space<hbm>>
      %dma_wait3A_109 = tpu.memref_slice %arg4[%add3A_27] : memref<320000xi32, #tpu.memory_space<hbm>> -> memref<40xi32, #tpu.memory_space<hbm>>
      tpu.wait_dma2 semaphore(%run_scoped3A : memref<!tpu.dma_semaphore, #tpu.memory_space<semaphore_mem>>) src(%dma_wait3A_109 : memref<40xi32, #tpu.memory_space<hbm>>) dst(%arg21 : memref<40xi32, #tpu.memory_space<vmem>>)
      tpu.yield
    }) : () -> ()
    %add3A_28 = arith.constant 40 : i32
    %add3A_29 = arith.addi %add3A_27, %add3A_28 : i32
    "tpu.region"() ({
      %run_scoped3A = tpu.sem_alloc : memref<!tpu.dma_semaphore, #tpu.memory_space<semaphore_mem>>
      %dma_start3A_106 = tpu.memref_slice %arg4[%add3A_29] : memref<320000xi32, #tpu.memory_space<hbm>> -> memref<40xi32, #tpu.memory_space<hbm>>
      %dma_start3A_107 = tpu.memref_slice %arg4[%add3A_29] : memref<320000xi32, #tpu.memory_space<hbm>> -> memref<40xi32, #tpu.memory_space<hbm>>
      tpu.enqueue_dma source(%dma_start3A_107 : memref<40xi32, #tpu.memory_space<hbm>>) target(%arg22 : memref<40xi32, #tpu.memory_space<vmem>>) target_semaphore(%run_scoped3A : memref<!tpu.dma_semaphore, #tpu.memory_space<semaphore_mem>>)
      %dma_wait3A_108 = tpu.memref_slice %arg4[%add3A_29] : memref<320000xi32, #tpu.memory_space<hbm>> -> memref<40xi32, #tpu.memory_space<hbm>>
      %dma_wait3A_109 = tpu.memref_slice %arg4[%add3A_29] : memref<320000xi32, #tpu.memory_space<hbm>> -> memref<40xi32, #tpu.memory_space<hbm>>
      tpu.wait_dma2 semaphore(%run_scoped3A : memref<!tpu.dma_semaphore, #tpu.memory_space<semaphore_mem>>) src(%dma_wait3A_109 : memref<40xi32, #tpu.memory_space<hbm>>) dst(%arg22 : memref<40xi32, #tpu.memory_space<vmem>>)
      tpu.yield
    }) : () -> ()
    "tpu.region"() ({
      %run_scoped3A = tpu.sem_alloc : memref<!tpu.dma_semaphore, #tpu.memory_space<semaphore_mem>>
      %dma_start3A_106 = tpu.memref_slice %arg5[%add3A_27] : memref<320000xi32, #tpu.memory_space<hbm>> -> memref<80xi32, #tpu.memory_space<hbm>>
      %dma_start3A_107 = tpu.memref_slice %arg5[%add3A_27] : memref<320000xi32, #tpu.memory_space<hbm>> -> memref<80xi32, #tpu.memory_space<hbm>>
      tpu.enqueue_dma source(%dma_start3A_107 : memref<80xi32, #tpu.memory_space<hbm>>) target(%arg8 : memref<80xi32, #tpu.memory_space<vmem>>) target_semaphore(%run_scoped3A : memref<!tpu.dma_semaphore, #tpu.memory_space<semaphore_mem>>)
      %dma_wait3A_108 = tpu.memref_slice %arg5[%add3A_27] : memref<320000xi32, #tpu.memory_space<hbm>> -> memref<80xi32, #tpu.memory_space<hbm>>
      %dma_wait3A_109 = tpu.memref_slice %arg5[%add3A_27] : memref<320000xi32, #tpu.memory_space<hbm>> -> memref<80xi32, #tpu.memory_space<hbm>>
      tpu.wait_dma2 semaphore(%run_scoped3A : memref<!tpu.dma_semaphore, #tpu.memory_space<semaphore_mem>>) src(%dma_wait3A_109 : memref<80xi32, #tpu.memory_space<hbm>>) dst(%arg8 : memref<80xi32, #tpu.memory_space<vmem>>)
      tpu.yield
    }) : () -> ()
    %dma_start3A = arith.constant 0 : i32
    %dma_start3A_30 = arith.constant 0 : i32
    %dma_start3A_31 = tpu.memref_slice %arg10[%dma_start3A, %dma_start3A_30] : memref<80x96xbf16, #tpu.memory_space<vmem>> -> memref<40x96xbf16, #tpu.memory_space<vmem>>
    %dma_start3A_32 = arith.constant 0 : i32
    %dma_start3A_33 = arith.constant 0 : i32
    %dma_start3A_34 = tpu.memref_slice %arg2[%dma_start3A_32, %dma_start3A_33] : memref<10000x96xbf16, #tpu.memory_space<hbm>> -> memref<10000x96xbf16, #tpu.memory_space<hbm>>
    tpu.enqueue_indirect_dma source(%dma_start3A_34 : memref<10000x96xbf16, #tpu.memory_space<hbm>>) target(%dma_start3A_31 : memref<40x96xbf16, #tpu.memory_space<vmem>>) offsets(%arg21 : memref<40xi32, #tpu.memory_space<vmem>>) semaphore(%arg17 : memref<!tpu.dma_semaphore, #tpu.memory_space<semaphore_mem>>)
    %dma_start3A_35 = arith.constant 40 : i32
    %dma_start3A_36 = arith.constant 0 : i32
    %dma_start3A_37 = tpu.memref_slice %arg10[%dma_start3A_35, %dma_start3A_36] : memref<80x96xbf16, #tpu.memory_space<vmem>> -> memref<40x96xbf16, #tpu.memory_space<vmem>>
    %dma_start3A_38 = arith.constant 0 : i32
    %dma_start3A_39 = arith.constant 0 : i32
    %dma_start3A_40 = tpu.memref_slice %arg2[%dma_start3A_38, %dma_start3A_39] : memref<10000x96xbf16, #tpu.memory_space<hbm>> -> memref<10000x96xbf16, #tpu.memory_space<hbm>>
    tpu.enqueue_indirect_dma source(%dma_start3A_40 : memref<10000x96xbf16, #tpu.memory_space<hbm>>) target(%dma_start3A_37 : memref<40x96xbf16, #tpu.memory_space<vmem>>) offsets(%arg22 : memref<40xi32, #tpu.memory_space<vmem>>) semaphore(%arg17 : memref<!tpu.dma_semaphore, #tpu.memory_space<semaphore_mem>>)
    %dma_start3A_41 = arith.constant 0 : i32
    %dma_start3A_42 = arith.constant 0 : i32
    %dma_start3A_43 = tpu.memref_slice %arg3[%dma_start3A_41, %dma_start3A_42] : memref<10000x16xf32, #tpu.memory_space<hbm>> -> memref<10000x16xf32, #tpu.memory_space<hbm>>
    tpu.enqueue_indirect_dma source(%dma_start3A_43 : memref<10000x16xf32, #tpu.memory_space<hbm>>) target(%arg25 : memref<80x16xf32, #tpu.memory_space<vmem>>) offsets(%arg8 : memref<80xi32, #tpu.memory_space<vmem>>) semaphore(%arg13 : memref<!tpu.dma_semaphore, #tpu.memory_space<semaphore_mem>>)
    %dma_wait3A = arith.constant 0 : i32
    %dma_wait3A_44 = arith.constant 0 : i32
    %dma_wait3A_45 = tpu.memref_slice %arg10[%dma_wait3A, %dma_wait3A_44] : memref<80x96xbf16, #tpu.memory_space<vmem>> -> memref<40x96xbf16, #tpu.memory_space<vmem>>
    %dma_wait3A_46 = arith.constant 0 : i32
    %dma_wait3A_47 = arith.constant 0 : i32
    %dma_wait3A_48 = tpu.memref_slice %arg2[%dma_wait3A_46, %dma_wait3A_47] : memref<10000x96xbf16, #tpu.memory_space<hbm>> -> memref<10000x96xbf16, #tpu.memory_space<hbm>>
    tpu.wait_indirect_dma semaphore(%arg17 : memref<!tpu.dma_semaphore, #tpu.memory_space<semaphore_mem>>) src(%dma_wait3A_48 : memref<10000x96xbf16, #tpu.memory_space<hbm>>) dst(%dma_wait3A_45 : memref<40x96xbf16, #tpu.memory_space<vmem>>)
    %dma_wait3A_49 = arith.constant 40 : i32
    %dma_wait3A_50 = arith.constant 0 : i32
    %dma_wait3A_51 = tpu.memref_slice %arg10[%dma_wait3A_49, %dma_wait3A_50] : memref<80x96xbf16, #tpu.memory_space<vmem>> -> memref<40x96xbf16, #tpu.memory_space<vmem>>
    %dma_wait3A_52 = arith.constant 0 : i32
    %dma_wait3A_53 = arith.constant 0 : i32
    %dma_wait3A_54 = tpu.memref_slice %arg2[%dma_wait3A_52, %dma_wait3A_53] : memref<10000x96xbf16, #tpu.memory_space<hbm>> -> memref<10000x96xbf16, #tpu.memory_space<hbm>>
    tpu.wait_indirect_dma semaphore(%arg17 : memref<!tpu.dma_semaphore, #tpu.memory_space<semaphore_mem>>) src(%dma_wait3A_54 : memref<10000x96xbf16, #tpu.memory_space<hbm>>) dst(%dma_wait3A_51 : memref<40x96xbf16, #tpu.memory_space<vmem>>)
    %dma_wait3A_55 = arith.constant 0 : i32
    %dma_wait3A_56 = arith.constant 0 : i32
    %dma_wait3A_57 = tpu.memref_slice %arg3[%dma_wait3A_55, %dma_wait3A_56] : memref<10000x16xf32, #tpu.memory_space<hbm>> -> memref<10000x16xf32, #tpu.memory_space<hbm>>
    tpu.wait_indirect_dma semaphore(%arg13 : memref<!tpu.dma_semaphore, #tpu.memory_space<semaphore_mem>>) src(%dma_wait3A_57 : memref<10000x16xf32, #tpu.memory_space<hbm>>) dst(%arg25 : memref<80x16xf32, #tpu.memory_space<vmem>>)
    %parallel_loop3A = arith.constant 0 : i32
    %parallel_loop3A_58 = arith.constant 80 : i32
    %parallel_loop3A_59 = arith.constant 1 : i32
    %parallel_loop3A_60 = arith.constant -65536 : i32
    scf.for %parallel_loop3A_106 = %parallel_loop3A to %parallel_loop3A_58 step %parallel_loop3A_59  : i32 {
      %parallel_loop3A_107 = arith.index_cast %parallel_loop3A_106 : i32 to index
      %parallel_loop3A_108 = arith.constant 64 : index
      %parallel_loop3A_109 = tpu.vector_load %arg10[%parallel_loop3A_107, %parallel_loop3A_108] {strides = array<i32>} : memref<80x96xbf16, #tpu.memory_space<vmem>>, vector<32xbf16>,
      %parallel_loop3A_110 = vector.bitcast %parallel_loop3A_109 : vector<32xbf16> to vector<16xi32>
      %parallel_loop3A_111 = arith.constant 16 : i32
      %parallel_loop3A_112 = vector.broadcast %parallel_loop3A_111 : i32 to vector<16xi32>
      %parallel_loop3A_113 = arith.shli %parallel_loop3A_110, %parallel_loop3A_112 : vector<16xi32>
      %parallel_loop3A_114 = vector.bitcast %parallel_loop3A_113 : vector<16xi32> to vector<16xf32>
      %parallel_loop3A_115 = arith.index_cast %parallel_loop3A_106 : i32 to index
      %parallel_loop3A_116 = arith.constant 0 : index
      %parallel_loop3A_117 = tpu.vector_load %arg25[%parallel_loop3A_115, %parallel_loop3A_116] {strides = array<i32>} : memref<80x16xf32, #tpu.memory_space<vmem>>, vector<16xf32>,
      %parallel_loop3A_118 = arith.addf %parallel_loop3A_114, %parallel_loop3A_117 : vector<16xf32>
      %parallel_loop3A_119 = arith.constant 2.000000e-01 : f32
      %parallel_loop3A_120 = vector.broadcast %parallel_loop3A_119 : f32 to vector<16xf32>
      %parallel_loop3A_121 = arith.mulf %parallel_loop3A_120, %parallel_loop3A_118 : vector<16xf32>
      %parallel_loop3A_122 = arith.maximumf %parallel_loop3A_118, %parallel_loop3A_121 : vector<16xf32>
      %parallel_loop3A_123 = math.exp %parallel_loop3A_122 : vector<16xf32>
      %parallel_loop3A_124 = arith.index_cast %parallel_loop3A_106 : i32 to index
      %parallel_loop3A_125 = arith.constant 64 : index
      %parallel_loop3A_126 = tpu.vector_load %arg12[%parallel_loop3A_124, %parallel_loop3A_125] {strides = array<i32>} : memref<80x80xf32, #tpu.memory_space<vmem>>, vector<16xf32>,
      tpu.vector_store %arg12[%parallel_loop3A_124, %parallel_loop3A_125], %parallel_loop3A_123 {strides = array<i32>} : memref<80x80xf32, #tpu.memory_space<vmem>>, vector<16xf32>,
      %parallel_loop3A_127 = arith.index_cast %parallel_loop3A_106 : i32 to index
      %parallel_loop3A_128 = arith.constant 0 : index
      %parallel_loop3A_129 = tpu.vector_load %arg10[%parallel_loop3A_127, %parallel_loop3A_128] {strides = array<i32>} : memref<80x96xbf16, #tpu.memory_space<vmem>>, vector<32xbf16>,
      %parallel_loop3A_130 = vector.bitcast %parallel_loop3A_129 : vector<32xbf16> to vector<16xi32>
      %parallel_loop3A_131 = arith.constant 16 : i32
      %parallel_loop3A_132 = vector.broadcast %parallel_loop3A_131 : i32 to vector<16xi32>
      %parallel_loop3A_133 = arith.shli %parallel_loop3A_130, %parallel_loop3A_132 : vector<16xi32>
      %parallel_loop3A_134 = vector.bitcast %parallel_loop3A_133 : vector<16xi32> to vector<16xf32>
      %parallel_loop3A_135 = vector.broadcast %parallel_loop3A_60 : i32 to vector<16xi32>
      %parallel_loop3A_136 = arith.andi %parallel_loop3A_130, %parallel_loop3A_135 : vector<16xi32>
      %parallel_loop3A_137 = vector.bitcast %parallel_loop3A_136 : vector<16xi32> to vector<16xf32>
      %parallel_loop3A_138 = vector.extract_strided_slice %parallel_loop3A_123 {offsets = [0], sizes = [1], strides = [1]} : vector<16xf32> to vector<1xf32>
      %parallel_loop3A_139 = vector.extract %parallel_loop3A_138[0] : f32 from vector<1xf32>
      %parallel_loop3A_140 = vector.extract_strided_slice %parallel_loop3A_123 {offsets = [0], sizes = [1], strides = [1]} : vector<16xf32> to vector<1xf32>
      %parallel_loop3A_141 = vector.extract %parallel_loop3A_140[0] : f32 from vector<1xf32>
      %parallel_loop3A_142 = vector.broadcast %parallel_loop3A_139 : f32 to vector<16xf32>
      %parallel_loop3A_143 = arith.mulf %parallel_loop3A_134, %parallel_loop3A_142 : vector<16xf32>
      %parallel_loop3A_144 = arith.index_cast %parallel_loop3A_106 : i32 to index
      %parallel_loop3A_145 = arith.constant 0 : index
      %parallel_loop3A_146 = tpu.vector_load %arg12[%parallel_loop3A_144, %parallel_loop3A_145] {strides = array<i32>} : memref<80x80xf32, #tpu.memory_space<vmem>>, vector<16xf32>,
      tpu.vector_store %arg12[%parallel_loop3A_144, %parallel_loop3A_145], %parallel_loop3A_143 {strides = array<i32>} : memref<80x80xf32, #tpu.memory_space<vmem>>, vector<16xf32>,
      %parallel_loop3A_147 = vector.broadcast %parallel_loop3A_141 : f32 to vector<16xf32>
      %parallel_loop3A_148 = arith.mulf %parallel_loop3A_137, %parallel_loop3A_147 : vector<16xf32>
      %parallel_loop3A_149 = arith.index_cast %parallel_loop3A_106 : i32 to index
      %parallel_loop3A_150 = arith.constant 16 : index
      %parallel_loop3A_151 = tpu.vector_load %arg12[%parallel_loop3A_149, %parallel_loop3A_150] {strides = array<i32>} : memref<80x80xf32, #tpu.memory_space<vmem>>, vector<16xf32>,
      tpu.vector_store %arg12[%parallel_loop3A_149, %parallel_loop3A_150], %parallel_loop3A_148 {strides = array<i32>} : memref<80x80xf32, #tpu.memory_space<vmem>>, vector<16xf32>,
      %parallel_loop3A_152 = arith.index_cast %parallel_loop3A_106 : i32 to index
      %parallel_loop3A_153 = arith.constant 32 : index
      %parallel_loop3A_154 = tpu.vector_load %arg10[%parallel_loop3A_152, %parallel_loop3A_153] {strides = array<i32>} : memref<80x96xbf16, #tpu.memory_space<vmem>>, vector<32xbf16>,
      %parallel_loop3A_155 = vector.bitcast %parallel_loop3A_154 : vector<32xbf16> to vector<16xi32>
      %parallel_loop3A_156 = arith.constant 16 : i32
      %parallel_loop3A_157 = vector.broadcast %parallel_loop3A_156 : i32 to vector<16xi32>
      %parallel_loop3A_158 = arith.shli %parallel_loop3A_155, %parallel_loop3A_157 : vector<16xi32>
      %parallel_loop3A_159 = vector.bitcast %parallel_loop3A_158 : vector<16xi32> to vector<16xf32>
      %parallel_loop3A_160 = vector.broadcast %parallel_loop3A_60 : i32 to vector<16xi32>
      %parallel_loop3A_161 = arith.andi %parallel_loop3A_155, %parallel_loop3A_160 : vector<16xi32>
      %parallel_loop3A_162 = vector.bitcast %parallel_loop3A_161 : vector<16xi32> to vector<16xf32>
      %parallel_loop3A_163 = vector.extract_strided_slice %parallel_loop3A_123 {offsets = [0], sizes = [1], strides = [1]} : vector<16xf32> to vector<1xf32>
      %parallel_loop3A_164 = vector.extract %parallel_loop3A_163[0] : f32 from vector<1xf32>
      %parallel_loop3A_165 = vector.extract_strided_slice %parallel_loop3A_123 {offsets = [0], sizes = [1], strides = [1]} : vector<16xf32> to vector<1xf32>
      %parallel_loop3A_166 = vector.extract %parallel_loop3A_165[0] : f32 from vector<1xf32>
      %parallel_loop3A_167 = vector.broadcast %parallel_loop3A_164 : f32 to vector<16xf32>
      %parallel_loop3A_168 = arith.mulf %parallel_loop3A_159, %parallel_loop3A_167 : vector<16xf32>
      %parallel_loop3A_169 = arith.index_cast %parallel_loop3A_106 : i32 to index
      %parallel_loop3A_170 = arith.constant 32 : index
      %parallel_loop3A_171 = tpu.vector_load %arg12[%parallel_loop3A_169, %parallel_loop3A_170] {strides = array<i32>} : memref<80x80xf32, #tpu.memory_space<vmem>>, vector<16xf32>,
      tpu.vector_store %arg12[%parallel_loop3A_169, %parallel_loop3A_170], %parallel_loop3A_168 {strides = array<i32>} : memref<80x80xf32, #tpu.memory_space<vmem>>, vector<16xf32>,
      %parallel_loop3A_172 = vector.broadcast %parallel_loop3A_166 : f32 to vector<16xf32>
      %parallel_loop3A_173 = arith.mulf %parallel_loop3A_162, %parallel_loop3A_172 : vector<16xf32>
      %parallel_loop3A_174 = arith.index_cast %parallel_loop3A_106 : i32 to index
      %parallel_loop3A_175 = arith.constant 48 : index
      %parallel_loop3A_176 = tpu.vector_load %arg12[%parallel_loop3A_174, %parallel_loop3A_175] {strides = array<i32>} : memref<80x80xf32, #tpu.memory_space<vmem>>, vector<16xf32>,
      tpu.vector_store %arg12[%parallel_loop3A_174, %parallel_loop3A_175], %parallel_loop3A_173 {strides = array<i32>} : memref<80x80xf32, #tpu.memory_space<vmem>>, vector<16xf32>,
    } {sc.loop_unroll_factor = 2 : i64, sc.parallel_access}
    "tpu.region"() ({
      %run_scoped3A = tpu.sem_alloc : memref<!tpu.dma_semaphore, #tpu.memory_space<semaphore_mem>>
      %dma_start3A_106 = arith.constant 0 : i32
      %dma_start3A_107 = arith.constant 0 : i32
      %dma_start3A_108 = tpu.memref_slice %arg7[%dma_start3A_106, %dma_start3A_107] : memref<10000x80xf32, #tpu.memory_space<vmem_shared>> -> memref<10000x80xf32, #tpu.memory_space<vmem_shared>>
      tpu.enqueue_indirect_dma source(%arg12 : memref<80x80xf32, #tpu.memory_space<vmem>>) target(%dma_start3A_108 : memref<10000x80xf32, #tpu.memory_space<vmem_shared>>) offsets(%arg8 : memref<80xi32, #tpu.memory_space<vmem>>) semaphore(%run_scoped3A : memref<!tpu.dma_semaphore, #tpu.memory_space<semaphore_mem>>) {add = true}
      %dma_wait3A_109 = arith.constant 0 : i32
      %dma_wait3A_110 = arith.constant 0 : i32
      %dma_wait3A_111 = tpu.memref_slice %arg7[%dma_wait3A_109, %dma_wait3A_110] : memref<10000x80xf32, #tpu.memory_space<vmem_shared>> -> memref<10000x80xf32, #tpu.memory_space<vmem_shared>>
      tpu.wait_indirect_dma semaphore(%run_scoped3A : memref<!tpu.dma_semaphore, #tpu.memory_space<semaphore_mem>>) src(%arg12 : memref<80x80xf32, #tpu.memory_space<vmem>>) dst(%dma_wait3A_111 : memref<10000x80xf32, #tpu.memory_space<vmem_shared>>)
      tpu.yield
    }) : () -> ()
    %add3A_61 = arith.constant 80 : i32
    %add3A_62 = arith.addi %mul3A_25, %add3A_61 : i32
    "tpu.region"() ({
      %run_scoped3A = tpu.sem_alloc : memref<!tpu.dma_semaphore, #tpu.memory_space<semaphore_mem>>
      %dma_start3A_106 = tpu.memref_slice %arg4[%add3A_62] : memref<320000xi32, #tpu.memory_space<hbm>> -> memref<40xi32, #tpu.memory_space<hbm>>
      %dma_start3A_107 = tpu.memref_slice %arg4[%add3A_62] : memref<320000xi32, #tpu.memory_space<hbm>> -> memref<40xi32, #tpu.memory_space<hbm>>
      tpu.enqueue_dma source(%dma_start3A_107 : memref<40xi32, #tpu.memory_space<hbm>>) target(%arg21 : memref<40xi32, #tpu.memory_space<vmem>>) target_semaphore(%run_scoped3A : memref<!tpu.dma_semaphore, #tpu.memory_space<semaphore_mem>>)
      %dma_wait3A_108 = tpu.memref_slice %arg4[%add3A_62] : memref<320000xi32, #tpu.memory_space<hbm>> -> memref<40xi32, #tpu.memory_space<hbm>>
      %dma_wait3A_109 = tpu.memref_slice %arg4[%add3A_62] : memref<320000xi32, #tpu.memory_space<hbm>> -> memref<40xi32, #tpu.memory_space<hbm>>
      tpu.wait_dma2 semaphore(%run_scoped3A : memref<!tpu.dma_semaphore, #tpu.memory_space<semaphore_mem>>) src(%dma_wait3A_109 : memref<40xi32, #tpu.memory_space<hbm>>) dst(%arg21 : memref<40xi32, #tpu.memory_space<vmem>>)
      tpu.yield
    }) : () -> ()
    %add3A_63 = arith.constant 40 : i32
    %add3A_64 = arith.addi %add3A_62, %add3A_63 : i32
    "tpu.region"() ({
      %run_scoped3A = tpu.sem_alloc : memref<!tpu.dma_semaphore, #tpu.memory_space<semaphore_mem>>
      %dma_start3A_106 = tpu.memref_slice %arg4[%add3A_64] : memref<320000xi32, #tpu.memory_space<hbm>> -> memref<40xi32, #tpu.memory_space<hbm>>
      %dma_start3A_107 = tpu.memref_slice %arg4[%add3A_64] : memref<320000xi32, #tpu.memory_space<hbm>> -> memref<40xi32, #tpu.memory_space<hbm>>
      tpu.enqueue_dma source(%dma_start3A_107 : memref<40xi32, #tpu.memory_space<hbm>>) target(%arg22 : memref<40xi32, #tpu.memory_space<vmem>>) target_semaphore(%run_scoped3A : memref<!tpu.dma_semaphore, #tpu.memory_space<semaphore_mem>>)
      %dma_wait3A_108 = tpu.memref_slice %arg4[%add3A_64] : memref<320000xi32, #tpu.memory_space<hbm>> -> memref<40xi32, #tpu.memory_space<hbm>>
      %dma_wait3A_109 = tpu.memref_slice %arg4[%add3A_64] : memref<320000xi32, #tpu.memory_space<hbm>> -> memref<40xi32, #tpu.memory_space<hbm>>
      tpu.wait_dma2 semaphore(%run_scoped3A : memref<!tpu.dma_semaphore, #tpu.memory_space<semaphore_mem>>) src(%dma_wait3A_109 : memref<40xi32, #tpu.memory_space<hbm>>) dst(%arg22 : memref<40xi32, #tpu.memory_space<vmem>>)
      tpu.yield
    }) : () -> ()
    "tpu.region"() ({
      %run_scoped3A = tpu.sem_alloc : memref<!tpu.dma_semaphore, #tpu.memory_space<semaphore_mem>>
      %dma_start3A_106 = tpu.memref_slice %arg5[%add3A_62] : memref<320000xi32, #tpu.memory_space<hbm>> -> memref<80xi32, #tpu.memory_space<hbm>>
      %dma_start3A_107 = tpu.memref_slice %arg5[%add3A_62] : memref<320000xi32, #tpu.memory_space<hbm>> -> memref<80xi32, #tpu.memory_space<hbm>>
      tpu.enqueue_dma source(%dma_start3A_107 : memref<80xi32, #tpu.memory_space<hbm>>) target(%arg8 : memref<80xi32, #tpu.memory_space<vmem>>) target_semaphore(%run_scoped3A : memref<!tpu.dma_semaphore, #tpu.memory_space<semaphore_mem>>)
      %dma_wait3A_108 = tpu.memref_slice %arg5[%add3A_62] : memref<320000xi32, #tpu.memory_space<hbm>> -> memref<80xi32, #tpu.memory_space<hbm>>
      %dma_wait3A_109 = tpu.memref_slice %arg5[%add3A_62] : memref<320000xi32, #tpu.memory_space<hbm>> -> memref<80xi32, #tpu.memory_space<hbm>>
      tpu.wait_dma2 semaphore(%run_scoped3A : memref<!tpu.dma_semaphore, #tpu.memory_space<semaphore_mem>>) src(%dma_wait3A_109 : memref<80xi32, #tpu.memory_space<hbm>>) dst(%arg8 : memref<80xi32, #tpu.memory_space<vmem>>)
      tpu.yield
    }) : () -> ()
    %dma_start3A_65 = arith.constant 0 : i32
    %dma_start3A_66 = arith.constant 0 : i32
    %dma_start3A_67 = tpu.memref_slice %arg10[%dma_start3A_65, %dma_start3A_66] : memref<80x96xbf16, #tpu.memory_space<vmem>> -> memref<40x96xbf16, #tpu.memory_space<vmem>>
    %dma_start3A_68 = arith.constant 0 : i32
    %dma_start3A_69 = arith.constant 0 : i32
    %dma_start3A_70 = tpu.memref_slice %arg2[%dma_start3A_68, %dma_start3A_69] : memref<10000x96xbf16, #tpu.memory_space<hbm>> -> memref<10000x96xbf16, #tpu.memory_space<hbm>>
    tpu.enqueue_indirect_dma source(%dma_start3A_70 : memref<10000x96xbf16, #tpu.memory_space<hbm>>) target(%dma_start3A_67 : memref<40x96xbf16, #tpu.memory_space<vmem>>) offsets(%arg21 : memref<40xi32, #tpu.memory_space<vmem>>) semaphore(%arg17 : memref<!tpu.dma_semaphore, #tpu.memory_space<semaphore_mem>>)
    %dma_start3A_71 = arith.constant 40 : i32
    %dma_start3A_72 = arith.constant 0 : i32
    %dma_start3A_73 = tpu.memref_slice %arg10[%dma_start3A_71, %dma_start3A_72] : memref<80x96xbf16, #tpu.memory_space<vmem>> -> memref<40x96xbf16, #tpu.memory_space<vmem>>
    %dma_start3A_74 = arith.constant 0 : i32
    %dma_start3A_75 = arith.constant 0 : i32
    %dma_start3A_76 = tpu.memref_slice %arg2[%dma_start3A_74, %dma_start3A_75] : memref<10000x96xbf16, #tpu.memory_space<hbm>> -> memref<10000x96xbf16, #tpu.memory_space<hbm>>
    tpu.enqueue_indirect_dma source(%dma_start3A_76 : memref<10000x96xbf16, #tpu.memory_space<hbm>>) target(%dma_start3A_73 : memref<40x96xbf16, #tpu.memory_space<vmem>>) offsets(%arg22 : memref<40xi32, #tpu.memory_space<vmem>>) semaphore(%arg17 : memref<!tpu.dma_semaphore, #tpu.memory_space<semaphore_mem>>)
    %dma_start3A_77 = arith.constant 0 : i32
    %dma_start3A_78 = arith.constant 0 : i32
    %dma_start3A_79 = tpu.memref_slice %arg3[%dma_start3A_77, %dma_start3A_78] : memref<10000x16xf32, #tpu.memory_space<hbm>> -> memref<10000x16xf32, #tpu.memory_space<hbm>>
    tpu.enqueue_indirect_dma source(%dma_start3A_79 : memref<10000x16xf32, #tpu.memory_space<hbm>>) target(%arg25 : memref<80x16xf32, #tpu.memory_space<vmem>>) offsets(%arg8 : memref<80xi32, #tpu.memory_space<vmem>>) semaphore(%arg13 : memref<!tpu.dma_semaphore, #tpu.memory_space<semaphore_mem>>)
    %dma_wait3A_80 = arith.constant 0 : i32
    %dma_wait3A_81 = arith.constant 0 : i32
    %dma_wait3A_82 = tpu.memref_slice %arg10[%dma_wait3A_80, %dma_wait3A_81] : memref<80x96xbf16, #tpu.memory_space<vmem>> -> memref<40x96xbf16, #tpu.memory_space<vmem>>
    %dma_wait3A_83 = arith.constant 0 : i32
    %dma_wait3A_84 = arith.constant 0 : i32
    %dma_wait3A_85 = tpu.memref_slice %arg2[%dma_wait3A_83, %dma_wait3A_84] : memref<10000x96xbf16, #tpu.memory_space<hbm>> -> memref<10000x96xbf16, #tpu.memory_space<hbm>>
    tpu.wait_indirect_dma semaphore(%arg17 : memref<!tpu.dma_semaphore, #tpu.memory_space<semaphore_mem>>) src(%dma_wait3A_85 : memref<10000x96xbf16, #tpu.memory_space<hbm>>) dst(%dma_wait3A_82 : memref<40x96xbf16, #tpu.memory_space<vmem>>)
    %dma_wait3A_86 = arith.constant 40 : i32
    %dma_wait3A_87 = arith.constant 0 : i32
    %dma_wait3A_88 = tpu.memref_slice %arg10[%dma_wait3A_86, %dma_wait3A_87] : memref<80x96xbf16, #tpu.memory_space<vmem>> -> memref<40x96xbf16, #tpu.memory_space<vmem>>
    %dma_wait3A_89 = arith.constant 0 : i32
    %dma_wait3A_90 = arith.constant 0 : i32
    %dma_wait3A_91 = tpu.memref_slice %arg2[%dma_wait3A_89, %dma_wait3A_90] : memref<10000x96xbf16, #tpu.memory_space<hbm>> -> memref<10000x96xbf16, #tpu.memory_space<hbm>>
    tpu.wait_indirect_dma semaphore(%arg17 : memref<!tpu.dma_semaphore, #tpu.memory_space<semaphore_mem>>) src(%dma_wait3A_91 : memref<10000x96xbf16, #tpu.memory_space<hbm>>) dst(%dma_wait3A_88 : memref<40x96xbf16, #tpu.memory_space<vmem>>)
    %dma_wait3A_92 = arith.constant 0 : i32
    %dma_wait3A_93 = arith.constant 0 : i32
    %dma_wait3A_94 = tpu.memref_slice %arg3[%dma_wait3A_92, %dma_wait3A_93] : memref<10000x16xf32, #tpu.memory_space<hbm>> -> memref<10000x16xf32, #tpu.memory_space<hbm>>
    tpu.wait_indirect_dma semaphore(%arg13 : memref<!tpu.dma_semaphore, #tpu.memory_space<semaphore_mem>>) src(%dma_wait3A_94 : memref<10000x16xf32, #tpu.memory_space<hbm>>) dst(%arg25 : memref<80x16xf32, #tpu.memory_space<vmem>>)
    %add3A_95 = arith.constant 160 : i32
    %add3A_96 = arith.addi %mul3A_25, %add3A_95 : i32
    "tpu.region"() ({
      %run_scoped3A = tpu.sem_alloc : memref<!tpu.dma_semaphore, #tpu.memory_space<semaphore_mem>>
      %dma_start3A_106 = tpu.memref_slice %arg4[%add3A_96] : memref<320000xi32, #tpu.memory_space<hbm>> -> memref<40xi32, #tpu.memory_space<hbm>>
      %dma_start3A_107 = tpu.memref_slice %arg4[%add3A_96] : memref<320000xi32, #tpu.memory_space<hbm>> -> memref<40xi32, #tpu.memory_space<hbm>>
      tpu.enqueue_dma source(%dma_start3A_107 : memref<40xi32, #tpu.memory_space<hbm>>) target(%arg23 : memref<40xi32, #tpu.memory_space<vmem>>) target_semaphore(%run_scoped3A : memref<!tpu.dma_semaphore, #tpu.memory_space<semaphore_mem>>)
      %dma_wait3A_108 = tpu.memref_slice %arg4[%add3A_96] : memref<320000xi32, #tpu.memory_space<hbm>> -> memref<40xi32, #tpu.memory_space<hbm>>
      %dma_wait3A_109 = tpu.memref_slice %arg4[%add3A_96] : memref<320000xi32, #tpu.memory_space<hbm>> -> memref<40xi32, #tpu.memory_space<hbm>>
      tpu.wait_dma2 semaphore(%run_scoped3A : memref<!tpu.dma_semaphore, #tpu.memory_space<semaphore_mem>>) src(%dma_wait3A_109 : memref<40xi32, #tpu.memory_space<hbm>>) dst(%arg23 : memref<40xi32, #tpu.memory_space<vmem>>)
      tpu.yield
    }) : () -> ()
    %add3A_97 = arith.constant 40 : i32
    %add3A_98 = arith.addi %add3A_96, %add3A_97 : i32
    "tpu.region"() ({
      %run_scoped3A = tpu.sem_alloc : memref<!tpu.dma_semaphore, #tpu.memory_space<semaphore_mem>>
      %dma_start3A_106 = tpu.memref_slice %arg4[%add3A_98] : memref<320000xi32, #tpu.memory_space<hbm>> -> memref<40xi32, #tpu.memory_space<hbm>>
      %dma_start3A_107 = tpu.memref_slice %arg4[%add3A_98] : memref<320000xi32, #tpu.memory_space<hbm>> -> memref<40xi32, #tpu.memory_space<hbm>>
      tpu.enqueue_dma source(%dma_start3A_107 : memref<40xi32, #tpu.memory_space<hbm>>) target(%arg24 : memref<40xi32, #tpu.memory_space<vmem>>) target_semaphore(%run_scoped3A : memref<!tpu.dma_semaphore, #tpu.memory_space<semaphore_mem>>)
      %dma_wait3A_108 = tpu.memref_slice %arg4[%add3A_98] : memref<320000xi32, #tpu.memory_space<hbm>> -> memref<40xi32, #tpu.memory_space<hbm>>
      %dma_wait3A_109 = tpu.memref_slice %arg4[%add3A_98] : memref<320000xi32, #tpu.memory_space<hbm>> -> memref<40xi32, #tpu.memory_space<hbm>>
      tpu.wait_dma2 semaphore(%run_scoped3A : memref<!tpu.dma_semaphore, #tpu.memory_space<semaphore_mem>>) src(%dma_wait3A_109 : memref<40xi32, #tpu.memory_space<hbm>>) dst(%arg24 : memref<40xi32, #tpu.memory_space<vmem>>)
      tpu.yield
    }) : () -> ()
    "tpu.region"() ({
      %run_scoped3A = tpu.sem_alloc : memref<!tpu.dma_semaphore, #tpu.memory_space<semaphore_mem>>
      %dma_start3A_106 = tpu.memref_slice %arg5[%add3A_96] : memref<320000xi32, #tpu.memory_space<hbm>> -> memref<80xi32, #tpu.memory_space<hbm>>
      %dma_start3A_107 = tpu.memref_slice %arg5[%add3A_96] : memref<320000xi32, #tpu.memory_space<hbm>> -> memref<80xi32, #tpu.memory_space<hbm>>
      tpu.enqueue_dma source(%dma_start3A_107 : memref<80xi32, #tpu.memory_space<hbm>>) target(%arg9 : memref<80xi32, #tpu.memory_space<vmem>>) target_semaphore(%run_scoped3A : memref<!tpu.dma_semaphore, #tpu.memory_space<semaphore_mem>>)
      %dma_wait3A_108 = tpu.memref_slice %arg5[%add3A_96] : memref<320000xi32, #tpu.memory_space<hbm>> -> memref<80xi32, #tpu.memory_space<hbm>>
      %dma_wait3A_109 = tpu.memref_slice %arg5[%add3A_96] : memref<320000xi32, #tpu.memory_space<hbm>> -> memref<80xi32, #tpu.memory_space<hbm>>
      tpu.wait_dma2 semaphore(%run_scoped3A : memref<!tpu.dma_semaphore, #tpu.memory_space<semaphore_mem>>) src(%dma_wait3A_109 : memref<80xi32, #tpu.memory_space<hbm>>) dst(%arg9 : memref<80xi32, #tpu.memory_space<vmem>>)
      tpu.yield
    }) : () -> ()
    %scan3A_99 = arith.constant 0 : i32
    %scan3A_100 = arith.constant 0 : i32
    %scan3A_101 = arith.constant 62 : i32
    %scan3A_102 = arith.addi %scan3A_100, %scan3A_101 : i32
    %scan3A_103 = arith.constant 1 : i32
    scf.for %scan3A_106 = %scan3A_100 to %scan3A_102 step %scan3A_103  : i32 {
      %mul3A_107 = arith.constant 2 : i32
      %mul3A_108 = arith.muli %mul3A_107, %scan3A_106 : i32
      %add3A_109 = arith.constant 1 : i32
      %add3A_110 = arith.addi %add3A_109, %mul3A_108 : i32
      %dma_start3A_111 = arith.constant 0 : i32
      %dma_start3A_112 = arith.constant 0 : i32
      %dma_start3A_113 = tpu.memref_slice %arg11[%dma_start3A_111, %dma_start3A_112] : memref<80x96xbf16, #tpu.memory_space<vmem>> -> memref<40x96xbf16, #tpu.memory_space<vmem>>
      %dma_start3A_114 = arith.constant 0 : i32
      %dma_start3A_115 = arith.constant 0 : i32
      %dma_start3A_116 = tpu.memref_slice %arg2[%dma_start3A_114, %dma_start3A_115] : memref<10000x96xbf16, #tpu.memory_space<hbm>> -> memref<10000x96xbf16, #tpu.memory_space<hbm>>
      tpu.enqueue_indirect_dma source(%dma_start3A_116 : memref<10000x96xbf16, #tpu.memory_space<hbm>>) target(%dma_start3A_113 : memref<40x96xbf16, #tpu.memory_space<vmem>>) offsets(%arg23 : memref<40xi32, #tpu.memory_space<vmem>>) semaphore(%arg18 : memref<!tpu.dma_semaphore, #tpu.memory_space<semaphore_mem>>)
      %dma_start3A_117 = arith.constant 40 : i32
      %dma_start3A_118 = arith.constant 0 : i32
      %dma_start3A_119 = tpu.memref_slice %arg11[%dma_start3A_117, %dma_start3A_118] : memref<80x96xbf16, #tpu.memory_space<vmem>> -> memref<40x96xbf16, #tpu.memory_space<vmem>>
      %dma_start3A_120 = arith.constant 0 : i32
      %dma_start3A_121 = arith.constant 0 : i32
      %dma_start3A_122 = tpu.memref_slice %arg2[%dma_start3A_120, %dma_start3A_121] : memref<10000x96xbf16, #tpu.memory_space<hbm>> -> memref<10000x96xbf16, #tpu.memory_space<hbm>>
      tpu.enqueue_indirect_dma source(%dma_start3A_122 : memref<10000x96xbf16, #tpu.memory_space<hbm>>) target(%dma_start3A_119 : memref<40x96xbf16, #tpu.memory_space<vmem>>) offsets(%arg24 : memref<40xi32, #tpu.memory_space<vmem>>) semaphore(%arg18 : memref<!tpu.dma_semaphore, #tpu.memory_space<semaphore_mem>>)
      %dma_start3A_123 = arith.constant 0 : i32
      %dma_start3A_124 = arith.constant 0 : i32
      %dma_start3A_125 = tpu.memref_slice %arg3[%dma_start3A_123, %dma_start3A_124] : memref<10000x16xf32, #tpu.memory_space<hbm>> -> memref<10000x16xf32, #tpu.memory_space<hbm>>
      tpu.enqueue_indirect_dma source(%dma_start3A_125 : memref<10000x16xf32, #tpu.memory_space<hbm>>) target(%arg26 : memref<80x16xf32, #tpu.memory_space<vmem>>) offsets(%arg9 : memref<80xi32, #tpu.memory_space<vmem>>) semaphore(%arg14 : memref<!tpu.dma_semaphore, #tpu.memory_space<semaphore_mem>>)
      %parallel_loop3A_126 = arith.constant 0 : i32
      %parallel_loop3A_127 = arith.constant 80 : i32
      %parallel_loop3A_128 = arith.constant 1 : i32
      %parallel_loop3A_129 = arith.constant -65536 : i32
      scf.for %parallel_loop3A_220 = %parallel_loop3A_126 to %parallel_loop3A_127 step %parallel_loop3A_128  : i32 {
        %parallel_loop3A_221 = arith.index_cast %parallel_loop3A_220 : i32 to index
        %parallel_loop3A_222 = arith.constant 64 : index
        %parallel_loop3A_223 = tpu.vector_load %arg10[%parallel_loop3A_221, %parallel_loop3A_222] {strides = array<i32>} : memref<80x96xbf16, #tpu.memory_space<vmem>>, vector<32xbf16>,
        %parallel_loop3A_224 = vector.bitcast %parallel_loop3A_223 : vector<32xbf16> to vector<16xi32>
        %parallel_loop3A_225 = arith.constant 16 : i32
        %parallel_loop3A_226 = vector.broadcast %parallel_loop3A_225 : i32 to vector<16xi32>
        %parallel_loop3A_227 = arith.shli %parallel_loop3A_224, %parallel_loop3A_226 : vector<16xi32>
        %parallel_loop3A_228 = vector.bitcast %parallel_loop3A_227 : vector<16xi32> to vector<16xf32>
        %parallel_loop3A_229 = arith.index_cast %parallel_loop3A_220 : i32 to index
        %parallel_loop3A_230 = arith.constant 0 : index
        %parallel_loop3A_231 = tpu.vector_load %arg25[%parallel_loop3A_229, %parallel_loop3A_230] {strides = array<i32>} : memref<80x16xf32, #tpu.memory_space<vmem>>, vector<16xf32>,
        %parallel_loop3A_232 = arith.addf %parallel_loop3A_228, %parallel_loop3A_231 : vector<16xf32>
        %parallel_loop3A_233 = arith.constant 2.000000e-01 : f32
        %parallel_loop3A_234 = vector.broadcast %parallel_loop3A_233 : f32 to vector<16xf32>
        %parallel_loop3A_235 = arith.mulf %parallel_loop3A_234, %parallel_loop3A_232 : vector<16xf32>
        %parallel_loop3A_236 = arith.maximumf %parallel_loop3A_232, %parallel_loop3A_235 : vector<16xf32>
        %parallel_loop3A_237 = math.exp %parallel_loop3A_236 : vector<16xf32>
        %parallel_loop3A_238 = arith.index_cast %parallel_loop3A_220 : i32 to index
        %parallel_loop3A_239 = arith.constant 64 : index
        %parallel_loop3A_240 = tpu.vector_load %arg12[%parallel_loop3A_238, %parallel_loop3A_239] {strides = array<i32>} : memref<80x80xf32, #tpu.memory_space<vmem>>, vector<16xf32>,
        tpu.vector_store %arg12[%parallel_loop3A_238, %parallel_loop3A_239], %parallel_loop3A_237 {strides = array<i32>} : memref<80x80xf32, #tpu.memory_space<vmem>>, vector<16xf32>,
        %parallel_loop3A_241 = arith.index_cast %parallel_loop3A_220 : i32 to index
        %parallel_loop3A_242 = arith.constant 0 : index
        %parallel_loop3A_243 = tpu.vector_load %arg10[%parallel_loop3A_241, %parallel_loop3A_242] {strides = array<i32>} : memref<80x96xbf16, #tpu.memory_space<vmem>>, vector<32xbf16>,
        %parallel_loop3A_244 = vector.bitcast %parallel_loop3A_243 : vector<32xbf16> to vector<16xi32>
        %parallel_loop3A_245 = arith.constant 16 : i32
        %parallel_loop3A_246 = vector.broadcast %parallel_loop3A_245 : i32 to vector<16xi32>
        %parallel_loop3A_247 = arith.shli %parallel_loop3A_244, %parallel_loop3A_246 : vector<16xi32>
        %parallel_loop3A_248 = vector.bitcast %parallel_loop3A_247 : vector<16xi32> to vector<16xf32>
        %parallel_loop3A_249 = vector.broadcast %parallel_loop3A_129 : i32 to vector<16xi32>
        %parallel_loop3A_250 = arith.andi %parallel_loop3A_244, %parallel_loop3A_249 : vector<16xi32>
        %parallel_loop3A_251 = vector.bitcast %parallel_loop3A_250 : vector<16xi32> to vector<16xf32>
        %parallel_loop3A_252 = vector.extract_strided_slice %parallel_loop3A_237 {offsets = [0], sizes = [1], strides = [1]} : vector<16xf32> to vector<1xf32>
        %parallel_loop3A_253 = vector.extract %parallel_loop3A_252[0] : f32 from vector<1xf32>
        %parallel_loop3A_254 = vector.extract_strided_slice %parallel_loop3A_237 {offsets = [0], sizes = [1], strides = [1]} : vector<16xf32> to vector<1xf32>
        %parallel_loop3A_255 = vector.extract %parallel_loop3A_254[0] : f32 from vector<1xf32>
        %parallel_loop3A_256 = vector.broadcast %parallel_loop3A_253 : f32 to vector<16xf32>
        %parallel_loop3A_257 = arith.mulf %parallel_loop3A_248, %parallel_loop3A_256 : vector<16xf32>
        %parallel_loop3A_258 = arith.index_cast %parallel_loop3A_220 : i32 to index
        %parallel_loop3A_259 = arith.constant 0 : index
        %parallel_loop3A_260 = tpu.vector_load %arg12[%parallel_loop3A_258, %parallel_loop3A_259] {strides = array<i32>} : memref<80x80xf32, #tpu.memory_space<vmem>>, vector<16xf32>,
        tpu.vector_store %arg12[%parallel_loop3A_258, %parallel_loop3A_259], %parallel_loop3A_257 {strides = array<i32>} : memref<80x80xf32, #tpu.memory_space<vmem>>, vector<16xf32>,
        %parallel_loop3A_261 = vector.broadcast %parallel_loop3A_255 : f32 to vector<16xf32>
        %parallel_loop3A_262 = arith.mulf %parallel_loop3A_251, %parallel_loop3A_261 : vector<16xf32>
        %parallel_loop3A_263 = arith.index_cast %parallel_loop3A_220 : i32 to index
        %parallel_loop3A_264 = arith.constant 16 : index
        %parallel_loop3A_265 = tpu.vector_load %arg12[%parallel_loop3A_263, %parallel_loop3A_264] {strides = array<i32>} : memref<80x80xf32, #tpu.memory_space<vmem>>, vector<16xf32>,
        tpu.vector_store %arg12[%parallel_loop3A_263, %parallel_loop3A_264], %parallel_loop3A_262 {strides = array<i32>} : memref<80x80xf32, #tpu.memory_space<vmem>>, vector<16xf32>,
        %parallel_loop3A_266 = arith.index_cast %parallel_loop3A_220 : i32 to index
        %parallel_loop3A_267 = arith.constant 32 : index
        %parallel_loop3A_268 = tpu.vector_load %arg10[%parallel_loop3A_266, %parallel_loop3A_267] {strides = array<i32>} : memref<80x96xbf16, #tpu.memory_space<vmem>>, vector<32xbf16>,
        %parallel_loop3A_269 = vector.bitcast %parallel_loop3A_268 : vector<32xbf16> to vector<16xi32>
        %parallel_loop3A_270 = arith.constant 16 : i32
        %parallel_loop3A_271 = vector.broadcast %parallel_loop3A_270 : i32 to vector<16xi32>
        %parallel_loop3A_272 = arith.shli %parallel_loop3A_269, %parallel_loop3A_271 : vector<16xi32>
        %parallel_loop3A_273 = vector.bitcast %parallel_loop3A_272 : vector<16xi32> to vector<16xf32>
        %parallel_loop3A_274 = vector.broadcast %parallel_loop3A_129 : i32 to vector<16xi32>
        %parallel_loop3A_275 = arith.andi %parallel_loop3A_269, %parallel_loop3A_274 : vector<16xi32>
        %parallel_loop3A_276 = vector.bitcast %parallel_loop3A_275 : vector<16xi32> to vector<16xf32>
        %parallel_loop3A_277 = vector.extract_strided_slice %parallel_loop3A_237 {offsets = [0], sizes = [1], strides = [1]} : vector<16xf32> to vector<1xf32>
        %parallel_loop3A_278 = vector.extract %parallel_loop3A_277[0] : f32 from vector<1xf32>
        %parallel_loop3A_279 = vector.extract_strided_slice %parallel_loop3A_237 {offsets = [0], sizes = [1], strides = [1]} : vector<16xf32> to vector<1xf32>
        %parallel_loop3A_280 = vector.extract %parallel_loop3A_279[0] : f32 from vector<1xf32>
        %parallel_loop3A_281 = vector.broadcast %parallel_loop3A_278 : f32 to vector<16xf32>
        %parallel_loop3A_282 = arith.mulf %parallel_loop3A_273, %parallel_loop3A_281 : vector<16xf32>
        %parallel_loop3A_283 = arith.index_cast %parallel_loop3A_220 : i32 to index
        %parallel_loop3A_284 = arith.constant 32 : index
        %parallel_loop3A_285 = tpu.vector_load %arg12[%parallel_loop3A_283, %parallel_loop3A_284] {strides = array<i32>} : memref<80x80xf32, #tpu.memory_space<vmem>>, vector<16xf32>,
        tpu.vector_store %arg12[%parallel_loop3A_283, %parallel_loop3A_284], %parallel_loop3A_282 {strides = array<i32>} : memref<80x80xf32, #tpu.memory_space<vmem>>, vector<16xf32>,
        %parallel_loop3A_286 = vector.broadcast %parallel_loop3A_280 : f32 to vector<16xf32>
        %parallel_loop3A_287 = arith.mulf %parallel_loop3A_276, %parallel_loop3A_286 : vector<16xf32>
        %parallel_loop3A_288 = arith.index_cast %parallel_loop3A_220 : i32 to index
        %parallel_loop3A_289 = arith.constant 48 : index
        %parallel_loop3A_290 = tpu.vector_load %arg12[%parallel_loop3A_288, %parallel_loop3A_289] {strides = array<i32>} : memref<80x80xf32, #tpu.memory_space<vmem>>, vector<16xf32>,
        tpu.vector_store %arg12[%parallel_loop3A_288, %parallel_loop3A_289], %parallel_loop3A_287 {strides = array<i32>} : memref<80x80xf32, #tpu.memory_space<vmem>>, vector<16xf32>,
      } {sc.loop_unroll_factor = 2 : i64, sc.parallel_access}
      "tpu.region"() ({
        %run_scoped3A = tpu.sem_alloc : memref<!tpu.dma_semaphore, #tpu.memory_space<semaphore_mem>>
        %dma_start3A_220 = arith.constant 0 : i32
        %dma_start3A_221 = arith.constant 0 : i32
        %dma_start3A_222 = tpu.memref_slice %arg7[%dma_start3A_220, %dma_start3A_221] : memref<10000x80xf32, #tpu.memory_space<vmem_shared>> -> memref<10000x80xf32, #tpu.memory_space<vmem_shared>>
        tpu.enqueue_indirect_dma source(%arg12 : memref<80x80xf32, #tpu.memory_space<vmem>>) target(%dma_start3A_222 : memref<10000x80xf32, #tpu.memory_space<vmem_shared>>) offsets(%arg8 : memref<80xi32, #tpu.memory_space<vmem>>) semaphore(%run_scoped3A : memref<!tpu.dma_semaphore, #tpu.memory_space<semaphore_mem>>) {add = true}
        %dma_wait3A_223 = arith.constant 0 : i32
        %dma_wait3A_224 = arith.constant 0 : i32
        %dma_wait3A_225 = tpu.memref_slice %arg7[%dma_wait3A_223, %dma_wait3A_224] : memref<10000x80xf32, #tpu.memory_space<vmem_shared>> -> memref<10000x80xf32, #tpu.memory_space<vmem_shared>>
        tpu.wait_indirect_dma semaphore(%run_scoped3A : memref<!tpu.dma_semaphore, #tpu.memory_space<semaphore_mem>>) src(%arg12 : memref<80x80xf32, #tpu.memory_space<vmem>>) dst(%dma_wait3A_225 : memref<10000x80xf32, #tpu.memory_space<vmem_shared>>)
        tpu.yield
      }) : () -> ()
      %add3A_130 = arith.constant 2 : i32
      %add3A_131 = arith.addi %add3A_110, %add3A_130 : i32
      %min3A = arith.constant 124 : i32
      %min3A_132 = arith.minsi %add3A_131, %min3A : i32
      %mul3A_133 = arith.constant 80 : i32
      %mul3A_134 = arith.muli %min3A_132, %mul3A_133 : i32
      %add3A_135 = arith.addi %mul3A_25, %mul3A_134 : i32
      %dma_start3A_136 = tpu.memref_slice %arg4[%add3A_135] : memref<320000xi32, #tpu.memory_space<hbm>> -> memref<40xi32, #tpu.memory_space<hbm>>
      %dma_start3A_137 = tpu.memref_slice %arg4[%add3A_135] : memref<320000xi32, #tpu.memory_space<hbm>> -> memref<40xi32, #tpu.memory_space<hbm>>
      tpu.enqueue_dma source(%dma_start3A_137 : memref<40xi32, #tpu.memory_space<hbm>>) target(%arg21 : memref<40xi32, #tpu.memory_space<vmem>>) target_semaphore(%arg19 : memref<!tpu.dma_semaphore, #tpu.memory_space<semaphore_mem>>)
      %add3A_138 = arith.constant 40 : i32
      %add3A_139 = arith.addi %add3A_135, %add3A_138 : i32
      %dma_start3A_140 = tpu.memref_slice %arg4[%add3A_139] : memref<320000xi32, #tpu.memory_space<hbm>> -> memref<40xi32, #tpu.memory_space<hbm>>
      %dma_start3A_141 = tpu.memref_slice %arg4[%add3A_139] : memref<320000xi32, #tpu.memory_space<hbm>> -> memref<40xi32, #tpu.memory_space<hbm>>
      tpu.enqueue_dma source(%dma_start3A_141 : memref<40xi32, #tpu.memory_space<hbm>>) target(%arg22 : memref<40xi32, #tpu.memory_space<vmem>>) target_semaphore(%arg19 : memref<!tpu.dma_semaphore, #tpu.memory_space<semaphore_mem>>)
      %dma_start3A_142 = tpu.memref_slice %arg5[%add3A_135] : memref<320000xi32, #tpu.memory_space<hbm>> -> memref<80xi32, #tpu.memory_space<hbm>>
      %dma_start3A_143 = tpu.memref_slice %arg5[%add3A_135] : memref<320000xi32, #tpu.memory_space<hbm>> -> memref<80xi32, #tpu.memory_space<hbm>>
      tpu.enqueue_dma source(%dma_start3A_143 : memref<80xi32, #tpu.memory_space<hbm>>) target(%arg8 : memref<80xi32, #tpu.memory_space<vmem>>) target_semaphore(%arg15 : memref<!tpu.dma_semaphore, #tpu.memory_space<semaphore_mem>>)
      %dma_wait3A_144 = arith.constant 0 : i32
      %dma_wait3A_145 = arith.constant 0 : i32
      %dma_wait3A_146 = tpu.memref_slice %arg11[%dma_wait3A_144, %dma_wait3A_145] : memref<80x96xbf16, #tpu.memory_space<vmem>> -> memref<40x96xbf16, #tpu.memory_space<vmem>>
      %dma_wait3A_147 = arith.constant 0 : i32
      %dma_wait3A_148 = arith.constant 0 : i32
      %dma_wait3A_149 = tpu.memref_slice %arg2[%dma_wait3A_147, %dma_wait3A_148] : memref<10000x96xbf16, #tpu.memory_space<hbm>> -> memref<10000x96xbf16, #tpu.memory_space<hbm>>
      tpu.wait_indirect_dma semaphore(%arg18 : memref<!tpu.dma_semaphore, #tpu.memory_space<semaphore_mem>>) src(%dma_wait3A_149 : memref<10000x96xbf16, #tpu.memory_space<hbm>>) dst(%dma_wait3A_146 : memref<40x96xbf16, #tpu.memory_space<vmem>>)
      %dma_wait3A_150 = arith.constant 40 : i32
      %dma_wait3A_151 = arith.constant 0 : i32
      %dma_wait3A_152 = tpu.memref_slice %arg11[%dma_wait3A_150, %dma_wait3A_151] : memref<80x96xbf16, #tpu.memory_space<vmem>> -> memref<40x96xbf16, #tpu.memory_space<vmem>>
      %dma_wait3A_153 = arith.constant 0 : i32
      %dma_wait3A_154 = arith.constant 0 : i32
      %dma_wait3A_155 = tpu.memref_slice %arg2[%dma_wait3A_153, %dma_wait3A_154] : memref<10000x96xbf16, #tpu.memory_space<hbm>> -> memref<10000x96xbf16, #tpu.memory_space<hbm>>
      tpu.wait_indirect_dma semaphore(%arg18 : memref<!tpu.dma_semaphore, #tpu.memory_space<semaphore_mem>>) src(%dma_wait3A_155 : memref<10000x96xbf16, #tpu.memory_space<hbm>>) dst(%dma_wait3A_152 : memref<40x96xbf16, #tpu.memory_space<vmem>>)
      %dma_wait3A_156 = arith.constant 0 : i32
      %dma_wait3A_157 = arith.constant 0 : i32
      %dma_wait3A_158 = tpu.memref_slice %arg3[%dma_wait3A_156, %dma_wait3A_157] : memref<10000x16xf32, #tpu.memory_space<hbm>> -> memref<10000x16xf32, #tpu.memory_space<hbm>>
      tpu.wait_indirect_dma semaphore(%arg14 : memref<!tpu.dma_semaphore, #tpu.memory_space<semaphore_mem>>) src(%dma_wait3A_158 : memref<10000x16xf32, #tpu.memory_space<hbm>>) dst(%arg26 : memref<80x16xf32, #tpu.memory_space<vmem>>)
      %dma_wait3A_159 = tpu.memref_slice %arg4[%add3A_135] : memref<320000xi32, #tpu.memory_space<hbm>> -> memref<40xi32, #tpu.memory_space<hbm>>
      %dma_wait3A_160 = tpu.memref_slice %arg4[%add3A_135] : memref<320000xi32, #tpu.memory_space<hbm>> -> memref<40xi32, #tpu.memory_space<hbm>>
      tpu.wait_dma2 semaphore(%arg19 : memref<!tpu.dma_semaphore, #tpu.memory_space<semaphore_mem>>) src(%dma_wait3A_160 : memref<40xi32, #tpu.memory_space<hbm>>) dst(%arg21 : memref<40xi32, #tpu.memory_space<vmem>>)
      %dma_wait3A_161 = tpu.memref_slice %arg4[%add3A_139] : memref<320000xi32, #tpu.memory_space<hbm>> -> memref<40xi32, #tpu.memory_space<hbm>>
      %dma_wait3A_162 = tpu.memref_slice %arg4[%add3A_139] : memref<320000xi32, #tpu.memory_space<hbm>> -> memref<40xi32, #tpu.memory_space<hbm>>
      tpu.wait_dma2 semaphore(%arg19 : memref<!tpu.dma_semaphore, #tpu.memory_space<semaphore_mem>>) src(%dma_wait3A_162 : memref<40xi32, #tpu.memory_space<hbm>>) dst(%arg22 : memref<40xi32, #tpu.memory_space<vmem>>)
      %dma_wait3A_163 = tpu.memref_slice %arg5[%add3A_135] : memref<320000xi32, #tpu.memory_space<hbm>> -> memref<80xi32, #tpu.memory_space<hbm>>
      %dma_wait3A_164 = tpu.memref_slice %arg5[%add3A_135] : memref<320000xi32, #tpu.memory_space<hbm>> -> memref<80xi32, #tpu.memory_space<hbm>>
      tpu.wait_dma2 semaphore(%arg15 : memref<!tpu.dma_semaphore, #tpu.memory_space<semaphore_mem>>) src(%dma_wait3A_164 : memref<80xi32, #tpu.memory_space<hbm>>) dst(%arg8 : memref<80xi32, #tpu.memory_space<vmem>>)
      %dma_start3A_165 = arith.constant 0 : i32
      %dma_start3A_166 = arith.constant 0 : i32
      %dma_start3A_167 = tpu.memref_slice %arg10[%dma_start3A_165, %dma_start3A_166] : memref<80x96xbf16, #tpu.memory_space<vmem>> -> memref<40x96xbf16, #tpu.memory_space<vmem>>
      %dma_start3A_168 = arith.constant 0 : i32
      %dma_start3A_169 = arith.constant 0 : i32
      %dma_start3A_170 = tpu.memref_slice %arg2[%dma_start3A_168, %dma_start3A_169] : memref<10000x96xbf16, #tpu.memory_space<hbm>> -> memref<10000x96xbf16, #tpu.memory_space<hbm>>
      tpu.enqueue_indirect_dma source(%dma_start3A_170 : memref<10000x96xbf16, #tpu.memory_space<hbm>>) target(%dma_start3A_167 : memref<40x96xbf16, #tpu.memory_space<vmem>>) offsets(%arg21 : memref<40xi32, #tpu.memory_space<vmem>>) semaphore(%arg17 : memref<!tpu.dma_semaphore, #tpu.memory_space<semaphore_mem>>)
      %dma_start3A_171 = arith.constant 40 : i32
      %dma_start3A_172 = arith.constant 0 : i32
      %dma_start3A_173 = tpu.memref_slice %arg10[%dma_start3A_171, %dma_start3A_172] : memref<80x96xbf16, #tpu.memory_space<vmem>> -> memref<40x96xbf16, #tpu.memory_space<vmem>>
      %dma_start3A_174 = arith.constant 0 : i32
      %dma_start3A_175 = arith.constant 0 : i32
      %dma_start3A_176 = tpu.memref_slice %arg2[%dma_start3A_174, %dma_start3A_175] : memref<10000x96xbf16, #tpu.memory_space<hbm>> -> memref<10000x96xbf16, #tpu.memory_space<hbm>>
      tpu.enqueue_indirect_dma source(%dma_start3A_176 : memref<10000x96xbf16, #tpu.memory_space<hbm>>) target(%dma_start3A_173 : memref<40x96xbf16, #tpu.memory_space<vmem>>) offsets(%arg22 : memref<40xi32, #tpu.memory_space<vmem>>) semaphore(%arg17 : memref<!tpu.dma_semaphore, #tpu.memory_space<semaphore_mem>>)
      %dma_start3A_177 = arith.constant 0 : i32
      %dma_start3A_178 = arith.constant 0 : i32
      %dma_start3A_179 = tpu.memref_slice %arg3[%dma_start3A_177, %dma_start3A_178] : memref<10000x16xf32, #tpu.memory_space<hbm>> -> memref<10000x16xf32, #tpu.memory_space<hbm>>
      tpu.enqueue_indirect_dma source(%dma_start3A_179 : memref<10000x16xf32, #tpu.memory_space<hbm>>) target(%arg25 : memref<80x16xf32, #tpu.memory_space<vmem>>) offsets(%arg8 : memref<80xi32, #tpu.memory_space<vmem>>) semaphore(%arg13 : memref<!tpu.dma_semaphore, #tpu.memory_space<semaphore_mem>>)
      %parallel_loop3A_180 = arith.constant 0 : i32
      %parallel_loop3A_181 = arith.constant 80 : i32
      %parallel_loop3A_182 = arith.constant 1 : i32
      %parallel_loop3A_183 = arith.constant -65536 : i32
      scf.for %parallel_loop3A_220 = %parallel_loop3A_180 to %parallel_loop3A_181 step %parallel_loop3A_182  : i32 {
        %parallel_loop3A_221 = arith.index_cast %parallel_loop3A_220 : i32 to index
        %parallel_loop3A_222 = arith.constant 64 : index
        %parallel_loop3A_223 = tpu.vector_load %arg11[%parallel_loop3A_221, %parallel_loop3A_222] {strides = array<i32>} : memref<80x96xbf16, #tpu.memory_space<vmem>>, vector<32xbf16>,
        %parallel_loop3A_224 = vector.bitcast %parallel_loop3A_223 : vector<32xbf16> to vector<16xi32>
        %parallel_loop3A_225 = arith.constant 16 : i32
        %parallel_loop3A_226 = vector.broadcast %parallel_loop3A_225 : i32 to vector<16xi32>
        %parallel_loop3A_227 = arith.shli %parallel_loop3A_224, %parallel_loop3A_226 : vector<16xi32>
        %parallel_loop3A_228 = vector.bitcast %parallel_loop3A_227 : vector<16xi32> to vector<16xf32>
        %parallel_loop3A_229 = arith.index_cast %parallel_loop3A_220 : i32 to index
        %parallel_loop3A_230 = arith.constant 0 : index
        %parallel_loop3A_231 = tpu.vector_load %arg26[%parallel_loop3A_229, %parallel_loop3A_230] {strides = array<i32>} : memref<80x16xf32, #tpu.memory_space<vmem>>, vector<16xf32>,
        %parallel_loop3A_232 = arith.addf %parallel_loop3A_228, %parallel_loop3A_231 : vector<16xf32>
        %parallel_loop3A_233 = arith.constant 2.000000e-01 : f32
        %parallel_loop3A_234 = vector.broadcast %parallel_loop3A_233 : f32 to vector<16xf32>
        %parallel_loop3A_235 = arith.mulf %parallel_loop3A_234, %parallel_loop3A_232 : vector<16xf32>
        %parallel_loop3A_236 = arith.maximumf %parallel_loop3A_232, %parallel_loop3A_235 : vector<16xf32>
        %parallel_loop3A_237 = math.exp %parallel_loop3A_236 : vector<16xf32>
        %parallel_loop3A_238 = arith.index_cast %parallel_loop3A_220 : i32 to index
        %parallel_loop3A_239 = arith.constant 64 : index
        %parallel_loop3A_240 = tpu.vector_load %arg12[%parallel_loop3A_238, %parallel_loop3A_239] {strides = array<i32>} : memref<80x80xf32, #tpu.memory_space<vmem>>, vector<16xf32>,
        tpu.vector_store %arg12[%parallel_loop3A_238, %parallel_loop3A_239], %parallel_loop3A_237 {strides = array<i32>} : memref<80x80xf32, #tpu.memory_space<vmem>>, vector<16xf32>,
        %parallel_loop3A_241 = arith.index_cast %parallel_loop3A_220 : i32 to index
        %parallel_loop3A_242 = arith.constant 0 : index
        %parallel_loop3A_243 = tpu.vector_load %arg11[%parallel_loop3A_241, %parallel_loop3A_242] {strides = array<i32>} : memref<80x96xbf16, #tpu.memory_space<vmem>>, vector<32xbf16>,
        %parallel_loop3A_244 = vector.bitcast %parallel_loop3A_243 : vector<32xbf16> to vector<16xi32>
        %parallel_loop3A_245 = arith.constant 16 : i32
        %parallel_loop3A_246 = vector.broadcast %parallel_loop3A_245 : i32 to vector<16xi32>
        %parallel_loop3A_247 = arith.shli %parallel_loop3A_244, %parallel_loop3A_246 : vector<16xi32>
        %parallel_loop3A_248 = vector.bitcast %parallel_loop3A_247 : vector<16xi32> to vector<16xf32>
        %parallel_loop3A_249 = vector.broadcast %parallel_loop3A_183 : i32 to vector<16xi32>
        %parallel_loop3A_250 = arith.andi %parallel_loop3A_244, %parallel_loop3A_249 : vector<16xi32>
        %parallel_loop3A_251 = vector.bitcast %parallel_loop3A_250 : vector<16xi32> to vector<16xf32>
        %parallel_loop3A_252 = vector.extract_strided_slice %parallel_loop3A_237 {offsets = [0], sizes = [1], strides = [1]} : vector<16xf32> to vector<1xf32>
        %parallel_loop3A_253 = vector.extract %parallel_loop3A_252[0] : f32 from vector<1xf32>
        %parallel_loop3A_254 = vector.extract_strided_slice %parallel_loop3A_237 {offsets = [0], sizes = [1], strides = [1]} : vector<16xf32> to vector<1xf32>
        %parallel_loop3A_255 = vector.extract %parallel_loop3A_254[0] : f32 from vector<1xf32>
        %parallel_loop3A_256 = vector.broadcast %parallel_loop3A_253 : f32 to vector<16xf32>
        %parallel_loop3A_257 = arith.mulf %parallel_loop3A_248, %parallel_loop3A_256 : vector<16xf32>
        %parallel_loop3A_258 = arith.index_cast %parallel_loop3A_220 : i32 to index
        %parallel_loop3A_259 = arith.constant 0 : index
        %parallel_loop3A_260 = tpu.vector_load %arg12[%parallel_loop3A_258, %parallel_loop3A_259] {strides = array<i32>} : memref<80x80xf32, #tpu.memory_space<vmem>>, vector<16xf32>,
        tpu.vector_store %arg12[%parallel_loop3A_258, %parallel_loop3A_259], %parallel_loop3A_257 {strides = array<i32>} : memref<80x80xf32, #tpu.memory_space<vmem>>, vector<16xf32>,
        %parallel_loop3A_261 = vector.broadcast %parallel_loop3A_255 : f32 to vector<16xf32>
        %parallel_loop3A_262 = arith.mulf %parallel_loop3A_251, %parallel_loop3A_261 : vector<16xf32>
        %parallel_loop3A_263 = arith.index_cast %parallel_loop3A_220 : i32 to index
        %parallel_loop3A_264 = arith.constant 16 : index
        %parallel_loop3A_265 = tpu.vector_load %arg12[%parallel_loop3A_263, %parallel_loop3A_264] {strides = array<i32>} : memref<80x80xf32, #tpu.memory_space<vmem>>, vector<16xf32>,
        tpu.vector_store %arg12[%parallel_loop3A_263, %parallel_loop3A_264], %parallel_loop3A_262 {strides = array<i32>} : memref<80x80xf32, #tpu.memory_space<vmem>>, vector<16xf32>,
        %parallel_loop3A_266 = arith.index_cast %parallel_loop3A_220 : i32 to index
        %parallel_loop3A_267 = arith.constant 32 : index
        %parallel_loop3A_268 = tpu.vector_load %arg11[%parallel_loop3A_266, %parallel_loop3A_267] {strides = array<i32>} : memref<80x96xbf16, #tpu.memory_space<vmem>>, vector<32xbf16>,
        %parallel_loop3A_269 = vector.bitcast %parallel_loop3A_268 : vector<32xbf16> to vector<16xi32>
        %parallel_loop3A_270 = arith.constant 16 : i32
        %parallel_loop3A_271 = vector.broadcast %parallel_loop3A_270 : i32 to vector<16xi32>
        %parallel_loop3A_272 = arith.shli %parallel_loop3A_269, %parallel_loop3A_271 : vector<16xi32>
        %parallel_loop3A_273 = vector.bitcast %parallel_loop3A_272 : vector<16xi32> to vector<16xf32>
        %parallel_loop3A_274 = vector.broadcast %parallel_loop3A_183 : i32 to vector<16xi32>
        %parallel_loop3A_275 = arith.andi %parallel_loop3A_269, %parallel_loop3A_274 : vector<16xi32>
        %parallel_loop3A_276 = vector.bitcast %parallel_loop3A_275 : vector<16xi32> to vector<16xf32>
        %parallel_loop3A_277 = vector.extract_strided_slice %parallel_loop3A_237 {offsets = [0], sizes = [1], strides = [1]} : vector<16xf32> to vector<1xf32>
        %parallel_loop3A_278 = vector.extract %parallel_loop3A_277[0] : f32 from vector<1xf32>
        %parallel_loop3A_279 = vector.extract_strided_slice %parallel_loop3A_237 {offsets = [0], sizes = [1], strides = [1]} : vector<16xf32> to vector<1xf32>
        %parallel_loop3A_280 = vector.extract %parallel_loop3A_279[0] : f32 from vector<1xf32>
        %parallel_loop3A_281 = vector.broadcast %parallel_loop3A_278 : f32 to vector<16xf32>
        %parallel_loop3A_282 = arith.mulf %parallel_loop3A_273, %parallel_loop3A_281 : vector<16xf32>
        %parallel_loop3A_283 = arith.index_cast %parallel_loop3A_220 : i32 to index
        %parallel_loop3A_284 = arith.constant 32 : index
        %parallel_loop3A_285 = tpu.vector_load %arg12[%parallel_loop3A_283, %parallel_loop3A_284] {strides = array<i32>} : memref<80x80xf32, #tpu.memory_space<vmem>>, vector<16xf32>,
        tpu.vector_store %arg12[%parallel_loop3A_283, %parallel_loop3A_284], %parallel_loop3A_282 {strides = array<i32>} : memref<80x80xf32, #tpu.memory_space<vmem>>, vector<16xf32>,
        %parallel_loop3A_286 = vector.broadcast %parallel_loop3A_280 : f32 to vector<16xf32>
        %parallel_loop3A_287 = arith.mulf %parallel_loop3A_276, %parallel_loop3A_286 : vector<16xf32>
        %parallel_loop3A_288 = arith.index_cast %parallel_loop3A_220 : i32 to index
        %parallel_loop3A_289 = arith.constant 48 : index
        %parallel_loop3A_290 = tpu.vector_load %arg12[%parallel_loop3A_288, %parallel_loop3A_289] {strides = array<i32>} : memref<80x80xf32, #tpu.memory_space<vmem>>, vector<16xf32>,
        tpu.vector_store %arg12[%parallel_loop3A_288, %parallel_loop3A_289], %parallel_loop3A_287 {strides = array<i32>} : memref<80x80xf32, #tpu.memory_space<vmem>>, vector<16xf32>,
      } {sc.loop_unroll_factor = 2 : i64, sc.parallel_access}
      "tpu.region"() ({
        %run_scoped3A = tpu.sem_alloc : memref<!tpu.dma_semaphore, #tpu.memory_space<semaphore_mem>>
        %dma_start3A_220 = arith.constant 0 : i32
        %dma_start3A_221 = arith.constant 0 : i32
        %dma_start3A_222 = tpu.memref_slice %arg7[%dma_start3A_220, %dma_start3A_221] : memref<10000x80xf32, #tpu.memory_space<vmem_shared>> -> memref<10000x80xf32, #tpu.memory_space<vmem_shared>>
        tpu.enqueue_indirect_dma source(%arg12 : memref<80x80xf32, #tpu.memory_space<vmem>>) target(%dma_start3A_222 : memref<10000x80xf32, #tpu.memory_space<vmem_shared>>) offsets(%arg9 : memref<80xi32, #tpu.memory_space<vmem>>) semaphore(%run_scoped3A : memref<!tpu.dma_semaphore, #tpu.memory_space<semaphore_mem>>) {add = true}
        %dma_wait3A_223 = arith.constant 0 : i32
        %dma_wait3A_224 = arith.constant 0 : i32
        %dma_wait3A_225 = tpu.memref_slice %arg7[%dma_wait3A_223, %dma_wait3A_224] : memref<10000x80xf32, #tpu.memory_space<vmem_shared>> -> memref<10000x80xf32, #tpu.memory_space<vmem_shared>>
        tpu.wait_indirect_dma semaphore(%run_scoped3A : memref<!tpu.dma_semaphore, #tpu.memory_space<semaphore_mem>>) src(%arg12 : memref<80x80xf32, #tpu.memory_space<vmem>>) dst(%dma_wait3A_225 : memref<10000x80xf32, #tpu.memory_space<vmem_shared>>)
        tpu.yield
      }) : () -> ()
      %add3A_184 = arith.constant 3 : i32
      %add3A_185 = arith.addi %add3A_110, %add3A_184 : i32
      %min3A_186 = arith.constant 124 : i32
      %min3A_187 = arith.minsi %add3A_185, %min3A_186 : i32
      %mul3A_188 = arith.constant 80 : i32
      %mul3A_189 = arith.muli %min3A_187, %mul3A_188 : i32
      %add3A_190 = arith.addi %mul3A_25, %mul3A_189 : i32
      %dma_start3A_191 = tpu.memref_slice %arg4[%add3A_190] : memref<320000xi32, #tpu.memory_space<hbm>> -> memref<40xi32, #tpu.memory_space<hbm>>
      %dma_start3A_192 = tpu.memref_slice %arg4[%add3A_190] : memref<320000xi32, #tpu.memory_space<hbm>> -> memref<40xi32, #tpu.memory_space<hbm>>
      tpu.enqueue_dma source(%dma_start3A_192 : memref<40xi32, #tpu.memory_space<hbm>>) target(%arg23 : memref<40xi32, #tpu.memory_space<vmem>>) target_semaphore(%arg20 : memref<!tpu.dma_semaphore, #tpu.memory_space<semaphore_mem>>)
      %add3A_193 = arith.constant 40 : i32
      %add3A_194 = arith.addi %add3A_190, %add3A_193 : i32
      %dma_start3A_195 = tpu.memref_slice %arg4[%add3A_194] : memref<320000xi32, #tpu.memory_space<hbm>> -> memref<40xi32, #tpu.memory_space<hbm>>
      %dma_start3A_196 = tpu.memref_slice %arg4[%add3A_194] : memref<320000xi32, #tpu.memory_space<hbm>> -> memref<40xi32, #tpu.memory_space<hbm>>
      tpu.enqueue_dma source(%dma_start3A_196 : memref<40xi32, #tpu.memory_space<hbm>>) target(%arg24 : memref<40xi32, #tpu.memory_space<vmem>>) target_semaphore(%arg20 : memref<!tpu.dma_semaphore, #tpu.memory_space<semaphore_mem>>)
      %dma_start3A_197 = tpu.memref_slice %arg5[%add3A_190] : memref<320000xi32, #tpu.memory_space<hbm>> -> memref<80xi32, #tpu.memory_space<hbm>>
      %dma_start3A_198 = tpu.memref_slice %arg5[%add3A_190] : memref<320000xi32, #tpu.memory_space<hbm>> -> memref<80xi32, #tpu.memory_space<hbm>>
      tpu.enqueue_dma source(%dma_start3A_198 : memref<80xi32, #tpu.memory_space<hbm>>) target(%arg9 : memref<80xi32, #tpu.memory_space<vmem>>) target_semaphore(%arg16 : memref<!tpu.dma_semaphore, #tpu.memory_space<semaphore_mem>>)
      %dma_wait3A_199 = arith.constant 0 : i32
      %dma_wait3A_200 = arith.constant 0 : i32
      %dma_wait3A_201 = tpu.memref_slice %arg10[%dma_wait3A_199, %dma_wait3A_200] : memref<80x96xbf16, #tpu.memory_space<vmem>> -> memref<40x96xbf16, #tpu.memory_space<vmem>>
      %dma_wait3A_202 = arith.constant 0 : i32
      %dma_wait3A_203 = arith.constant 0 : i32
      %dma_wait3A_204 = tpu.memref_slice %arg2[%dma_wait3A_202, %dma_wait3A_203] : memref<10000x96xbf16, #tpu.memory_space<hbm>> -> memref<10000x96xbf16, #tpu.memory_space<hbm>>
      tpu.wait_indirect_dma semaphore(%arg17 : memref<!tpu.dma_semaphore, #tpu.memory_space<semaphore_mem>>) src(%dma_wait3A_204 : memref<10000x96xbf16, #tpu.memory_space<hbm>>) dst(%dma_wait3A_201 : memref<40x96xbf16, #tpu.memory_space<vmem>>)
      %dma_wait3A_205 = arith.constant 40 : i32
      %dma_wait3A_206 = arith.constant 0 : i32
      %dma_wait3A_207 = tpu.memref_slice %arg10[%dma_wait3A_205, %dma_wait3A_206] : memref<80x96xbf16, #tpu.memory_space<vmem>> -> memref<40x96xbf16, #tpu.memory_space<vmem>>
      %dma_wait3A_208 = arith.constant 0 : i32
      %dma_wait3A_209 = arith.constant 0 : i32
      %dma_wait3A_210 = tpu.memref_slice %arg2[%dma_wait3A_208, %dma_wait3A_209] : memref<10000x96xbf16, #tpu.memory_space<hbm>> -> memref<10000x96xbf16, #tpu.memory_space<hbm>>
      tpu.wait_indirect_dma semaphore(%arg17 : memref<!tpu.dma_semaphore, #tpu.memory_space<semaphore_mem>>) src(%dma_wait3A_210 : memref<10000x96xbf16, #tpu.memory_space<hbm>>) dst(%dma_wait3A_207 : memref<40x96xbf16, #tpu.memory_space<vmem>>)
      %dma_wait3A_211 = arith.constant 0 : i32
      %dma_wait3A_212 = arith.constant 0 : i32
      %dma_wait3A_213 = tpu.memref_slice %arg3[%dma_wait3A_211, %dma_wait3A_212] : memref<10000x16xf32, #tpu.memory_space<hbm>> -> memref<10000x16xf32, #tpu.memory_space<hbm>>
      tpu.wait_indirect_dma semaphore(%arg13 : memref<!tpu.dma_semaphore, #tpu.memory_space<semaphore_mem>>) src(%dma_wait3A_213 : memref<10000x16xf32, #tpu.memory_space<hbm>>) dst(%arg25 : memref<80x16xf32, #tpu.memory_space<vmem>>)
      %dma_wait3A_214 = tpu.memref_slice %arg4[%add3A_190] : memref<320000xi32, #tpu.memory_space<hbm>> -> memref<40xi32, #tpu.memory_space<hbm>>
      %dma_wait3A_215 = tpu.memref_slice %arg4[%add3A_190] : memref<320000xi32, #tpu.memory_space<hbm>> -> memref<40xi32, #tpu.memory_space<hbm>>
      tpu.wait_dma2 semaphore(%arg20 : memref<!tpu.dma_semaphore, #tpu.memory_space<semaphore_mem>>) src(%dma_wait3A_215 : memref<40xi32, #tpu.memory_space<hbm>>) dst(%arg23 : memref<40xi32, #tpu.memory_space<vmem>>)
      %dma_wait3A_216 = tpu.memref_slice %arg4[%add3A_194] : memref<320000xi32, #tpu.memory_space<hbm>> -> memref<40xi32, #tpu.memory_space<hbm>>
      %dma_wait3A_217 = tpu.memref_slice %arg4[%add3A_194] : memref<320000xi32, #tpu.memory_space<hbm>> -> memref<40xi32, #tpu.memory_space<hbm>>
      tpu.wait_dma2 semaphore(%arg20 : memref<!tpu.dma_semaphore, #tpu.memory_space<semaphore_mem>>) src(%dma_wait3A_217 : memref<40xi32, #tpu.memory_space<hbm>>) dst(%arg24 : memref<40xi32, #tpu.memory_space<vmem>>)
      %dma_wait3A_218 = tpu.memref_slice %arg5[%add3A_190] : memref<320000xi32, #tpu.memory_space<hbm>> -> memref<80xi32, #tpu.memory_space<hbm>>
      %dma_wait3A_219 = tpu.memref_slice %arg5[%add3A_190] : memref<320000xi32, #tpu.memory_space<hbm>> -> memref<80xi32, #tpu.memory_space<hbm>>
      tpu.wait_dma2 semaphore(%arg16 : memref<!tpu.dma_semaphore, #tpu.memory_space<semaphore_mem>>) src(%dma_wait3A_219 : memref<80xi32, #tpu.memory_space<hbm>>) dst(%arg9 : memref<80xi32, #tpu.memory_space<vmem>>)
    }
    %scan3A_104 = arith.constant 62 : i32
    %barrier3A_105 = arith.constant 0 : index
    tpu.barrier barrier_id(%barrier3A_105)
    "tpu.region"() ({
      %run_scoped3A = tpu.sem_alloc : memref<!tpu.dma_semaphore, #tpu.memory_space<semaphore_mem>>
      %dma_start3A_106 = arith.constant 0 : i32
      %dma_start3A_107 = tpu.memref_slice %arg6[%arg0, %mul3A_7, %dma_start3A_106] : memref<2x10000x80xf32, #tpu.memory_space<hbm>> -> memref<1x625x80xf32, #tpu.memory_space<hbm>>
      %dma_start3A_108 = tpu.memref_squeeze %dma_start3A_107 : memref<1x625x80xf32, #tpu.memory_space<hbm>> -> memref<625x80xf32, #tpu.memory_space<hbm>>
      %dma_start3A_109 = arith.constant 0 : i32
      %dma_start3A_110 = tpu.memref_slice %arg7[%mul3A_7, %dma_start3A_109] : memref<10000x80xf32, #tpu.memory_space<vmem_shared>> -> memref<625x80xf32, #tpu.memory_space<vmem_shared>>
      tpu.enqueue_dma source(%dma_start3A_110 : memref<625x80xf32, #tpu.memory_space<vmem_shared>>) target(%dma_start3A_108 : memref<625x80xf32, #tpu.memory_space<hbm>>) target_semaphore(%run_scoped3A : memref<!tpu.dma_semaphore, #tpu.memory_space<semaphore_mem>>)
      %dma_wait3A_111 = arith.constant 0 : i32
      %dma_wait3A_112 = tpu.memref_slice %arg6[%arg0, %mul3A_7, %dma_wait3A_111] : memref<2x10000x80xf32, #tpu.memory_space<hbm>> -> memref<1x625x80xf32, #tpu.memory_space<hbm>>
      %dma_wait3A_113 = tpu.memref_squeeze %dma_wait3A_112 : memref<1x625x80xf32, #tpu.memory_space<hbm>> -> memref<625x80xf32, #tpu.memory_space<hbm>>
      %dma_wait3A_114 = arith.constant 0 : i32
      %dma_wait3A_115 = tpu.memref_slice %arg7[%mul3A_7, %dma_wait3A_114] : memref<10000x80xf32, #tpu.memory_space<vmem_shared>> -> memref<625x80xf32, #tpu.memory_space<vmem_shared>>
      tpu.wait_dma2 semaphore(%run_scoped3A : memref<!tpu.dma_semaphore, #tpu.memory_space<semaphore_mem>>) src(%dma_wait3A_115 : memref<625x80xf32, #tpu.memory_space<vmem_shared>>) dst(%dma_wait3A_113 : memref<625x80xf32, #tpu.memory_space<hbm>>)
      tpu.yield
    }) : () -> ()
    return
  }
}

module attributes {stable_mosaic.version = 14 : i64} {
  func.func @_tc1_body(%arg0: i32, %arg1: memref<400x128xf32, #tpu.memory_space<vmem>>, %arg2: memref<128x128xf32, #tpu.memory_space<vmem>>, %arg3: memref<1x128xf32, #tpu.memory_space<vmem>>, %arg4: memref<1x128xf32, #tpu.memory_space<vmem>>, %arg5: memref<128x8xf32, #tpu.memory_space<vmem>>, %arg6: memref<8x128xf32, #tpu.memory_space<vmem>>, %arg7: memref<128x128xf32, #tpu.memory_space<vmem>>, %arg8: memref<8x32xf32, #tpu.memory_space<vmem>>, %arg9: memref<400x160xbf16, #tpu.memory_space<vmem>>, %arg10: memref<400x16xf32, #tpu.memory_space<vmem>>, %arg11: memref<400x128xf32, #tpu.memory_space<vmem>>, %arg12: memref<400x8xf32, #tpu.memory_space<vmem>>) attributes {dimension_semantics = [#tpu.dimension_semantics<arbitrary>], iteration_bounds = array<i64: 25>, scalar_prefetch = 0 : i64, scratch_operands = 0 : i64, tpu.core_type = #tpu.core_type<tc>, window_params = [{transform_indices = @transform_0, window_bounds = array<i64: 400, 128>}, {pipeline_mode = #tpu.pipeline_mode<synchronous>, transform_indices = @transform_1, window_bounds = array<i64: 128, 128>}, {pipeline_mode = #tpu.pipeline_mode<synchronous>, transform_indices = @transform_2, window_bounds = array<i64: 1, 128>}, {pipeline_mode = #tpu.pipeline_mode<synchronous>, transform_indices = @transform_3, window_bounds = array<i64: 1, 128>}, {pipeline_mode = #tpu.pipeline_mode<synchronous>, transform_indices = @transform_4, window_bounds = array<i64: 128, 8>}, {pipeline_mode = #tpu.pipeline_mode<synchronous>, transform_indices = @transform_5, window_bounds = array<i64: 8, 128>}, {pipeline_mode = #tpu.pipeline_mode<synchronous>, transform_indices = @transform_6, window_bounds = array<i64: 128, 128>}, {pipeline_mode = #tpu.pipeline_mode<synchronous>, transform_indices = @transform_7, window_bounds = array<i64: 8, 32>}, {transform_indices = @transform_8, window_bounds = array<i64: 400, 160>}, {transform_indices = @transform_9, window_bounds = array<i64: 400, 16>}, {transform_indices = @transform_10, window_bounds = array<i64: 400, 128>}, {transform_indices = @transform_11, window_bounds = array<i64: 400, 8>}]} {
    %get3A = arith.constant 0 : index
    %get3A_0 = arith.constant 0 : index
    %get3A_1 = vector.load %arg1[%get3A, %get3A_0] : memref<400x128xf32, #tpu.memory_space<vmem>>, vector<400x128xf32>
    %get3A_2 = arith.constant 0 : index
    %get3A_3 = arith.constant 0 : index
    %get3A_4 = vector.load %arg2[%get3A_2, %get3A_3] : memref<128x128xf32, #tpu.memory_space<vmem>>, vector<128x128xf32>
    %dot_general3A = arith.constant dense<0.000000e+00> : vector<400x128xf32>
    %dot_general3A_5 = tpu.matmul %get3A_1, %get3A_4, %dot_general3A {dimension_numbers = #tpu.dot_dimension_numbers<[1], [0], [0], [1], [0, 0, 1, 1], [], []>, transpose_lhs_hint = false} : vector<400x128xf32>, vector<128x128xf32>, vector<400x128xf32> -> vector<400x128xf32>
    %get3A_6 = arith.constant 0 : index
    %get3A_7 = arith.constant 0 : index
    %get3A_8 = vector.load %arg3[%get3A_6, %get3A_7] : memref<1x128xf32, #tpu.memory_space<vmem>>, vector<1x128xf32>
    %mul3A = vector.broadcast %get3A_8 : vector<1x128xf32> to vector<400x128xf32>
    %mul3A_9 = arith.mulf %dot_general3A_5, %mul3A : vector<400x128xf32>
    %get3A_10 = arith.constant 0 : index
    %get3A_11 = arith.constant 0 : index
    %get3A_12 = vector.load %arg5[%get3A_10, %get3A_11] : memref<128x8xf32, #tpu.memory_space<vmem>>, vector<128x8xf32>
    %dot_general3A_13 = arith.constant dense<0.000000e+00> : vector<400x8xf32>
    %dot_general3A_14 = tpu.matmul %mul3A_9, %get3A_12, %dot_general3A_13 {dimension_numbers = #tpu.dot_dimension_numbers<[1], [0], [0], [1], [0, 0, 1, 1], [], []>, transpose_lhs_hint = false} : vector<400x128xf32>, vector<128x8xf32>, vector<400x8xf32> -> vector<400x8xf32>
    %get3A_15 = arith.constant 0 : index
    %get3A_16 = arith.constant 0 : index
    %get3A_17 = vector.load %arg4[%get3A_15, %get3A_16] : memref<1x128xf32, #tpu.memory_space<vmem>>, vector<1x128xf32>
    %mul3A_18 = vector.broadcast %get3A_17 : vector<1x128xf32> to vector<400x128xf32>
    %mul3A_19 = arith.mulf %dot_general3A_5, %mul3A_18 : vector<400x128xf32>
    %get3A_20 = arith.constant 0 : index
    %get3A_21 = arith.constant 0 : index
    %get3A_22 = vector.load %arg5[%get3A_20, %get3A_21] : memref<128x8xf32, #tpu.memory_space<vmem>>, vector<128x8xf32>
    %dot_general3A_23 = arith.constant dense<0.000000e+00> : vector<400x8xf32>
    %dot_general3A_24 = tpu.matmul %mul3A_19, %get3A_22, %dot_general3A_23 {dimension_numbers = #tpu.dot_dimension_numbers<[1], [0], [0], [1], [0, 0, 1, 1], [], []>, transpose_lhs_hint = false} : vector<400x128xf32>, vector<128x8xf32>, vector<400x8xf32> -> vector<400x8xf32>
    %get3A_25 = arith.constant 0 : index
    %get3A_26 = arith.constant 0 : index
    %get3A_27 = vector.load %arg7[%get3A_25, %get3A_26] : memref<128x128xf32, #tpu.memory_space<vmem>>, vector<128x128xf32>
    %dot_general3A_28 = arith.constant dense<0.000000e+00> : vector<400x128xf32>
    %dot_general3A_29 = tpu.matmul %dot_general3A_5, %get3A_27, %dot_general3A_28 {dimension_numbers = #tpu.dot_dimension_numbers<[1], [0], [0], [1], [0, 0, 1, 1], [], []>, transpose_lhs_hint = false} : vector<400x128xf32>, vector<128x128xf32>, vector<400x128xf32> -> vector<400x128xf32>
    %get3A_30 = arith.constant 0 : index
    %get3A_31 = arith.constant 0 : index
    %get3A_32 = vector.load %arg8[%get3A_30, %get3A_31] : memref<8x32xf32, #tpu.memory_space<vmem>>, vector<8x32xf32>
    %dot_general3A_33 = arith.constant dense<0.000000e+00> : vector<400x32xf32>
    %dot_general3A_34 = tpu.matmul %dot_general3A_14, %get3A_32, %dot_general3A_33 {dimension_numbers = #tpu.dot_dimension_numbers<[1], [0], [0], [1], [0, 0, 1, 1], [], []>, transpose_lhs_hint = false} : vector<400x8xf32>, vector<8x32xf32>, vector<400x32xf32> -> vector<400x32xf32>
    %concatenate3A = tpu.concatenate %dot_general3A_29, %dot_general3A_34 in 1 : vector<400x128xf32>, vector<400x32xf32> -> vector<400x160xf32>
    %convert_element_type3A = arith.truncf %concatenate3A : vector<400x160xf32> to vector<400x160xbf16>
    %swap3A = arith.constant 0 : index
    %swap3A_35 = arith.constant 0 : index
    %swap3A_36 = vector.load %arg9[%swap3A, %swap3A_35] : memref<400x160xbf16, #tpu.memory_space<vmem>>, vector<400x160xbf16>
    tpu.vector_store %arg9[%swap3A, %swap3A_35], %convert_element_type3A {strides = array<i32>} : memref<400x160xbf16, #tpu.memory_space<vmem>>, vector<400x160xbf16>,
    %concatenate3A_37 = tpu.concatenate %dot_general3A_24, %dot_general3A_24 in 1 : vector<400x8xf32>, vector<400x8xf32> -> vector<400x16xf32>
    %swap3A_38 = arith.constant 0 : index
    %swap3A_39 = arith.constant 0 : index
    %swap3A_40 = vector.load %arg10[%swap3A_38, %swap3A_39] : memref<400x16xf32, #tpu.memory_space<vmem>>, vector<400x16xf32>
    tpu.vector_store %arg10[%swap3A_38, %swap3A_39], %concatenate3A_37 {strides = array<i32>} : memref<400x16xf32, #tpu.memory_space<vmem>>, vector<400x16xf32>,
    %add3A = arith.addf %dot_general3A_14, %dot_general3A_24 : vector<400x8xf32>
    %mul3A_41 = arith.constant 2.000000e-01 : f32
    %mul3A_42 = vector.broadcast %mul3A_41 : f32 to vector<400x8xf32>
    %mul3A_43 = arith.mulf %mul3A_42, %add3A : vector<400x8xf32>
    %max3A = arith.maximumf %add3A, %mul3A_43 : vector<400x8xf32>
    %exp3A = math.exp %max3A : vector<400x8xf32>
    %swap3A_44 = arith.constant 0 : index
    %swap3A_45 = arith.constant 0 : index
    %swap3A_46 = vector.load %arg12[%swap3A_44, %swap3A_45] : memref<400x8xf32, #tpu.memory_space<vmem>>, vector<400x8xf32>
    tpu.vector_store %arg12[%swap3A_44, %swap3A_45], %exp3A {strides = array<i32>} : memref<400x8xf32, #tpu.memory_space<vmem>>, vector<400x8xf32>,
    %get3A_47 = arith.constant 0 : index
    %get3A_48 = arith.constant 0 : index
    %get3A_49 = vector.load %arg6[%get3A_47, %get3A_48] : memref<8x128xf32, #tpu.memory_space<vmem>>, vector<8x128xf32>
    %dot_general3A_50 = arith.constant dense<0.000000e+00> : vector<400x128xf32>
    %dot_general3A_51 = tpu.matmul %exp3A, %get3A_49, %dot_general3A_50 {dimension_numbers = #tpu.dot_dimension_numbers<[1], [0], [0], [1], [0, 0, 1, 1], [], []>, transpose_lhs_hint = false} : vector<400x8xf32>, vector<8x128xf32>, vector<400x128xf32> -> vector<400x128xf32>
    %mul3A_52 = arith.mulf %dot_general3A_5, %dot_general3A_51 : vector<400x128xf32>
    %swap3A_53 = arith.constant 0 : index
    %swap3A_54 = arith.constant 0 : index
    %swap3A_55 = vector.load %arg11[%swap3A_53, %swap3A_54] : memref<400x128xf32, #tpu.memory_space<vmem>>, vector<400x128xf32>
    tpu.vector_store %arg11[%swap3A_53, %swap3A_54], %mul3A_52 {strides = array<i32>} : memref<400x128xf32, #tpu.memory_space<vmem>>, vector<400x128xf32>,
    return
  }
  func.func @transform_0(%arg0: i32) -> (i32, i32) {
    %c0_i32 = arith.constant 0 : i32
    %c0_i32_0 = arith.constant 0 : i32
    return %arg0, %c0_i32 : i32, i32
  }
  func.func @transform_1(%arg0: i32) -> (i32, i32) {
    %c0_i32 = arith.constant 0 : i32
    %c0_i32_0 = arith.constant 0 : i32
    %c0_i32_1 = arith.constant 0 : i32
    return %c0_i32, %c0_i32_0 : i32, i32
  }
  func.func @transform_2(%arg0: i32) -> (i32, i32) {
    %c0_i32 = arith.constant 0 : i32
    %c0_i32_0 = arith.constant 0 : i32
    %c0_i32_1 = arith.constant 0 : i32
    return %c0_i32, %c0_i32_0 : i32, i32
  }
  func.func @transform_3(%arg0: i32) -> (i32, i32) {
    %c0_i32 = arith.constant 0 : i32
    %c0_i32_0 = arith.constant 0 : i32
    %c0_i32_1 = arith.constant 0 : i32
    return %c0_i32, %c0_i32_0 : i32, i32
  }
  func.func @transform_4(%arg0: i32) -> (i32, i32) {
    %c0_i32 = arith.constant 0 : i32
    %c0_i32_0 = arith.constant 0 : i32
    %c0_i32_1 = arith.constant 0 : i32
    return %c0_i32, %c0_i32_0 : i32, i32
  }
  func.func @transform_5(%arg0: i32) -> (i32, i32) {
    %c0_i32 = arith.constant 0 : i32
    %c0_i32_0 = arith.constant 0 : i32
    %c0_i32_1 = arith.constant 0 : i32
    return %c0_i32, %c0_i32_0 : i32, i32
  }
  func.func @transform_6(%arg0: i32) -> (i32, i32) {
    %c0_i32 = arith.constant 0 : i32
    %c0_i32_0 = arith.constant 0 : i32
    %c0_i32_1 = arith.constant 0 : i32
    return %c0_i32, %c0_i32_0 : i32, i32
  }
  func.func @transform_7(%arg0: i32) -> (i32, i32) {
    %c0_i32 = arith.constant 0 : i32
    %c0_i32_0 = arith.constant 0 : i32
    %c0_i32_1 = arith.constant 0 : i32
    return %c0_i32, %c0_i32_0 : i32, i32
  }
  func.func @transform_8(%arg0: i32) -> (i32, i32) {
    %c0_i32 = arith.constant 0 : i32
    %c0_i32_0 = arith.constant 0 : i32
    return %arg0, %c0_i32 : i32, i32
  }
  func.func @transform_9(%arg0: i32) -> (i32, i32) {
    %c0_i32 = arith.constant 0 : i32
    %c0_i32_0 = arith.constant 0 : i32
    return %arg0, %c0_i32 : i32, i32
  }
  func.func @transform_10(%arg0: i32) -> (i32, i32) {
    %c0_i32 = arith.constant 0 : i32
    %c0_i32_0 = arith.constant 0 : i32
    return %arg0, %c0_i32 : i32, i32
  }
  func.func @transform_11(%arg0: i32) -> (i32, i32) {
    %c0_i32 = arith.constant 0 : i32
    %c0_i32_0 = arith.constant 0 : i32
    return %arg0, %c0_i32 : i32, i32
  }
}

module attributes {stable_mosaic.version = 14 : i64} {
  func.func @_tc2_body(%arg0: i32, %arg1: memref<400x144xf32, #tpu.memory_space<vmem>>, %arg2: memref<400x144xf32, #tpu.memory_space<vmem>>, %arg3: memref<400x128xf32, #tpu.memory_space<vmem>>, %arg4: memref<400x8xf32, #tpu.memory_space<vmem>>, %arg5: memref<8x128xf32, #tpu.memory_space<vmem>>, %arg6: memref<1x128xf32, #tpu.memory_space<vmem>>, %arg7: memref<128x64xf32, #tpu.memory_space<vmem>>, %arg8: memref<1x64xf32, #tpu.memory_space<vmem>>, %arg9: memref<1x64xf32, #tpu.memory_space<vmem>>, %arg10: memref<64x64xf32, #tpu.memory_space<vmem>>, %arg11: memref<400x96xbf16, #tpu.memory_space<vmem>>, %arg12: memref<400x16xf32, #tpu.memory_space<vmem>>, %arg13: memref<400x64xf32, #tpu.memory_space<vmem>>, %arg14: memref<400x16xf32, #tpu.memory_space<vmem>>) attributes {dimension_semantics = [#tpu.dimension_semantics<arbitrary>], iteration_bounds = array<i64: 25>, scalar_prefetch = 0 : i64, scratch_operands = 0 : i64, tpu.core_type = #tpu.core_type<tc>, window_params = [{transform_indices = @transform_0, window_bounds = array<i64: 400, 144>}, {transform_indices = @transform_1, window_bounds = array<i64: 400, 144>}, {transform_indices = @transform_2, window_bounds = array<i64: 400, 128>}, {transform_indices = @transform_3, window_bounds = array<i64: 400, 8>}, {pipeline_mode = #tpu.pipeline_mode<synchronous>, transform_indices = @transform_4, window_bounds = array<i64: 8, 128>}, {pipeline_mode = #tpu.pipeline_mode<synchronous>, transform_indices = @transform_5, window_bounds = array<i64: 1, 128>}, {pipeline_mode = #tpu.pipeline_mode<synchronous>, transform_indices = @transform_6, window_bounds = array<i64: 128, 64>}, {pipeline_mode = #tpu.pipeline_mode<synchronous>, transform_indices = @transform_7, window_bounds = array<i64: 1, 64>}, {pipeline_mode = #tpu.pipeline_mode<synchronous>, transform_indices = @transform_8, window_bounds = array<i64: 1, 64>}, {pipeline_mode = #tpu.pipeline_mode<synchronous>, transform_indices = @transform_9, window_bounds = array<i64: 64, 64>}, {transform_indices = @transform_10, window_bounds = array<i64: 400, 96>}, {transform_indices = @transform_11, window_bounds = array<i64: 400, 16>}, {transform_indices = @transform_12, window_bounds = array<i64: 400, 64>}, {transform_indices = @transform_13, window_bounds = array<i64: 400, 16>}]} {
    %get3A = arith.constant 0 : index
    %get3A_0 = arith.constant 0 : index
    %get3A_1 = vector.load %arg4[%get3A, %get3A_0] : memref<400x8xf32, #tpu.memory_space<vmem>>, vector<400x8xf32>
    %get3A_2 = arith.constant 0 : index
    %get3A_3 = arith.constant 0 : index
    %get3A_4 = vector.load %arg1[%get3A_2, %get3A_3] : memref<400x144xf32, #tpu.memory_space<vmem>>, vector<400x144xf32>
    %slice3A = vector.extract_strided_slice %get3A_4 {offsets = [0, 0], sizes = [400, 128], strides = [1, 1]} : vector<400x144xf32> to vector<400x128xf32>
    %get3A_5 = arith.constant 0 : index
    %get3A_6 = arith.constant 0 : index
    %get3A_7 = vector.load %arg2[%get3A_5, %get3A_6] : memref<400x144xf32, #tpu.memory_space<vmem>>, vector<400x144xf32>
    %slice3A_8 = vector.extract_strided_slice %get3A_7 {offsets = [0, 0], sizes = [400, 128], strides = [1, 1]} : vector<400x144xf32> to vector<400x128xf32>
    %add3A = arith.addf %slice3A, %slice3A_8 : vector<400x128xf32>
    %get3A_9 = arith.constant 0 : index
    %get3A_10 = arith.constant 0 : index
    %get3A_11 = vector.load %arg3[%get3A_9, %get3A_10] : memref<400x128xf32, #tpu.memory_space<vmem>>, vector<400x128xf32>
    %add3A_12 = arith.addf %add3A, %get3A_11 : vector<400x128xf32>
    %get3A_13 = arith.constant 0 : index
    %get3A_14 = arith.constant 0 : index
    %get3A_15 = vector.load %arg1[%get3A_13, %get3A_14] : memref<400x144xf32, #tpu.memory_space<vmem>>, vector<400x144xf32>
    %slice3A_16 = vector.extract_strided_slice %get3A_15 {offsets = [0, 128], sizes = [400, 8], strides = [1, 1]} : vector<400x144xf32> to vector<400x8xf32>
    %get3A_17 = arith.constant 0 : index
    %get3A_18 = arith.constant 0 : index
    %get3A_19 = vector.load %arg2[%get3A_17, %get3A_18] : memref<400x144xf32, #tpu.memory_space<vmem>>, vector<400x144xf32>
    %slice3A_20 = vector.extract_strided_slice %get3A_19 {offsets = [0, 128], sizes = [400, 8], strides = [1, 1]} : vector<400x144xf32> to vector<400x8xf32>
    %add3A_21 = arith.addf %slice3A_16, %slice3A_20 : vector<400x8xf32>
    %add3A_22 = arith.addf %add3A_21, %get3A_1 : vector<400x8xf32>
    %get3A_23 = arith.constant 0 : index
    %get3A_24 = arith.constant 0 : index
    %get3A_25 = vector.load %arg5[%get3A_23, %get3A_24] : memref<8x128xf32, #tpu.memory_space<vmem>>, vector<8x128xf32>
    %dot_general3A = arith.constant dense<0.000000e+00> : vector<400x128xf32>
    %dot_general3A_26 = tpu.matmul %add3A_22, %get3A_25, %dot_general3A {dimension_numbers = #tpu.dot_dimension_numbers<[1], [0], [0], [1], [0, 0, 1, 1], [], []>, transpose_lhs_hint = false} : vector<400x8xf32>, vector<8x128xf32>, vector<400x128xf32> -> vector<400x128xf32>
    %div3A = arith.divf %add3A_12, %dot_general3A_26 : vector<400x128xf32>
    %get3A_27 = arith.constant 0 : index
    %get3A_28 = arith.constant 0 : index
    %get3A_29 = vector.load %arg6[%get3A_27, %get3A_28] : memref<1x128xf32, #tpu.memory_space<vmem>>, vector<1x128xf32>
    %add3A_30 = vector.broadcast %get3A_29 : vector<1x128xf32> to vector<400x128xf32>
    %add3A_31 = arith.addf %div3A, %add3A_30 : vector<400x128xf32>
    %max3A = arith.constant 0.000000e+00 : f32
    %max3A_32 = vector.broadcast %max3A : f32 to vector<400x128xf32>
    %max3A_33 = arith.maximumf %add3A_31, %max3A_32 : vector<400x128xf32>
    %get3A_34 = arith.constant 0 : index
    %get3A_35 = arith.constant 0 : index
    %get3A_36 = vector.load %arg7[%get3A_34, %get3A_35] : memref<128x64xf32, #tpu.memory_space<vmem>>, vector<128x64xf32>
    %dot_general3A_37 = arith.constant dense<0.000000e+00> : vector<400x64xf32>
    %dot_general3A_38 = tpu.matmul %max3A_33, %get3A_36, %dot_general3A_37 {dimension_numbers = #tpu.dot_dimension_numbers<[1], [0], [0], [1], [0, 0, 1, 1], [], []>, transpose_lhs_hint = false} : vector<400x128xf32>, vector<128x64xf32>, vector<400x64xf32> -> vector<400x64xf32>
    %get3A_39 = arith.constant 0 : index
    %get3A_40 = arith.constant 0 : index
    %get3A_41 = vector.load %arg8[%get3A_39, %get3A_40] : memref<1x64xf32, #tpu.memory_space<vmem>>, vector<1x64xf32>
    %mul3A = vector.broadcast %get3A_41 : vector<1x64xf32> to vector<400x64xf32>
    %mul3A_42 = arith.mulf %dot_general3A_38, %mul3A : vector<400x64xf32>
    %reduce_sum3A = arith.constant dense<0.000000e+00> : vector<400xf32>
    %reduce_sum3A_43 = vector.multi_reduction <add>, %mul3A_42, %reduce_sum3A [1] : vector<400x64xf32> to vector<400xf32>
    %broadcast_in_dim3A = vector.shape_cast %reduce_sum3A_43 : vector<400xf32> to vector<400x1xf32>
    %get3A_44 = arith.constant 0 : index
    %get3A_45 = arith.constant 0 : index
    %get3A_46 = vector.load %arg9[%get3A_44, %get3A_45] : memref<1x64xf32, #tpu.memory_space<vmem>>, vector<1x64xf32>
    %mul3A_47 = vector.broadcast %get3A_46 : vector<1x64xf32> to vector<400x64xf32>
    %mul3A_48 = arith.mulf %dot_general3A_38, %mul3A_47 : vector<400x64xf32>
    %reduce_sum3A_49 = arith.constant dense<0.000000e+00> : vector<400xf32>
    %reduce_sum3A_50 = vector.multi_reduction <add>, %mul3A_48, %reduce_sum3A_49 [1] : vector<400x64xf32> to vector<400xf32>
    %broadcast_in_dim3A_51 = vector.shape_cast %reduce_sum3A_50 : vector<400xf32> to vector<400x1xf32>
    %get3A_52 = arith.constant 0 : index
    %get3A_53 = arith.constant 0 : index
    %get3A_54 = vector.load %arg10[%get3A_52, %get3A_53] : memref<64x64xf32, #tpu.memory_space<vmem>>, vector<64x64xf32>
    %dot_general3A_55 = arith.constant dense<0.000000e+00> : vector<400x64xf32>
    %dot_general3A_56 = tpu.matmul %dot_general3A_38, %get3A_54, %dot_general3A_55 {dimension_numbers = #tpu.dot_dimension_numbers<[1], [0], [0], [1], [0, 0, 1, 1], [], []>, transpose_lhs_hint = false} : vector<400x64xf32>, vector<64x64xf32>, vector<400x64xf32> -> vector<400x64xf32>
    %broadcast_in_dim3A_57 = vector.shape_cast %broadcast_in_dim3A : vector<400x1xf32> to vector<400x1xf32>
    %broadcast_in_dim3A_58 = vector.broadcast %broadcast_in_dim3A_57 : vector<400x1xf32> to vector<400x32xf32>
    %concatenate3A = tpu.concatenate %dot_general3A_56, %broadcast_in_dim3A_58 in 1 : vector<400x64xf32>, vector<400x32xf32> -> vector<400x96xf32>
    %convert_element_type3A = arith.truncf %concatenate3A : vector<400x96xf32> to vector<400x96xbf16>
    %swap3A = arith.constant 0 : index
    %swap3A_59 = arith.constant 0 : index
    %swap3A_60 = vector.load %arg11[%swap3A, %swap3A_59] : memref<400x96xbf16, #tpu.memory_space<vmem>>, vector<400x96xbf16>
    tpu.vector_store %arg11[%swap3A, %swap3A_59], %convert_element_type3A {strides = array<i32>} : memref<400x96xbf16, #tpu.memory_space<vmem>>, vector<400x96xbf16>,
    %broadcast_in_dim3A_61 = vector.shape_cast %broadcast_in_dim3A_51 : vector<400x1xf32> to vector<400x1xf32>
    %broadcast_in_dim3A_62 = vector.broadcast %broadcast_in_dim3A_61 : vector<400x1xf32> to vector<400x16xf32>
    %swap3A_63 = arith.constant 0 : index
    %swap3A_64 = arith.constant 0 : index
    %swap3A_65 = vector.load %arg12[%swap3A_63, %swap3A_64] : memref<400x16xf32, #tpu.memory_space<vmem>>, vector<400x16xf32>
    tpu.vector_store %arg12[%swap3A_63, %swap3A_64], %broadcast_in_dim3A_62 {strides = array<i32>} : memref<400x16xf32, #tpu.memory_space<vmem>>, vector<400x16xf32>,
    %add3A_66 = arith.addf %broadcast_in_dim3A, %broadcast_in_dim3A_51 : vector<400x1xf32>
    %mul3A_67 = arith.constant 2.000000e-01 : f32
    %mul3A_68 = vector.broadcast %mul3A_67 : f32 to vector<400x1xf32>
    %mul3A_69 = arith.mulf %mul3A_68, %add3A_66 : vector<400x1xf32>
    %max3A_70 = arith.maximumf %add3A_66, %mul3A_69 : vector<400x1xf32>
    %exp3A = math.exp %max3A_70 : vector<400x1xf32>
    %broadcast_in_dim3A_71 = vector.shape_cast %exp3A : vector<400x1xf32> to vector<400x1xf32>
    %broadcast_in_dim3A_72 = vector.broadcast %broadcast_in_dim3A_71 : vector<400x1xf32> to vector<400x16xf32>
    %swap3A_73 = arith.constant 0 : index
    %swap3A_74 = arith.constant 0 : index
    %swap3A_75 = vector.load %arg14[%swap3A_73, %swap3A_74] : memref<400x16xf32, #tpu.memory_space<vmem>>, vector<400x16xf32>
    tpu.vector_store %arg14[%swap3A_73, %swap3A_74], %broadcast_in_dim3A_72 {strides = array<i32>} : memref<400x16xf32, #tpu.memory_space<vmem>>, vector<400x16xf32>,
    %mul3A_76 = vector.broadcast %exp3A : vector<400x1xf32> to vector<400x64xf32>
    %mul3A_77 = arith.mulf %dot_general3A_38, %mul3A_76 : vector<400x64xf32>
    %swap3A_78 = arith.constant 0 : index
    %swap3A_79 = arith.constant 0 : index
    %swap3A_80 = vector.load %arg13[%swap3A_78, %swap3A_79] : memref<400x64xf32, #tpu.memory_space<vmem>>, vector<400x64xf32>
    tpu.vector_store %arg13[%swap3A_78, %swap3A_79], %mul3A_77 {strides = array<i32>} : memref<400x64xf32, #tpu.memory_space<vmem>>, vector<400x64xf32>,
    return
  }
  func.func @transform_0(%arg0: i32) -> (i32, i32) {
    %c0_i32 = arith.constant 0 : i32
    %c0_i32_0 = arith.constant 0 : i32
    return %arg0, %c0_i32 : i32, i32
  }
  func.func @transform_1(%arg0: i32) -> (i32, i32) {
    %c0_i32 = arith.constant 0 : i32
    %c0_i32_0 = arith.constant 0 : i32
    return %arg0, %c0_i32 : i32, i32
  }
  func.func @transform_2(%arg0: i32) -> (i32, i32) {
    %c0_i32 = arith.constant 0 : i32
    %c0_i32_0 = arith.constant 0 : i32
    return %arg0, %c0_i32 : i32, i32
  }
  func.func @transform_3(%arg0: i32) -> (i32, i32) {
    %c0_i32 = arith.constant 0 : i32
    %c0_i32_0 = arith.constant 0 : i32
    return %arg0, %c0_i32 : i32, i32
  }
  func.func @transform_4(%arg0: i32) -> (i32, i32) {
    %c0_i32 = arith.constant 0 : i32
    %c0_i32_0 = arith.constant 0 : i32
    %c0_i32_1 = arith.constant 0 : i32
    return %c0_i32, %c0_i32_0 : i32, i32
  }
  func.func @transform_5(%arg0: i32) -> (i32, i32) {
    %c0_i32 = arith.constant 0 : i32
    %c0_i32_0 = arith.constant 0 : i32
    %c0_i32_1 = arith.constant 0 : i32
    return %c0_i32, %c0_i32_0 : i32, i32
  }
  func.func @transform_6(%arg0: i32) -> (i32, i32) {
    %c0_i32 = arith.constant 0 : i32
    %c0_i32_0 = arith.constant 0 : i32
    %c0_i32_1 = arith.constant 0 : i32
    return %c0_i32, %c0_i32_0 : i32, i32
  }
  func.func @transform_7(%arg0: i32) -> (i32, i32) {
    %c0_i32 = arith.constant 0 : i32
    %c0_i32_0 = arith.constant 0 : i32
    %c0_i32_1 = arith.constant 0 : i32
    return %c0_i32, %c0_i32_0 : i32, i32
  }
  func.func @transform_8(%arg0: i32) -> (i32, i32) {
    %c0_i32 = arith.constant 0 : i32
    %c0_i32_0 = arith.constant 0 : i32
    %c0_i32_1 = arith.constant 0 : i32
    return %c0_i32, %c0_i32_0 : i32, i32
  }
  func.func @transform_9(%arg0: i32) -> (i32, i32) {
    %c0_i32 = arith.constant 0 : i32
    %c0_i32_0 = arith.constant 0 : i32
    %c0_i32_1 = arith.constant 0 : i32
    return %c0_i32, %c0_i32_0 : i32, i32
  }
  func.func @transform_10(%arg0: i32) -> (i32, i32) {
    %c0_i32 = arith.constant 0 : i32
    %c0_i32_0 = arith.constant 0 : i32
    return %arg0, %c0_i32 : i32, i32
  }
  func.func @transform_11(%arg0: i32) -> (i32, i32) {
    %c0_i32 = arith.constant 0 : i32
    %c0_i32_0 = arith.constant 0 : i32
    return %arg0, %c0_i32 : i32, i32
  }
  func.func @transform_12(%arg0: i32) -> (i32, i32) {
    %c0_i32 = arith.constant 0 : i32
    %c0_i32_0 = arith.constant 0 : i32
    return %arg0, %c0_i32 : i32, i32
  }
  func.func @transform_13(%arg0: i32) -> (i32, i32) {
    %c0_i32 = arith.constant 0 : i32
    %c0_i32_0 = arith.constant 0 : i32
    return %arg0, %c0_i32 : i32, i32
  }
}

module attributes {stable_mosaic.version = 14 : i64} {
  func.func @_tc3_body(%arg0: i32, %arg1: memref<400x80xf32, #tpu.memory_space<vmem>>, %arg2: memref<400x80xf32, #tpu.memory_space<vmem>>, %arg3: memref<400x64xf32, #tpu.memory_space<vmem>>, %arg4: memref<400x16xf32, #tpu.memory_space<vmem>>, %arg5: memref<1x64xf32, #tpu.memory_space<vmem>>, %arg6: memref<400x64xf32, #tpu.memory_space<vmem>>) attributes {dimension_semantics = [#tpu.dimension_semantics<arbitrary>], iteration_bounds = array<i64: 25>, scalar_prefetch = 0 : i64, scratch_operands = 0 : i64, tpu.core_type = #tpu.core_type<tc>, window_params = [{transform_indices = @transform_0, window_bounds = array<i64: 400, 80>}, {transform_indices = @transform_1, window_bounds = array<i64: 400, 80>}, {transform_indices = @transform_2, window_bounds = array<i64: 400, 64>}, {transform_indices = @transform_3, window_bounds = array<i64: 400, 16>}, {pipeline_mode = #tpu.pipeline_mode<synchronous>, transform_indices = @transform_4, window_bounds = array<i64: 1, 64>}, {transform_indices = @transform_5, window_bounds = array<i64: 400, 64>}]} {
    %get3A = arith.constant 0 : index
    %get3A_0 = arith.constant 0 : index
    %get3A_1 = vector.load %arg4[%get3A, %get3A_0] : memref<400x16xf32, #tpu.memory_space<vmem>>, vector<400x16xf32>
    %slice3A = vector.extract_strided_slice %get3A_1 {offsets = [0, 0], sizes = [400, 1], strides = [1, 1]} : vector<400x16xf32> to vector<400x1xf32>
    %get3A_2 = arith.constant 0 : index
    %get3A_3 = arith.constant 0 : index
    %get3A_4 = vector.load %arg1[%get3A_2, %get3A_3] : memref<400x80xf32, #tpu.memory_space<vmem>>, vector<400x80xf32>
    %slice3A_5 = vector.extract_strided_slice %get3A_4 {offsets = [0, 64], sizes = [400, 1], strides = [1, 1]} : vector<400x80xf32> to vector<400x1xf32>
    %get3A_6 = arith.constant 0 : index
    %get3A_7 = arith.constant 0 : index
    %get3A_8 = vector.load %arg2[%get3A_6, %get3A_7] : memref<400x80xf32, #tpu.memory_space<vmem>>, vector<400x80xf32>
    %slice3A_9 = vector.extract_strided_slice %get3A_8 {offsets = [0, 64], sizes = [400, 1], strides = [1, 1]} : vector<400x80xf32> to vector<400x1xf32>
    %add3A = arith.addf %slice3A_5, %slice3A_9 : vector<400x1xf32>
    %add3A_10 = arith.addf %add3A, %slice3A : vector<400x1xf32>
    %get3A_11 = arith.constant 0 : index
    %get3A_12 = arith.constant 0 : index
    %get3A_13 = vector.load %arg1[%get3A_11, %get3A_12] : memref<400x80xf32, #tpu.memory_space<vmem>>, vector<400x80xf32>
    %slice3A_14 = vector.extract_strided_slice %get3A_13 {offsets = [0, 0], sizes = [400, 64], strides = [1, 1]} : vector<400x80xf32> to vector<400x64xf32>
    %get3A_15 = arith.constant 0 : index
    %get3A_16 = arith.constant 0 : index
    %get3A_17 = vector.load %arg2[%get3A_15, %get3A_16] : memref<400x80xf32, #tpu.memory_space<vmem>>, vector<400x80xf32>
    %slice3A_18 = vector.extract_strided_slice %get3A_17 {offsets = [0, 0], sizes = [400, 64], strides = [1, 1]} : vector<400x80xf32> to vector<400x64xf32>
    %add3A_19 = arith.addf %slice3A_14, %slice3A_18 : vector<400x64xf32>
    %get3A_20 = arith.constant 0 : index
    %get3A_21 = arith.constant 0 : index
    %get3A_22 = vector.load %arg3[%get3A_20, %get3A_21] : memref<400x64xf32, #tpu.memory_space<vmem>>, vector<400x64xf32>
    %add3A_23 = arith.addf %add3A_19, %get3A_22 : vector<400x64xf32>
    %div3A = vector.broadcast %add3A_10 : vector<400x1xf32> to vector<400x64xf32>
    %div3A_24 = arith.divf %add3A_23, %div3A : vector<400x64xf32>
    %get3A_25 = arith.constant 0 : index
    %get3A_26 = arith.constant 0 : index
    %get3A_27 = vector.load %arg5[%get3A_25, %get3A_26] : memref<1x64xf32, #tpu.memory_space<vmem>>, vector<1x64xf32>
    %add3A_28 = vector.broadcast %get3A_27 : vector<1x64xf32> to vector<400x64xf32>
    %add3A_29 = arith.addf %div3A_24, %add3A_28 : vector<400x64xf32>
    %swap3A = arith.constant 0 : index
    %swap3A_30 = arith.constant 0 : index
    %swap3A_31 = vector.load %arg6[%swap3A, %swap3A_30] : memref<400x64xf32, #tpu.memory_space<vmem>>, vector<400x64xf32>
    tpu.vector_store %arg6[%swap3A, %swap3A_30], %add3A_29 {strides = array<i32>} : memref<400x64xf32, #tpu.memory_space<vmem>>, vector<400x64xf32>,
    return
  }
  func.func @transform_0(%arg0: i32) -> (i32, i32) {
    %c0_i32 = arith.constant 0 : i32
    %c0_i32_0 = arith.constant 0 : i32
    return %arg0, %c0_i32 : i32, i32
  }
  func.func @transform_1(%arg0: i32) -> (i32, i32) {
    %c0_i32 = arith.constant 0 : i32
    %c0_i32_0 = arith.constant 0 : i32
    return %arg0, %c0_i32 : i32, i32
  }
  func.func @transform_2(%arg0: i32) -> (i32, i32) {
    %c0_i32 = arith.constant 0 : i32
    %c0_i32_0 = arith.constant 0 : i32
    return %arg0, %c0_i32 : i32, i32
  }
  func.func @transform_3(%arg0: i32) -> (i32, i32) {
    %c0_i32 = arith.constant 0 : i32
    %c0_i32_0 = arith.constant 0 : i32
    return %arg0, %c0_i32 : i32, i32
  }
  func.func @transform_4(%arg0: i32) -> (i32, i32) {
    %c0_i32 = arith.constant 0 : i32
    %c0_i32_0 = arith.constant 0 : i32
    %c0_i32_1 = arith.constant 0 : i32
    return %c0_i32, %c0_i32_0 : i32, i32
  }
  func.func @transform_5(%arg0: i32) -> (i32, i32) {
    %c0_i32 = arith.constant 0 : i32
    %c0_i32_0 = arith.constant 0 : i32
    return %arg0, %c0_i32 : i32, i32
  }
}

</mosaic_0001>

<sc_bundles>
// kernel: _run.10.cloned.1.call-start
scs
__scs_entry_jumppad:
0x0: {  	(pc) =	sbr.rel $0x88, $3  }
0x1: {  	(tag) =	ssettag $0x0;
	lr =	simm.s32 $0x1  }
0x2: {  	[smem:$0x3F97] =	sst lr;
	_ =	strace $0xD0000000  }
0x3: {  	_ = 	snop  }
0x4: {  	_ = 	snop  }
0x5: {  	_ = 	snop  }
0x6: {  	_ = 	snop  }
0x7: {  	_ = 	snop  }
__scs_overlays_trampoline_lowered:
0x8: {  	[smem:$0x3FA6] =	sst s0  }
0x9: {  	[smem:$0x3FA7] =	sst s1  }
0xa: {  	[smem:$0x3FA8] =	sst s2  }
0xb: {  	[smem:$0x3FA9] =	sst s3  }
0xc: {  	[smem:$0x3FAA] =	sst s4  }
0xd: {  	[smem:$0x3FAB] =	sst s5  }
0xe: {  	[smem:$0x3FAC] =	sst s6  }
0xf: {  	[smem:$0x3FAD] =	sst s7  }
0x10: {  	[smem:$0x3FAE] =	sst s8  }
0x11: {  	[smem:$0x3FAF] =	sst s9;
	s0 =	simm.s32 @!p0 $0x0  }
0x12: {  	s1 =	sld [smem:$0x3F95];
	s0 =	simm.s32 @p0 $0x1  }
0x13: {  	[smem:$0x3FB0] =	sst s0;
	s0 =	simm.s32 @!p1 $0x0  }
0x14: {  	s2 =	sld [smem:$0x3F94];
	s0 =	simm.s32 @p1 $0x1  }
0x15: {  	[smem:$0x3FB1] =	sst s0;
	s0 =	simm.s32 @!p2 $0x0  }
0x16: {  	s3 =	sld [smem:$0x3FDB];
	s0 =	simm.s32 @p2 $0x1  }
0x17: {  	s4 =	simm.s32 $0x1BF5;
	[smem:$0x3FB3] =	sst s0  }
0x18: {  	s0 =	sld [smem:$0x3F96];
	_ =	swait.ge [sflag:s4], $0x0  }
0x19: {  	s7 =	sld [smem:$0x3F97]  }
0x1a: {  	s8 =	sadd.s32 $0xFFFFE003, lr  }
0x1b: {  	s9 =	sadd.s32 $0xFFFFFEF7, lr;
	s5 =	simm.s32 $0xFFFFFFFF;
	p2 =	slt.u32 s8, $0xFFFFF086  }
0x1c: {  	p1 =	slt.u32 s9, $0xF7A;
	s5 =	simm.s32 @!p2 $0x0  }
0x1d: {  	s5 =	simm.s32 @p1 $0x1;
	p0 =	seq.s32 s7, s2  }
0x1e: {  	s7 =	smul.u32 @!p0 $0xF7A, s2;
	p2 =	seq.s32 @!p0 s5, $0x0  }
0x1f: {  	s9 =	smul.u32 $0xF7A, s1;
	s8 =	simm.s32 @!p0 $0x1BF5;
	p2 =	por !p2, p0  }
0x20: {  	[sflag:s8] =	ssyncset.s32 @!p0 $0xFFFFF086;
	s6 =	sadd.s32 @!p0 s3, s7;
	s7 =	simm.s32 @!p0 $0x108  }
0x21: {  	s3 =	sadd.s32 s3, s9;
	s6 =	sadd.s32 @!p0 $0x88, s6;
	s7 =	simm.s32 @p2 $0x1082  }
0x22: {  	[simem:s7], [sflag:s8] =	dma.local @!p0 [hbm:s6], $0xF7A  }
0x23: {  	s9 =	sor.u32 $0xD0000000, s2;
	s6 =	simm.s32 $0x108;
	_ =	swait.ge @!p0 [sflag:s8], $0x0  }
0x24: {  	s3 =	sadd.s32 $0x88, s3;
	s6 =	simm.s32 @!p1 $0x1082;
	[sflag:s4] =	ssyncset.s32 $0xFFFFF086  }
0x25: {  	[simem:s6], [sflag:s4] =	dma.local [hbm:s3], $0xF7A  }
0x26: {  	[smem:$0x3F97] =	sst s1;
	(tag) =	ssettag s2;
	_ =	strace s9  }
0x27: {  	s1 =	sld [smem:$0x3FA7]  }
0x28: {  	s2 =	sld [smem:$0x3FA8]  }
0x29: {  	s4 =	sld [smem:$0x3FAA]  }
0x2a: {  	p0 =	seq.s32 s5, $0x0;
	s5 =	sld [smem:$0x3FAB]  }
0x2b: {  	s6 =	sld [smem:$0x3FAC]  }
0x2c: {  	s7 =	sld [smem:$0x3FAD]  }
0x2d: {  	s3 =	simm.s32 $0x108;
	s8 =	sld [smem:$0x3FAE]  }
0x2e: {  	s3 =	simm.s32 @!p0 $0x1082;
	s9 =	sld [smem:$0x3FAF]  }
0x2f: {  	lr =	sadd.s32 s0, s3;
	s0 =	sld [smem:$0x3FA6]  }
0x30: {  	s3 =	sld [smem:$0x3FA9]  }
0x31: {  	[smem:$0x3FB2] =	sst s10  }
0x32: {  	s10 =	sld [smem:$0x3FB0];
	_ =	sdelay $0x3  }
0x33: {  	p0 =	seq.s32 s10, $0x1;
	s10 =	sld [smem:$0x3FB2];
	_ =	sdelay $0x3  }
0x34: {  	[smem:$0x3FB2] =	sst s10  }
0x35: {  	s10 =	sld [smem:$0x3FB1];
	_ =	sdelay $0x3  }
0x36: {  	p1 =	seq.s32 s10, $0x1;
	s10 =	sld [smem:$0x3FB2];
	_ =	sdelay $0x3  }
0x37: {  	[smem:$0x3FB2] =	sst s10  }
0x38: {  	s10 =	sld [smem:$0x3FB3]  }
0x39: {  	_ = 	snop;
	(pc) =	sbr.ind lr, $3  }
0x3a: {  	_ = 	snop  }
0x3b: {  	_ = 	snop  }
0x3c: {  	p2 =	seq.s32 s10, $0x1;
	s10 =	sld [smem:$0x3FB2]  }
0x3d: {  	_ =	shalt  }
0x3e: {  	_ =	shalt  }
0x3f: {  	_ =	shalt  }
0x40: {  	_ =	shalt  }
0x41: {  	_ =	shalt  }
0x42: {  	_ =	shalt  }
0x43: {  	_ =	shalt  }
0x44: {  	_ =	shalt  }
0x45: {  	_ =	shalt  }
0x46: {  	_ =	shalt  }
0x47: {  	_ =	shalt  }
0x48: {  	_ =	shalt  }
0x49: {  	_ =	shalt  }
0x4a: {  	_ =	shalt  }
0x4b: {  	_ =	shalt  }
0x4c: {  	_ =	shalt  }
0x4d: {  	_ =	shalt  }
0x4e: {  	_ =	shalt  }
0x4f: {  	_ =	shalt  }
0x50: {  	_ =	shalt  }
0x51: {  	_ =	shalt  }
0x52: {  	_ =	shalt  }
0x53: {  	_ =	shalt  }
0x54: {  	_ =	shalt  }
0x55: {  	_ =	shalt  }
0x56: {  	_ =	shalt  }
0x57: {  	_ =	shalt  }
0x58: {  	_ =	shalt  }
0x59: {  	_ =	shalt  }
0x5a: {  	_ =	shalt  }
0x5b: {  	_ =	shalt  }
0x5c: {  	_ =	shalt  }
0x5d: {  	_ =	shalt  }
0x5e: {  	_ =	shalt  }
0x5f: {  	_ =	shalt  }
0x60: {  	_ =	shalt  }
0x61: {  	_ =	shalt  }
0x62: {  	_ =	shalt  }
0x63: {  	_ =	shalt  }
0x64: {  	_ =	shalt  }
0x65: {  	_ =	shalt  }
0x66: {  	_ =	shalt  }
0x67: {  	_ =	shalt  }
0x68: {  	_ =	shalt  }
0x69: {  	_ =	shalt  }
0x6a: {  	_ =	shalt  }
0x6b: {  	_ =	shalt  }
0x6c: {  	_ =	shalt  }
0x6d: {  	_ =	shalt  }
0x6e: {  	_ =	shalt  }
0x6f: {  	_ =	shalt  }
0x70: {  	_ =	shalt  }
0x71: {  	_ =	shalt  }
0x72: {  	_ =	shalt  }
0x73: {  	_ =	shalt  }
0x74: {  	_ =	shalt  }
0x75: {  	_ =	shalt  }
0x76: {  	_ =	shalt  }
0x77: {  	_ =	shalt  }
0x78: {  	_ =	shalt  }
0x79: {  	_ =	shalt  }
0x7a: {  	_ =	shalt  }
0x7b: {  	_ =	shalt  }
0x7c: {  	_ =	shalt  }
0x7d: {  	_ =	shalt  }
0x7e: {  	_ =	shalt  }
0x7f: {  	_ =	shalt  }
0x80: {  	_ =	shalt  }
0x81: {  	_ =	shalt  }
0x82: {  	_ =	shalt  }
0x83: {  	_ =	shalt  }
0x84: {  	_ =	shalt  }
0x85: {  	_ =	shalt  }
0x86: {  	_ =	shalt  }
0x87: {  	_ =	shalt  }
.Lfunc_end0:
.L_simem_size_0:
called_computation.1_lowered:
.L_overlay_start_0:
0x88: {  	s2 =	sld [smem:$0x3FD9]  }
0x89: {  	s3 =	sld [smem:$0x3FFE];
	_ =	sdelay $0x1  }
0x8a: {  	s1 =	srdreg.scid  }
0x8b: {  	s0 =	sand.u32 $0x1, s1  }
0x8c: {  	s17 =	sshll.u32 s0, $0xA;
	s2 =	sadd.s32 s3, s2  }
0x8d: {  	s2 =	sadd.s32 s2, s17  }
0x8e: {  	[smem:$0x3FBE] =	sst s2  }
0x8f: {  	_ = 	snop  }
0x90: {  	s2 =	sld [smem:$0x3FD0];
	(tm) =	ssettm $0x1  }
0x91: {  	s18 =	sld [smem:$0x3FFB];
	_ =	sdelay $0x3  }
0x92: {  	_ =	strace s18  }
0x93: {  	s3 =	sld [smem:$0x3FFC];
	_ =	sdelay $0x3  }
0x94: {  	_ =	strace s3  }
0x95: {  	s3 =	sld [smem:$0x3FFD];
	_ =	sdelay $0x3  }
0x96: {  	_ =	strace s3  }
0x97: {  	_ =	strace $0x8FFFFFFF  }
0x98: {  	s19 =	sld [smem:$0x3FDB];
	_ =	sdelay $0x1  }
0x99: {  	s4 =	simm.s32 $_scs_section_size  }
0x9a: {  	s5 =	simm.s32 $_size__tile_overlayer_lowered;
	s6 =	simm.s32 $_tile_overlayer_lowered  }
0x9b: {  	s22 =	simm.s32 $0x1BFF;
	s21 =	sshll.u32 s6, $0x1;
	s3 =	sadd.s32 s4, s19  }
0x9c: {  	s7 =	simm.s32 $0x0;
	s20 =	sshll.u32 s5, $0x1;
	s5 =	sadd.s32 s21, s3  }
0x9d: {  	[timem:s7], [sflag:s22] =	dma.local [hbm:s5], s20  }
0x9e: {  	_ =	swait.ge [sflag:s22], s20  }
0x9f: {  	s4 =	ssub.s32 $0x0, s20;
	[sflag:s22] =	ssyncset.done $0x0  }
0xa0: {  	[sflag:s22] =	ssyncadd.s32 s4;
	_ =	sdelay $0x1  }
0xa1: {  	s23 =	simm.s32 $0x1B8B  }
0xa2: {  	_ =	swait.ge [sflag:s23], $0x1  }
0xa3: {  	[sflag:s23] =	ssyncset.done $0x0  }
0xa4: {  	s25 =	simm.s32 $0x1B8E;
	s24 =	sld [smem:$0x3FFE];
	[sflag:s23] =	ssyncadd.s32 $0xFFFFFFFF  }
0xa5: {  	s26 =	simm.s32 $execute0_lowered;
	[smem:$0x3FD2] =	sst s25  }
0xa6: {  	s5 =	sshll.u32 s26, $0x1;
	_ =	strace $0x80000049;
	[dreg:$0x1] =	wrdreg $0xFFFFFFFF  }
0xa7: {  	s28 =	simm.s32 $_size_execute0_lowered;
	s3 =	sadd.s32 s3, s5;
	[dreg:$0x0] =	wrdreg $0x0  }
0xa8: {  	s5 =	sshll.u32 s28, $0x1;
	[dreg:$0x2] =	wrdreg s3  }
0xa9: {  	[dreg:$0x3] =	wrdreg s5  }
0xaa: {  	[dreg:$0x4] =	wrdreg $0xC0  }
0xab: {  	_ =	task [dreg:s7], $0x5FFFF  }
0xac: {  	[dreg:$0x1] =	wrdreg $0xFFFFFFFF  }
0xad: {  	[dreg:$0x0] =	wrdreg $0x60  }
0xae: {  	[dreg:$0x2] =	wrdreg s2  }
0xaf: {  	[dreg:$0x3] =	wrdreg s24  }
0xb0: {  	[dreg:$0x4] =	wrdreg $0x0  }
0xb1: {  	[dreg:$0x5] =	wrdreg $0x9  }
0xb2: {  	_ =	task.clear_ibuf [dreg:s7], $0x6FFFF;
	_ =	strace $0x90000049  }
0xb3: {  	s29 =	simm.s32 $0x9;
	_ =	strace $0x8000004B  }
0xb4: {  	_ =	swait.ge [sflag:s29], $0x1  }
0xb5: {  	[sflag:s29] =	ssyncadd.s32 $0xFFFFFFFF  }
0xb6: {  	_ =	strace $0x9000004B  }
0xb7: {  	_ =	sfence  }
0xb8: {  	s30 =	sld [smem:$0x0];
	_ =	sdelay $0x2  }
0xb9: {  	s31 =	sshll.u32 s1, $0xD;
	s1 =	sshrl.u32 s1, $0x2  }
0xba: {  	s3 =	sand.u32 $0x4000, s31;
	s1 =	sadd.s32 s1, s30  }
0xbb: {  	s0 =	sor.u32 s3, s0;
	s1 =	sshll.u32 s1, $0x11  }
0xbc: {  	s0 =	sor.u32 s1, s0  }
0xbd: {  	s0 =	sadd.s32 $0x8F2B, s0  }
0xbe: {  	[sflag:s0] =	ssyncadd.remote.s32 $0x1  }
0xbf: {  	_ =	sfence.sel $0xFFFF  }
0xc0: {  	[dreg:$0x0] =	wrdreg $0xFFFFFFFF;
	(pc) =	sbr.abs _section_cstart, $3  }
0xc1: {  	[dreg:$0x1] =	wrdreg $0xFFFFFFFF  }
0xc2: {  	_ =	task.clear_ibuf [dreg:s7], $0x2FFFF;
	_ =	strace $0x9FFFFFFF  }
0xc3: {  	(tm) =	ssettm $0x7FFFFFFF  }
tec
execute0_lowered:
.L_overlay_start_1:
0x0: {  	(tag) =	ssettag $0x1  }
0x1: {  	s1 =	rddreg [dreg:$0x0]  }
0x2: {  	s0 =	rddreg [dreg:$0x1]  }
0x3: {  	s30 =	rddreg [dreg:$0x2]  }
0x4: {  	s2 =	srdreg.scid;
	s11 =	stileid.u32  }
0x5: {  	s4 =	simm.s32 $0x0;
	s31 =	simm.s32 $0x9;
	s28 =	simm.s32 $0x7  }
0x6: {  	s29 =	simm.s32 $0x3;
	s2 =	sand.u32 $0x1, s2;
	s3 =	smul.u32 $0xC350, s11  }
0x7: {  	[smem:$0x7FF] =	sst s4;
	s5 =	sadd.s32 $0x28E00, s0;
	s9 =	smul.u32 $0x30D40, s11  }
0x8: {  	s6 =	sadd.s32 $0x72600, s0;
	s7 =	smul.u32 $0xC3500, s2;
	_ =	strace $0x8000004A  }
0x9: {  	s10 =	ssub.s32 $0x2, s2;
	s2 =	sshll.u32 s2, $0x4;
	s9 =	sshrl.u32 s9, $0x2  }
0xa: {  	s2 =	sor.u32 s11, s2;
	s11 =	sadd.s32 s3, s30;
	s9 =	sadd.s32 s9, s30  }
0xb: {  	s24 =	sshrl.u32 s10, $0x1;
	[dreg:$0x4] =	wrdreg s11;
	s25 =	sadd.s32 $0x1900, s9  }
0xc: {  	s8 =	sadd.s32 s3, s7;
	s26 =	sadd.s32 $0x3200, s9;
	[dreg:$0x5] =	wrdreg s25  }
0xd: {  	s7 =	sadd.s32 $0x68800, s0;
	s12 =	sadd.s32 $0x6400, s9;
	[dreg:$0x6] =	wrdreg s26  }
0xe: {  	s2 =	smul.u32 $0x2710, s2;
	s13 =	sadd.s32 $0x7D00, s9;
	[dreg:$0x8] =	wrdreg s12  }
0xf: {  	s8 =	sshrl.u32 s8, $0x3;
	s14 =	sadd.s32 $0x9600, s9;
	[dreg:$0x9] =	wrdreg s13  }
0x10: {  	s15 =	sadd.s32 $0xAF00, s9;
	s0 =	sadd.s32 s8, s0;
	[dreg:$0xa] =	wrdreg s14  }
0x11: {  	s8 =	ssub.s32 s10, s24;
	s10 =	sadd.s32 $0x4B00, s9;
	[dreg:$0xb] =	wrdreg s15  }
0x12: {  	s16 =	sshrl.u32 s2, $0x3;
	s17 =	sadd.s32 $0x28, s2;
	s19 =	sadd.s32 $0x78, s2  }
0x13: {  	s23 =	sadd.s32 $0xC8, s2;
	s25 =	sadd.s32 $0xF0, s2;
	[dreg:$0x7] =	wrdreg s10  }
0x14: {  	s2 =	sadd.s32 $0x140, s2;
	s13 =	simm.s32 $0x50;
	[dreg:$0x15] =	wrdreg s25  }
0x15: {  	s15 =	simm.s32 $0x5;
	s18 =	sadd.s32 s6, s16;
	[dreg:$0x16] =	wrdreg s2  }
0x16: {  	s9 =	sshrl.u32 s17, $0x3;
	s20 =	sadd.s32 s7, s16;
	[dreg:$0xc] =	wrdreg s18  }
0x17: {  	s21 =	sshrl.u32 s19, $0x3;
	s0 =	sadd.s32 $0x2DE00, s0;
	[dreg:$0xe] =	wrdreg s20  }
0x18: {  	s22 =	sadd.s32 $0xA, s16;
	s26 =	smax.u32 s8, $0x1;
	[dreg:$0x17] =	wrdreg s0  }
0x19: {  	s3 =	sadd.s32 $0x14, s16;
	s9 =	sadd.s32 s6, s9;
	[dreg:$0x18] =	wrdreg s26  }
0x1a: {  	s16 =	simm.s32 $0x1;
	s12 =	sadd.s32 s6, s22;
	[dreg:$0xd] =	wrdreg s9  }
0x1b: {  	s19 =	simm.s32 $0xC3A0;
	s10 =	sadd.s32 s7, s22;
	[dreg:$0x10] =	wrdreg s12  }
0x1c: {  	s8 =	simm.s32 $0x8;
	s24 =	sadd.s32 s6, s3;
	[dreg:$0x11] =	wrdreg s10  }
0x1d: {  	s2 =	simm.s32 $0x0;
	s3 =	sadd.s32 s7, s3;
	[dreg:$0x13] =	wrdreg s24  }
0x1e: {  	s26 =	simm.s32 $0xFB68;
	s9 =	sadd.s32 s6, s21;
	[dreg:$0x14] =	wrdreg s3  }
0x1f: {  	s20 =	simm.s32 $0x4;
	[dreg:$0xf] =	wrdreg s9;
	s9 =	sshrl.u32 s23, $0x3  }
0x20: {  	s10 =	simm.s32 $0x28;
	s24 =	simm.s32 $0xFB40;
	s9 =	sadd.s32 s6, s9  }
0x21: {  	v0 =	vimm.f32 $0.0e+00;
	s23 =	simm.s32 $0x6;
	[dreg:$0x12] =	wrdreg s9;
	s9 =	simm.s32 $0xC350  }
.LBB2_1:
0x22: {  	s0 =	simm.s32 $0xE290  }
0x23: {  	[tilespmem:s0+$0xFFFFFF60] =	vst v0  }
0x24: {  	[tilespmem:s0+$0x90] =	vst v0  }
0x25: {  	[tilespmem:s0+$0x80] =	vst v0  }
0x26: {  	[tilespmem:s0+$0x70] =	vst v0  }
0x27: {  	[tilespmem:s0+$0x60] =	vst v0  }
0x28: {  	[tilespmem:s0+$0x50] =	vst v0  }
0x29: {  	[tilespmem:s0+$0x40] =	vst v0  }
0x2a: {  	[tilespmem:s0+$0x30] =	vst v0  }
0x2b: {  	[tilespmem:s0+$0x20] =	vst v0  }
0x2c: {  	[tilespmem:s0+$0x10] =	vst v0  }
0x2d: {  	[tilespmem:s0+$0x0] =	vst v0  }
0x2e: {  	[tilespmem:s0+$0xFFFFFFF0] =	vst v0  }
0x2f: {  	[tilespmem:s0+$0xFFFFFFE0] =	vst v0  }
0x30: {  	[tilespmem:s0+$0xFFFFFFD0] =	vst v0  }
0x31: {  	[tilespmem:s0+$0xFFFFFFC0] =	vst v0  }
0x32: {  	[tilespmem:s0+$0xFFFFFFB0] =	vst v0  }
0x33: {  	[tilespmem:s0+$0xFFFFFFA0] =	vst v0  }
0x34: {  	[tilespmem:s0+$0xFFFFFF90] =	vst v0  }
0x35: {  	[dreg:$0x19] =	wrdreg s2;
	s2 =	simm.s32 $0x0;
	[tilespmem:s0+$0xFFFFFF80] =	vst v0  }
.LBB2_2:
0x36: {  	s2 =	sadd.s32 $0x4, s2;
	[tilespmem:s0+$0xFFFFFF70] =	vst v0;
	s0 =	sadd.s32 $0x140, s0  }
0x37: {  	[tilespmem:s0+$0xFFFFFF60] =	vst v0;
	p0 =	slt.u32 s2, $0x4C  }
0x38: {  	[tilespmem:s0+$0x90] =	vst v0  }
0x39: {  	[tilespmem:s0+$0x80] =	vst v0  }
0x3a: {  	[tilespmem:s0+$0x70] =	vst v0  }
0x3b: {  	[tilespmem:s0+$0x60] =	vst v0  }
0x3c: {  	[tilespmem:s0+$0x50] =	vst v0  }
0x3d: {  	[tilespmem:s0+$0x40] =	vst v0  }
0x3e: {  	[tilespmem:s0+$0x30] =	vst v0  }
0x3f: {  	[tilespmem:s0+$0x20] =	vst v0  }
0x40: {  	[tilespmem:s0+$0x10] =	vst v0  }
0x41: {  	[tilespmem:s0+$0x0] =	vst v0  }
0x42: {  	[tilespmem:s0+$0xFFFFFFF0] =	vst v0  }
0x43: {  	[tilespmem:s0+$0xFFFFFFE0] =	vst v0  }
0x44: {  	[tilespmem:s0+$0xFFFFFFD0] =	vst v0  }
.Ltmp0:
0x45: {  	[tilespmem:s0+$0xFFFFFFC0] =	vst v0;
	(pc) =	sbr.rel @p0 .LBB2_2-.Ltmp0, $4  }
0x46: {  	[tilespmem:s0+$0xFFFFFFB0] =	vst v0  }
0x47: {  	[tilespmem:s0+$0xFFFFFFA0] =	vst v0  }
0x48: {  	[tilespmem:s0+$0xFFFFFF90] =	vst v0  }
0x49: {  	[tilespmem:s0+$0xFFFFFF80] =	vst v0  }
0x4a: {  	[tilespmem:s0+$0xFFFFFF70] =	vst v0;
	s2 =	simm.s32 $0xE1F0  }
0x4b: {  	[spmem:s11] =	stream.linear.scatter [tilespmem:s2], [sflag:$0x9], $0x1900, $0x38;
	[tilespmem:$0x10590] =	vst v63  }
0x4c: {  	_ =	swait.ge [sflag:s31], $0x1900  }
0x4d: {  	[sflag:s31] =	ssyncset.done $0x0  }
0x4e: {  	s21 =	rddreg [dreg:$0x5];
	[sflag:s31] =	ssyncadd.s32 $0xFFFFE700  }
0x4f: {  	[spmem:s21] =	stream.linear.scatter [tilespmem:s2], [sflag:$0x9], $0x1900, $0x38;
	[tilespmem:$0x10590] =	vst v63  }
0x50: {  	_ =	swait.ge [sflag:s31], $0x1900  }
0x51: {  	[sflag:s31] =	ssyncset.done $0x0  }
0x52: {  	s22 =	rddreg [dreg:$0x6];
	[sflag:s31] =	ssyncadd.s32 $0xFFFFE700  }
0x53: {  	[spmem:s22] =	stream.linear.scatter [tilespmem:s2], [sflag:$0x9], $0x1900, $0x38;
	[tilespmem:$0x10590] =	vst v63  }
0x54: {  	_ =	swait.ge [sflag:s31], $0x1900  }
0x55: {  	[sflag:s31] =	ssyncset.done $0x0  }
0x56: {  	s25 =	rddreg [dreg:$0x7];
	[sflag:s31] =	ssyncadd.s32 $0xFFFFE700  }
0x57: {  	[spmem:s25] =	stream.linear.scatter [tilespmem:s2], [sflag:$0x9], $0x1900, $0x38;
	[tilespmem:$0x10590] =	vst v63  }
0x58: {  	_ =	swait.ge [sflag:s31], $0x1900  }
0x59: {  	[sflag:s31] =	ssyncset.done $0x0  }
0x5a: {  	s3 =	rddreg [dreg:$0x8];
	[sflag:s31] =	ssyncadd.s32 $0xFFFFE700  }
0x5b: {  	[spmem:s3] =	stream.linear.scatter [tilespmem:s2], [sflag:$0x9], $0x1900, $0x38;
	[tilespmem:$0x10590] =	vst v63  }
0x5c: {  	_ =	swait.ge [sflag:s31], $0x1900  }
0x5d: {  	[sflag:s31] =	ssyncset.done $0x0  }
0x5e: {  	s11 =	rddreg [dreg:$0x9];
	[sflag:s31] =	ssyncadd.s32 $0xFFFFE700  }
0x5f: {  	[spmem:s11] =	stream.linear.scatter [tilespmem:s2], [sflag:$0x9], $0x1900, $0x38;
	[tilespmem:$0x10590] =	vst v63  }
0x60: {  	_ =	swait.ge [sflag:s31], $0x1900  }
0x61: {  	[sflag:s31] =	ssyncset.done $0x0  }
0x62: {  	s12 =	rddreg [dreg:$0xa];
	[sflag:s31] =	ssyncadd.s32 $0xFFFFE700  }
0x63: {  	[spmem:s12] =	stream.linear.scatter [tilespmem:s2], [sflag:$0x9], $0x1900, $0x38;
	[tilespmem:$0x10590] =	vst v63  }
0x64: {  	_ =	swait.ge [sflag:s31], $0x1900  }
0x65: {  	[sflag:s31] =	ssyncset.done $0x0  }
0x66: {  	s14 =	rddreg [dreg:$0xb];
	[sflag:s31] =	ssyncadd.s32 $0xFFFFE700  }
0x67: {  	[spmem:s14] =	stream.linear.scatter [tilespmem:s2], [sflag:$0x9], $0x1450, $0x38;
	[tilespmem:$0x10590] =	vst v63  }
0x68: {  	_ =	swait.ge [sflag:s31], $0x1450  }
0x69: {  	[sflag:s31] =	ssyncset.done $0x0  }
0x6a: {  	[sflag:s31] =	ssyncadd.s32 $0xFFFFEBB0  }
0x6b: {  	[bflag:$0x0] =	sbarrier.arrive $0xFFFF  }
0x6c: {  	s18 =	simm.s32 $0xFAF0;
	s17 =	rddreg [dreg:$0xc]  }
0x6d: {  	[tilespmem:s18], [sflag:$0x9] =	stream.linear.gather [hbm4b:s17+s4], $0x28, $0x38;
	[tilespmem:$0x10590] =	vst v63  }
0x6e: {  	_ =	swait.ge [sflag:s31], $0x28  }
0x6f: {  	[sflag:s31] =	ssyncset.done $0x0  }
0x70: {  	s3 =	simm.s32 $0xFB18;
	s21 =	rddreg [dreg:$0xd];
	[sflag:s31] =	ssyncadd.s32 $0xFFFFFFD8  }
0x71: {  	[tilespmem:s3], [sflag:$0x9] =	stream.linear.gather [hbm4b:s21+s4], $0x28, $0x38;
	[tilespmem:$0x10590] =	vst v63  }
0x72: {  	_ =	swait.ge [sflag:s31], $0x28  }
0x73: {  	[sflag:s31] =	ssyncset.done $0x0  }
0x74: {  	s22 =	rddreg [dreg:$0xe];
	[sflag:s31] =	ssyncadd.s32 $0xFFFFFFD8  }
0x75: {  	[tilespmem:s9], [sflag:$0x9] =	stream.linear.gather [hbm4b:s22+s4], $0x50, $0x38;
	[tilespmem:$0x10590] =	vst v63  }
0x76: {  	_ =	swait.ge [sflag:s31], $0x50  }
0x77: {  	[sflag:s31] =	ssyncset.done $0x0  }
0x78: {  	s25 =	simm.s32 $0xC3F0;
	[sflag:s31] =	ssyncadd.s32 $0xFFFFFFB0  }
0x79: {  	[tilespmem:s25], [sflag:$0x5] =	stream.indirect.gather [hbm4b:s1+s10], $0x30, s18, s10, $0xb8;
	[tilespmem:$0x10590] =	vst v63  }
0x7a: {  	s2 =	simm.s32 $0xCB70  }
0x7b: {  	[tilespmem:s2], [sflag:$0x5] =	stream.indirect.gather [hbm4b:s1+s10], $0x30, s3, s10, $0xb8;
	[tilespmem:$0x10590] =	vst v63  }
0x7c: {  	s3 =	simm.s32 $0xFB90  }
0x7d: {  	[tilespmem:s3], [sflag:$0x1] =	stream.indirect.gather [hbm4b:s5+s13], $0x10, s9, s13, $0xb8;
	[tilespmem:$0x10590] =	vst v63  }
0x7e: {  	_ =	swait.ge [sflag:s15], $0x780  }
0x7f: {  	[sflag:s15] =	ssyncset.done $0x0  }
0x80: {  	[sflag:s15] =	ssyncadd.s32 $0xFFFFF880  }
0x81: {  	_ =	swait.ge [sflag:s15], $0x780  }
0x82: {  	[sflag:s15] =	ssyncset.done $0x0  }
0x83: {  	[sflag:s15] =	ssyncadd.s32 $0xFFFFF880  }
0x84: {  	_ =	swait.ge [sflag:s16], $0x500  }
0x85: {  	[sflag:s16] =	ssyncset.done $0x0  }
0x86: {  	s0 =	simm.s32 $0xC420;
	[sflag:s16] =	ssyncadd.s32 $0xFFFFFB00  }
0x87: {  	s11 =	simm.s32 $0xFBA0;
	v1 =	vld [tilespmem:s0+$0x20]  }
0x88: {  	v2 =	vld [tilespmem:s11+$0x0]  }
0x89: {  	v3 =	vld [tilespmem:s0+$0xFFFFFFF0]  }
0x8a: {  	v4 =	vld [tilespmem:s11+$0xFFFFFFF0];
	_ =	sdelay $0x1  }
0x8b: {  	v1 =	vshll.u32 v1, $0x10  }
0x8c: {  	v1 =	vadd.f32 v1, v2  }
0x8d: {  	s25 =	simm.s32 $0xC480;
	v2 =	vshll.u32 v3, $0x10  }
0x8e: {  	s12 =	simm.s32 $0xFBC0;
	v2 =	vadd.f32 v2, v4;
	v4 =	vld [tilespmem:s25+$0x20];
	v3 =	vmul.f32 $2.000000030e-01, v1  }
0x8f: {  	v5 =	vld [tilespmem:s12+$0x0]  }
0x90: {  	v6 =	vmul.f32 $2.000000030e-01, v2;
	v1 =	vmax.f32 v1, v3  }
0x91: {  	v3 =	vld [tilespmem:s25+$0xFFFFFFF0];
	v1 =	vmul.f32 $1.442695020e+00, v1  }
0x92: {  	v2 =	vmax.f32 v2, v6;
	v6 =	vld [tilespmem:s12+$0xFFFFFFF0]  }
0x93: {  	(erf) = vpow2.f32 v1;
	v1 =	vmul.f32 $1.442695020e+00, v2;
	v2 =	vshll.u32 v4, $0x10  }
0x94: {  	v2 =	vadd.f32 v2, v5;
	_ =	sdelay $0x1  }
0x95: {  	s12 =	simm.s32 $0xC4E0;
	(erf) = vpow2.f32 v1;
	v3 =	vshll.u32 v3, $0x10;
	v1 =	vmul.f32 $2.000000030e-01, v2  }
0x96: {  	s14 =	simm.s32 $0xFBE0;
	v4 =	vld [tilespmem:s12+$0x20];
	v3 =	vadd.f32 v3, v6  }
0x97: {  	v1 =	vmax.f32 v2, v1;
	v2 =	vld [tilespmem:s14+$0x0]  }
0x98: {  	v5 =	vmul.f32 $2.000000030e-01, v3;
	v1 =	vmul.f32 $1.442695020e+00, v1  }
0x99: {  	v6 =	vld [tilespmem:s12+$0xFFFFFFF0]  }
0x9a: {  	v3 =	vmax.f32 v3, v5;
	v5 =	vld [tilespmem:s14+$0xFFFFFFF0]  }
0x9b: {  	v4 =	vshll.u32 v4, $0x10;
	(erf) = vpow2.f32 v1  }
0x9c: {  	s3 =	simm.s32 $0xE240;
	v3 =	vmul.f32 $1.442695020e+00, v3;
	v1 =	vpop (erf);
	v2 =	vadd.f32 v4, v2  }
0x9d: {  	[tilespmem:s3+$0x40] =	vst v1  }
0x9e: {  	s11 =	simm.s32 $0xC540;
	(erf) = vpow2.f32 v3;
	v3 =	vshll.u32 v6, $0x10;
	v4 =	vld [tilespmem:s0+$0x0];
	v6 =	vmul.f32 $2.000000030e-01, v2  }
0x9f: {  	v11 =	vld [tilespmem:s11+$0xFFFFFFF0];
	v3 =	vadd.f32 v3, v5  }
0xa0: {  	s17 =	simm.s32 $0xFC00;
	v7 =	vpop (erf);
	v5 =	vld [tilespmem:s11+$0x20];
	v2 =	vmax.f32 v2, v6;
	v6 =	vbroadcast v1, $0x0  }
0xa1: {  	[tilespmem:s3+$0xFFFFFFF0] =	vst v7;
	v1 =	vld [tilespmem:s17+$0x0];
	v9 =	vmul.f32 $2.000000030e-01, v3;
	v2 =	vmul.f32 $1.442695020e+00, v2  }
0xa2: {  	v8 =	vld [tilespmem:s0+$0xFFFFFFD0]  }
0xa3: {  	v13 =	vld [tilespmem:s17+$0xFFFFFFF0];
	v3 =	vmax.f32 v3, v9;
	v10 =	vshll.u32 v4, $0x10;
	(erf) = vpow2.f32 v2  }
0xa4: {  	s18 =	simm.s32 $0xE2E0;
	v12 =	vpop (erf);
	v4 =	vand.u32 $0xFFFF0000, v4;
	v3 =	vmul.f32 $1.442695020e+00, v3;
	v10 =	vmul.f32 v10, v6  }
0xa5: {  	[tilespmem:s18+$0x40] =	vst v12;
	v2 =	vmul.f32 v4, v6;
	v4 =	vshll.u32 v5, $0x10  }
0xa6: {  	v4 =	vadd.f32 v4, v1;
	(erf) = vpow2.f32 v3;
	[tilespmem:s3+$0x0] =	vst v10  }
0xa7: {  	v5 =	vld [tilespmem:s25+$0x0];
	v1 =	vpop (erf);
	[tilespmem:s3+$0x10] =	vst v2;
	v10 =	vbroadcast v7, $0x0;
	v2 =	vshll.u32 v11, $0x10;
	v7 =	vshll.u32 v8, $0x10  }
0xa8: {  	[tilespmem:s18+$0xFFFFFFF0] =	vst v1;
	v8 =	vand.u32 $0xFFFF0000, v8;
	v3 =	vld [tilespmem:s0+$0x10];
	v2 =	vadd.f32 v2, v13;
	v9 =	vmul.f32 $2.000000030e-01, v4  }
0xa9: {  	s14 =	simm.s32 $0xC5A0;
	v11 =	vld [tilespmem:s25+$0xFFFFFFD0];
	v8 =	vmul.f32 v8, v10  }
0xaa: {  	s21 =	simm.s32 $0xFC20;
	v13 =	vld [tilespmem:s14+$0x20];
	v7 =	vmul.f32 v7, v10;
	v14 =	vmul.f32 $2.000000030e-01, v2;
	v4 =	vmax.f32 v4, v9  }
0xab: {  	v17 =	vbroadcast v12, $0x0;
	v9 =	vld [tilespmem:s21+$0x0];
	v4 =	vmul.f32 $1.442695020e+00, v4  }
0xac: {  	v1 =	vbroadcast v1, $0x0;
	v12 =	vshll.u32 v5, $0x10;
	[tilespmem:s3+$0xFFFFFFB0] =	vst v7;
	v2 =	vmax.f32 v2, v14  }
0xad: {  	v7 =	vld [tilespmem:s14+$0xFFFFFFF0];
	[tilespmem:s3+$0xFFFFFFC0] =	vst v8;
	v12 =	vmul.f32 v12, v17;
	v14 =	vand.u32 $0xFFFF0000, v3;
	v8 =	vpop (erf);
	(erf) = vpow2.f32 v4  }
0xae: {  	v15 =	vld [tilespmem:s21+$0xFFFFFFF0];
	v4 =	vand.u32 $0xFFFF0000, v5;
	v2 =	vmul.f32 $1.442695020e+00, v2;
	v16 =	vshll.u32 v11, $0x10  }
0xaf: {  	s22 =	simm.s32 $0xE380;
	v5 =	vmul.f32 v14, v6;
	v4 =	vmul.f32 v4, v17;
	v14 =	vld [tilespmem:s0+$0xFFFFFFE0];
	[tilespmem:s18+$0x0] =	vst v12;
	v12 =	vshll.u32 v13, $0x10  }
0xb0: {  	v11 =	vand.u32 $0xFFFF0000, v11;
	[tilespmem:s22+$0x40] =	vst v8;
	v16 =	vmul.f32 v16, v1;
	v13 =	vpop (erf);
	v9 =	vadd.f32 v12, v9  }
0xb1: {  	v3 =	vshll.u32 v3, $0x10;
	(erf) = vpow2.f32 v2;
	v12 =	vld [tilespmem:s12+$0x0];
	[tilespmem:s18+$0x10] =	vst v4;
	v2 =	vbroadcast v13, $0x0  }
0xb2: {  	v4 =	vshll.u32 v7, $0x10;
	v7 =	vmul.f32 v11, v1;
	[tilespmem:s22+$0xFFFFFFF0] =	vst v13;
	v11 =	vld [tilespmem:s25+$0x10];
	v13 =	vmul.f32 $2.000000030e-01, v9  }
0xb3: {  	s17 =	simm.s32 $0xC600;
	v18 =	vmul.f32 v3, v6;
	[tilespmem:s3+$0x30] =	vst v5;
	v4 =	vadd.f32 v4, v15  }
0xb4: {  	s0 =	simm.s32 $0xFC40;
	v3 =	vbroadcast v8, $0x0;
	[tilespmem:s18+$0xFFFFFFB0] =	vst v16;
	v16 =	vld [tilespmem:s17+$0x20];
	v15 =	vshll.u32 v14, $0x10;
	v6 =	vmax.f32 v9, v13  }
0xb5: {  	v5 =	vld [tilespmem:s12+$0xFFFFFFD0];
	v14 =	vand.u32 $0xFFFF0000, v14;
	v19 =	vmul.f32 $2.000000030e-01, v4;
	v9 =	vmul.f32 $1.442695020e+00, v6  }
0xb6: {  	v8 =	vld [tilespmem:s0+$0x0];
	[tilespmem:s3+$0x20] =	vst v18;
	v13 =	vshll.u32 v12, $0x10;
	v6 =	vmul.f32 v15, v10;
	v14 =	vmul.f32 v14, v10  }
0xb7: {  	s21 =	simm.s32 $0xE420;
	[tilespmem:s18+$0xFFFFFFC0] =	vst v7;
	v15 =	vld [tilespmem:s17+$0xFFFFFFF0];
	v4 =	vmax.f32 v4, v19;
	v13 =	vmul.f32 v13, v3;
	v7 =	vpop (erf);
	v19 =	vand.u32 $0xFFFF0000, v11  }
0xb8: {  	v18 =	vld [tilespmem:s0+$0xFFFFFFF0];
	(erf) = vpow2.f32 v9;
	v9 =	vand.u32 $0xFFFF0000, v12;
	[tilespmem:s21+$0x40] =	vst v7;
	v12 =	vmul.f32 v19, v17  }
0xb9: {  	v4 =	vmul.f32 $1.442695020e+00, v4;
	[tilespmem:s22+$0x0] =	vst v13;
	v9 =	vmul.f32 v9, v3;
	v13 =	vld [tilespmem:s25+$0xFFFFFFE0]  }
0xba: {  	v16 =	vshll.u32 v16, $0x10;
	v19 =	vshll.u32 v5, $0x10;
	v5 =	vand.u32 $0xFFFF0000, v5;
	[tilespmem:s18+$0x30] =	vst v12  }
0xbb: {  	v20 =	vpop (erf);
	v19 =	vmul.f32 v19, v2;
	(erf) = vpow2.f32 v4;
	v12 =	vadd.f32 v16, v8;
	[tilespmem:s22+$0x10] =	vst v9;
	v9 =	vld [tilespmem:s11+$0x0]  }
0xbc: {  	v63 =	vshll.u32 v11, $0x10;
	v8 =	vshll.u32 v15, $0x10;
	[tilespmem:s21+$0xFFFFFFF0] =	vst v20;
	v16 =	vmul.f32 v5, v2;
	v5 =	vld [tilespmem:s12+$0x10]  }
0xbd: {  	v4 =	vbroadcast v20, $0x0;
	v11 =	vadd.f32 v8, v18;
	[tilespmem:s22+$0xFFFFFFB0] =	vst v19;
	v15 =	vmul.f32 $2.000000030e-01, v12  }
0xbe: {  	s2 =	simm.s32 $0xA;
	s25 =	simm.s32 $0xC660;
	v8 =	vld [tilespmem:s11+$0xFFFFFFD0];
	[tilespmem:s22+$0xFFFFFFC0] =	vst v16;
	v16 =	vshll.u32 v13, $0x10;
	v10 =	vand.u32 $0xFFFF0000, v13;
	v13 =	vmul.f32 v63, v17  }
.LBB2_4:
0xbf: {  	v17 =	vld [tilespmem:s25+$0x20];
	v18 =	vmul.f32 $2.000000030e-01, v11;
	v12 =	vmax.f32 v12, v15;
	s0 =	sadd.s32 $0x20, s0;
	v19 =	vbroadcast v7, $0x0;
	[tilespmem:s3+$0xFFFFFFD0] =	vst v6;
	v20 =	vmovc v4  }
0xc0: {  	v6 =	vmul.f32 v16, v1;
	v4 =	vld [tilespmem:s0+$0x0];
	v12 =	vmul.f32 $1.442695020e+00, v12;
	v15 =	vshll.u32 v9, $0x10;
	[tilespmem:s3+$0xFFFFFFE0] =	vst v14;
	s3 =	smov.u32 s18;
	s18 =	smov.u32 s22;
	s22 =	smov.u32 s21  }
0xc1: {  	s21 =	sadd.s32 $0xA0, s21;
	v14 =	vld [tilespmem:s25+$0xFFFFFFF0];
	v11 =	vmax.f32 v11, v18;
	v7 =	vpop (erf);
	v15 =	vmul.f32 v15, v19;
	v16 =	vand.u32 $0xFFFF0000, v5;
	[tilespmem:s3+$0x20] =	vst v13  }
0xc2: {  	s2 =	sadd.s32 $0x2, s2;
	v9 =	vand.u32 $0xFFFF0000, v9;
	v13 =	vld [tilespmem:s0+$0xFFFFFFF0];
	(erf) = vpow2.f32 v12;
	[tilespmem:s21+$0x40] =	vst v7;
	v12 =	vmul.f32 v16, v3  }
0xc3: {  	p0 =	slt.u32 s2, $0x4E;
	v11 =	vmul.f32 $1.442695020e+00, v11;
	v16 =	vshll.u32 v8, $0x10;
	[tilespmem:s22+$0x0] =	vst v15;
	v15 =	vmul.f32 v9, v19;
	v18 =	vld [tilespmem:s12+$0xFFFFFFE0];
	s12 =	smov.u32 s11;
	s11 =	smov.u32 s14  }
.Ltmp1:
0xc4: {  	v8 =	vand.u32 $0xFFFF0000, v8;
	v16 =	vmul.f32 v16, v20;
	s14 =	smov.u32 s17;
	v9 =	vshll.u32 v17, $0x10;
	v17 =	vpop (erf);
	[tilespmem:s18+$0x30] =	vst v12;
	(pc) =	sbr.rel @p0 .LBB2_4-.Ltmp1, $4  }
0xc5: {  	s17 =	smov.u32 s25;
	v12 =	vadd.f32 v9, v4;
	(erf) = vpow2.f32 v11;
	v4 =	vbroadcast v17, $0x0;
	v9 =	vld [tilespmem:s11+$0x0];
	[tilespmem:s22+$0x10] =	vst v15  }
0xc6: {  	v21 =	vshll.u32 v5, $0x10;
	v11 =	vshll.u32 v14, $0x10;
	[tilespmem:s21+$0xFFFFFFF0] =	vst v17;
	v17 =	vmul.f32 v8, v20;
	v5 =	vld [tilespmem:s12+$0x10]  }
0xc7: {  	v14 =	vmul.f32 v10, v1;
	v1 =	vmovc v2;
	v11 =	vadd.f32 v11, v13;
	v15 =	vmul.f32 $2.000000030e-01, v12;
	v8 =	vld [tilespmem:s11+$0xFFFFFFD0];
	[tilespmem:s22+$0xFFFFFFB0] =	vst v16  }
0xc8: {  	s25 =	sadd.s32 $0x60, s25;
	v2 =	vmovc v20;
	v13 =	vmul.f32 v21, v3;
	v3 =	vmovc v19;
	[tilespmem:s22+$0xFFFFFFC0] =	vst v17;
	v16 =	vshll.u32 v18, $0x10;
	v10 =	vand.u32 $0xFFFF0000, v18  }
0xc9: {  	v17 =	vmul.f32 $2.000000030e-01, v11;
	[tilespmem:s3+$0xFFFFFFD0] =	vst v6  }
0xca: {  	[tilespmem:s3+$0xFFFFFFE0] =	vst v14;
	v25 =	vmax.f32 v12, v15;
	v7 =	vbroadcast v7, $0x0;
	v26 =	vmul.f32 v16, v1  }
0xcb: {  	v1 =	vmul.f32 v10, v1;
	v6 =	vmul.f32 $1.442695020e+00, v25;
	v27 =	vshll.u32 v9, $0x10;
	[tilespmem:s18+$0x20] =	vst v13  }
0xcc: {  	v28 =	vmax.f32 v11, v17;
	v29 =	vmul.f32 v27, v7;
	[tilespmem:s18+$0xFFFFFFD0] =	vst v26  }
0xcd: {  	v30 =	vld [tilespmem:s12+$0xFFFFFFE0];
	s0 =	sadd.s32 $0xA0, s21;
	v33 =	vand.u32 $0xFFFF0000, v9;
	v31 =	vpop (erf);
	[tilespmem:s18+$0xFFFFFFE0] =	vst v1;
	(erf) = vpow2.f32 v6;
	v32 =	vmul.f32 $1.442695020e+00, v28  }
0xce: {  	v1 =	vand.u32 $0xFFFF0000, v5;
	v9 =	vmul.f32 v33, v7;
	[tilespmem:s0+$0x40] =	vst v31  }
0xcf: {  	v35 =	vshll.u32 v5, $0x10;
	v1 =	vmul.f32 v1, v3;
	[tilespmem:s21+$0x0] =	vst v29;
	(erf) = vpow2.f32 v32  }
0xd0: {  	v34 =	vshll.u32 v8, $0x10;
	v3 =	vmul.f32 v35, v3;
	[tilespmem:s21+$0x10] =	vst v9  }
0xd1: {  	v6 =	vmul.f32 v34, v4;
	[tilespmem:s22+$0x30] =	vst v1  }
0xd2: {  	v36 =	vld [tilespmem:s14+$0x0];
	v37 =	vshll.u32 v30, $0x10;
	[tilespmem:s22+$0x20] =	vst v3  }
0xd3: {  	v38 =	vld [tilespmem:s11+$0x10];
	v39 =	vand.u32 $0xFFFF0000, v30;
	[tilespmem:s21+$0xFFFFFFB0] =	vst v6;
	v10 =	vmul.f32 v37, v2;
	v1 =	vpop (erf)  }
0xd4: {  	v2 =	vmul.f32 v39, v2;
	[tilespmem:s0+$0xFFFFFFF0] =	vst v1  }
0xd5: {  	v3 =	vand.u32 $0xFFFF0000, v8;
	[tilespmem:s22+$0xFFFFFFD0] =	vst v10  }
0xd6: {  	s2 =	sadd.s32 $0xA0, s0;
	v41 =	vbroadcast v31, $0x0;
	v3 =	vmul.f32 v3, v4;
	[tilespmem:s22+$0xFFFFFFE0] =	vst v2;
	v40 =	vld [tilespmem:s14+$0xFFFFFFD0];
	v42 =	vpop (erf)  }
0xd7: {  	v2 =	vshll.u32 v36, $0x10;
	[tilespmem:s2+$0x40] =	vst v42  }
0xd8: {  	[tilespmem:s21+$0xFFFFFFC0] =	vst v3;
	v2 =	vmul.f32 v2, v41;
	v3 =	vand.u32 $0xFFFF0000, v38;
	v43 =	vpop (erf);
	v44 =	vld [tilespmem:s17+$0x0]  }
0xd9: {  	v9 =	vand.u32 $0xFFFF0000, v36;
	v3 =	vmul.f32 v3, v7;
	[tilespmem:s2+$0xFFFFFFF0] =	vst v43  }
0xda: {  	v1 =	vbroadcast v1, $0x0;
	v5 =	vshll.u32 v38, $0x10;
	[tilespmem:s0+$0x0] =	vst v2;
	v2 =	vmul.f32 v9, v41;
	v46 =	vld [tilespmem:s17+$0xFFFFFFD0]  }
0xdb: {  	v5 =	vmul.f32 v5, v7;
	[tilespmem:s21+$0x30] =	vst v3;
	v6 =	vand.u32 $0xFFFF0000, v40  }
0xdc: {  	v3 =	vld [tilespmem:s11+$0xFFFFFFE0];
	v47 =	vbroadcast v42, $0x0;
	v45 =	vshll.u32 v40, $0x10;
	[tilespmem:s0+$0x10] =	vst v2;
	v2 =	vmul.f32 v6, v1  }
0xdd: {  	[tilespmem:s21+$0x20] =	vst v5;
	v13 =	vmul.f32 v45, v1;
	v48 =	vshll.u32 v44, $0x10  }
0xde: {  	v49 =	vbroadcast v43, $0x0;
	v50 =	vld [tilespmem:s14+$0x10];
	[tilespmem:s0+$0xFFFFFFC0] =	vst v2;
	v51 =	vand.u32 $0xFFFF0000, v44;
	v2 =	vmul.f32 v48, v47  }
0xdf: {  	[tilespmem:s0+$0xFFFFFFB0] =	vst v13;
	v7 =	vmul.f32 v51, v47;
	v52 =	vshll.u32 v46, $0x10  }
0xe0: {  	v53 =	vld [tilespmem:s14+$0xFFFFFFE0];
	[tilespmem:s2+$0x0] =	vst v2;
	v2 =	vand.u32 $0xFFFF0000, v46;
	v5 =	vmul.f32 v52, v49  }
0xe1: {  	v54 =	vshll.u32 v3, $0x10;
	[tilespmem:s2+$0x10] =	vst v7;
	v2 =	vmul.f32 v2, v49  }
0xe2: {  	v3 =	vand.u32 $0xFFFF0000, v3;
	v55 =	vmul.f32 v54, v4;
	v56 =	vld [tilespmem:s17+$0x10];
	[tilespmem:s2+$0xFFFFFFB0] =	vst v5  }
0xe3: {  	v3 =	vmul.f32 v3, v4;
	v57 =	vand.u32 $0xFFFF0000, v50;
	[tilespmem:s2+$0xFFFFFFC0] =	vst v2  }
0xe4: {  	v59 =	vshll.u32 v50, $0x10;
	v58 =	vmul.f32 v57, v41;
	[tilespmem:s21+$0xFFFFFFD0] =	vst v55;
	v2 =	vld [tilespmem:s17+$0xFFFFFFE0]  }
0xe5: {  	[tilespmem:s21+$0xFFFFFFE0] =	vst v3;
	v3 =	vshll.u32 v53, $0x10;
	v5 =	vmul.f32 v59, v41  }
0xe6: {  	[tilespmem:s0+$0x30] =	vst v58;
	v60 =	vand.u32 $0xFFFF0000, v53;
	v3 =	vmul.f32 v3, v1  }
0xe7: {  	v1 =	vmul.f32 v60, v1;
	[tilespmem:s0+$0x20] =	vst v5;
	v61 =	vand.u32 $0xFFFF0000, v56  }
0xe8: {  	[tilespmem:s0+$0xFFFFFFD0] =	vst v3;
	v63 =	vshll.u32 v56, $0x10;
	v62 =	vmul.f32 v61, v47  }
0xe9: {  	[tilespmem:s0+$0xFFFFFFE0] =	vst v1;
	v3 =	vmul.f32 v63, v47;
	v1 =	vshll.u32 v2, $0x10  }
0xea: {  	[tilespmem:s2+$0x30] =	vst v62;
	v2 =	vand.u32 $0xFFFF0000, v2;
	v1 =	vmul.f32 v1, v49  }
0xeb: {  	[tilespmem:s2+$0x20] =	vst v3;
	v2 =	vmul.f32 v2, v49  }
0xec: {  	[tilespmem:s2+$0xFFFFFFD0] =	vst v1  }
0xed: {  	s14 =	simm.s32 $0xE1F0;
	[tilespmem:s2+$0xFFFFFFE0] =	vst v2  }
0xee: {  	[spmem:s30] =	stream.indirect.scatter.add.f32 [tilespmem:s14], [sflag:$0x9], $0x50, s9, s13, $0xb8;
	[tilespmem:$0x10590] =	vst v63  }
0xef: {  	_ =	swait.ge [sflag:s31], $0x1900  }
0xf0: {  	s18 =	simm.s32 $0xFAF0;
	[sflag:s31] =	ssyncset.done $0x0  }
0xf1: {  	s21 =	simm.s32 $0x0;
	s17 =	rddreg [dreg:$0x10];
	[sflag:s31] =	ssyncadd.s32 $0xFFFFE700  }
0xf2: {  	[tilespmem:s18], [sflag:$0x9] =	stream.linear.gather [hbm4b:s17+s21], $0x28, $0x38;
	[tilespmem:$0x10590] =	vst v63  }
0xf3: {  	_ =	swait.ge [sflag:s31], $0x28  }
0xf4: {  	[sflag:s31] =	ssyncset.done $0x0  }
0xf5: {  	s25 =	simm.s32 $0xFB18;
	s22 =	rddreg [dreg:$0xf];
	[sflag:s31] =	ssyncadd.s32 $0xFFFFFFD8  }
0xf6: {  	[tilespmem:s25], [sflag:$0x9] =	stream.linear.gather [hbm4b:s22+s21], $0x28, $0x38;
	[tilespmem:$0x10590] =	vst v63  }
0xf7: {  	_ =	swait.ge [sflag:s31], $0x28  }
0xf8: {  	[sflag:s31] =	ssyncset.done $0x0  }
0xf9: {  	s11 =	rddreg [dreg:$0x11];
	[sflag:s31] =	ssyncadd.s32 $0xFFFFFFD8  }
0xfa: {  	[tilespmem:s9], [sflag:$0x9] =	stream.linear.gather [hbm4b:s11+s21], $0x50, $0x38;
	[tilespmem:$0x10590] =	vst v63  }
0xfb: {  	_ =	swait.ge [sflag:s31], $0x50  }
0xfc: {  	[sflag:s31] =	ssyncset.done $0x0  }
0xfd: {  	s12 =	simm.s32 $0xC3F0;
	[sflag:s31] =	ssyncadd.s32 $0xFFFFFFB0  }
0xfe: {  	[tilespmem:s12], [sflag:$0x5] =	stream.indirect.gather [hbm4b:s1+s10], $0x30, s18, s10, $0xb8;
	[tilespmem:$0x10590] =	vst v63  }
0xff: {  	s14 =	simm.s32 $0xCB70  }
0x100: {  	[tilespmem:s14], [sflag:$0x5] =	stream.indirect.gather [hbm4b:s1+s10], $0x30, s25, s10, $0xb8;
	[tilespmem:$0x10590] =	vst v63  }
0x101: {  	s17 =	simm.s32 $0xFB90  }
0x102: {  	[tilespmem:s17], [sflag:$0x1] =	stream.indirect.gather [hbm4b:s5+s13], $0x10, s9, s13, $0xb8;
	[tilespmem:$0x10590] =	vst v63  }
0x103: {  	_ =	swait.ge [sflag:s15], $0x780  }
0x104: {  	[sflag:s15] =	ssyncset.done $0x0  }
0x105: {  	[sflag:s15] =	ssyncadd.s32 $0xFFFFF880  }
0x106: {  	_ =	swait.ge [sflag:s15], $0x780  }
0x107: {  	[sflag:s15] =	ssyncset.done $0x0  }
0x108: {  	[sflag:s15] =	ssyncadd.s32 $0xFFFFF880  }
0x109: {  	_ =	swait.ge [sflag:s16], $0x500  }
0x10a: {  	[sflag:s16] =	ssyncset.done $0x0  }
0x10b: {  	s18 =	rddreg [dreg:$0x13];
	[sflag:s16] =	ssyncadd.s32 $0xFFFFFB00  }
0x10c: {  	[tilespmem:s24], [sflag:$0x9] =	stream.linear.gather [hbm4b:s18+s21], $0x28, $0x38;
	[tilespmem:$0x10590] =	vst v63  }
0x10d: {  	_ =	swait.ge [sflag:s31], $0x28  }
0x10e: {  	[sflag:s31] =	ssyncset.done $0x0  }
0x10f: {  	s22 =	rddreg [dreg:$0x12];
	[sflag:s31] =	ssyncadd.s32 $0xFFFFFFD8  }
0x110: {  	[tilespmem:s26], [sflag:$0x9] =	stream.linear.gather [hbm4b:s22+s21], $0x28, $0x38;
	[tilespmem:$0x10590] =	vst v63  }
0x111: {  	_ =	swait.ge [sflag:s31], $0x28  }
0x112: {  	[sflag:s31] =	ssyncset.done $0x0  }
0x113: {  	s25 =	rddreg [dreg:$0x14];
	[sflag:s31] =	ssyncadd.s32 $0xFFFFFFD8  }
0x114: {  	[tilespmem:s19], [sflag:$0x9] =	stream.linear.gather [hbm4b:s25+s21], $0x50, $0x38;
	[tilespmem:$0x10590] =	vst v63  }
0x115: {  	_ =	swait.ge [sflag:s31], $0x50  }
0x116: {  	[sflag:s31] =	ssyncset.done $0x0  }
0x117: {  	[sflag:s31] =	ssyncadd.s32 $0xFFFFFFB0  }
.LBB2_6:
0x118: {  	s0 =	simm.s32 $0xD2F0  }
0x119: {  	[tilespmem:s0], [sflag:$0x6] =	stream.indirect.gather [hbm4b:s1+s10], $0x30, s24, s10, $0xb8;
	[tilespmem:$0x10590] =	vst v63  }
0x11a: {  	s12 =	simm.s32 $0xDA70  }
0x11b: {  	[tilespmem:s12], [sflag:$0x6] =	stream.indirect.gather [hbm4b:s1+s10], $0x30, s26, s10, $0xb8;
	[tilespmem:$0x10590] =	vst v63  }
0x11c: {  	s14 =	simm.s32 $0x10090;
	s0 =	simm.s32 $0xC420  }
0x11d: {  	[tilespmem:s14], [sflag:$0x2] =	stream.indirect.gather [hbm4b:s5+s13], $0x10, s19, s13, $0xb8;
	[tilespmem:$0x10590] =	vst v63  }
0x11e: {  	s2 =	simm.s32 $0xFBA0;
	v1 =	vld [tilespmem:s0+$0x20]  }
0x11f: {  	v2 =	vld [tilespmem:s2+$0x0]  }
0x120: {  	v3 =	vld [tilespmem:s0+$0xFFFFFFF0]  }
0x121: {  	v4 =	vld [tilespmem:s2+$0xFFFFFFF0];
	_ =	sdelay $0x1  }
0x122: {  	v1 =	vshll.u32 v1, $0x10  }
0x123: {  	v1 =	vadd.f32 v1, v2  }
0x124: {  	s18 =	simm.s32 $0xC480;
	v2 =	vshll.u32 v3, $0x10  }
0x125: {  	s17 =	simm.s32 $0xFBC0;
	v2 =	vadd.f32 v2, v4;
	v4 =	vld [tilespmem:s18+$0x20];
	v3 =	vmul.f32 $2.000000030e-01, v1  }
0x126: {  	v5 =	vld [tilespmem:s17+$0x0]  }
0x127: {  	v6 =	vmul.f32 $2.000000030e-01, v2;
	v1 =	vmax.f32 v1, v3  }
0x128: {  	v3 =	vld [tilespmem:s18+$0xFFFFFFF0];
	v1 =	vmul.f32 $1.442695020e+00, v1  }
0x129: {  	v2 =	vmax.f32 v2, v6;
	v6 =	vld [tilespmem:s17+$0xFFFFFFF0]  }
0x12a: {  	(erf) = vpow2.f32 v1;
	v1 =	vmul.f32 $1.442695020e+00, v2;
	v2 =	vshll.u32 v4, $0x10  }
0x12b: {  	v2 =	vadd.f32 v2, v5;
	_ =	sdelay $0x1  }
0x12c: {  	s11 =	simm.s32 $0xC4E0;
	(erf) = vpow2.f32 v1;
	v3 =	vshll.u32 v3, $0x10;
	v1 =	vmul.f32 $2.000000030e-01, v2  }
0x12d: {  	s22 =	simm.s32 $0xFBE0;
	v4 =	vld [tilespmem:s11+$0x20];
	v3 =	vadd.f32 v3, v6  }
0x12e: {  	v1 =	vmax.f32 v2, v1;
	v2 =	vld [tilespmem:s22+$0x0]  }
0x12f: {  	v5 =	vmul.f32 $2.000000030e-01, v3;
	v1 =	vmul.f32 $1.442695020e+00, v1  }
0x130: {  	v6 =	vld [tilespmem:s11+$0xFFFFFFF0]  }
0x131: {  	v3 =	vmax.f32 v3, v5;
	v5 =	vld [tilespmem:s22+$0xFFFFFFF0]  }
0x132: {  	v4 =	vshll.u32 v4, $0x10;
	(erf) = vpow2.f32 v1  }
0x133: {  	s25 =	simm.s32 $0xE240;
	s22 =	simm.s32 $0xC540;
	v3 =	vmul.f32 $1.442695020e+00, v3;
	v1 =	vpop (erf);
	v2 =	vadd.f32 v4, v2  }
0x134: {  	v11 =	vld [tilespmem:s22+$0xFFFFFFF0];
	[tilespmem:s25+$0x40] =	vst v1  }
0x135: {  	(erf) = vpow2.f32 v3;
	v3 =	vshll.u32 v6, $0x10;
	v7 =	vpop (erf);
	v4 =	vld [tilespmem:s0+$0x0];
	v6 =	vmul.f32 $2.000000030e-01, v2  }
0x136: {  	[tilespmem:s25+$0xFFFFFFF0] =	vst v7;
	v3 =	vadd.f32 v3, v5;
	v5 =	vld [tilespmem:s22+$0x20]  }
0x137: {  	s24 =	simm.s32 $0xFC00;
	v8 =	vld [tilespmem:s0+$0xFFFFFFD0];
	v2 =	vmax.f32 v2, v6;
	v6 =	vbroadcast v1, $0x0  }
0x138: {  	v1 =	vld [tilespmem:s24+$0x0];
	v9 =	vmul.f32 $2.000000030e-01, v3;
	v2 =	vmul.f32 $1.442695020e+00, v2  }
0x139: {  	v13 =	vld [tilespmem:s24+$0xFFFFFFF0];
	v7 =	vbroadcast v7, $0x0  }
0x13a: {  	v3 =	vmax.f32 v3, v9;
	v10 =	vshll.u32 v4, $0x10;
	(erf) = vpow2.f32 v2  }
0x13b: {  	s14 =	simm.s32 $0xE2E0;
	v12 =	vpop (erf);
	v4 =	vand.u32 $0xFFFF0000, v4;
	v3 =	vmul.f32 $1.442695020e+00, v3;
	v10 =	vmul.f32 v10, v6  }
0x13c: {  	[tilespmem:s14+$0x40] =	vst v12;
	v2 =	vmul.f32 v4, v6;
	v4 =	vshll.u32 v5, $0x10;
	v9 =	vshll.u32 v8, $0x10  }
0x13d: {  	s12 =	simm.s32 $0xC5A0;
	v1 =	vadd.f32 v4, v1;
	v4 =	vld [tilespmem:s18+$0x0];
	(erf) = vpow2.f32 v3;
	v3 =	vshll.u32 v11, $0x10;
	[tilespmem:s25+$0x0] =	vst v10  }
0x13e: {  	v9 =	vmul.f32 v9, v7;
	[tilespmem:s25+$0x10] =	vst v2;
	v3 =	vadd.f32 v3, v13;
	v13 =	vld [tilespmem:s12+$0x20]  }
0x13f: {  	v8 =	vand.u32 $0xFFFF0000, v8;
	v5 =	vld [tilespmem:s0+$0x10];
	v10 =	vmul.f32 $2.000000030e-01, v1  }
0x140: {  	s26 =	simm.s32 $0xFC20;
	v8 =	vmul.f32 v8, v7;
	[tilespmem:s25+$0xFFFFFFB0] =	vst v9;
	v9 =	vld [tilespmem:s12+$0xFFFFFFF0];
	v2 =	vpop (erf);
	v14 =	vmul.f32 $2.000000030e-01, v3  }
0x141: {  	v17 =	vbroadcast v12, $0x0;
	[tilespmem:s14+$0xFFFFFFF0] =	vst v2;
	v1 =	vmax.f32 v1, v10;
	v10 =	vld [tilespmem:s26+$0x0]  }
0x142: {  	v11 =	vld [tilespmem:s18+$0xFFFFFFD0];
	v1 =	vmul.f32 $1.442695020e+00, v1;
	v12 =	vshll.u32 v4, $0x10;
	v3 =	vmax.f32 v3, v14  }
0x143: {  	v15 =	vld [tilespmem:s26+$0xFFFFFFF0];
	v12 =	vmul.f32 v12, v17;
	v3 =	vmul.f32 $1.442695020e+00, v3  }
0x144: {  	[tilespmem:s25+$0xFFFFFFC0] =	vst v8;
	v14 =	vand.u32 $0xFFFF0000, v5;
	v8 =	vpop (erf);
	(erf) = vpow2.f32 v1;
	v1 =	vand.u32 $0xFFFF0000, v4  }
0x145: {  	s3 =	simm.s32 $0xE380;
	v4 =	vmul.f32 v14, v6;
	v1 =	vmul.f32 v1, v17;
	v14 =	vld [tilespmem:s0+$0xFFFFFFE0];
	[tilespmem:s14+$0x0] =	vst v12;
	v12 =	vshll.u32 v13, $0x10  }
0x146: {  	v2 =	vbroadcast v2, $0x0;
	[tilespmem:s3+$0x40] =	vst v8;
	v13 =	vpop (erf);
	v10 =	vadd.f32 v12, v10;
	(erf) = vpow2.f32 v3  }
0x147: {  	v12 =	vld [tilespmem:s11+$0x0];
	v3 =	vshll.u32 v9, $0x10;
	v16 =	vshll.u32 v11, $0x10;
	v11 =	vand.u32 $0xFFFF0000, v11;
	[tilespmem:s14+$0x10] =	vst v1  }
0x148: {  	v1 =	vbroadcast v13, $0x0;
	[tilespmem:s3+$0xFFFFFFF0] =	vst v13;
	v13 =	vadd.f32 v3, v15;
	v16 =	vmul.f32 v16, v2  }
0x149: {  	v5 =	vshll.u32 v5, $0x10;
	v9 =	vmul.f32 v11, v2;
	v11 =	vld [tilespmem:s18+$0x10];
	v3 =	vmul.f32 $2.000000030e-01, v10  }
0x14a: {  	s26 =	simm.s32 $0xC600;
	v5 =	vmul.f32 v5, v6;
	[tilespmem:s25+$0x30] =	vst v4;
	v4 =	vld [tilespmem:s11+$0xFFFFFFD0];
	v18 =	vmul.f32 $2.000000030e-01, v13;
	v15 =	vshll.u32 v14, $0x10  }
0x14b: {  	s0 =	simm.s32 $0xFC40;
	v14 =	vand.u32 $0xFFFF0000, v14;
	[tilespmem:s14+$0xFFFFFFB0] =	vst v16;
	v16 =	vld [tilespmem:s26+$0x20];
	v6 =	vmax.f32 v10, v3;
	v3 =	vbroadcast v8, $0x0  }
0x14c: {  	[tilespmem:s14+$0xFFFFFFC0] =	vst v9;
	v9 =	vld [tilespmem:s0+$0x0];
	v10 =	vmul.f32 $1.442695020e+00, v6;
	v19 =	vshll.u32 v12, $0x10;
	v6 =	vmul.f32 v15, v7  }
0x14d: {  	s17 =	simm.s32 $0xE420;
	[tilespmem:s25+$0x20] =	vst v5;
	v15 =	vld [tilespmem:s26+$0xFFFFFFF0];
	v13 =	vmax.f32 v13, v18;
	v5 =	vand.u32 $0xFFFF0000, v12;
	v18 =	vmul.f32 v19, v3;
	v8 =	vpop (erf)  }
0x14e: {  	v20 =	vld [tilespmem:s0+$0xFFFFFFF0];
	v5 =	vmul.f32 v5, v3;
	v19 =	vand.u32 $0xFFFF0000, v11;
	(erf) = vpow2.f32 v10;
	[tilespmem:s17+$0x40] =	vst v8  }
0x14f: {  	v13 =	vmul.f32 $1.442695020e+00, v13;
	v12 =	vshll.u32 v4, $0x10;
	v10 =	vmul.f32 v19, v17;
	[tilespmem:s3+$0x0] =	vst v18;
	v18 =	vld [tilespmem:s18+$0xFFFFFFE0]  }
0x150: {  	v21 =	vand.u32 $0xFFFF0000, v4;
	v22 =	vmul.f32 v12, v1;
	[tilespmem:s3+$0x10] =	vst v5;
	v16 =	vshll.u32 v16, $0x10  }
0x151: {  	(erf) = vpow2.f32 v13;
	v13 =	vmul.f32 v21, v1;
	v19 =	vpop (erf);
	[tilespmem:s14+$0x30] =	vst v10;
	v12 =	vadd.f32 v16, v9;
	v9 =	vld [tilespmem:s22+$0x0]  }
0x152: {  	v5 =	vld [tilespmem:s11+$0x10];
	v10 =	vshll.u32 v15, $0x10;
	[tilespmem:s3+$0xFFFFFFB0] =	vst v22;
	v15 =	vmul.f32 v14, v7;
	v4 =	vbroadcast v19, $0x0  }
0x153: {  	[tilespmem:s17+$0xFFFFFFF0] =	vst v19;
	v19 =	vshll.u32 v11, $0x10;
	v11 =	vadd.f32 v10, v20;
	v16 =	vmul.f32 $2.000000030e-01, v12  }
0x154: {  	s2 =	simm.s32 $0xA;
	s18 =	simm.s32 $0xC660;
	[tilespmem:s3+$0xFFFFFFC0] =	vst v13;
	v10 =	vld [tilespmem:s22+$0xFFFFFFD0];
	v14 =	vmul.f32 v19, v17;
	v13 =	vshll.u32 v18, $0x10;
	v7 =	vand.u32 $0xFFFF0000, v18  }
.LBB2_7:
0x155: {  	v17 =	vld [tilespmem:s18+$0x20];
	v18 =	vmul.f32 $2.000000030e-01, v11;
	v12 =	vmax.f32 v12, v16;
	s0 =	sadd.s32 $0x20, s0;
	v19 =	vbroadcast v8, $0x0;
	[tilespmem:s25+$0xFFFFFFD0] =	vst v6;
	v20 =	vmovc v4  }
0x156: {  	v6 =	vmul.f32 v13, v2;
	v4 =	vld [tilespmem:s0+$0x0];
	v12 =	vmul.f32 $1.442695020e+00, v12;
	v16 =	vshll.u32 v9, $0x10;
	[tilespmem:s25+$0xFFFFFFE0] =	vst v15;
	s25 =	smov.u32 s14;
	s14 =	smov.u32 s3;
	s3 =	smov.u32 s17  }
0x157: {  	s17 =	sadd.s32 $0xA0, s17;
	v13 =	vld [tilespmem:s18+$0xFFFFFFF0];
	v11 =	vmax.f32 v11, v18;
	v8 =	vpop (erf);
	v15 =	vmul.f32 v16, v19;
	v16 =	vand.u32 $0xFFFF0000, v5;
	[tilespmem:s25+$0x20] =	vst v14  }
0x158: {  	s2 =	sadd.s32 $0x2, s2;
	v9 =	vand.u32 $0xFFFF0000, v9;
	v14 =	vld [tilespmem:s0+$0xFFFFFFF0];
	(erf) = vpow2.f32 v12;
	[tilespmem:s17+$0x40] =	vst v8;
	v12 =	vmul.f32 v16, v3  }
0x159: {  	p0 =	slt.u32 s2, $0x4E;
	v11 =	vmul.f32 $1.442695020e+00, v11;
	v16 =	vshll.u32 v10, $0x10;
	[tilespmem:s3+$0x0] =	vst v15;
	v15 =	vmul.f32 v9, v19;
	v18 =	vld [tilespmem:s11+$0xFFFFFFE0];
	s11 =	smov.u32 s22;
	s22 =	smov.u32 s12  }
.Ltmp2:
0x15a: {  	v10 =	vand.u32 $0xFFFF0000, v10;
	v21 =	vmul.f32 v16, v20;
	s12 =	smov.u32 s26;
	v9 =	vshll.u32 v17, $0x10;
	v17 =	vpop (erf);
	[tilespmem:s14+$0x30] =	vst v12;
	(pc) =	sbr.rel @p0 .LBB2_7-.Ltmp2, $4  }
0x15b: {  	s26 =	smov.u32 s18;
	v12 =	vadd.f32 v9, v4;
	(erf) = vpow2.f32 v11;
	v4 =	vbroadcast v17, $0x0;
	v9 =	vld [tilespmem:s22+$0x0];
	[tilespmem:s3+$0x10] =	vst v15  }
0x15c: {  	v11 =	vshll.u32 v13, $0x10;
	[tilespmem:s17+$0xFFFFFFF0] =	vst v17;
	v13 =	vmul.f32 v10, v20;
	v17 =	vshll.u32 v5, $0x10;
	v5 =	vld [tilespmem:s11+$0x10]  }
0x15d: {  	v15 =	vmul.f32 v7, v2;
	v2 =	vmovc v1;
	v11 =	vadd.f32 v11, v14;
	v16 =	vmul.f32 $2.000000030e-01, v12;
	v10 =	vld [tilespmem:s22+$0xFFFFFFD0];
	[tilespmem:s3+$0xFFFFFFB0] =	vst v21  }
0x15e: {  	s18 =	sadd.s32 $0x60, s18;
	v1 =	vmovc v20;
	v14 =	vmul.f32 v17, v3;
	v3 =	vmovc v19;
	[tilespmem:s3+$0xFFFFFFC0] =	vst v13;
	v13 =	vshll.u32 v18, $0x10;
	v7 =	vand.u32 $0xFFFF0000, v18  }
0x15f: {  	v12 =	vmax.f32 v12, v16;
	v8 =	vbroadcast v8, $0x0  }
0x160: {  	[tilespmem:s25+$0xFFFFFFD0] =	vst v6;
	v13 =	vmul.f32 v13, v2;
	v6 =	vmul.f32 $1.442695020e+00, v12  }
0x161: {  	[tilespmem:s25+$0xFFFFFFE0] =	vst v15;
	v2 =	vmul.f32 v7, v2;
	v12 =	vmul.f32 $2.000000030e-01, v11;
	v16 =	vshll.u32 v9, $0x10  }
0x162: {  	v9 =	vand.u32 $0xFFFF0000, v9;
	v15 =	vpop (erf);
	v16 =	vmul.f32 v16, v8;
	[tilespmem:s14+$0xFFFFFFD0] =	vst v13;
	(erf) = vpow2.f32 v6  }
0x163: {  	v17 =	vand.u32 $0xFFFF0000, v5;
	v9 =	vmul.f32 v9, v8;
	[tilespmem:s14+$0xFFFFFFE0] =	vst v2;
	v6 =	vmax.f32 v11, v12  }
0x164: {  	v5 =	vshll.u32 v5, $0x10;
	v11 =	vmul.f32 v17, v3;
	v6 =	vmul.f32 $1.442695020e+00, v6;
	[tilespmem:s17+$0x0] =	vst v16  }
0x165: {  	s0 =	sadd.s32 $0xA0, s17;
	v12 =	vshll.u32 v10, $0x10;
	v10 =	vand.u32 $0xFFFF0000, v10;
	v3 =	vmul.f32 v5, v3;
	[tilespmem:s17+$0x10] =	vst v9  }
0x166: {  	[tilespmem:s0+$0x40] =	vst v15;
	v9 =	vmul.f32 v10, v4;
	v10 =	vld [tilespmem:s22+$0x10];
	(erf) = vpow2.f32 v6  }
0x167: {  	[tilespmem:s3+$0x30] =	vst v11;
	v6 =	vld [tilespmem:s12+$0x0]  }
0x168: {  	v12 =	vmul.f32 v12, v4;
	[tilespmem:s3+$0x20] =	vst v3;
	v11 =	vpop (erf)  }
0x169: {  	[tilespmem:s0+$0xFFFFFFF0] =	vst v11  }
0x16a: {  	[tilespmem:s17+$0xFFFFFFB0] =	vst v12;
	v7 =	vld [tilespmem:s12+$0xFFFFFFD0]  }
0x16b: {  	s2 =	sadd.s32 $0xA0, s0;
	[tilespmem:s17+$0xFFFFFFC0] =	vst v9;
	v9 =	vbroadcast v15, $0x0;
	v13 =	vand.u32 $0xFFFF0000, v10;
	v2 =	vpop (erf)  }
0x16c: {  	v12 =	vld [tilespmem:s11+$0xFFFFFFE0];
	v5 =	vshll.u32 v6, $0x10;
	v3 =	vmul.f32 v13, v8;
	[tilespmem:s2+$0x40] =	vst v2  }
0x16d: {  	[tilespmem:s14+$0x20] =	vst v14;
	v5 =	vmul.f32 v5, v9;
	v13 =	vld [tilespmem:s26+$0x0]  }
0x16e: {  	v11 =	vbroadcast v11, $0x0;
	v6 =	vand.u32 $0xFFFF0000, v6;
	[tilespmem:s17+$0x30] =	vst v3  }
0x16f: {  	v6 =	vmul.f32 v6, v9;
	[tilespmem:s0+$0x0] =	vst v5;
	v5 =	vshll.u32 v7, $0x10;
	v14 =	vpop (erf)  }
0x170: {  	v3 =	vand.u32 $0xFFFF0000, v7;
	v5 =	vmul.f32 v5, v11;
	[tilespmem:s2+$0xFFFFFFF0] =	vst v14  }
0x171: {  	v2 =	vbroadcast v2, $0x0;
	v7 =	vshll.u32 v12, $0x10;
	[tilespmem:s0+$0x10] =	vst v6;
	v3 =	vmul.f32 v3, v11;
	v6 =	vld [tilespmem:s26+$0xFFFFFFD0]  }
0x172: {  	v7 =	vmul.f32 v7, v1;
	[tilespmem:s0+$0xFFFFFFB0] =	vst v5;
	v5 =	vshll.u32 v13, $0x10  }
0x173: {  	v15 =	vld [tilespmem:s12+$0x10];
	[tilespmem:s0+$0xFFFFFFC0] =	vst v3;
	v3 =	vmul.f32 v5, v2;
	v5 =	vand.u32 $0xFFFF0000, v13  }
0x174: {  	v12 =	vand.u32 $0xFFFF0000, v12;
	[tilespmem:s3+$0xFFFFFFD0] =	vst v7;
	v13 =	vld [tilespmem:s22+$0xFFFFFFE0];
	v5 =	vmul.f32 v5, v2  }
0x175: {  	v10 =	vshll.u32 v10, $0x10;
	v1 =	vmul.f32 v12, v1;
	v7 =	vbroadcast v14, $0x0;
	[tilespmem:s2+$0x0] =	vst v3  }
0x176: {  	v3 =	vmul.f32 v10, v8;
	v8 =	vshll.u32 v6, $0x10;
	[tilespmem:s2+$0x10] =	vst v5  }
0x177: {  	[tilespmem:s3+$0xFFFFFFE0] =	vst v1;
	v1 =	vand.u32 $0xFFFF0000, v6;
	v5 =	vmul.f32 v8, v7;
	v6 =	vld [tilespmem:s26+$0x10]  }
0x178: {  	v8 =	vand.u32 $0xFFFF0000, v15;
	v1 =	vmul.f32 v1, v7;
	[tilespmem:s17+$0x20] =	vst v3;
	v3 =	vld [tilespmem:s12+$0xFFFFFFE0]  }
0x179: {  	v8 =	vmul.f32 v8, v9;
	v10 =	vshll.u32 v13, $0x10;
	[tilespmem:s2+$0xFFFFFFB0] =	vst v5  }
0x17a: {  	v5 =	vand.u32 $0xFFFF0000, v13;
	[tilespmem:s2+$0xFFFFFFC0] =	vst v1;
	v10 =	vmul.f32 v10, v4  }
0x17b: {  	v1 =	vshll.u32 v15, $0x10;
	[tilespmem:s0+$0x30] =	vst v8;
	v4 =	vmul.f32 v5, v4;
	v5 =	vld [tilespmem:s26+$0xFFFFFFE0]  }
0x17c: {  	v1 =	vmul.f32 v1, v9;
	[tilespmem:s17+$0xFFFFFFD0] =	vst v10;
	v8 =	vand.u32 $0xFFFF0000, v6  }
0x17d: {  	[tilespmem:s17+$0xFFFFFFE0] =	vst v4;
	v9 =	vshll.u32 v3, $0x10;
	v4 =	vmul.f32 v8, v2  }
0x17e: {  	[tilespmem:s0+$0x20] =	vst v1;
	v1 =	vshll.u32 v6, $0x10;
	v8 =	vmul.f32 v9, v11  }
0x17f: {  	v3 =	vand.u32 $0xFFFF0000, v3;
	v1 =	vmul.f32 v1, v2;
	[tilespmem:s2+$0x30] =	vst v4  }
0x180: {  	v3 =	vmul.f32 v3, v11;
	v2 =	vand.u32 $0xFFFF0000, v5;
	[tilespmem:s0+$0xFFFFFFD0] =	vst v8  }
0x181: {  	v4 =	vshll.u32 v5, $0x10;
	[tilespmem:s2+$0x20] =	vst v1;
	v1 =	vmul.f32 v2, v7  }
0x182: {  	[tilespmem:s0+$0xFFFFFFE0] =	vst v3;
	v4 =	vmul.f32 v4, v7  }
0x183: {  	s22 =	sshll.u32 s21, $0x1;
	[tilespmem:s2+$0xFFFFFFE0] =	vst v1  }
0x184: {  	s3 =	simm.s32 $0xE1F0;
	s26 =	smin.u32 s22, $0x79;
	[tilespmem:s2+$0xFFFFFFD0] =	vst v4  }
0x185: {  	[spmem:s30] =	stream.indirect.scatter.add.f32 [tilespmem:s3], [sflag:$0x9], $0x50, s9, s13, $0xb8;
	[tilespmem:$0x10590] =	vst v63  }
0x186: {  	s0 =	smul.u32 $0x50, s26;
	_ =	swait.ge [sflag:s31], $0x1900  }
0x187: {  	s11 =	rddreg [dreg:$0x15]  }
0x188: {  	s14 =	simm.s32 $0xFAF0;
	s0 =	sadd.s32 s0, s11  }
0x189: {  	[sflag:s31] =	ssyncset.done $0x0;
	s2 =	sshrl.u32 s0, $0x3;
	s0 =	sadd.s32 $0x28, s0  }
0x18a: {  	[sflag:s31] =	ssyncadd.s32 $0xFFFFE700;
	s12 =	sadd.s32 s6, s2;
	s0 =	sshrl.u32 s0, $0x3  }
0x18b: {  	[tilespmem:s14], [sflag:$0x7] =	stream.linear.gather [hbm4b:s12+s4], $0x28, $0x38;
	[tilespmem:$0x10590] =	vst v63  }
0x18c: {  	s17 =	simm.s32 $0xFB18;
	s0 =	sadd.s32 s6, s0  }
0x18d: {  	[tilespmem:s17], [sflag:$0x7] =	stream.linear.gather [hbm4b:s0+s4], $0x28, $0x38;
	[tilespmem:$0x10590] =	vst v63  }
0x18e: {  	s18 =	sadd.s32 s7, s2  }
0x18f: {  	[tilespmem:s9], [sflag:$0x3] =	stream.linear.gather [hbm4b:s18+s4], $0x50, $0x38;
	[tilespmem:$0x10590] =	vst v63  }
0x190: {  	_ =	swait.ge [sflag:s23], $0x780  }
0x191: {  	[sflag:s23] =	ssyncset.done $0x0  }
0x192: {  	[sflag:s23] =	ssyncadd.s32 $0xFFFFF880  }
0x193: {  	_ =	swait.ge [sflag:s23], $0x780  }
0x194: {  	[sflag:s23] =	ssyncset.done $0x0  }
0x195: {  	s25 =	simm.s32 $0x2;
	[sflag:s23] =	ssyncadd.s32 $0xFFFFF880  }
0x196: {  	_ =	swait.ge [sflag:s25], $0x500  }
0x197: {  	[sflag:s25] =	ssyncset.done $0x0  }
0x198: {  	[sflag:s25] =	ssyncadd.s32 $0xFFFFFB00  }
0x199: {  	_ =	swait.ge [sflag:s28], $0x28  }
0x19a: {  	[sflag:s28] =	ssyncset.done $0x0  }
0x19b: {  	[sflag:s28] =	ssyncadd.s32 $0xFFFFFFD8  }
0x19c: {  	_ =	swait.ge [sflag:s28], $0x28  }
0x19d: {  	[sflag:s28] =	ssyncset.done $0x0  }
0x19e: {  	[sflag:s28] =	ssyncadd.s32 $0xFFFFFFD8  }
0x19f: {  	_ =	swait.ge [sflag:s29], $0x50  }
0x1a0: {  	[sflag:s29] =	ssyncset.done $0x0  }
0x1a1: {  	s26 =	simm.s32 $0xC3F0;
	[sflag:s29] =	ssyncadd.s32 $0xFFFFFFB0  }
0x1a2: {  	[tilespmem:s26], [sflag:$0x5] =	stream.indirect.gather [hbm4b:s1+s10], $0x30, s14, s10, $0xb8;
	[tilespmem:$0x10590] =	vst v63  }
0x1a3: {  	s2 =	simm.s32 $0xCB70  }
0x1a4: {  	[tilespmem:s2], [sflag:$0x5] =	stream.indirect.gather [hbm4b:s1+s10], $0x30, s17, s10, $0xb8;
	[tilespmem:$0x10590] =	vst v63  }
0x1a5: {  	s3 =	simm.s32 $0xFB90;
	s2 =	simm.s32 $0xD320  }
0x1a6: {  	[tilespmem:s3], [sflag:$0x1] =	stream.indirect.gather [hbm4b:s5+s13], $0x10, s9, s13, $0xb8;
	[tilespmem:$0x10590] =	vst v63  }
0x1a7: {  	s11 =	simm.s32 $0x100A0;
	v1 =	vld [tilespmem:s2+$0x20]  }
0x1a8: {  	v2 =	vld [tilespmem:s11+$0x0]  }
0x1a9: {  	v3 =	vld [tilespmem:s2+$0xFFFFFFF0]  }
0x1aa: {  	v4 =	vld [tilespmem:s11+$0xFFFFFFF0];
	_ =	sdelay $0x1  }
0x1ab: {  	v1 =	vshll.u32 v1, $0x10  }
0x1ac: {  	v1 =	vadd.f32 v1, v2  }
0x1ad: {  	s0 =	simm.s32 $0xD380;
	v2 =	vshll.u32 v3, $0x10  }
0x1ae: {  	s12 =	simm.s32 $0x100C0;
	v2 =	vadd.f32 v2, v4;
	v4 =	vld [tilespmem:s0+$0x20];
	v3 =	vmul.f32 $2.000000030e-01, v1  }
0x1af: {  	v5 =	vld [tilespmem:s12+$0x0]  }
0x1b0: {  	v6 =	vmul.f32 $2.000000030e-01, v2;
	v1 =	vmax.f32 v1, v3  }
0x1b1: {  	v3 =	vld [tilespmem:s0+$0xFFFFFFF0];
	v1 =	vmul.f32 $1.442695020e+00, v1  }
0x1b2: {  	v2 =	vmax.f32 v2, v6;
	v6 =	vld [tilespmem:s12+$0xFFFFFFF0]  }
0x1b3: {  	(erf) = vpow2.f32 v1;
	v1 =	vmul.f32 $1.442695020e+00, v2;
	v2 =	vshll.u32 v4, $0x10  }
0x1b4: {  	v2 =	vadd.f32 v2, v5;
	_ =	sdelay $0x1  }
0x1b5: {  	s12 =	simm.s32 $0xD3E0;
	(erf) = vpow2.f32 v1;
	v3 =	vshll.u32 v3, $0x10;
	v1 =	vmul.f32 $2.000000030e-01, v2  }
0x1b6: {  	s14 =	simm.s32 $0x100E0;
	v4 =	vld [tilespmem:s12+$0x20];
	v3 =	vadd.f32 v3, v6  }
0x1b7: {  	v1 =	vmax.f32 v2, v1;
	v2 =	vld [tilespmem:s14+$0x0]  }
0x1b8: {  	v5 =	vmul.f32 $2.000000030e-01, v3;
	v1 =	vmul.f32 $1.442695020e+00, v1  }
0x1b9: {  	v6 =	vld [tilespmem:s12+$0xFFFFFFF0]  }
0x1ba: {  	v3 =	vmax.f32 v3, v5;
	v5 =	vld [tilespmem:s14+$0xFFFFFFF0]  }
0x1bb: {  	v4 =	vshll.u32 v4, $0x10;
	(erf) = vpow2.f32 v1  }
0x1bc: {  	s26 =	simm.s32 $0xE240;
	s11 =	simm.s32 $0xD440;
	v3 =	vmul.f32 $1.442695020e+00, v3;
	v1 =	vpop (erf);
	v2 =	vadd.f32 v4, v2  }
0x1bd: {  	v11 =	vld [tilespmem:s11+$0xFFFFFFF0];
	[tilespmem:s26+$0x40] =	vst v1  }
0x1be: {  	(erf) = vpow2.f32 v3;
	v3 =	vshll.u32 v6, $0x10;
	v7 =	vpop (erf);
	v4 =	vld [tilespmem:s2+$0x0];
	v6 =	vmul.f32 $2.000000030e-01, v2  }
0x1bf: {  	[tilespmem:s26+$0xFFFFFFF0] =	vst v7;
	v3 =	vadd.f32 v3, v5;
	v5 =	vld [tilespmem:s11+$0x20]  }
0x1c0: {  	s17 =	simm.s32 $0x10100;
	v8 =	vld [tilespmem:s2+$0xFFFFFFD0];
	v2 =	vmax.f32 v2, v6;
	v6 =	vbroadcast v1, $0x0  }
0x1c1: {  	v1 =	vld [tilespmem:s17+$0x0];
	v9 =	vmul.f32 $2.000000030e-01, v3;
	v2 =	vmul.f32 $1.442695020e+00, v2  }
0x1c2: {  	v13 =	vld [tilespmem:s17+$0xFFFFFFF0];
	v7 =	vbroadcast v7, $0x0  }
0x1c3: {  	v3 =	vmax.f32 v3, v9;
	v10 =	vshll.u32 v4, $0x10;
	(erf) = vpow2.f32 v2  }
0x1c4: {  	s3 =	simm.s32 $0xE2E0;
	v12 =	vpop (erf);
	v4 =	vand.u32 $0xFFFF0000, v4;
	v3 =	vmul.f32 $1.442695020e+00, v3;
	v10 =	vmul.f32 v10, v6  }
0x1c5: {  	[tilespmem:s3+$0x40] =	vst v12;
	v2 =	vmul.f32 v4, v6;
	v4 =	vshll.u32 v5, $0x10;
	v9 =	vshll.u32 v8, $0x10  }
0x1c6: {  	s14 =	simm.s32 $0xD4A0;
	v1 =	vadd.f32 v4, v1;
	v4 =	vld [tilespmem:s0+$0x0];
	(erf) = vpow2.f32 v3;
	v3 =	vshll.u32 v11, $0x10;
	[tilespmem:s26+$0x0] =	vst v10  }
0x1c7: {  	v9 =	vmul.f32 v9, v7;
	[tilespmem:s26+$0x10] =	vst v2;
	v3 =	vadd.f32 v3, v13;
	v13 =	vld [tilespmem:s14+$0x20]  }
0x1c8: {  	v8 =	vand.u32 $0xFFFF0000, v8;
	v5 =	vld [tilespmem:s2+$0x10];
	v10 =	vmul.f32 $2.000000030e-01, v1  }
0x1c9: {  	s18 =	simm.s32 $0x10120;
	v8 =	vmul.f32 v8, v7;
	[tilespmem:s26+$0xFFFFFFB0] =	vst v9;
	v9 =	vld [tilespmem:s14+$0xFFFFFFF0];
	v2 =	vpop (erf);
	v14 =	vmul.f32 $2.000000030e-01, v3  }
0x1ca: {  	v17 =	vbroadcast v12, $0x0;
	[tilespmem:s3+$0xFFFFFFF0] =	vst v2;
	v1 =	vmax.f32 v1, v10;
	v10 =	vld [tilespmem:s18+$0x0]  }
0x1cb: {  	v11 =	vld [tilespmem:s0+$0xFFFFFFD0];
	v1 =	vmul.f32 $1.442695020e+00, v1;
	v12 =	vshll.u32 v4, $0x10;
	v3 =	vmax.f32 v3, v14  }
0x1cc: {  	v15 =	vld [tilespmem:s18+$0xFFFFFFF0];
	v12 =	vmul.f32 v12, v17;
	v3 =	vmul.f32 $1.442695020e+00, v3  }
0x1cd: {  	[tilespmem:s26+$0xFFFFFFC0] =	vst v8;
	v14 =	vand.u32 $0xFFFF0000, v5;
	v8 =	vpop (erf);
	(erf) = vpow2.f32 v1;
	v1 =	vand.u32 $0xFFFF0000, v4  }
0x1ce: {  	s25 =	simm.s32 $0xE380;
	v4 =	vmul.f32 v14, v6;
	v1 =	vmul.f32 v1, v17;
	v14 =	vld [tilespmem:s2+$0xFFFFFFE0];
	[tilespmem:s3+$0x0] =	vst v12;
	v12 =	vshll.u32 v13, $0x10  }
0x1cf: {  	v2 =	vbroadcast v2, $0x0;
	[tilespmem:s25+$0x40] =	vst v8;
	v13 =	vpop (erf);
	v10 =	vadd.f32 v12, v10;
	(erf) = vpow2.f32 v3  }
0x1d0: {  	v12 =	vld [tilespmem:s12+$0x0];
	v3 =	vshll.u32 v9, $0x10;
	v16 =	vshll.u32 v11, $0x10;
	v11 =	vand.u32 $0xFFFF0000, v11;
	[tilespmem:s3+$0x10] =	vst v1  }
0x1d1: {  	v1 =	vbroadcast v13, $0x0;
	[tilespmem:s25+$0xFFFFFFF0] =	vst v13;
	v13 =	vadd.f32 v3, v15;
	v16 =	vmul.f32 v16, v2  }
0x1d2: {  	v5 =	vshll.u32 v5, $0x10;
	v9 =	vmul.f32 v11, v2;
	v11 =	vld [tilespmem:s0+$0x10];
	v3 =	vmul.f32 $2.000000030e-01, v10  }
0x1d3: {  	s17 =	simm.s32 $0xD500;
	v5 =	vmul.f32 v5, v6;
	[tilespmem:s26+$0x30] =	vst v4;
	v4 =	vld [tilespmem:s12+$0xFFFFFFD0];
	v18 =	vmul.f32 $2.000000030e-01, v13;
	v15 =	vshll.u32 v14, $0x10  }
0x1d4: {  	s2 =	simm.s32 $0x10140;
	v14 =	vand.u32 $0xFFFF0000, v14;
	[tilespmem:s3+$0xFFFFFFB0] =	vst v16;
	v16 =	vld [tilespmem:s17+$0x20];
	v6 =	vmax.f32 v10, v3;
	v3 =	vbroadcast v8, $0x0  }
0x1d5: {  	[tilespmem:s3+$0xFFFFFFC0] =	vst v9;
	v9 =	vld [tilespmem:s2+$0x0];
	v10 =	vmul.f32 $1.442695020e+00, v6;
	v19 =	vshll.u32 v12, $0x10;
	v6 =	vmul.f32 v15, v7  }
0x1d6: {  	s18 =	simm.s32 $0xE420;
	[tilespmem:s26+$0x20] =	vst v5;
	v15 =	vld [tilespmem:s17+$0xFFFFFFF0];
	v13 =	vmax.f32 v13, v18;
	v5 =	vand.u32 $0xFFFF0000, v12;
	v18 =	vmul.f32 v19, v3;
	v8 =	vpop (erf)  }
0x1d7: {  	v20 =	vld [tilespmem:s2+$0xFFFFFFF0];
	v5 =	vmul.f32 v5, v3;
	v19 =	vand.u32 $0xFFFF0000, v11;
	(erf) = vpow2.f32 v10;
	[tilespmem:s18+$0x40] =	vst v8  }
0x1d8: {  	v13 =	vmul.f32 $1.442695020e+00, v13;
	v12 =	vshll.u32 v4, $0x10;
	v10 =	vmul.f32 v19, v17;
	[tilespmem:s25+$0x0] =	vst v18;
	v18 =	vld [tilespmem:s0+$0xFFFFFFE0]  }
0x1d9: {  	v21 =	vand.u32 $0xFFFF0000, v4;
	v22 =	vmul.f32 v12, v1;
	[tilespmem:s25+$0x10] =	vst v5;
	v16 =	vshll.u32 v16, $0x10  }
0x1da: {  	(erf) = vpow2.f32 v13;
	v13 =	vmul.f32 v21, v1;
	v19 =	vpop (erf);
	[tilespmem:s3+$0x30] =	vst v10;
	v12 =	vadd.f32 v16, v9;
	v9 =	vld [tilespmem:s11+$0x0]  }
0x1db: {  	v5 =	vld [tilespmem:s12+$0x10];
	v10 =	vshll.u32 v15, $0x10;
	[tilespmem:s25+$0xFFFFFFB0] =	vst v22;
	v15 =	vmul.f32 v14, v7;
	v4 =	vbroadcast v19, $0x0  }
0x1dc: {  	[tilespmem:s18+$0xFFFFFFF0] =	vst v19;
	v19 =	vshll.u32 v11, $0x10;
	v11 =	vadd.f32 v10, v20;
	v16 =	vmul.f32 $2.000000030e-01, v12  }
0x1dd: {  	s24 =	smov.u32 s30;
	s30 =	simm.s32 $0xD560;
	s0 =	simm.s32 $0xA;
	[tilespmem:s25+$0xFFFFFFC0] =	vst v13;
	v10 =	vld [tilespmem:s11+$0xFFFFFFD0];
	v14 =	vmul.f32 v19, v17;
	v13 =	vshll.u32 v18, $0x10;
	v7 =	vand.u32 $0xFFFF0000, v18  }
.LBB2_9:
0x1de: {  	v17 =	vld [tilespmem:s30+$0x20];
	v18 =	vmul.f32 $2.000000030e-01, v11;
	v12 =	vmax.f32 v12, v16;
	s2 =	sadd.s32 $0x20, s2;
	v19 =	vbroadcast v8, $0x0;
	[tilespmem:s26+$0xFFFFFFD0] =	vst v6;
	v20 =	vmovc v4  }
0x1df: {  	v6 =	vmul.f32 v13, v2;
	v4 =	vld [tilespmem:s2+$0x0];
	v12 =	vmul.f32 $1.442695020e+00, v12;
	v16 =	vshll.u32 v9, $0x10;
	[tilespmem:s26+$0xFFFFFFE0] =	vst v15;
	s26 =	smov.u32 s3;
	s3 =	smov.u32 s25;
	s25 =	smov.u32 s18  }
0x1e0: {  	s18 =	sadd.s32 $0xA0, s18;
	v13 =	vld [tilespmem:s30+$0xFFFFFFF0];
	v11 =	vmax.f32 v11, v18;
	v8 =	vpop (erf);
	v15 =	vmul.f32 v16, v19;
	v16 =	vand.u32 $0xFFFF0000, v5;
	[tilespmem:s26+$0x20] =	vst v14  }
0x1e1: {  	s0 =	sadd.s32 $0x2, s0;
	v9 =	vand.u32 $0xFFFF0000, v9;
	v14 =	vld [tilespmem:s2+$0xFFFFFFF0];
	(erf) = vpow2.f32 v12;
	[tilespmem:s18+$0x40] =	vst v8;
	v12 =	vmul.f32 v16, v3  }
0x1e2: {  	p0 =	slt.u32 s0, $0x4E;
	v11 =	vmul.f32 $1.442695020e+00, v11;
	v16 =	vshll.u32 v10, $0x10;
	[tilespmem:s25+$0x0] =	vst v15;
	v15 =	vmul.f32 v9, v19;
	v18 =	vld [tilespmem:s12+$0xFFFFFFE0];
	s12 =	smov.u32 s11;
	s11 =	smov.u32 s14  }
.Ltmp3:
0x1e3: {  	v10 =	vand.u32 $0xFFFF0000, v10;
	v21 =	vmul.f32 v16, v20;
	s14 =	smov.u32 s17;
	v9 =	vshll.u32 v17, $0x10;
	v17 =	vpop (erf);
	[tilespmem:s3+$0x30] =	vst v12;
	(pc) =	sbr.rel @p0 .LBB2_9-.Ltmp3, $4  }
0x1e4: {  	s17 =	smov.u32 s30;
	v12 =	vadd.f32 v9, v4;
	(erf) = vpow2.f32 v11;
	v4 =	vbroadcast v17, $0x0;
	v9 =	vld [tilespmem:s11+$0x0];
	[tilespmem:s25+$0x10] =	vst v15  }
0x1e5: {  	v11 =	vshll.u32 v13, $0x10;
	[tilespmem:s18+$0xFFFFFFF0] =	vst v17;
	v13 =	vmul.f32 v10, v20;
	v17 =	vshll.u32 v5, $0x10;
	v5 =	vld [tilespmem:s12+$0x10]  }
0x1e6: {  	v15 =	vmul.f32 v7, v2;
	v2 =	vmovc v1;
	v11 =	vadd.f32 v11, v14;
	v16 =	vmul.f32 $2.000000030e-01, v12;
	v10 =	vld [tilespmem:s11+$0xFFFFFFD0];
	[tilespmem:s25+$0xFFFFFFB0] =	vst v21  }
0x1e7: {  	s30 =	sadd.s32 $0x60, s30;
	v1 =	vmovc v20;
	v14 =	vmul.f32 v17, v3;
	v3 =	vmovc v19;
	[tilespmem:s25+$0xFFFFFFC0] =	vst v13;
	v13 =	vshll.u32 v18, $0x10;
	v7 =	vand.u32 $0xFFFF0000, v18  }
0x1e8: {  	v12 =	vmax.f32 v12, v16  }
0x1e9: {  	v8 =	vbroadcast v8, $0x0;
	[tilespmem:s26+$0xFFFFFFD0] =	vst v6;
	v22 =	vmul.f32 $1.442695020e+00, v12  }
0x1ea: {  	v23 =	vmul.f32 $2.000000030e-01, v11;
	[tilespmem:s26+$0xFFFFFFE0] =	vst v15;
	v13 =	vmul.f32 v13, v2  }
0x1eb: {  	v2 =	vmul.f32 v7, v2;
	v24 =	vshll.u32 v9, $0x10;
	[tilespmem:s3+$0x20] =	vst v14;
	v25 =	vpop (erf);
	(erf) = vpow2.f32 v22  }
0x1ec: {  	v27 =	vand.u32 $0xFFFF0000, v9;
	v16 =	vmul.f32 v24, v8;
	v26 =	vmax.f32 v11, v23;
	[tilespmem:s3+$0xFFFFFFD0] =	vst v13  }
0x1ed: {  	v9 =	vmul.f32 v27, v8;
	[tilespmem:s3+$0xFFFFFFE0] =	vst v2;
	v6 =	vmul.f32 $1.442695020e+00, v26  }
0x1ee: {  	v17 =	vand.u32 $0xFFFF0000, v5;
	[tilespmem:s18+$0x0] =	vst v16  }
0x1ef: {  	s0 =	sadd.s32 $0xA0, s18;
	v39 =	vld [tilespmem:s12+$0xFFFFFFE0];
	v35 =	vshll.u32 v5, $0x10;
	v28 =	vmul.f32 v17, v3;
	[tilespmem:s18+$0x10] =	vst v9;
	v30 =	vpop (erf);
	(erf) = vpow2.f32 v6  }
0x1f0: {  	[tilespmem:s0+$0x40] =	vst v25;
	v3 =	vmul.f32 v35, v3;
	v34 =	vld [tilespmem:s11+$0x10]  }
0x1f1: {  	v29 =	vshll.u32 v10, $0x10;
	[tilespmem:s25+$0x30] =	vst v28  }
0x1f2: {  	v12 =	vmul.f32 v29, v4;
	v32 =	vld [tilespmem:s14+$0x0];
	[tilespmem:s25+$0x20] =	vst v3  }
0x1f3: {  	v31 =	vand.u32 $0xFFFF0000, v10;
	[tilespmem:s0+$0xFFFFFFF0] =	vst v30  }
0x1f4: {  	s2 =	sadd.s32 $0xA0, s0;
	v33 =	vmul.f32 v31, v4;
	v44 =	vshll.u32 v39, $0x10;
	[tilespmem:s18+$0xFFFFFFB0] =	vst v12;
	v36 =	vld [tilespmem:s14+$0xFFFFFFD0];
	v2 =	vpop (erf)  }
0x1f5: {  	v7 =	vmul.f32 v44, v1;
	v40 =	vand.u32 $0xFFFF0000, v34;
	[tilespmem:s2+$0x40] =	vst v2  }
0x1f6: {  	v37 =	vbroadcast v25, $0x0;
	[tilespmem:s18+$0xFFFFFFC0] =	vst v33;
	v3 =	vmul.f32 v40, v8;
	v41 =	vld [tilespmem:s17+$0x0]  }
0x1f7: {  	[tilespmem:s25+$0xFFFFFFD0] =	vst v7;
	v38 =	vshll.u32 v32, $0x10  }
0x1f8: {  	v11 =	vbroadcast v30, $0x0;
	v6 =	vand.u32 $0xFFFF0000, v32;
	v5 =	vmul.f32 v38, v37;
	[tilespmem:s18+$0x30] =	vst v3;
	v43 =	vpop (erf)  }
0x1f9: {  	v6 =	vmul.f32 v6, v37;
	v3 =	vand.u32 $0xFFFF0000, v36;
	[tilespmem:s2+$0xFFFFFFF0] =	vst v43  }
0x1fa: {  	[tilespmem:s0+$0x0] =	vst v5;
	v42 =	vshll.u32 v36, $0x10;
	v2 =	vbroadcast v2, $0x0;
	v3 =	vmul.f32 v3, v11;
	v45 =	vld [tilespmem:s17+$0xFFFFFFD0]  }
0x1fb: {  	[tilespmem:s0+$0x10] =	vst v6;
	v5 =	vmul.f32 v42, v11;
	v46 =	vshll.u32 v41, $0x10  }
0x1fc: {  	v49 =	vld [tilespmem:s11+$0xFFFFFFE0];
	[tilespmem:s0+$0xFFFFFFC0] =	vst v3;
	v48 =	vand.u32 $0xFFFF0000, v41;
	v3 =	vmul.f32 v46, v2  }
0x1fd: {  	v12 =	vand.u32 $0xFFFF0000, v39;
	v47 =	vld [tilespmem:s14+$0x10];
	[tilespmem:s0+$0xFFFFFFB0] =	vst v5;
	v5 =	vmul.f32 v48, v2  }
0x1fe: {  	v1 =	vmul.f32 v12, v1;
	v10 =	vshll.u32 v34, $0x10;
	v50 =	vbroadcast v43, $0x0;
	[tilespmem:s2+$0x0] =	vst v3  }
0x1ff: {  	v51 =	vshll.u32 v45, $0x10;
	v3 =	vmul.f32 v10, v8;
	[tilespmem:s2+$0x10] =	vst v5  }
0x200: {  	[tilespmem:s25+$0xFFFFFFE0] =	vst v1;
	v1 =	vand.u32 $0xFFFF0000, v45;
	v52 =	vmul.f32 v51, v50;
	v53 =	vld [tilespmem:s17+$0x10]  }
0x201: {  	v56 =	vand.u32 $0xFFFF0000, v49;
	v1 =	vmul.f32 v1, v50;
	[tilespmem:s18+$0x20] =	vst v3  }
0x202: {  	v57 =	vmul.f32 v56, v4;
	v54 =	vand.u32 $0xFFFF0000, v47;
	v3 =	vld [tilespmem:s14+$0xFFFFFFE0];
	[tilespmem:s2+$0xFFFFFFB0] =	vst v52  }
0x203: {  	v8 =	vmul.f32 v54, v37;
	[tilespmem:s2+$0xFFFFFFC0] =	vst v1;
	v1 =	vshll.u32 v47, $0x10  }
0x204: {  	v55 =	vshll.u32 v49, $0x10;
	[tilespmem:s18+$0xFFFFFFE0] =	vst v57;
	v58 =	vld [tilespmem:s17+$0xFFFFFFE0];
	v1 =	vmul.f32 v1, v37  }
0x205: {  	v10 =	vmul.f32 v55, v4;
	[tilespmem:s0+$0x30] =	vst v8;
	v59 =	vand.u32 $0xFFFF0000, v53  }
0x206: {  	[tilespmem:s0+$0x20] =	vst v1;
	v1 =	vshll.u32 v53, $0x10;
	v61 =	vmul.f32 v59, v2  }
0x207: {  	[tilespmem:s18+$0xFFFFFFD0] =	vst v10;
	v60 =	vshll.u32 v3, $0x10;
	v1 =	vmul.f32 v1, v2  }
0x208: {  	v3 =	vand.u32 $0xFFFF0000, v3;
	v62 =	vmul.f32 v60, v11;
	[tilespmem:s2+$0x30] =	vst v61  }
0x209: {  	v3 =	vmul.f32 v3, v11;
	v63 =	vshll.u32 v58, $0x10;
	[tilespmem:s2+$0x20] =	vst v1  }
0x20a: {  	v2 =	vand.u32 $0xFFFF0000, v58;
	v4 =	vmul.f32 v63, v50;
	[tilespmem:s0+$0xFFFFFFD0] =	vst v62  }
0x20b: {  	v1 =	vmul.f32 v2, v50;
	[tilespmem:s0+$0xFFFFFFE0] =	vst v3  }
0x20c: {  	[tilespmem:s2+$0xFFFFFFD0] =	vst v4  }
0x20d: {  	s14 =	smin.u32 s22, $0x78;
	s17 =	simm.s32 $0xE1F0;
	[tilespmem:s2+$0xFFFFFFE0] =	vst v1  }
0x20e: {  	[spmem:s24] =	stream.indirect.scatter.add.f32 [tilespmem:s17], [sflag:$0x9], $0x50, s19, s13, $0xb8;
	[tilespmem:$0x10590] =	vst v63  }
0x20f: {  	s0 =	smul.u32 $0x50, s14;
	_ =	swait.ge [sflag:s31], $0x1900  }
0x210: {  	s18 =	rddreg [dreg:$0x16]  }
0x211: {  	s30 =	smov.u32 s24;
	s24 =	simm.s32 $0xFB40;
	s0 =	sadd.s32 s0, s18  }
0x212: {  	[sflag:s31] =	ssyncset.done $0x0;
	s2 =	sshrl.u32 s0, $0x3;
	s0 =	sadd.s32 $0x28, s0  }
0x213: {  	[sflag:s31] =	ssyncadd.s32 $0xFFFFE700;
	s22 =	sadd.s32 s6, s2;
	s0 =	sshrl.u32 s0, $0x3  }
0x214: {  	[tilespmem:s24], [sflag:$0x8] =	stream.linear.gather [hbm4b:s22+s4], $0x28, $0x38;
	[tilespmem:$0x10590] =	vst v63  }
0x215: {  	s26 =	simm.s32 $0xFB68;
	s0 =	sadd.s32 s6, s0  }
0x216: {  	[tilespmem:s26], [sflag:$0x8] =	stream.linear.gather [hbm4b:s0+s4], $0x28, $0x38;
	[tilespmem:$0x10590] =	vst v63  }
0x217: {  	s25 =	sadd.s32 s7, s2  }
0x218: {  	[tilespmem:s19], [sflag:$0x4] =	stream.linear.gather [hbm4b:s25+s4], $0x50, $0x38;
	[tilespmem:$0x10590] =	vst v63  }
0x219: {  	_ =	swait.ge [sflag:s15], $0x780  }
0x21a: {  	[sflag:s15] =	ssyncset.done $0x0  }
0x21b: {  	[sflag:s15] =	ssyncadd.s32 $0xFFFFF880  }
0x21c: {  	_ =	swait.ge [sflag:s15], $0x780  }
0x21d: {  	[sflag:s15] =	ssyncset.done $0x0  }
0x21e: {  	[sflag:s15] =	ssyncadd.s32 $0xFFFFF880  }
0x21f: {  	_ =	swait.ge [sflag:s16], $0x500  }
0x220: {  	[sflag:s16] =	ssyncset.done $0x0  }
0x221: {  	[sflag:s16] =	ssyncadd.s32 $0xFFFFFB00  }
0x222: {  	_ =	swait.ge [sflag:s8], $0x28  }
0x223: {  	[sflag:s8] =	ssyncset.done $0x0  }
0x224: {  	s21 =	sadd.s32 $0x1, s21;
	[sflag:s8] =	ssyncadd.s32 $0xFFFFFFD8  }
0x225: {  	p0 =	sne.s32 s21, $0x3E;
	_ =	swait.ge [sflag:s8], $0x28  }
.Ltmp4:
0x226: {  	[sflag:s8] =	ssyncset.done $0x0;
	(pc) =	sbr.rel @p0 .LBB2_6-.Ltmp4, $4  }
0x227: {  	[sflag:s8] =	ssyncadd.s32 $0xFFFFFFD8  }
0x228: {  	_ =	swait.ge [sflag:s20], $0x50  }
0x229: {  	[sflag:s20] =	ssyncset.done $0x0  }
0x22a: {  	[sflag:s20] =	ssyncadd.s32 $0xFFFFFFB0  }
0x22b: {  	s0 =	stileid.u32;
	[bflag:$0x0] =	sbarrier.arrive $0xFFFF  }
0x22c: {  	s0 =	sshll.u32 s0, $0x6;
	s11 =	rddreg [dreg:$0x4]  }
0x22d: {  	s3 =	rddreg [dreg:$0x17];
	s0 =	sor.u32 $0x1C09, s0;
	s2 =	sshrl.u32 s11, $0x3  }
0x22e: {  	[hbm:s3], [sflag:s0] =	dma.local [spmem:s2], $0x186A  }
0x22f: {  	_ =	swait.ge [sflag:s31], $0x186A  }
0x230: {  	s22 =	rddreg [dreg:$0x19]  }
0x231: {  	s25 =	rddreg [dreg:$0x18];
	s2 =	sadd.s32 $0x1, s22  }
0x232: {  	p0 =	sne.s32 s2, s25  }
.Ltmp5:
0x233: {  	_ = 	snop;
	(pc) =	sbr.rel @p0 .LBB2_1-.Ltmp5, $3  }
0x234: {  	_ =	sdelay $0x1  }
0x235: {  	[sflag:s31] =	ssyncset.done $0x0  }
0x236: {  	[sflag:s31] =	ssyncadd.s32 $0xFFFFE796  }
0x237: {  	_ =	sfence.sel $0x180000  }
0x238: {  	[bflag:$0x0] =	sbarrier.arrive $0xFFFF  }
0x239: {  	_ =	strace $0x9000004A  }
0x23a: {  	s0 =	stileid.u32;
	[bflag:$0x2] =	sbarrier.arrive $0xFFFF  }
0x23b: {  	p0 =	sne.s32 s0, $0x0;
	s0 =	rddreg [dreg:$0x3]  }
0x23c: {  	s0 =	sadd.s32 @!p0 $0x100000, s0  }
0x23d: {  	[sflag:s0] =	ssyncadd.tile.s32 @!p0 $0x1;
	_ =	shalt  }
.Lfunc_end2:
_tile_overlayer_lowered:
.L_overlay_start_2:
0x23e: {  	(tag) =	ssettag $0x2  }
0x23f: {  	s0 =	rddreg [dreg:$0x0];
	s2 =	stileid.u32  }
0x240: {  	s1 =	rddreg [dreg:$0x1];
	p0 =	sne.s32 s2, $0x0  }
0x241: {  	s3 =	rddreg [dreg:$0x2];
	[bflag:$0x3] =	sbarrier.arrive $0xFFFF;
	s2 =	simm.s32 @!p0 $0x1C09  }
0x242: {  	[timem:s3], [sflag:s2] =	dma.local @!p0 [hbm:s0], s1  }
0x243: {  	s0 =	simm.s32 @!p0 $0x9  }
0x244: {  	_ =	swait.ge @!p0 [sflag:s0], s1  }
0x245: {  	s1 =	ssub.s32 @!p0 $0x0, s1;
	[sflag:s0] =	ssyncset.done @!p0 $0x0  }
0x246: {  	[sflag:s0] =	ssyncadd.s32 @!p0 s1  }
0x247: {  	[bflag:$0x3] =	sbarrier.arrive $0xFFFF  }
0x248: {  	_ =	shalt  }

// kernel: _run.7.cloned.1.call-start
scs
__scs_entry_jumppad:
0x0: {  	(pc) =	sbr.rel $0x88, $3  }
0x1: {  	(tag) =	ssettag $0x0;
	lr =	simm.s32 $0x1  }
0x2: {  	[smem:$0x3F97] =	sst lr;
	_ =	strace $0xD0000000  }
0x3: {  	_ = 	snop  }
0x4: {  	_ = 	snop  }
0x5: {  	_ = 	snop  }
0x6: {  	_ = 	snop  }
0x7: {  	_ = 	snop  }
__scs_overlays_trampoline_lowered:
0x8: {  	[smem:$0x3FA6] =	sst s0  }
0x9: {  	[smem:$0x3FA7] =	sst s1  }
0xa: {  	[smem:$0x3FA8] =	sst s2  }
0xb: {  	[smem:$0x3FA9] =	sst s3  }
0xc: {  	[smem:$0x3FAA] =	sst s4  }
0xd: {  	[smem:$0x3FAB] =	sst s5  }
0xe: {  	[smem:$0x3FAC] =	sst s6  }
0xf: {  	[smem:$0x3FAD] =	sst s7  }
0x10: {  	[smem:$0x3FAE] =	sst s8  }
0x11: {  	[smem:$0x3FAF] =	sst s9;
	s0 =	simm.s32 @!p0 $0x0  }
0x12: {  	s1 =	sld [smem:$0x3F95];
	s0 =	simm.s32 @p0 $0x1  }
0x13: {  	[smem:$0x3FB0] =	sst s0;
	s0 =	simm.s32 @!p1 $0x0  }
0x14: {  	s2 =	sld [smem:$0x3F94];
	s0 =	simm.s32 @p1 $0x1  }
0x15: {  	[smem:$0x3FB1] =	sst s0;
	s0 =	simm.s32 @!p2 $0x0  }
0x16: {  	s3 =	sld [smem:$0x3FDB];
	s0 =	simm.s32 @p2 $0x1  }
0x17: {  	s4 =	simm.s32 $0x1BF5;
	[smem:$0x3FB3] =	sst s0  }
0x18: {  	s0 =	sld [smem:$0x3F96];
	_ =	swait.ge [sflag:s4], $0x0  }
0x19: {  	s7 =	sld [smem:$0x3F97]  }
0x1a: {  	s8 =	sadd.s32 $0xFFFFE003, lr  }
0x1b: {  	s9 =	sadd.s32 $0xFFFFFEF7, lr;
	s5 =	simm.s32 $0xFFFFFFFF;
	p2 =	slt.u32 s8, $0xFFFFF086  }
0x1c: {  	p1 =	slt.u32 s9, $0xF7A;
	s5 =	simm.s32 @!p2 $0x0  }
0x1d: {  	s5 =	simm.s32 @p1 $0x1;
	p0 =	seq.s32 s7, s2  }
0x1e: {  	s7 =	smul.u32 @!p0 $0xF7A, s2;
	p2 =	seq.s32 @!p0 s5, $0x0  }
0x1f: {  	s9 =	smul.u32 $0xF7A, s1;
	s8 =	simm.s32 @!p0 $0x1BF5;
	p2 =	por !p2, p0  }
0x20: {  	[sflag:s8] =	ssyncset.s32 @!p0 $0xFFFFF086;
	s6 =	sadd.s32 @!p0 s3, s7;
	s7 =	simm.s32 @!p0 $0x108  }
0x21: {  	s3 =	sadd.s32 s3, s9;
	s6 =	sadd.s32 @!p0 $0x88, s6;
	s7 =	simm.s32 @p2 $0x1082  }
0x22: {  	[simem:s7], [sflag:s8] =	dma.local @!p0 [hbm:s6], $0xF7A  }
0x23: {  	s9 =	sor.u32 $0xD0000000, s2;
	s6 =	simm.s32 $0x108;
	_ =	swait.ge @!p0 [sflag:s8], $0x0  }
0x24: {  	s3 =	sadd.s32 $0x88, s3;
	s6 =	simm.s32 @!p1 $0x1082;
	[sflag:s4] =	ssyncset.s32 $0xFFFFF086  }
0x25: {  	[simem:s6], [sflag:s4] =	dma.local [hbm:s3], $0xF7A  }
0x26: {  	[smem:$0x3F97] =	sst s1;
	(tag) =	ssettag s2;
	_ =	strace s9  }
0x27: {  	s1 =	sld [smem:$0x3FA7]  }
0x28: {  	s2 =	sld [smem:$0x3FA8]  }
0x29: {  	s4 =	sld [smem:$0x3FAA]  }
0x2a: {  	p0 =	seq.s32 s5, $0x0;
	s5 =	sld [smem:$0x3FAB]  }
0x2b: {  	s6 =	sld [smem:$0x3FAC]  }
0x2c: {  	s7 =	sld [smem:$0x3FAD]  }
0x2d: {  	s3 =	simm.s32 $0x108;
	s8 =	sld [smem:$0x3FAE]  }
0x2e: {  	s3 =	simm.s32 @!p0 $0x1082;
	s9 =	sld [smem:$0x3FAF]  }
0x2f: {  	lr =	sadd.s32 s0, s3;
	s0 =	sld [smem:$0x3FA6]  }
0x30: {  	s3 =	sld [smem:$0x3FA9]  }
0x31: {  	[smem:$0x3FB2] =	sst s10  }
0x32: {  	s10 =	sld [smem:$0x3FB0];
	_ =	sdelay $0x3  }
0x33: {  	p0 =	seq.s32 s10, $0x1;
	s10 =	sld [smem:$0x3FB2];
	_ =	sdelay $0x3  }
0x34: {  	[smem:$0x3FB2] =	sst s10  }
0x35: {  	s10 =	sld [smem:$0x3FB1];
	_ =	sdelay $0x3  }
0x36: {  	p1 =	seq.s32 s10, $0x1;
	s10 =	sld [smem:$0x3FB2];
	_ =	sdelay $0x3  }
0x37: {  	[smem:$0x3FB2] =	sst s10  }
0x38: {  	s10 =	sld [smem:$0x3FB3]  }
0x39: {  	_ = 	snop;
	(pc) =	sbr.ind lr, $3  }
0x3a: {  	_ = 	snop  }
0x3b: {  	_ = 	snop  }
0x3c: {  	p2 =	seq.s32 s10, $0x1;
	s10 =	sld [smem:$0x3FB2]  }
0x3d: {  	_ =	shalt  }
0x3e: {  	_ =	shalt  }
0x3f: {  	_ =	shalt  }
0x40: {  	_ =	shalt  }
0x41: {  	_ =	shalt  }
0x42: {  	_ =	shalt  }
0x43: {  	_ =	shalt  }
0x44: {  	_ =	shalt  }
0x45: {  	_ =	shalt  }
0x46: {  	_ =	shalt  }
0x47: {  	_ =	shalt  }
0x48: {  	_ =	shalt  }
0x49: {  	_ =	shalt  }
0x4a: {  	_ =	shalt  }
0x4b: {  	_ =	shalt  }
0x4c: {  	_ =	shalt  }
0x4d: {  	_ =	shalt  }
0x4e: {  	_ =	shalt  }
0x4f: {  	_ =	shalt  }
0x50: {  	_ =	shalt  }
0x51: {  	_ =	shalt  }
0x52: {  	_ =	shalt  }
0x53: {  	_ =	shalt  }
0x54: {  	_ =	shalt  }
0x55: {  	_ =	shalt  }
0x56: {  	_ =	shalt  }
0x57: {  	_ =	shalt  }
0x58: {  	_ =	shalt  }
0x59: {  	_ =	shalt  }
0x5a: {  	_ =	shalt  }
0x5b: {  	_ =	shalt  }
0x5c: {  	_ =	shalt  }
0x5d: {  	_ =	shalt  }
0x5e: {  	_ =	shalt  }
0x5f: {  	_ =	shalt  }
0x60: {  	_ =	shalt  }
0x61: {  	_ =	shalt  }
0x62: {  	_ =	shalt  }
0x63: {  	_ =	shalt  }
0x64: {  	_ =	shalt  }
0x65: {  	_ =	shalt  }
0x66: {  	_ =	shalt  }
0x67: {  	_ =	shalt  }
0x68: {  	_ =	shalt  }
0x69: {  	_ =	shalt  }
0x6a: {  	_ =	shalt  }
0x6b: {  	_ =	shalt  }
0x6c: {  	_ =	shalt  }
0x6d: {  	_ =	shalt  }
0x6e: {  	_ =	shalt  }
0x6f: {  	_ =	shalt  }
0x70: {  	_ =	shalt  }
0x71: {  	_ =	shalt  }
0x72: {  	_ =	shalt  }
0x73: {  	_ =	shalt  }
0x74: {  	_ =	shalt  }
0x75: {  	_ =	shalt  }
0x76: {  	_ =	shalt  }
0x77: {  	_ =	shalt  }
0x78: {  	_ =	shalt  }
0x79: {  	_ =	shalt  }
0x7a: {  	_ =	shalt  }
0x7b: {  	_ =	shalt  }
0x7c: {  	_ =	shalt  }
0x7d: {  	_ =	shalt  }
0x7e: {  	_ =	shalt  }
0x7f: {  	_ =	shalt  }
0x80: {  	_ =	shalt  }
0x81: {  	_ =	shalt  }
0x82: {  	_ =	shalt  }
0x83: {  	_ =	shalt  }
0x84: {  	_ =	shalt  }
0x85: {  	_ =	shalt  }
0x86: {  	_ =	shalt  }
0x87: {  	_ =	shalt  }
.Lfunc_end0:
.L_simem_size_0:
called_computation_lowered:
.L_overlay_start_0:
0x88: {  	s2 =	sld [smem:$0x3FD9]  }
0x89: {  	s3 =	sld [smem:$0x3FFE];
	_ =	sdelay $0x1  }
0x8a: {  	s1 =	srdreg.scid  }
0x8b: {  	s0 =	sand.u32 $0x1, s1  }
0x8c: {  	s17 =	sshll.u32 s0, $0xA;
	s2 =	sadd.s32 s3, s2  }
0x8d: {  	s2 =	sadd.s32 s2, s17  }
0x8e: {  	[smem:$0x3FBE] =	sst s2  }
0x8f: {  	_ = 	snop  }
0x90: {  	s2 =	sld [smem:$0x3FD0];
	(tm) =	ssettm $0x1  }
0x91: {  	s18 =	sld [smem:$0x3FFB];
	_ =	sdelay $0x3  }
0x92: {  	_ =	strace s18  }
0x93: {  	s3 =	sld [smem:$0x3FFC];
	_ =	sdelay $0x3  }
0x94: {  	_ =	strace s3  }
0x95: {  	s3 =	sld [smem:$0x3FFD];
	_ =	sdelay $0x3  }
0x96: {  	_ =	strace s3  }
0x97: {  	_ =	strace $0x8FFFFFFF  }
0x98: {  	s19 =	sld [smem:$0x3FDB];
	_ =	sdelay $0x1  }
0x99: {  	s4 =	simm.s32 $_scs_section_size  }
0x9a: {  	s5 =	simm.s32 $_size__tile_overlayer_lowered;
	s6 =	simm.s32 $_tile_overlayer_lowered  }
0x9b: {  	s22 =	simm.s32 $0x1BFF;
	s21 =	sshll.u32 s6, $0x1;
	s3 =	sadd.s32 s4, s19  }
0x9c: {  	s7 =	simm.s32 $0x0;
	s20 =	sshll.u32 s5, $0x1;
	s5 =	sadd.s32 s21, s3  }
0x9d: {  	[timem:s7], [sflag:s22] =	dma.local [hbm:s5], s20  }
0x9e: {  	_ =	swait.ge [sflag:s22], s20  }
0x9f: {  	s4 =	ssub.s32 $0x0, s20;
	[sflag:s22] =	ssyncset.done $0x0  }
0xa0: {  	[sflag:s22] =	ssyncadd.s32 s4;
	_ =	sdelay $0x1  }
0xa1: {  	s23 =	simm.s32 $0x1B8B  }
0xa2: {  	_ =	swait.ge [sflag:s23], $0x1  }
0xa3: {  	[sflag:s23] =	ssyncset.done $0x0  }
0xa4: {  	s25 =	simm.s32 $0x1B8E;
	s24 =	sld [smem:$0x3FFE];
	[sflag:s23] =	ssyncadd.s32 $0xFFFFFFFF  }
0xa5: {  	s26 =	simm.s32 $execute0_lowered;
	[smem:$0x3FD2] =	sst s25  }
0xa6: {  	s5 =	sshll.u32 s26, $0x1;
	_ =	strace $0x80000046;
	[dreg:$0x1] =	wrdreg $0xFFFFFFFF  }
0xa7: {  	s28 =	simm.s32 $_size_execute0_lowered;
	s3 =	sadd.s32 s3, s5;
	[dreg:$0x0] =	wrdreg $0x0  }
0xa8: {  	s5 =	sshll.u32 s28, $0x1;
	[dreg:$0x2] =	wrdreg s3  }
0xa9: {  	[dreg:$0x3] =	wrdreg s5  }
0xaa: {  	[dreg:$0x4] =	wrdreg $0xC0  }
0xab: {  	_ =	task [dreg:s7], $0x5FFFF  }
0xac: {  	[dreg:$0x1] =	wrdreg $0xFFFFFFFF  }
0xad: {  	[dreg:$0x0] =	wrdreg $0x60  }
0xae: {  	[dreg:$0x2] =	wrdreg s24  }
0xaf: {  	[dreg:$0x3] =	wrdreg s2  }
0xb0: {  	[dreg:$0x4] =	wrdreg $0x0  }
0xb1: {  	[dreg:$0x5] =	wrdreg $0x9  }
0xb2: {  	_ =	task.clear_ibuf [dreg:s7], $0x6FFFF;
	_ =	strace $0x90000046  }
0xb3: {  	s29 =	simm.s32 $0x9;
	_ =	strace $0x80000048  }
0xb4: {  	_ =	swait.ge [sflag:s29], $0x1  }
0xb5: {  	[sflag:s29] =	ssyncadd.s32 $0xFFFFFFFF  }
0xb6: {  	_ =	strace $0x90000048  }
0xb7: {  	_ =	sfence  }
0xb8: {  	s30 =	sld [smem:$0x0];
	_ =	sdelay $0x2  }
0xb9: {  	s31 =	sshll.u32 s1, $0xD;
	s1 =	sshrl.u32 s1, $0x2  }
0xba: {  	s3 =	sand.u32 $0x4000, s31;
	s1 =	sadd.s32 s1, s30  }
0xbb: {  	s0 =	sor.u32 s3, s0;
	s1 =	sshll.u32 s1, $0x11  }
0xbc: {  	s0 =	sor.u32 s1, s0  }
0xbd: {  	s0 =	sadd.s32 $0x8F2B, s0  }
0xbe: {  	[sflag:s0] =	ssyncadd.remote.s32 $0x1  }
0xbf: {  	_ =	sfence.sel $0xFFFF  }
0xc0: {  	[dreg:$0x0] =	wrdreg $0xFFFFFFFF;
	(pc) =	sbr.abs _section_cstart, $3  }
0xc1: {  	[dreg:$0x1] =	wrdreg $0xFFFFFFFF  }
0xc2: {  	_ =	task.clear_ibuf [dreg:s7], $0x2FFFF;
	_ =	strace $0x9FFFFFFF  }
0xc3: {  	(tm) =	ssettm $0x7FFFFFFF  }
tec
execute0_lowered:
.L_overlay_start_1:
0x0: {  	(tag) =	ssettag $0x1  }
0x1: {  	s0 =	rddreg [dreg:$0x0]  }
0x2: {  	s30 =	rddreg [dreg:$0x1]  }
0x3: {  	s11 =	rddreg [dreg:$0x2];
	s1 =	srdreg.scid  }
0x4: {  	s10 =	stileid.u32;
	s4 =	simm.s32 $0x0;
	s31 =	simm.s32 $0x9  }
0x5: {  	s28 =	simm.s32 $0x7;
	s29 =	simm.s32 $0x3;
	s1 =	sand.u32 $0x1, s1  }
0x6: {  	s2 =	smul.u32 $0x15F90, s10;
	[smem:$0x7FF] =	sst s4;
	s5 =	sadd.s32 $0x50000, s0  }
0x7: {  	s6 =	sadd.s32 $0x72600, s0;
	s8 =	smul.u32 $0x57E40, s10;
	s7 =	sadd.s32 $0x68800, s0  }
0x8: {  	s3 =	smul.u32 $0x15F900, s1;
	_ =	strace $0x80000047;
	s9 =	ssub.s32 $0x2, s1  }
0x9: {  	s1 =	sshll.u32 s1, $0x4;
	s24 =	sshrl.u32 s9, $0x1;
	s8 =	sshrl.u32 s8, $0x2  }
0xa: {  	s1 =	sor.u32 s10, s1;
	s8 =	sadd.s32 s8, s11;
	s11 =	sadd.s32 s2, s11  }
0xb: {  	s3 =	sadd.s32 s2, s3;
	s25 =	sadd.s32 $0x2D00, s8;
	[dreg:$0x4] =	wrdreg s11  }
0xc: {  	s1 =	smul.u32 $0x2710, s1;
	s26 =	sadd.s32 $0x5A00, s8;
	[dreg:$0x5] =	wrdreg s25  }
0xd: {  	s3 =	sshrl.u32 s3, $0x3;
	s10 =	sadd.s32 $0xB400, s8;
	[dreg:$0x6] =	wrdreg s26  }
0xe: {  	s12 =	sadd.s32 $0xE100, s8;
	s13 =	sadd.s32 $0x10E00, s8;
	[dreg:$0x8] =	wrdreg s10  }
0xf: {  	s14 =	sadd.s32 $0x13B00, s8;
	s0 =	sadd.s32 s3, s0;
	[dreg:$0x9] =	wrdreg s12  }
0x10: {  	s3 =	ssub.s32 s9, s24;
	s9 =	sadd.s32 $0x8700, s8;
	[dreg:$0xa] =	wrdreg s13  }
0x11: {  	[dreg:$0xb] =	wrdreg s14;
	s15 =	sshrl.u32 s1, $0x3;
	s16 =	sadd.s32 $0x28, s1  }
0x12: {  	s18 =	sadd.s32 $0x78, s1;
	s25 =	sadd.s32 $0xF0, s1;
	[dreg:$0x7] =	wrdreg s9  }
0x13: {  	s22 =	sadd.s32 $0xC8, s1;
	s1 =	sadd.s32 $0x140, s1;
	[dreg:$0x15] =	wrdreg s25  }
0x14: {  	s10 =	simm.s32 $0x28;
	s17 =	sadd.s32 s6, s15;
	[dreg:$0x16] =	wrdreg s1  }
0x15: {  	s13 =	simm.s32 $0x50;
	s19 =	sadd.s32 s7, s15;
	[dreg:$0xc] =	wrdreg s17  }
0x16: {  	s8 =	sshrl.u32 s16, $0x3;
	s0 =	sadd.s32 $0x7C400, s0;
	[dreg:$0xe] =	wrdreg s19  }
0x17: {  	s20 =	sshrl.u32 s18, $0x3;
	s26 =	smax.u32 s3, $0x1;
	[dreg:$0x17] =	wrdreg s0  }
0x18: {  	s21 =	sadd.s32 $0xA, s15;
	s8 =	sadd.s32 s6, s8;
	[dreg:$0x18] =	wrdreg s26  }
0x19: {  	s2 =	sadd.s32 $0x14, s15;
	s23 =	sadd.s32 s6, s21;
	[dreg:$0xd] =	wrdreg s8  }
0x1a: {  	s15 =	simm.s32 $0x5;
	s9 =	sadd.s32 s7, s21;
	[dreg:$0x10] =	wrdreg s23  }
0x1b: {  	s16 =	simm.s32 $0x1;
	s24 =	sadd.s32 s6, s2;
	[dreg:$0x11] =	wrdreg s9  }
0x1c: {  	s1 =	simm.s32 $0x0;
	s2 =	sadd.s32 s7, s2;
	[dreg:$0x13] =	wrdreg s24  }
0x1d: {  	s26 =	simm.s32 $0x1BF80;
	s8 =	sadd.s32 s6, s20;
	[dreg:$0x14] =	wrdreg s2  }
0x1e: {  	s19 =	simm.s32 $0x15FE0;
	[dreg:$0xf] =	wrdreg s8;
	s8 =	sshrl.u32 s22, $0x3  }
0x1f: {  	s9 =	simm.s32 $0x15F90;
	s23 =	simm.s32 $0x6;
	s8 =	sadd.s32 s6, s8  }
0x20: {  	v0 =	vimm.f32 $0.0e+00;
	s20 =	simm.s32 $0x4;
	[dreg:$0x12] =	wrdreg s8;
	s8 =	simm.s32 $0x8  }
.LBB2_1:
0x21: {  	s0 =	simm.s32 $0x19350  }
0x22: {  	[tilespmem:s0+$0xFFFFFEE0] =	vst v0  }
0x23: {  	[tilespmem:s0+$0x110] =	vst v0  }
0x24: {  	[tilespmem:s0+$0x100] =	vst v0  }
0x25: {  	[tilespmem:s0+$0xF0] =	vst v0  }
0x26: {  	[tilespmem:s0+$0xE0] =	vst v0  }
0x27: {  	[tilespmem:s0+$0xD0] =	vst v0  }
0x28: {  	[tilespmem:s0+$0xC0] =	vst v0  }
0x29: {  	[tilespmem:s0+$0xB0] =	vst v0  }
0x2a: {  	[tilespmem:s0+$0xA0] =	vst v0  }
0x2b: {  	[tilespmem:s0+$0x90] =	vst v0  }
0x2c: {  	[tilespmem:s0+$0x80] =	vst v0  }
0x2d: {  	[tilespmem:s0+$0x70] =	vst v0  }
0x2e: {  	[tilespmem:s0+$0x60] =	vst v0  }
0x2f: {  	[tilespmem:s0+$0x50] =	vst v0  }
0x30: {  	[tilespmem:s0+$0x40] =	vst v0  }
0x31: {  	[tilespmem:s0+$0x30] =	vst v0  }
0x32: {  	[tilespmem:s0+$0x20] =	vst v0  }
0x33: {  	[tilespmem:s0+$0x10] =	vst v0  }
0x34: {  	[tilespmem:s0+$0x0] =	vst v0  }
0x35: {  	[tilespmem:s0+$0xFFFFFFF0] =	vst v0  }
0x36: {  	[tilespmem:s0+$0xFFFFFFE0] =	vst v0  }
0x37: {  	[tilespmem:s0+$0xFFFFFFD0] =	vst v0  }
0x38: {  	[tilespmem:s0+$0xFFFFFFC0] =	vst v0  }
0x39: {  	[tilespmem:s0+$0xFFFFFFB0] =	vst v0  }
0x3a: {  	[tilespmem:s0+$0xFFFFFFA0] =	vst v0  }
0x3b: {  	[tilespmem:s0+$0xFFFFFF90] =	vst v0  }
0x3c: {  	[tilespmem:s0+$0xFFFFFF80] =	vst v0  }
0x3d: {  	[tilespmem:s0+$0xFFFFFF70] =	vst v0  }
0x3e: {  	[tilespmem:s0+$0xFFFFFF60] =	vst v0  }
0x3f: {  	[tilespmem:s0+$0xFFFFFF50] =	vst v0  }
0x40: {  	[tilespmem:s0+$0xFFFFFF40] =	vst v0  }
0x41: {  	[tilespmem:s0+$0xFFFFFF30] =	vst v0  }
0x42: {  	[tilespmem:s0+$0xFFFFFF20] =	vst v0  }
0x43: {  	[tilespmem:s0+$0xFFFFFF10] =	vst v0  }
0x44: {  	[dreg:$0x19] =	wrdreg s1;
	s1 =	simm.s32 $0x0;
	[tilespmem:s0+$0xFFFFFF00] =	vst v0  }
.LBB2_2:
0x45: {  	s1 =	sadd.s32 $0x4, s1;
	[tilespmem:s0+$0xFFFFFEF0] =	vst v0;
	s0 =	sadd.s32 $0x240, s0  }
0x46: {  	[tilespmem:s0+$0xFFFFFEE0] =	vst v0;
	p0 =	slt.u32 s1, $0x4C  }
0x47: {  	[tilespmem:s0+$0x110] =	vst v0  }
0x48: {  	[tilespmem:s0+$0x100] =	vst v0  }
0x49: {  	[tilespmem:s0+$0xF0] =	vst v0  }
0x4a: {  	[tilespmem:s0+$0xE0] =	vst v0  }
0x4b: {  	[tilespmem:s0+$0xD0] =	vst v0  }
0x4c: {  	[tilespmem:s0+$0xC0] =	vst v0  }
0x4d: {  	[tilespmem:s0+$0xB0] =	vst v0  }
0x4e: {  	[tilespmem:s0+$0xA0] =	vst v0  }
0x4f: {  	[tilespmem:s0+$0x90] =	vst v0  }
0x50: {  	[tilespmem:s0+$0x80] =	vst v0  }
0x51: {  	[tilespmem:s0+$0x70] =	vst v0  }
0x52: {  	[tilespmem:s0+$0x60] =	vst v0  }
0x53: {  	[tilespmem:s0+$0x50] =	vst v0  }
0x54: {  	[tilespmem:s0+$0x40] =	vst v0  }
0x55: {  	[tilespmem:s0+$0x30] =	vst v0  }
0x56: {  	[tilespmem:s0+$0x20] =	vst v0  }
0x57: {  	[tilespmem:s0+$0x10] =	vst v0  }
0x58: {  	[tilespmem:s0+$0x0] =	vst v0  }
0x59: {  	[tilespmem:s0+$0xFFFFFFF0] =	vst v0  }
0x5a: {  	[tilespmem:s0+$0xFFFFFFE0] =	vst v0  }
0x5b: {  	[tilespmem:s0+$0xFFFFFFD0] =	vst v0  }
0x5c: {  	[tilespmem:s0+$0xFFFFFFC0] =	vst v0  }
0x5d: {  	[tilespmem:s0+$0xFFFFFFB0] =	vst v0  }
0x5e: {  	[tilespmem:s0+$0xFFFFFFA0] =	vst v0  }
0x5f: {  	[tilespmem:s0+$0xFFFFFF90] =	vst v0  }
0x60: {  	[tilespmem:s0+$0xFFFFFF80] =	vst v0  }
0x61: {  	[tilespmem:s0+$0xFFFFFF70] =	vst v0  }
0x62: {  	[tilespmem:s0+$0xFFFFFF60] =	vst v0  }
0x63: {  	[tilespmem:s0+$0xFFFFFF50] =	vst v0  }
.Ltmp0:
0x64: {  	[tilespmem:s0+$0xFFFFFF40] =	vst v0;
	(pc) =	sbr.rel @p0 .LBB2_2-.Ltmp0, $4  }
0x65: {  	[tilespmem:s0+$0xFFFFFF30] =	vst v0  }
0x66: {  	[tilespmem:s0+$0xFFFFFF20] =	vst v0  }
0x67: {  	[tilespmem:s0+$0xFFFFFF10] =	vst v0  }
0x68: {  	[tilespmem:s0+$0xFFFFFF00] =	vst v0  }
0x69: {  	[tilespmem:s0+$0xFFFFFEF0] =	vst v0;
	s1 =	simm.s32 $0x19230  }
0x6a: {  	[spmem:s11] =	stream.linear.scatter [tilespmem:s1], [sflag:$0x9], $0x2D00, $0x38;
	[tilespmem:$0x1C9D0] =	vst v63  }
0x6b: {  	_ =	swait.ge [sflag:s31], $0x2D00  }
0x6c: {  	[sflag:s31] =	ssyncset.done $0x0  }
0x6d: {  	s14 =	rddreg [dreg:$0x5];
	[sflag:s31] =	ssyncadd.s32 $0xFFFFD300  }
0x6e: {  	[spmem:s14] =	stream.linear.scatter [tilespmem:s1], [sflag:$0x9], $0x2D00, $0x38;
	[tilespmem:$0x1C9D0] =	vst v63  }
0x6f: {  	_ =	swait.ge [sflag:s31], $0x2D00  }
0x70: {  	[sflag:s31] =	ssyncset.done $0x0  }
0x71: {  	s17 =	rddreg [dreg:$0x6];
	[sflag:s31] =	ssyncadd.s32 $0xFFFFD300  }
0x72: {  	[spmem:s17] =	stream.linear.scatter [tilespmem:s1], [sflag:$0x9], $0x2D00, $0x38;
	[tilespmem:$0x1C9D0] =	vst v63  }
0x73: {  	_ =	swait.ge [sflag:s31], $0x2D00  }
0x74: {  	[sflag:s31] =	ssyncset.done $0x0  }
0x75: {  	s18 =	rddreg [dreg:$0x7];
	[sflag:s31] =	ssyncadd.s32 $0xFFFFD300  }
0x76: {  	[spmem:s18] =	stream.linear.scatter [tilespmem:s1], [sflag:$0x9], $0x2D00, $0x38;
	[tilespmem:$0x1C9D0] =	vst v63  }
0x77: {  	_ =	swait.ge [sflag:s31], $0x2D00  }
0x78: {  	[sflag:s31] =	ssyncset.done $0x0  }
0x79: {  	s21 =	rddreg [dreg:$0x8];
	[sflag:s31] =	ssyncadd.s32 $0xFFFFD300  }
0x7a: {  	[spmem:s21] =	stream.linear.scatter [tilespmem:s1], [sflag:$0x9], $0x2D00, $0x38;
	[tilespmem:$0x1C9D0] =	vst v63  }
0x7b: {  	_ =	swait.ge [sflag:s31], $0x2D00  }
0x7c: {  	[sflag:s31] =	ssyncset.done $0x0  }
0x7d: {  	s22 =	rddreg [dreg:$0x9];
	[sflag:s31] =	ssyncadd.s32 $0xFFFFD300  }
0x7e: {  	[spmem:s22] =	stream.linear.scatter [tilespmem:s1], [sflag:$0x9], $0x2D00, $0x38;
	[tilespmem:$0x1C9D0] =	vst v63  }
0x7f: {  	_ =	swait.ge [sflag:s31], $0x2D00  }
0x80: {  	[sflag:s31] =	ssyncset.done $0x0  }
0x81: {  	s24 =	rddreg [dreg:$0xa];
	[sflag:s31] =	ssyncadd.s32 $0xFFFFD300  }
0x82: {  	[spmem:s24] =	stream.linear.scatter [tilespmem:s1], [sflag:$0x9], $0x2D00, $0x38;
	[tilespmem:$0x1C9D0] =	vst v63  }
0x83: {  	_ =	swait.ge [sflag:s31], $0x2D00  }
0x84: {  	[sflag:s31] =	ssyncset.done $0x0  }
0x85: {  	s25 =	rddreg [dreg:$0xb];
	[sflag:s31] =	ssyncadd.s32 $0xFFFFD300  }
0x86: {  	[spmem:s25] =	stream.linear.scatter [tilespmem:s1], [sflag:$0x9], $0x2490, $0x38;
	[tilespmem:$0x1C9D0] =	vst v63  }
0x87: {  	_ =	swait.ge [sflag:s31], $0x2490  }
0x88: {  	[sflag:s31] =	ssyncset.done $0x0  }
0x89: {  	[sflag:s31] =	ssyncadd.s32 $0xFFFFDB70  }
0x8a: {  	[bflag:$0x0] =	sbarrier.arrive $0xFFFF  }
0x8b: {  	s3 =	simm.s32 $0x1BF30;
	s2 =	rddreg [dreg:$0xc]  }
0x8c: {  	[tilespmem:s3], [sflag:$0x9] =	stream.linear.gather [hbm4b:s2+s4], $0x28, $0x38;
	[tilespmem:$0x1C9D0] =	vst v63  }
0x8d: {  	_ =	swait.ge [sflag:s31], $0x28  }
0x8e: {  	[sflag:s31] =	ssyncset.done $0x0  }
0x8f: {  	s2 =	simm.s32 $0x1BF58;
	s11 =	rddreg [dreg:$0xd];
	[sflag:s31] =	ssyncadd.s32 $0xFFFFFFD8  }
0x90: {  	[tilespmem:s2], [sflag:$0x9] =	stream.linear.gather [hbm4b:s11+s4], $0x28, $0x38;
	[tilespmem:$0x1C9D0] =	vst v63  }
0x91: {  	_ =	swait.ge [sflag:s31], $0x28  }
0x92: {  	[sflag:s31] =	ssyncset.done $0x0  }
0x93: {  	s12 =	rddreg [dreg:$0xe];
	[sflag:s31] =	ssyncadd.s32 $0xFFFFFFD8  }
0x94: {  	[tilespmem:s9], [sflag:$0x9] =	stream.linear.gather [hbm4b:s12+s4], $0x50, $0x38;
	[tilespmem:$0x1C9D0] =	vst v63  }
0x95: {  	_ =	swait.ge [sflag:s31], $0x50  }
0x96: {  	[sflag:s31] =	ssyncset.done $0x0  }
0x97: {  	s14 =	simm.s32 $0x16030;
	[sflag:s31] =	ssyncadd.s32 $0xFFFFFFB0  }
0x98: {  	[tilespmem:s14], [sflag:$0x5] =	stream.indirect.gather [hbm4b:s5+s10], $0x50, s3, s10, $0xb8;
	[tilespmem:$0x1C9D0] =	vst v63  }
0x99: {  	s17 =	simm.s32 $0x16CB0  }
0x9a: {  	[tilespmem:s17], [sflag:$0x5] =	stream.indirect.gather [hbm4b:s5+s10], $0x50, s2, s10, $0xb8;
	[tilespmem:$0x1C9D0] =	vst v63  }
0x9b: {  	s18 =	simm.s32 $0x1BFD0  }
0x9c: {  	[tilespmem:s18], [sflag:$0x1] =	stream.indirect.gather [hbm4b:s30+s13], $0x10, s9, s13, $0xb8;
	[tilespmem:$0x1C9D0] =	vst v63  }
0x9d: {  	_ =	swait.ge [sflag:s15], $0xC80  }
0x9e: {  	[sflag:s15] =	ssyncset.done $0x0  }
0x9f: {  	[sflag:s15] =	ssyncadd.s32 $0xFFFFF380  }
0xa0: {  	_ =	swait.ge [sflag:s15], $0xC80  }
0xa1: {  	[sflag:s15] =	ssyncset.done $0x0  }
0xa2: {  	[sflag:s15] =	ssyncadd.s32 $0xFFFFF380  }
0xa3: {  	_ =	swait.ge [sflag:s16], $0x500  }
0xa4: {  	[sflag:s16] =	ssyncset.done $0x0  }
0xa5: {  	s17 =	simm.s32 $0x16080;
	[sflag:s16] =	ssyncadd.s32 $0xFFFFFB00  }
0xa6: {  	s21 =	simm.s32 $0x1BFE0;
	v1 =	vld [tilespmem:s17+$0x40]  }
0xa7: {  	v2 =	vld [tilespmem:s21+$0x0];
	_ =	sdelay $0x3  }
0xa8: {  	v1 =	vshll.u32 v1, $0x10  }
0xa9: {  	v1 =	vadd.f32 v1, v2  }
0xaa: {  	v2 =	vld [tilespmem:s17+$0xFFFFFFF0]  }
0xab: {  	v3 =	vld [tilespmem:s21+$0xFFFFFFF0];
	v4 =	vmul.f32 $2.000000030e-01, v1;
	_ =	sdelay $0x1  }
0xac: {  	v1 =	vmax.f32 v1, v4  }
0xad: {  	v1 =	vmul.f32 $1.442695020e+00, v1  }
0xae: {  	v2 =	vshll.u32 v2, $0x10  }
0xaf: {  	v2 =	vadd.f32 v2, v3;
	(erf) = vpow2.f32 v1;
	_ =	sdelay $0x1  }
0xb0: {  	v1 =	vmul.f32 $2.000000030e-01, v2;
	_ =	sdelay $0x1  }
0xb1: {  	s14 =	simm.s32 $0x16120;
	v1 =	vmax.f32 v2, v1  }
0xb2: {  	s22 =	simm.s32 $0x1C000;
	v2 =	vld [tilespmem:s14+$0x40];
	v1 =	vmul.f32 $1.442695020e+00, v1  }
0xb3: {  	v3 =	vld [tilespmem:s22+$0x0]  }
0xb4: {  	(erf) = vpow2.f32 v1;
	_ =	sdelay $0x1  }
0xb5: {  	s3 =	simm.s32 $0x192C0;
	v1 =	vld [tilespmem:s14+$0xFFFFFFF0];
	v7 =	vpop (erf)  }
0xb6: {  	v4 =	vld [tilespmem:s22+$0xFFFFFFF0];
	v2 =	vshll.u32 v2, $0x10;
	[tilespmem:s3+$0x80] =	vst v7  }
0xb7: {  	v2 =	vadd.f32 v2, v3;
	v3 =	vld [tilespmem:s17+$0x0];
	_ =	sdelay $0x1  }
0xb8: {  	v5 =	vmul.f32 $2.000000030e-01, v2  }
0xb9: {  	v1 =	vshll.u32 v1, $0x10  }
0xba: {  	v1 =	vadd.f32 v1, v4;
	v4 =	vbroadcast v7, $0x0;
	v2 =	vmax.f32 v2, v5  }
0xbb: {  	v9 =	vbroadcast v7, $0x1;
	v2 =	vmul.f32 $1.442695020e+00, v2;
	v8 =	vpop (erf);
	v6 =	vshll.u32 v3, $0x10  }
0xbc: {  	v5 =	vmul.f32 $2.000000030e-01, v1;
	[tilespmem:s3+$0xFFFFFFF0] =	vst v8;
	v3 =	vand.u32 $0xFFFF0000, v3;
	v4 =	vmul.f32 v6, v4  }
0xbd: {  	(erf) = vpow2.f32 v2;
	v2 =	vld [tilespmem:s17+$0xFFFFFFB0];
	v3 =	vmul.f32 v3, v9  }
0xbe: {  	v1 =	vmax.f32 v1, v5;
	[tilespmem:s3+$0x0] =	vst v4  }
0xbf: {  	v1 =	vmul.f32 $1.442695020e+00, v1;
	[tilespmem:s3+$0x10] =	vst v3  }
0xc0: {  	v4 =	vld [tilespmem:s17+$0x10]  }
0xc1: {  	s11 =	simm.s32 $0x161C0;
	(erf) = vpow2.f32 v1;
	v1 =	vbroadcast v8, $0x0  }
0xc2: {  	s24 =	simm.s32 $0x1C020;
	v12 =	vbroadcast v7, $0x6;
	v9 =	vld [tilespmem:s11+$0x40];
	v3 =	vbroadcast v8, $0x1;
	v5 =	vshll.u32 v2, $0x10  }
0xc3: {  	v10 =	vld [tilespmem:s24+$0x0];
	v16 =	vbroadcast v7, $0x3;
	v2 =	vand.u32 $0xFFFF0000, v2;
	v13 =	vmul.f32 v5, v1  }
0xc4: {  	v14 =	vld [tilespmem:s11+$0xFFFFFFF0];
	v15 =	vmul.f32 v2, v3;
	v1 =	vbroadcast v7, $0x2  }
0xc5: {  	v17 =	vld [tilespmem:s24+$0xFFFFFFF0];
	v23 =	vbroadcast v7, $0x5;
	v11 =	vbroadcast v8, $0x2;
	v2 =	vshll.u32 v4, $0x10  }
0xc6: {  	s22 =	simm.s32 $0x193E0;
	v18 =	vbroadcast v8, $0x3;
	v5 =	vpop (erf);
	[tilespmem:s3+$0xFFFFFF80] =	vst v15;
	v2 =	vmul.f32 v2, v1;
	v1 =	vand.u32 $0xFFFF0000, v4  }
0xc7: {  	v6 =	vbroadcast v8, $0x5;
	[tilespmem:s22+$0x80] =	vst v5;
	v4 =	vshll.u32 v9, $0x10;
	v9 =	vmul.f32 v1, v16  }
0xc8: {  	v3 =	vbroadcast v8, $0x4;
	v15 =	vbroadcast v7, $0x4;
	v19 =	vld [tilespmem:s14+$0x0];
	v4 =	vadd.f32 v4, v10;
	[tilespmem:s3+$0x20] =	vst v2  }
0xc9: {  	v7 =	vbroadcast v7, $0x7;
	v1 =	vbroadcast v8, $0x6;
	v10 =	vshll.u32 v14, $0x10;
	[tilespmem:s3+$0x30] =	vst v9  }
0xca: {  	v2 =	vbroadcast v8, $0x7;
	v8 =	vpop (erf);
	v9 =	vadd.f32 v10, v17;
	v10 =	vmul.f32 $2.000000030e-01, v4;
	v17 =	vld [tilespmem:s17+$0x20]  }
0xcb: {  	v21 =	vbroadcast v5, $0x0;
	v22 =	vbroadcast v5, $0x1;
	[tilespmem:s22+$0xFFFFFFF0] =	vst v8  }
0xcc: {  	[tilespmem:s3+$0xFFFFFF70] =	vst v13;
	v28 =	vbroadcast v5, $0x3;
	v16 =	vbroadcast v5, $0x6;
	v13 =	vld [tilespmem:s14+$0xFFFFFFB0];
	v4 =	vmax.f32 v4, v10  }
0xcd: {  	v14 =	vbroadcast v8, $0x0;
	v10 =	vshll.u32 v19, $0x10;
	v4 =	vmul.f32 $1.442695020e+00, v4  }
0xce: {  	v20 =	vmul.f32 $2.000000030e-01, v9;
	v19 =	vand.u32 $0xFFFF0000, v19;
	v10 =	vmul.f32 v10, v21  }
0xcf: {  	v19 =	vmul.f32 v19, v22;
	v21 =	vld [tilespmem:s17+$0xFFFFFFC0];
	(erf) = vpow2.f32 v4;
	v22 =	vshll.u32 v17, $0x10  }
0xd0: {  	s21 =	simm.s32 $0x16260;
	v9 =	vmax.f32 v9, v20;
	[tilespmem:s22+$0x0] =	vst v10;
	v4 =	vand.u32 $0xFFFF0000, v17;
	v10 =	vmul.f32 v22, v15  }
0xd1: {  	v25 =	vld [tilespmem:s21+$0xFFFFFFF0];
	v9 =	vmul.f32 $1.442695020e+00, v9;
	[tilespmem:s22+$0x10] =	vst v19;
	v19 =	vshll.u32 v13, $0x10;
	v4 =	vmul.f32 v4, v23  }
0xd2: {  	v15 =	vbroadcast v8, $0x1;
	[tilespmem:s3+$0x40] =	vst v10;
	v10 =	vand.u32 $0xFFFF0000, v13;
	v13 =	vmul.f32 v19, v14;
	v19 =	vld [tilespmem:s14+$0x10]  }
0xd3: {  	v17 =	vbroadcast v8, $0x2;
	(erf) = vpow2.f32 v9;
	v23 =	vld [tilespmem:s21+$0x40];
	[tilespmem:s3+$0x50] =	vst v4  }
0xd4: {  	s25 =	simm.s32 $0x1C040;
	v22 =	vbroadcast v8, $0x3;
	v9 =	vand.u32 $0xFFFF0000, v21;
	v20 =	vmul.f32 v10, v15;
	v10 =	vld [tilespmem:s17+$0x30]  }
0xd5: {  	v4 =	vshll.u32 v21, $0x10;
	v14 =	vbroadcast v8, $0x5;
	v24 =	vmul.f32 v9, v18;
	v18 =	vld [tilespmem:s25+$0x0]  }
0xd6: {  	v25 =	vshll.u32 v25, $0x10;
	v21 =	vmul.f32 v4, v11;
	v9 =	vbroadcast v5, $0x2  }
0xd7: {  	v27 =	vld [tilespmem:s25+$0xFFFFFFF0];
	v11 =	vbroadcast v8, $0x4;
	v15 =	vbroadcast v8, $0x6;
	v26 =	vshll.u32 v19, $0x10  }
0xd8: {  	s12 =	simm.s32 $0x19500;
	[tilespmem:s3+$0xFFFFFFA0] =	vst v24;
	v24 =	vbroadcast v5, $0x5;
	v4 =	vpop (erf);
	v19 =	vand.u32 $0xFFFF0000, v19;
	v26 =	vmul.f32 v26, v9  }
0xd9: {  	[tilespmem:s12+$0x80] =	vst v4;
	v9 =	vbroadcast v8, $0x7;
	v8 =	vshll.u32 v23, $0x10;
	v19 =	vmul.f32 v19, v28  }
0xda: {  	v29 =	vand.u32 $0xFFFF0000, v10;
	v32 =	vbroadcast v4, $0x0;
	v8 =	vadd.f32 v8, v18;
	v23 =	vld [tilespmem:s11+$0x0];
	[tilespmem:s22+$0x20] =	vst v26  }
0xdb: {  	v53 =	vbroadcast v4, $0x2;
	v55 =	vbroadcast v4, $0x3;
	v18 =	vshll.u32 v10, $0x10;
	[tilespmem:s22+$0x30] =	vst v19  }
0xdc: {  	v19 =	vmul.f32 v18, v12;
	v12 =	vadd.f32 v25, v27;
	v25 =	vmul.f32 $2.000000030e-01, v8;
	v50 =	vld [tilespmem:s14+$0x20]  }
0xdd: {  	[tilespmem:s22+$0xFFFFFF70] =	vst v13;
	v62 =	vbroadcast v4, $0x5;
	v7 =	vmul.f32 v29, v7  }
0xde: {  	[tilespmem:s22+$0xFFFFFF80] =	vst v20;
	v10 =	vbroadcast v4, $0x6;
	v31 =	vmul.f32 $2.000000030e-01, v12;
	v8 =	vmax.f32 v8, v25  }
0xdf: {  	[tilespmem:s3+$0xFFFFFF90] =	vst v21;
	v21 =	vld [tilespmem:s14+$0xFFFFFFC0];
	v26 =	vpop (erf);
	v25 =	vbroadcast v4, $0x1;
	v13 =	vshll.u32 v23, $0x10;
	v8 =	vmul.f32 $1.442695020e+00, v8  }
0xe0: {  	v52 =	vld [tilespmem:s17+$0xFFFFFFD0];
	[tilespmem:s12+$0xFFFFFFF0] =	vst v26;
	v20 =	vand.u32 $0xFFFF0000, v23;
	v23 =	vbroadcast v5, $0x4;
	v13 =	vmul.f32 v13, v32  }
0xe1: {  	[tilespmem:s3+$0x70] =	vst v7;
	v30 =	vld [tilespmem:s11+$0xFFFFFFB0];
	v12 =	vmax.f32 v12, v31;
	v20 =	vmul.f32 v20, v25;
	v25 =	vshll.u32 v50, $0x10  }
0xe2: {  	(erf) = vpow2.f32 v8;
	v8 =	vand.u32 $0xFFFF0000, v50;
	[tilespmem:s12+$0x0] =	vst v13;
	v13 =	vmul.f32 v25, v23  }
0xe3: {  	v12 =	vmul.f32 $1.442695020e+00, v12;
	[tilespmem:s12+$0x10] =	vst v20;
	v8 =	vmul.f32 v8, v24  }
0xe4: {  	v27 =	vbroadcast v26, $0x0;
	v51 =	vbroadcast v26, $0x1;
	[tilespmem:s22+$0x40] =	vst v13  }
0xe5: {  	v7 =	vshll.u32 v52, $0x10;
	v18 =	vbroadcast v26, $0x2;
	(erf) = vpow2.f32 v12;
	v24 =	vld [tilespmem:s11+$0x10];
	[tilespmem:s22+$0x50] =	vst v8  }
0xe6: {  	s2 =	simm.s32 $0x16300;
	v23 =	vshll.u32 v30, $0x10;
	v13 =	vshll.u32 v21, $0x10;
	v8 =	vand.u32 $0xFFFF0000, v21;
	v21 =	vld [tilespmem:s14+$0x30]  }
0xe7: {  	s25 =	simm.s32 $0x1C060;
	v20 =	vand.u32 $0xFFFF0000, v30;
	v23 =	vmul.f32 v23, v27;
	v22 =	vmul.f32 v8, v22;
	v8 =	vld [tilespmem:s2+$0x40]  }
0xe8: {  	[tilespmem:s3+$0x60] =	vst v19;
	v19 =	vand.u32 $0xFFFF0000, v52;
	v20 =	vmul.f32 v20, v51;
	v27 =	vmul.f32 v7, v3;
	v7 =	vld [tilespmem:s25+$0x0]  }
0xe9: {  	v19 =	vmul.f32 v19, v6;
	v17 =	vmul.f32 v13, v17;
	[tilespmem:s12+$0xFFFFFF70] =	vst v23;
	v23 =	vld [tilespmem:s2+$0xFFFFFFF0]  }
0xea: {  	v54 =	vld [tilespmem:s25+$0xFFFFFFF0];
	v25 =	vbroadcast v26, $0x3;
	v12 =	vbroadcast v26, $0x4;
	[tilespmem:s12+$0xFFFFFF80] =	vst v20;
	v6 =	vshll.u32 v24, $0x10  }
0xeb: {  	s18 =	simm.s32 $0x19620;
	v20 =	vbroadcast v5, $0x7;
	[tilespmem:s22+$0xFFFFFF90] =	vst v17;
	v24 =	vand.u32 $0xFFFF0000, v24;
	v17 =	vmul.f32 v6, v53;
	v5 =	vpop (erf)  }
0xec: {  	v13 =	vbroadcast v26, $0x5;
	v24 =	vmul.f32 v24, v55;
	v8 =	vshll.u32 v8, $0x10;
	[tilespmem:s18+$0x80] =	vst v5  }
0xed: {  	v3 =	vbroadcast v26, $0x6;
	v6 =	vbroadcast v26, $0x7;
	[tilespmem:s12+$0x20] =	vst v17;
	v17 =	vadd.f32 v8, v7;
	v26 =	vld [tilespmem:s21+$0x0]  }
0xee: {  	v56 =	vand.u32 $0xFFFF0000, v21;
	v21 =	vshll.u32 v21, $0x10;
	[tilespmem:s12+$0x30] =	vst v24;
	v23 =	vshll.u32 v23, $0x10  }
0xef: {  	[tilespmem:s22+$0xFFFFFFA0] =	vst v22;
	v20 =	vmul.f32 v56, v20;
	v58 =	vld [tilespmem:s11+$0x20];
	v22 =	vadd.f32 v23, v54;
	v23 =	vmul.f32 $2.000000030e-01, v17  }
0xf0: {  	[tilespmem:s3+$0xFFFFFFC0] =	vst v19;
	v57 =	vld [tilespmem:s11+$0xFFFFFFC0];
	v7 =	vbroadcast v5, $0x6;
	v21 =	vmul.f32 v21, v16;
	v8 =	vpop (erf)  }
0xf1: {  	v33 =	vbroadcast v5, $0x1;
	[tilespmem:s18+$0xFFFFFFF0] =	vst v8;
	v17 =	vmax.f32 v17, v23;
	v23 =	vbroadcast v5, $0x0  }
0xf2: {  	[tilespmem:s3+$0xFFFFFFB0] =	vst v27;
	v24 =	vbroadcast v8, $0x0;
	v59 =	vbroadcast v8, $0x1;
	v27 =	vld [tilespmem:s21+$0xFFFFFFB0];
	v19 =	vshll.u32 v26, $0x10  }
0xf3: {  	[tilespmem:s22+$0x70] =	vst v20;
	v20 =	vand.u32 $0xFFFF0000, v26;
	v19 =	vmul.f32 v19, v23;
	v23 =	vbroadcast v4, $0x4  }
0xf4: {  	[tilespmem:s22+$0x60] =	vst v21;
	v17 =	vmul.f32 $1.442695020e+00, v17;
	v21 =	vshll.u32 v58, $0x10;
	v20 =	vmul.f32 v20, v33  }
0xf5: {  	v60 =	vshll.u32 v57, $0x10;
	v61 =	vmul.f32 $2.000000030e-01, v22;
	v26 =	vld [tilespmem:s14+$0xFFFFFFD0];
	[tilespmem:s18+$0x0] =	vst v19;
	v19 =	vmul.f32 v21, v23  }
0xf6: {  	v16 =	vbroadcast v8, $0x2;
	(erf) = vpow2.f32 v17;
	v17 =	vand.u32 $0xFFFF0000, v58;
	[tilespmem:s18+$0x10] =	vst v20  }
0xf7: {  	v21 =	vmax.f32 v22, v61;
	v22 =	vshll.u32 v27, $0x10;
	v20 =	vmul.f32 v17, v62;
	[tilespmem:s12+$0x40] =	vst v19;
	v19 =	vld [tilespmem:s17+$0xFFFFFFE0]  }
0xf8: {  	v17 =	vand.u32 $0xFFFF0000, v27;
	v23 =	vmul.f32 $1.442695020e+00, v21;
	v22 =	vmul.f32 v22, v24  }
0xf9: {  	v63 =	vand.u32 $0xFFFF0000, v57;
	v27 =	vmul.f32 v17, v59;
	v17 =	vbroadcast v8, $0x3;
	v21 =	vld [tilespmem:s21+$0x10];
	[tilespmem:s12+$0x50] =	vst v20  }
0xfa: {  	v24 =	vshll.u32 v26, $0x10;
	(erf) = vpow2.f32 v23;
	[tilespmem:s18+$0xFFFFFF70] =	vst v22;
	v22 =	vmul.f32 v60, v18;
	v20 =	vld [tilespmem:s11+$0x30]  }
0xfb: {  	s0 =	simm.s32 $0x8;
	s1 =	simm.s32 $0x163A0;
	s17 =	simm.s32 $0x19620;
	[tilespmem:s18+$0xFFFFFF80] =	vst v27;
	v18 =	vbroadcast v8, $0x4;
	v23 =	vmul.f32 v63, v25;
	v25 =	vand.u32 $0xFFFF0000, v26  }
.LBB2_4:
0xfc: {  	v26 =	vld [tilespmem:s1+$0x40];
	s25 =	sadd.s32 $0x20, s25;
	v27 =	vbroadcast v8, $0x5;
	[tilespmem:s12+$0xFFFFFF90] =	vst v22;
	v22 =	vmul.f32 v24, v11;
	v24 =	vshll.u32 v19, $0x10;
	v11 =	vmovc v12  }
0xfd: {  	v29 =	vbroadcast v5, $0x2;
	v28 =	vld [tilespmem:s25+$0x0];
	[tilespmem:s12+$0xFFFFFFA0] =	vst v23;
	v23 =	vmul.f32 v25, v14;
	v25 =	vand.u32 $0xFFFF0000, v19;
	v14 =	vmovc v13;
	v12 =	vmovc v18  }
0xfe: {  	v30 =	vbroadcast v8, $0x6;
	v31 =	vbroadcast v4, $0x7;
	v4 =	vmovc v5;
	v18 =	vld [tilespmem:s1+$0xFFFFFFF0];
	v19 =	vshll.u32 v21, $0x10;
	[tilespmem:s22+$0xFFFFFFB0] =	vst v22;
	v13 =	vmovc v27  }
0xff: {  	s18 =	sadd.s32 $0x120, s18;
	v27 =	vbroadcast v4, $0x3;
	v22 =	vld [tilespmem:s25+$0xFFFFFFF0];
	v5 =	vpop (erf);
	v19 =	vmul.f32 v19, v29;
	v29 =	vand.u32 $0xFFFF0000, v20;
	[tilespmem:s22+$0xFFFFFFC0] =	vst v23  }
0x100: {  	v32 =	vbroadcast v8, $0x7;
	v8 =	vand.u32 $0xFFFF0000, v21;
	[tilespmem:s18+$0x80] =	vst v5;
	v23 =	vld [tilespmem:s21+$0xFFFFFFC0];
	v21 =	vmul.f32 v29, v31  }
0x101: {  	v29 =	vbroadcast v5, $0x6;
	v26 =	vshll.u32 v26, $0x10;
	[tilespmem:s17+$0x20] =	vst v19;
	v19 =	vmul.f32 v8, v27;
	v27 =	vld [tilespmem:s11+$0xFFFFFFD0]  }
0x102: {  	v20 =	vshll.u32 v20, $0x10;
	v26 =	vadd.f32 v26, v28;
	v28 =	vld [tilespmem:s2+$0x0];
	[tilespmem:s12+$0x70] =	vst v21;
	v21 =	vmul.f32 v24, v1;
	v1 =	vmovc v15  }
0x103: {  	s0 =	sadd.s32 $0x2, s0;
	v35 =	vmul.f32 v25, v2;
	v31 =	vshll.u32 v18, $0x10;
	v8 =	vpop (erf);
	[tilespmem:s17+$0x30] =	vst v19;
	v18 =	vmul.f32 v20, v10;
	v19 =	vld [tilespmem:s14+$0xFFFFFFE0];
	s14 =	smov.u32 s11;
	s11 =	smov.u32 s21  }
0x104: {  	p0 =	slt.u32 s0, $0x4E;
	v15 =	vmovc v3;
	v3 =	vmovc v30;
	s21 =	smov.u32 s2;
	s2 =	smov.u32 s1;
	v20 =	vadd.f32 v31, v22;
	v22 =	vmul.f32 $2.000000030e-01, v26;
	[tilespmem:s18+$0xFFFFFFF0] =	vst v8;
	v24 =	vbroadcast v8, $0x0;
	v25 =	vld [tilespmem:s11+$0x20]  }
0x105: {  	v2 =	vmovc v9;
	v9 =	vmovc v6;
	v31 =	vbroadcast v8, $0x1;
	v33 =	vbroadcast v8, $0x2;
	v30 =	vld [tilespmem:s21+$0xFFFFFFB0];
	v34 =	vshll.u32 v23, $0x10;
	[tilespmem:s3+$0xFFFFFFD0] =	vst v21  }
0x106: {  	v6 =	vmovc v32;
	v10 =	vmovc v7;
	v21 =	vmul.f32 $2.000000030e-01, v20;
	v22 =	vmax.f32 v26, v22;
	v26 =	vbroadcast v5, $0x0;
	[tilespmem:s3+$0xFFFFFFE0] =	vst v35;
	s3 =	smov.u32 s22;
	s22 =	smov.u32 s12;
	s12 =	smov.u32 s17  }
0x107: {  	v7 =	vmovc v29;
	v35 =	vbroadcast v5, $0x1;
	s17 =	smov.u32 s18;
	v22 =	vmul.f32 $1.442695020e+00, v22;
	v32 =	vshll.u32 v28, $0x10;
	[tilespmem:s22+$0x60] =	vst v18  }
0x108: {  	v18 =	vand.u32 $0xFFFF0000, v28;
	v28 =	vbroadcast v4, $0x4;
	v26 =	vmul.f32 v32, v26  }
0x109: {  	v18 =	vmul.f32 v18, v35;
	v32 =	vbroadcast v4, $0x5;
	v29 =	vshll.u32 v25, $0x10  }
0x10a: {  	(erf) = vpow2.f32 v22;
	[tilespmem:s18+$0x0] =	vst v26;
	v22 =	vand.u32 $0xFFFF0000, v25;
	v25 =	vmul.f32 v29, v28  }
.Ltmp1:
0x10b: {  	v20 =	vmax.f32 v20, v21;
	v21 =	vshll.u32 v30, $0x10;
	[tilespmem:s18+$0x10] =	vst v18;
	v18 =	vmul.f32 v22, v32;
	(pc) =	sbr.rel @p0 .LBB2_4-.Ltmp1, $4  }
0x10c: {  	v20 =	vmul.f32 $1.442695020e+00, v20;
	v22 =	vand.u32 $0xFFFF0000, v30;
	v24 =	vmul.f32 v21, v24;
	[tilespmem:s12+$0x40] =	vst v25  }
0x10d: {  	v23 =	vand.u32 $0xFFFF0000, v23;
	v26 =	vbroadcast v8, $0x3;
	v25 =	vmul.f32 v22, v31;
	v21 =	vld [tilespmem:s21+$0x10];
	[tilespmem:s12+$0x50] =	vst v18  }
0x10e: {  	v22 =	vmul.f32 v34, v16;
	v16 =	vmovc v33;
	(erf) = vpow2.f32 v20;
	[tilespmem:s18+$0xFFFFFF70] =	vst v24;
	v20 =	vld [tilespmem:s11+$0x30];
	v24 =	vshll.u32 v27, $0x10  }
0x10f: {  	s1 =	sadd.s32 $0xA0, s1;
	v23 =	vmul.f32 v23, v17;
	v17 =	vmovc v26;
	v18 =	vbroadcast v8, $0x4;
	[tilespmem:s18+$0xFFFFFF80] =	vst v25;
	v25 =	vand.u32 $0xFFFF0000, v27  }
0x110: {  	v11 =	vmul.f32 v24, v11  }
0x111: {  	v14 =	vmul.f32 v25, v14  }
0x112: {  	[tilespmem:s22+$0xFFFFFFB0] =	vst v11  }
0x113: {  	[tilespmem:s22+$0xFFFFFFC0] =	vst v14  }
0x114: {  	v14 =	vld [tilespmem:s14+$0xFFFFFFE0]  }
0x115: {  	s0 =	sadd.s32 $0x120, s18;
	v11 =	vpop (erf)  }
0x116: {  	v41 =	vshll.u32 v19, $0x10;
	[tilespmem:s0+$0x80] =	vst v11  }
0x117: {  	v42 =	vand.u32 $0xFFFF0000, v19;
	v24 =	vmul.f32 v41, v1;
	v43 =	vld [tilespmem:s2+$0x0];
	v1 =	vpop (erf)  }
0x118: {  	v2 =	vmul.f32 v42, v2;
	[tilespmem:s0+$0xFFFFFFF0] =	vst v1  }
0x119: {  	[tilespmem:s12+$0xFFFFFF90] =	vst v22;
	v44 =	vshll.u32 v14, $0x10;
	v14 =	vand.u32 $0xFFFF0000, v14;
	v26 =	vld [tilespmem:s2+$0xFFFFFFB0]  }
0x11a: {  	[tilespmem:s3+$0xFFFFFFE0] =	vst v2;
	v2 =	vmul.f32 v14, v9  }
0x11b: {  	[tilespmem:s12+$0xFFFFFFA0] =	vst v23;
	v45 =	vbroadcast v11, $0x0  }
0x11c: {  	v46 =	vbroadcast v11, $0x1;
	v15 =	vmul.f32 v44, v15;
	[tilespmem:s22+$0xFFFFFFE0] =	vst v2;
	v2 =	vshll.u32 v43, $0x10  }
0x11d: {  	[tilespmem:s3+$0xFFFFFFD0] =	vst v24;
	v47 =	vbroadcast v1, $0x0;
	v48 =	vand.u32 $0xFFFF0000, v43;
	v2 =	vmul.f32 v2, v45  }
0x11e: {  	v49 =	vbroadcast v1, $0x1;
	[tilespmem:s22+$0xFFFFFFD0] =	vst v15;
	v14 =	vmul.f32 v48, v46;
	v50 =	vshll.u32 v26, $0x10  }
0x11f: {  	v51 =	vbroadcast v5, $0x2;
	v52 =	vld [tilespmem:s21+$0xFFFFFFC0];
	[tilespmem:s0+$0x0] =	vst v2;
	v2 =	vand.u32 $0xFFFF0000, v26;
	v15 =	vmul.f32 v50, v47  }
0x120: {  	v4 =	vbroadcast v4, $0x7;
	v53 =	vshll.u32 v21, $0x10;
	[tilespmem:s0+$0x10] =	vst v14;
	v2 =	vmul.f32 v2, v49  }
0x121: {  	v55 =	vbroadcast v5, $0x3;
	v54 =	vmul.f32 v53, v51;
	v56 =	vand.u32 $0xFFFF0000, v20;
	v57 =	vld [tilespmem:s2+$0x10];
	[tilespmem:s0+$0xFFFFFF70] =	vst v15  }
0x122: {  	v58 =	vand.u32 $0xFFFF0000, v21;
	v4 =	vmul.f32 v56, v4;
	[tilespmem:s0+$0xFFFFFF80] =	vst v2  }
0x123: {  	v59 =	vshll.u32 v20, $0x10;
	[tilespmem:s17+$0x20] =	vst v54;
	v2 =	vmul.f32 v58, v55;
	v60 =	vld [tilespmem:s2+$0xFFFFFFC0]  }
0x124: {  	v61 =	vmul.f32 v59, v10;
	v62 =	vshll.u32 v52, $0x10;
	[tilespmem:s12+$0x70] =	vst v4  }
0x125: {  	v63 =	vld [tilespmem:s11+$0xFFFFFFD0];
	v21 =	vbroadcast v11, $0x2;
	v9 =	vmul.f32 v62, v16;
	[tilespmem:s17+$0x30] =	vst v2;
	v2 =	vand.u32 $0xFFFF0000, v52  }
0x126: {  	v24 =	vbroadcast v11, $0x3;
	[tilespmem:s12+$0x60] =	vst v61;
	v2 =	vmul.f32 v2, v17;
	v23 =	vshll.u32 v57, $0x10  }
0x127: {  	[tilespmem:s17+$0xFFFFFF90] =	vst v9;
	v26 =	vbroadcast v1, $0x2;
	v25 =	vld [tilespmem:s21+$0x20];
	v27 =	vand.u32 $0xFFFF0000, v57;
	v4 =	vmul.f32 v23, v21  }
0x128: {  	v28 =	vbroadcast v1, $0x3;
	[tilespmem:s17+$0xFFFFFFA0] =	vst v2;
	v2 =	vmul.f32 v27, v24;
	v29 =	vshll.u32 v60, $0x10  }
0x129: {  	[tilespmem:s0+$0x20] =	vst v4;
	v30 =	vld [tilespmem:s21+$0xFFFFFFD0];
	v14 =	vand.u32 $0xFFFF0000, v60;
	v9 =	vmul.f32 v29, v26  }
0x12a: {  	v31 =	vshll.u32 v63, $0x10;
	[tilespmem:s0+$0x30] =	vst v2;
	v2 =	vmul.f32 v14, v28  }
0x12b: {  	v32 =	vbroadcast v5, $0x4;
	v10 =	vand.u32 $0xFFFF0000, v63;
	v12 =	vmul.f32 v31, v12;
	v33 =	vld [tilespmem:s2+$0x20];
	[tilespmem:s0+$0xFFFFFF90] =	vst v9  }
0x12c: {  	v35 =	vbroadcast v5, $0x5;
	v10 =	vmul.f32 v10, v13;
	v34 =	vshll.u32 v25, $0x10;
	[tilespmem:s0+$0xFFFFFFA0] =	vst v2  }
0x12d: {  	[tilespmem:s12+$0xFFFFFFB0] =	vst v12;
	v2 =	vand.u32 $0xFFFF0000, v25;
	v9 =	vmul.f32 v34, v32;
	v36 =	vld [tilespmem:s2+$0xFFFFFFD0]  }
0x12e: {  	v37 =	vbroadcast v8, $0x5;
	[tilespmem:s12+$0xFFFFFFC0] =	vst v10;
	v2 =	vmul.f32 v2, v35;
	v38 =	vshll.u32 v30, $0x10  }
0x12f: {  	v40 =	vbroadcast v11, $0x4;
	v39 =	vld [tilespmem:s11+$0xFFFFFFE0];
	[tilespmem:s17+$0x40] =	vst v9;
	v4 =	vand.u32 $0xFFFF0000, v30;
	v10 =	vmul.f32 v38, v18  }
0x130: {  	v41 =	vbroadcast v11, $0x5;
	[tilespmem:s17+$0x50] =	vst v2;
	v4 =	vmul.f32 v4, v37;
	v2 =	vshll.u32 v33, $0x10  }
0x131: {  	v43 =	vbroadcast v1, $0x4;
	v42 =	vld [tilespmem:s21+$0x30];
	v15 =	vand.u32 $0xFFFF0000, v33;
	v2 =	vmul.f32 v2, v40;
	[tilespmem:s17+$0xFFFFFFB0] =	vst v10  }
0x132: {  	v44 =	vbroadcast v1, $0x5;
	v45 =	vmul.f32 v15, v41;
	[tilespmem:s17+$0xFFFFFFC0] =	vst v4;
	v46 =	vshll.u32 v36, $0x10  }
0x133: {  	v47 =	vld [tilespmem:s21+$0xFFFFFFE0];
	[tilespmem:s0+$0x40] =	vst v2;
	v2 =	vand.u32 $0xFFFF0000, v36;
	v4 =	vmul.f32 v46, v43  }
0x134: {  	v48 =	vshll.u32 v39, $0x10;
	[tilespmem:s0+$0x50] =	vst v45;
	v2 =	vmul.f32 v2, v44  }
0x135: {  	v49 =	vbroadcast v5, $0x7;
	v51 =	vand.u32 $0xFFFF0000, v39;
	v3 =	vmul.f32 v48, v3;
	v50 =	vld [tilespmem:s2+$0x30];
	[tilespmem:s0+$0xFFFFFFB0] =	vst v4  }
0x136: {  	v6 =	vmul.f32 v51, v6;
	v52 =	vand.u32 $0xFFFF0000, v42;
	[tilespmem:s0+$0xFFFFFFC0] =	vst v2  }
0x137: {  	v53 =	vbroadcast v8, $0x6;
	[tilespmem:s12+$0xFFFFFFD0] =	vst v3;
	v54 =	vshll.u32 v42, $0x10;
	v4 =	vmul.f32 v52, v49;
	v2 =	vld [tilespmem:s2+$0xFFFFFFE0]  }
0x138: {  	[tilespmem:s12+$0xFFFFFFE0] =	vst v6;
	v3 =	vbroadcast v8, $0x7;
	v5 =	vmul.f32 v54, v7;
	v55 =	vshll.u32 v47, $0x10  }
0x139: {  	v56 =	vbroadcast v11, $0x7;
	v57 =	vand.u32 $0xFFFF0000, v47;
	[tilespmem:s17+$0x70] =	vst v4;
	v6 =	vmul.f32 v55, v53  }
0x13a: {  	v58 =	vbroadcast v11, $0x6;
	[tilespmem:s17+$0x60] =	vst v5;
	v3 =	vmul.f32 v57, v3;
	v59 =	vand.u32 $0xFFFF0000, v50  }
0x13b: {  	v60 =	vbroadcast v1, $0x6;
	v61 =	vshll.u32 v50, $0x10;
	v4 =	vmul.f32 v59, v56;
	[tilespmem:s17+$0xFFFFFFD0] =	vst v6  }
0x13c: {  	v1 =	vbroadcast v1, $0x7;
	[tilespmem:s17+$0xFFFFFFE0] =	vst v3;
	v3 =	vmul.f32 v61, v58;
	v62 =	vshll.u32 v2, $0x10  }
0x13d: {  	[tilespmem:s0+$0x70] =	vst v4;
	v2 =	vand.u32 $0xFFFF0000, v2;
	v63 =	vmul.f32 v62, v60  }
0x13e: {  	[tilespmem:s0+$0x60] =	vst v3;
	v1 =	vmul.f32 v2, v1  }
0x13f: {  	[tilespmem:s0+$0xFFFFFFD0] =	vst v63  }
0x140: {  	s25 =	rddreg [dreg:$0x2];
	s1 =	simm.s32 $0x19230;
	[tilespmem:s0+$0xFFFFFFE0] =	vst v1  }
0x141: {  	[spmem:s25] =	stream.indirect.scatter.add.f32 [tilespmem:s1], [sflag:$0x9], $0x90, s9, s13, $0xb8;
	[tilespmem:$0x1C9D0] =	vst v63  }
0x142: {  	_ =	swait.ge [sflag:s31], $0x2D00  }
0x143: {  	s21 =	simm.s32 $0x0;
	[sflag:s31] =	ssyncset.done $0x0  }
0x144: {  	s2 =	simm.s32 $0x1BF30;
	s1 =	rddreg [dreg:$0x10];
	[sflag:s31] =	ssyncadd.s32 $0xFFFFD300  }
0x145: {  	[tilespmem:s2], [sflag:$0x9] =	stream.linear.gather [hbm4b:s1+s21], $0x28, $0x38;
	[tilespmem:$0x1C9D0] =	vst v63  }
0x146: {  	_ =	swait.ge [sflag:s31], $0x28  }
0x147: {  	[sflag:s31] =	ssyncset.done $0x0  }
0x148: {  	s11 =	simm.s32 $0x1BF58;
	s3 =	rddreg [dreg:$0xf];
	[sflag:s31] =	ssyncadd.s32 $0xFFFFFFD8  }
0x149: {  	[tilespmem:s11], [sflag:$0x9] =	stream.linear.gather [hbm4b:s3+s21], $0x28, $0x38;
	[tilespmem:$0x1C9D0] =	vst v63  }
0x14a: {  	_ =	swait.ge [sflag:s31], $0x28  }
0x14b: {  	[sflag:s31] =	ssyncset.done $0x0  }
0x14c: {  	s12 =	rddreg [dreg:$0x11];
	[sflag:s31] =	ssyncadd.s32 $0xFFFFFFD8  }
0x14d: {  	[tilespmem:s9], [sflag:$0x9] =	stream.linear.gather [hbm4b:s12+s21], $0x50, $0x38;
	[tilespmem:$0x1C9D0] =	vst v63  }
0x14e: {  	_ =	swait.ge [sflag:s31], $0x50  }
0x14f: {  	[sflag:s31] =	ssyncset.done $0x0  }
0x150: {  	s14 =	simm.s32 $0x16030;
	[sflag:s31] =	ssyncadd.s32 $0xFFFFFFB0  }
0x151: {  	[tilespmem:s14], [sflag:$0x5] =	stream.indirect.gather [hbm4b:s5+s10], $0x50, s2, s10, $0xb8;
	[tilespmem:$0x1C9D0] =	vst v63  }
0x152: {  	s17 =	simm.s32 $0x16CB0  }
0x153: {  	[tilespmem:s17], [sflag:$0x5] =	stream.indirect.gather [hbm4b:s5+s10], $0x50, s11, s10, $0xb8;
	[tilespmem:$0x1C9D0] =	vst v63  }
0x154: {  	s18 =	simm.s32 $0x1BFD0  }
0x155: {  	[tilespmem:s18], [sflag:$0x1] =	stream.indirect.gather [hbm4b:s30+s13], $0x10, s9, s13, $0xb8;
	[tilespmem:$0x1C9D0] =	vst v63  }
0x156: {  	_ =	swait.ge [sflag:s15], $0xC80  }
0x157: {  	[sflag:s15] =	ssyncset.done $0x0  }
0x158: {  	[sflag:s15] =	ssyncadd.s32 $0xFFFFF380  }
0x159: {  	_ =	swait.ge [sflag:s15], $0xC80  }
0x15a: {  	[sflag:s15] =	ssyncset.done $0x0  }
0x15b: {  	[sflag:s15] =	ssyncadd.s32 $0xFFFFF380  }
0x15c: {  	_ =	swait.ge [sflag:s16], $0x500  }
0x15d: {  	[sflag:s16] =	ssyncset.done $0x0  }
0x15e: {  	s22 =	rddreg [dreg:$0x13];
	[sflag:s16] =	ssyncadd.s32 $0xFFFFFB00  }
0x15f: {  	[tilespmem:s26], [sflag:$0x9] =	stream.linear.gather [hbm4b:s22+s21], $0x28, $0x38;
	[tilespmem:$0x1C9D0] =	vst v63  }
0x160: {  	_ =	swait.ge [sflag:s31], $0x28  }
0x161: {  	[sflag:s31] =	ssyncset.done $0x0  }
0x162: {  	s2 =	simm.s32 $0x1BFA8;
	s24 =	rddreg [dreg:$0x12];
	[sflag:s31] =	ssyncadd.s32 $0xFFFFFFD8  }
0x163: {  	[tilespmem:s2], [sflag:$0x9] =	stream.linear.gather [hbm4b:s24+s21], $0x28, $0x38;
	[tilespmem:$0x1C9D0] =	vst v63  }
0x164: {  	_ =	swait.ge [sflag:s31], $0x28  }
0x165: {  	[sflag:s31] =	ssyncset.done $0x0  }
0x166: {  	s25 =	rddreg [dreg:$0x14];
	[sflag:s31] =	ssyncadd.s32 $0xFFFFFFD8  }
0x167: {  	[tilespmem:s19], [sflag:$0x9] =	stream.linear.gather [hbm4b:s25+s21], $0x50, $0x38;
	[tilespmem:$0x1C9D0] =	vst v63  }
0x168: {  	_ =	swait.ge [sflag:s31], $0x50  }
0x169: {  	[sflag:s31] =	ssyncset.done $0x0  }
0x16a: {  	[sflag:s31] =	ssyncadd.s32 $0xFFFFFFB0  }
.LBB2_6:
0x16b: {  	s0 =	simm.s32 $0x17930  }
0x16c: {  	[tilespmem:s0], [sflag:$0x6] =	stream.indirect.gather [hbm4b:s5+s10], $0x50, s26, s10, $0xb8;
	[tilespmem:$0x1C9D0] =	vst v63  }
0x16d: {  	s25 =	simm.s32 $0x185B0  }
0x16e: {  	[tilespmem:s25], [sflag:$0x6] =	stream.indirect.gather [hbm4b:s5+s10], $0x50, s2, s10, $0xb8;
	[tilespmem:$0x1C9D0] =	vst v63  }
0x16f: {  	s1 =	simm.s32 $0x16080;
	s26 =	simm.s32 $0x1C4D0  }
0x170: {  	[tilespmem:s26], [sflag:$0x2] =	stream.indirect.gather [hbm4b:s30+s13], $0x10, s19, s13, $0xb8;
	[tilespmem:$0x1C9D0] =	vst v63  }
0x171: {  	s22 =	simm.s32 $0x1BFE0;
	v1 =	vld [tilespmem:s1+$0x40]  }
0x172: {  	v2 =	vld [tilespmem:s22+$0x0];
	_ =	sdelay $0x3  }
0x173: {  	v1 =	vshll.u32 v1, $0x10  }
0x174: {  	v1 =	vadd.f32 v1, v2;
	_ =	sdelay $0x1  }
0x175: {  	v2 =	vld [tilespmem:s1+$0xFFFFFFF0];
	v4 =	vmul.f32 $2.000000030e-01, v1  }
0x176: {  	v3 =	vld [tilespmem:s22+$0xFFFFFFF0]  }
0x177: {  	v1 =	vmax.f32 v1, v4  }
0x178: {  	v1 =	vmul.f32 $1.442695020e+00, v1;
	_ =	sdelay $0x1  }
0x179: {  	v2 =	vshll.u32 v2, $0x10;
	(erf) = vpow2.f32 v1  }
0x17a: {  	v2 =	vadd.f32 v2, v3;
	_ =	sdelay $0x1  }
0x17b: {  	v1 =	vmul.f32 $2.000000030e-01, v2  }
0x17c: {  	s22 =	simm.s32 $0x16120  }
0x17d: {  	s24 =	simm.s32 $0x1C000;
	v1 =	vmax.f32 v2, v1;
	v2 =	vld [tilespmem:s22+$0x40]  }
0x17e: {  	v3 =	vld [tilespmem:s24+$0x0];
	v1 =	vmul.f32 $1.442695020e+00, v1;
	_ =	sdelay $0x1  }
0x17f: {  	(erf) = vpow2.f32 v1  }
0x180: {  	s14 =	simm.s32 $0x192C0;
	v1 =	vld [tilespmem:s22+$0xFFFFFFF0];
	v8 =	vpop (erf)  }
0x181: {  	v4 =	vld [tilespmem:s24+$0xFFFFFFF0];
	v2 =	vshll.u32 v2, $0x10;
	[tilespmem:s14+$0x80] =	vst v8  }
0x182: {  	v2 =	vadd.f32 v2, v3;
	v3 =	vld [tilespmem:s1+$0x0];
	_ =	sdelay $0x1  }
0x183: {  	v5 =	vmul.f32 $2.000000030e-01, v2  }
0x184: {  	v1 =	vshll.u32 v1, $0x10  }
0x185: {  	v1 =	vadd.f32 v1, v4;
	v4 =	vbroadcast v8, $0x0;
	v2 =	vmax.f32 v2, v5  }
0x186: {  	v7 =	vbroadcast v8, $0x1;
	v2 =	vmul.f32 $1.442695020e+00, v2;
	v6 =	vshll.u32 v3, $0x10  }
0x187: {  	v5 =	vmul.f32 $2.000000030e-01, v1;
	v9 =	vpop (erf);
	v3 =	vand.u32 $0xFFFF0000, v3;
	v4 =	vmul.f32 v6, v4  }
0x188: {  	[tilespmem:s14+$0xFFFFFFF0] =	vst v9;
	(erf) = vpow2.f32 v2;
	v3 =	vmul.f32 v3, v7  }
0x189: {  	v2 =	vld [tilespmem:s1+$0xFFFFFFB0];
	[tilespmem:s14+$0x0] =	vst v4  }
0x18a: {  	v12 =	vbroadcast v8, $0x6;
	v16 =	vbroadcast v8, $0x3;
	v1 =	vmax.f32 v1, v5;
	[tilespmem:s14+$0x10] =	vst v3  }
0x18b: {  	v23 =	vbroadcast v8, $0x5;
	v1 =	vmul.f32 $1.442695020e+00, v1;
	v3 =	vld [tilespmem:s1+$0x10]  }
0x18c: {  	v26 =	vbroadcast v8, $0x7;
	v5 =	vbroadcast v9, $0x1  }
0x18d: {  	s11 =	simm.s32 $0x161C0;
	v11 =	vbroadcast v9, $0x2;
	(erf) = vpow2.f32 v1  }
0x18e: {  	s25 =	simm.s32 $0x1C020;
	v1 =	vbroadcast v9, $0x0;
	v4 =	vld [tilespmem:s11+$0x40];
	v6 =	vshll.u32 v2, $0x10;
	v2 =	vand.u32 $0xFFFF0000, v2  }
0x18f: {  	v10 =	vld [tilespmem:s25+$0x0];
	v14 =	vmul.f32 v2, v5;
	v2 =	vbroadcast v8, $0x2  }
0x190: {  	v13 =	vld [tilespmem:s11+$0xFFFFFFF0];
	v17 =	vbroadcast v9, $0x3;
	v1 =	vmul.f32 v6, v1;
	v7 =	vshll.u32 v3, $0x10  }
0x191: {  	s12 =	simm.s32 $0x193E0;
	v15 =	vld [tilespmem:s25+$0xFFFFFFF0];
	v5 =	vbroadcast v9, $0x4;
	v6 =	vpop (erf);
	[tilespmem:s14+$0xFFFFFF80] =	vst v14;
	v18 =	vmul.f32 v7, v2;
	v2 =	vand.u32 $0xFFFF0000, v3  }
0x192: {  	v14 =	vbroadcast v8, $0x4;
	[tilespmem:s12+$0x80] =	vst v6;
	v19 =	vmul.f32 v2, v16  }
0x193: {  	v7 =	vbroadcast v9, $0x5;
	v3 =	vshll.u32 v4, $0x10;
	v4 =	vbroadcast v9, $0x7;
	v20 =	vld [tilespmem:s22+$0x0];
	[tilespmem:s14+$0x20] =	vst v18  }
0x194: {  	v21 =	vbroadcast v6, $0x0;
	v22 =	vbroadcast v6, $0x1;
	v3 =	vadd.f32 v3, v10;
	[tilespmem:s14+$0x30] =	vst v19  }
0x195: {  	v28 =	vbroadcast v6, $0x3;
	v55 =	vbroadcast v6, $0x7;
	v10 =	vshll.u32 v13, $0x10;
	v18 =	vld [tilespmem:s1+$0x20]  }
0x196: {  	v2 =	vbroadcast v9, $0x6;
	v9 =	vpop (erf);
	v10 =	vadd.f32 v10, v15;
	v13 =	vmul.f32 $2.000000030e-01, v3  }
0x197: {  	v16 =	vbroadcast v6, $0x6;
	v15 =	vbroadcast v9, $0x0;
	[tilespmem:s12+$0xFFFFFFF0] =	vst v9  }
0x198: {  	[tilespmem:s14+$0xFFFFFF70] =	vst v1;
	v19 =	vmul.f32 $2.000000030e-01, v10;
	v1 =	vld [tilespmem:s22+$0xFFFFFFB0];
	v3 =	vmax.f32 v3, v13;
	v13 =	vshll.u32 v20, $0x10  }
0x199: {  	v3 =	vmul.f32 $1.442695020e+00, v3;
	v20 =	vand.u32 $0xFFFF0000, v20;
	v13 =	vmul.f32 v13, v21  }
0x19a: {  	v10 =	vmax.f32 v10, v19;
	v20 =	vmul.f32 v20, v22;
	v22 =	vshll.u32 v18, $0x10  }
0x19b: {  	v21 =	vld [tilespmem:s1+$0xFFFFFFC0];
	(erf) = vpow2.f32 v3;
	[tilespmem:s12+$0x0] =	vst v13;
	v3 =	vand.u32 $0xFFFF0000, v18;
	v13 =	vmul.f32 v22, v14  }
0x19c: {  	s25 =	simm.s32 $0x16260;
	v10 =	vmul.f32 $1.442695020e+00, v10;
	[tilespmem:s12+$0x10] =	vst v20;
	v3 =	vmul.f32 v3, v23  }
0x19d: {  	v24 =	vld [tilespmem:s25+$0xFFFFFFF0];
	v18 =	vbroadcast v9, $0x2;
	v19 =	vshll.u32 v1, $0x10;
	v14 =	vbroadcast v9, $0x1;
	[tilespmem:s14+$0x40] =	vst v13  }
0x19e: {  	v1 =	vand.u32 $0xFFFF0000, v1;
	(erf) = vpow2.f32 v10;
	v13 =	vmul.f32 v19, v15;
	v15 =	vld [tilespmem:s22+$0x10];
	[tilespmem:s14+$0x50] =	vst v3  }
0x19f: {  	v10 =	vbroadcast v9, $0x4;
	v20 =	vmul.f32 v1, v14;
	v14 =	vld [tilespmem:s1+$0x30]  }
0x1a0: {  	v22 =	vbroadcast v9, $0x3;
	v3 =	vshll.u32 v21, $0x10;
	v1 =	vand.u32 $0xFFFF0000, v21;
	v19 =	vld [tilespmem:s25+$0x40]  }
0x1a1: {  	s26 =	simm.s32 $0x1C040;
	v21 =	vmul.f32 v3, v11;
	v17 =	vmul.f32 v1, v17  }
0x1a2: {  	v24 =	vshll.u32 v24, $0x10;
	v23 =	vld [tilespmem:s26+$0x0];
	v11 =	vbroadcast v9, $0x5;
	v1 =	vbroadcast v6, $0x2  }
0x1a3: {  	v27 =	vld [tilespmem:s26+$0xFFFFFFF0];
	v3 =	vbroadcast v9, $0x6;
	[tilespmem:s14+$0xFFFFFFA0] =	vst v17;
	v17 =	vbroadcast v6, $0x5;
	v25 =	vshll.u32 v15, $0x10  }
0x1a4: {  	v15 =	vand.u32 $0xFFFF0000, v15;
	v25 =	vmul.f32 v25, v1;
	v29 =	vand.u32 $0xFFFF0000, v14  }
0x1a5: {  	s3 =	simm.s32 $0x19500;
	v8 =	vpop (erf);
	v1 =	vbroadcast v9, $0x7;
	v9 =	vshll.u32 v19, $0x10;
	v15 =	vmul.f32 v15, v28  }
0x1a6: {  	[tilespmem:s3+$0x80] =	vst v8;
	v19 =	vshll.u32 v14, $0x10;
	v14 =	vbroadcast v8, $0x6;
	v32 =	vbroadcast v8, $0x0  }
0x1a7: {  	v54 =	vbroadcast v8, $0x2;
	v57 =	vbroadcast v8, $0x3;
	v9 =	vadd.f32 v9, v23;
	v23 =	vld [tilespmem:s11+$0x0];
	[tilespmem:s12+$0x20] =	vst v25  }
0x1a8: {  	v63 =	vbroadcast v8, $0x5;
	[tilespmem:s12+$0x30] =	vst v15;
	v15 =	vmul.f32 v19, v12;
	v12 =	vadd.f32 v24, v27  }
0x1a9: {  	v26 =	vmul.f32 v29, v26;
	v24 =	vmul.f32 $2.000000030e-01, v9;
	v51 =	vld [tilespmem:s22+$0x20];
	v25 =	vpop (erf)  }
0x1aa: {  	[tilespmem:s12+$0xFFFFFF70] =	vst v13;
	v31 =	vmul.f32 $2.000000030e-01, v12;
	v27 =	vbroadcast v25, $0x0  }
0x1ab: {  	[tilespmem:s3+$0xFFFFFFF0] =	vst v25;
	v52 =	vbroadcast v25, $0x1;
	v9 =	vmax.f32 v9, v24;
	v24 =	vbroadcast v8, $0x1  }
0x1ac: {  	[tilespmem:s12+$0xFFFFFF80] =	vst v20;
	v30 =	vld [tilespmem:s11+$0xFFFFFFB0];
	v13 =	vshll.u32 v23, $0x10;
	v9 =	vmul.f32 $1.442695020e+00, v9;
	v20 =	vand.u32 $0xFFFF0000, v23  }
0x1ad: {  	[tilespmem:s14+$0xFFFFFF90] =	vst v21;
	v21 =	vld [tilespmem:s22+$0xFFFFFFC0];
	v23 =	vbroadcast v6, $0x4;
	v12 =	vmax.f32 v12, v31;
	v13 =	vmul.f32 v13, v32  }
0x1ae: {  	v53 =	vld [tilespmem:s1+$0xFFFFFFD0];
	v20 =	vmul.f32 v20, v24;
	v12 =	vmul.f32 $1.442695020e+00, v12;
	v24 =	vshll.u32 v51, $0x10  }
0x1af: {  	(erf) = vpow2.f32 v9;
	v9 =	vand.u32 $0xFFFF0000, v51;
	[tilespmem:s3+$0x0] =	vst v13;
	v13 =	vmul.f32 v24, v23  }
0x1b0: {  	v19 =	vbroadcast v25, $0x2;
	[tilespmem:s3+$0x10] =	vst v20;
	v9 =	vmul.f32 v9, v17  }
0x1b1: {  	v6 =	vbroadcast v25, $0x7;
	(erf) = vpow2.f32 v12;
	v23 =	vshll.u32 v30, $0x10;
	[tilespmem:s12+$0x40] =	vst v13  }
0x1b2: {  	v12 =	vbroadcast v25, $0x4;
	[tilespmem:s12+$0x50] =	vst v9;
	v20 =	vmul.f32 v23, v27;
	v23 =	vld [tilespmem:s11+$0x10]  }
0x1b3: {  	s17 =	simm.s32 $0x1C060;
	v24 =	vshll.u32 v53, $0x10;
	v13 =	vshll.u32 v21, $0x10;
	v9 =	vand.u32 $0xFFFF0000, v21;
	v21 =	vld [tilespmem:s22+$0x30]  }
0x1b4: {  	s26 =	simm.s32 $0x16300;
	[tilespmem:s14+$0x70] =	vst v26;
	v26 =	vld [tilespmem:s17+$0x0];
	v24 =	vmul.f32 v24, v5;
	v5 =	vbroadcast v25, $0x6;
	v17 =	vand.u32 $0xFFFF0000, v30  }
0x1b5: {  	[tilespmem:s14+$0x60] =	vst v15;
	v15 =	vand.u32 $0xFFFF0000, v53;
	v17 =	vmul.f32 v17, v52;
	v22 =	vmul.f32 v9, v22;
	v9 =	vld [tilespmem:s26+$0x40]  }
0x1b6: {  	v18 =	vmul.f32 v13, v18;
	[tilespmem:s3+$0xFFFFFF70] =	vst v20;
	v20 =	vmul.f32 v15, v7;
	v7 =	vld [tilespmem:s26+$0xFFFFFFF0]  }
0x1b7: {  	v56 =	vld [tilespmem:s17+$0xFFFFFFF0];
	v27 =	vbroadcast v25, $0x3;
	v13 =	vbroadcast v25, $0x5;
	[tilespmem:s3+$0xFFFFFF80] =	vst v17  }
0x1b8: {  	s18 =	simm.s32 $0x19620;
	[tilespmem:s12+$0xFFFFFF90] =	vst v18;
	v17 =	vshll.u32 v23, $0x10;
	v15 =	vpop (erf);
	v18 =	vand.u32 $0xFFFF0000, v21;
	v23 =	vand.u32 $0xFFFF0000, v23  }
0x1b9: {  	v21 =	vshll.u32 v21, $0x10;
	v17 =	vmul.f32 v17, v54;
	[tilespmem:s18+$0x80] =	vst v15;
	v23 =	vmul.f32 v23, v57  }
0x1ba: {  	[tilespmem:s12+$0xFFFFFFA0] =	vst v22;
	v9 =	vshll.u32 v9, $0x10;
	v18 =	vmul.f32 v18, v55;
	v21 =	vmul.f32 v21, v16;
	v25 =	vld [tilespmem:s25+$0x0]  }
0x1bb: {  	v33 =	vbroadcast v15, $0x1;
	[tilespmem:s3+$0x20] =	vst v17;
	v17 =	vadd.f32 v9, v26;
	v26 =	vshll.u32 v7, $0x10;
	v7 =	vpop (erf)  }
0x1bc: {  	v9 =	vbroadcast v15, $0x6;
	[tilespmem:s3+$0x30] =	vst v23;
	v22 =	vadd.f32 v26, v56;
	v26 =	vbroadcast v7, $0x0  }
0x1bd: {  	v59 =	vld [tilespmem:s11+$0x20];
	[tilespmem:s18+$0xFFFFFFF0] =	vst v7;
	v60 =	vbroadcast v7, $0x1;
	v23 =	vmul.f32 $2.000000030e-01, v17  }
0x1be: {  	[tilespmem:s14+$0xFFFFFFB0] =	vst v24;
	v16 =	vbroadcast v7, $0x2;
	v24 =	vld [tilespmem:s25+$0xFFFFFFB0];
	v62 =	vmul.f32 $2.000000030e-01, v22  }
0x1bf: {  	[tilespmem:s12+$0x70] =	vst v18;
	v17 =	vmax.f32 v17, v23;
	v23 =	vbroadcast v15, $0x0;
	v18 =	vand.u32 $0xFFFF0000, v25  }
0x1c0: {  	v58 =	vld [tilespmem:s11+$0xFFFFFFC0];
	[tilespmem:s14+$0xFFFFFFC0] =	vst v20;
	v20 =	vshll.u32 v25, $0x10;
	v17 =	vmul.f32 $1.442695020e+00, v17;
	v18 =	vmul.f32 v18, v33  }
0x1c1: {  	v20 =	vmul.f32 v20, v23;
	v23 =	vbroadcast v8, $0x4  }
0x1c2: {  	[tilespmem:s12+$0x60] =	vst v21;
	v21 =	vshll.u32 v59, $0x10;
	(erf) = vpow2.f32 v17;
	v17 =	vand.u32 $0xFFFF0000, v59  }
0x1c3: {  	v25 =	vld [tilespmem:s22+$0xFFFFFFD0];
	[tilespmem:s18+$0x0] =	vst v20;
	v20 =	vmul.f32 v21, v23;
	v21 =	vmax.f32 v22, v62;
	v22 =	vshll.u32 v24, $0x10  }
0x1c4: {  	[tilespmem:s18+$0x10] =	vst v18;
	v18 =	vld [tilespmem:s1+$0xFFFFFFE0];
	v23 =	vmul.f32 v17, v63;
	v17 =	vand.u32 $0xFFFF0000, v24;
	v21 =	vmul.f32 $1.442695020e+00, v21  }
0x1c5: {  	v61 =	vshll.u32 v58, $0x10;
	v24 =	vmul.f32 v22, v26;
	[tilespmem:s3+$0x40] =	vst v20;
	v20 =	vmul.f32 v17, v60  }
0x1c6: {  	v22 =	vld [tilespmem:s25+$0x10];
	v17 =	vbroadcast v7, $0x3;
	[tilespmem:s3+$0x50] =	vst v23;
	v23 =	vmul.f32 v61, v19  }
0x1c7: {  	v26 =	vand.u32 $0xFFFF0000, v58;
	v19 =	vbroadcast v7, $0x4;
	(erf) = vpow2.f32 v21;
	[tilespmem:s18+$0xFFFFFF70] =	vst v24;
	v21 =	vld [tilespmem:s11+$0x30]  }
0x1c8: {  	s0 =	simm.s32 $0x8;
	s2 =	simm.s32 $0x19620;
	s1 =	simm.s32 $0x163A0;
	v26 =	vmul.f32 v26, v27;
	v24 =	vshll.u32 v25, $0x10;
	v25 =	vand.u32 $0xFFFF0000, v25;
	[tilespmem:s18+$0xFFFFFF80] =	vst v20  }
.LBB2_7:
0x1c9: {  	v20 =	vld [tilespmem:s1+$0x40];
	s17 =	sadd.s32 $0x20, s17;
	v27 =	vbroadcast v7, $0x5;
	[tilespmem:s3+$0xFFFFFF90] =	vst v23;
	v23 =	vmul.f32 v24, v10;
	v24 =	vshll.u32 v18, $0x10;
	v10 =	vmovc v12  }
0x1ca: {  	v29 =	vbroadcast v15, $0x2;
	v25 =	vmul.f32 v25, v11;
	v11 =	vmovc v13;
	v28 =	vld [tilespmem:s17+$0x0];
	[tilespmem:s3+$0xFFFFFFA0] =	vst v26;
	v26 =	vand.u32 $0xFFFF0000, v18;
	v12 =	vmovc v19  }
0x1cb: {  	v31 =	vbroadcast v8, $0x7;
	v8 =	vmovc v15;
	v19 =	vbroadcast v7, $0x6;
	v18 =	vld [tilespmem:s1+$0xFFFFFFF0];
	v30 =	vshll.u32 v22, $0x10;
	[tilespmem:s12+$0xFFFFFFB0] =	vst v23;
	v13 =	vmovc v27  }
0x1cc: {  	s18 =	sadd.s32 $0x120, s18;
	v23 =	vld [tilespmem:s17+$0xFFFFFFF0];
	v15 =	vpop (erf);
	v27 =	vmul.f32 v30, v29;
	v29 =	vbroadcast v8, $0x3;
	v30 =	vand.u32 $0xFFFF0000, v21;
	[tilespmem:s12+$0xFFFFFFC0] =	vst v25  }
0x1cd: {  	v32 =	vbroadcast v7, $0x7;
	v7 =	vand.u32 $0xFFFF0000, v22;
	[tilespmem:s18+$0x80] =	vst v15;
	v25 =	vld [tilespmem:s25+$0xFFFFFFC0];
	v22 =	vmul.f32 v30, v31  }
0x1ce: {  	v30 =	vbroadcast v15, $0x6;
	v20 =	vshll.u32 v20, $0x10;
	[tilespmem:s2+$0x20] =	vst v27;
	v27 =	vmul.f32 v7, v29;
	v29 =	vld [tilespmem:s11+$0xFFFFFFD0]  }
0x1cf: {  	v21 =	vshll.u32 v21, $0x10;
	v20 =	vadd.f32 v20, v28;
	v28 =	vld [tilespmem:s26+$0x0];
	[tilespmem:s3+$0x70] =	vst v22;
	v22 =	vmul.f32 v24, v2;
	v2 =	vmovc v3  }
0x1d0: {  	s0 =	sadd.s32 $0x2, s0;
	v35 =	vmul.f32 v26, v4;
	v21 =	vmul.f32 v21, v14;
	v31 =	vshll.u32 v18, $0x10;
	v7 =	vpop (erf);
	[tilespmem:s2+$0x30] =	vst v27;
	v18 =	vld [tilespmem:s22+$0xFFFFFFE0];
	s22 =	smov.u32 s11;
	s11 =	smov.u32 s25  }
0x1d1: {  	p0 =	slt.u32 s0, $0x4E;
	v3 =	vmovc v5;
	v5 =	vmovc v19;
	s25 =	smov.u32 s26;
	s26 =	smov.u32 s1;
	v23 =	vadd.f32 v31, v23;
	v24 =	vmul.f32 $2.000000030e-01, v20;
	[tilespmem:s18+$0xFFFFFFF0] =	vst v7;
	v26 =	vbroadcast v7, $0x0;
	v27 =	vld [tilespmem:s11+$0x20]  }
0x1d2: {  	v4 =	vmovc v1;
	v1 =	vmovc v6;
	v31 =	vbroadcast v7, $0x1;
	v33 =	vbroadcast v7, $0x2;
	v19 =	vld [tilespmem:s25+$0xFFFFFFB0];
	v34 =	vshll.u32 v25, $0x10;
	[tilespmem:s14+$0xFFFFFFD0] =	vst v22  }
0x1d3: {  	v6 =	vmovc v32;
	v14 =	vmovc v9;
	v22 =	vmul.f32 $2.000000030e-01, v23;
	v20 =	vmax.f32 v20, v24;
	v24 =	vbroadcast v15, $0x0;
	[tilespmem:s14+$0xFFFFFFE0] =	vst v35;
	s14 =	smov.u32 s12;
	s12 =	smov.u32 s3;
	s3 =	smov.u32 s2  }
0x1d4: {  	v9 =	vmovc v30;
	v35 =	vbroadcast v15, $0x1;
	s2 =	smov.u32 s18;
	v20 =	vmul.f32 $1.442695020e+00, v20;
	v32 =	vshll.u32 v28, $0x10;
	[tilespmem:s12+$0x60] =	vst v21  }
0x1d5: {  	v21 =	vand.u32 $0xFFFF0000, v28;
	v28 =	vbroadcast v8, $0x4;
	v24 =	vmul.f32 v32, v24  }
0x1d6: {  	v21 =	vmul.f32 v21, v35;
	v32 =	vbroadcast v8, $0x5;
	v30 =	vshll.u32 v27, $0x10  }
0x1d7: {  	(erf) = vpow2.f32 v20;
	[tilespmem:s18+$0x0] =	vst v24;
	v20 =	vand.u32 $0xFFFF0000, v27;
	v24 =	vmul.f32 v30, v28  }
.Ltmp2:
0x1d8: {  	v22 =	vmax.f32 v23, v22;
	v23 =	vshll.u32 v19, $0x10;
	[tilespmem:s18+$0x10] =	vst v21;
	v20 =	vmul.f32 v20, v32;
	(pc) =	sbr.rel @p0 .LBB2_7-.Ltmp2, $4  }
0x1d9: {  	v19 =	vand.u32 $0xFFFF0000, v19;
	v21 =	vmul.f32 $1.442695020e+00, v22;
	v23 =	vmul.f32 v23, v26;
	[tilespmem:s3+$0x40] =	vst v24  }
0x1da: {  	v25 =	vand.u32 $0xFFFF0000, v25;
	v27 =	vbroadcast v7, $0x3;
	v19 =	vmul.f32 v19, v31;
	v22 =	vld [tilespmem:s25+$0x10];
	[tilespmem:s3+$0x50] =	vst v20  }
0x1db: {  	v24 =	vshll.u32 v29, $0x10;
	(erf) = vpow2.f32 v21;
	[tilespmem:s18+$0xFFFFFF70] =	vst v23;
	v23 =	vmul.f32 v34, v16;
	v21 =	vld [tilespmem:s11+$0x30];
	v16 =	vmovc v33  }
0x1dc: {  	s1 =	sadd.s32 $0xA0, s1;
	v26 =	vmul.f32 v25, v17;
	v25 =	vand.u32 $0xFFFF0000, v29;
	v17 =	vmovc v27;
	[tilespmem:s18+$0xFFFFFF80] =	vst v19;
	v19 =	vbroadcast v7, $0x4  }
0x1dd: {  	_ =	sdelay $0x2  }
0x1de: {  	s0 =	sadd.s32 $0x120, s18;
	v20 =	vpop (erf)  }
0x1df: {  	[tilespmem:s0+$0x80] =	vst v20  }
0x1e0: {  	v27 =	vld [tilespmem:s26+$0x0];
	_ =	sdelay $0x2  }
0x1e1: {  	[tilespmem:s3+$0xFFFFFF90] =	vst v23  }
0x1e2: {  	v23 =	vmul.f32 v24, v10;
	[tilespmem:s3+$0xFFFFFFA0] =	vst v26;
	v24 =	vbroadcast v20, $0x0;
	v10 =	vpop (erf)  }
0x1e3: {  	v11 =	vmul.f32 v25, v11;
	v26 =	vbroadcast v20, $0x1;
	[tilespmem:s0+$0xFFFFFFF0] =	vst v10;
	v25 =	vshll.u32 v27, $0x10  }
0x1e4: {  	v28 =	vbroadcast v15, $0x2;
	[tilespmem:s12+$0xFFFFFFB0] =	vst v23;
	v23 =	vld [tilespmem:s26+$0xFFFFFFB0];
	v27 =	vand.u32 $0xFFFF0000, v27;
	v24 =	vmul.f32 v25, v24  }
0x1e5: {  	v29 =	vbroadcast v15, $0x3;
	[tilespmem:s12+$0xFFFFFFC0] =	vst v11;
	v25 =	vshll.u32 v22, $0x10;
	v11 =	vmul.f32 v27, v26  }
0x1e6: {  	v8 =	vbroadcast v8, $0x7;
	v22 =	vand.u32 $0xFFFF0000, v22;
	v25 =	vmul.f32 v25, v28;
	[tilespmem:s0+$0x0] =	vst v24  }
0x1e7: {  	v22 =	vmul.f32 v22, v29;
	v24 =	vand.u32 $0xFFFF0000, v21;
	[tilespmem:s0+$0x10] =	vst v11  }
0x1e8: {  	v11 =	vshll.u32 v18, $0x10;
	v8 =	vmul.f32 v24, v8;
	[tilespmem:s2+$0x20] =	vst v25;
	v24 =	vbroadcast v10, $0x0;
	v25 =	vld [tilespmem:s26+$0x10]  }
0x1e9: {  	v2 =	vmul.f32 v11, v2;
	[tilespmem:s2+$0x30] =	vst v22;
	v11 =	vbroadcast v10, $0x1;
	v22 =	vshll.u32 v23, $0x10  }
0x1ea: {  	v23 =	vand.u32 $0xFFFF0000, v23;
	[tilespmem:s3+$0x70] =	vst v8;
	v8 =	vld [tilespmem:s25+$0x20];
	v22 =	vmul.f32 v22, v24  }
0x1eb: {  	v18 =	vand.u32 $0xFFFF0000, v18;
	[tilespmem:s14+$0xFFFFFFD0] =	vst v2;
	v2 =	vmul.f32 v23, v11  }
0x1ec: {  	v21 =	vshll.u32 v21, $0x10;
	v4 =	vmul.f32 v18, v4;
	v18 =	vbroadcast v20, $0x2;
	v11 =	vld [tilespmem:s25+$0xFFFFFFC0];
	[tilespmem:s0+$0xFFFFFF70] =	vst v22  }
0x1ed: {  	v14 =	vmul.f32 v21, v14;
	v21 =	vbroadcast v20, $0x3;
	[tilespmem:s0+$0xFFFFFF80] =	vst v2;
	v2 =	vshll.u32 v25, $0x10  }
0x1ee: {  	[tilespmem:s14+$0xFFFFFFE0] =	vst v4;
	v4 =	vbroadcast v15, $0x4;
	v22 =	vand.u32 $0xFFFF0000, v25;
	v2 =	vmul.f32 v2, v18;
	v18 =	vld [tilespmem:s26+$0xFFFFFFC0]  }
0x1ef: {  	[tilespmem:s3+$0x60] =	vst v14;
	v23 =	vbroadcast v15, $0x5;
	v21 =	vmul.f32 v22, v21;
	v14 =	vshll.u32 v8, $0x10  }
0x1f0: {  	v22 =	vld [tilespmem:s11+$0xFFFFFFD0];
	v8 =	vand.u32 $0xFFFF0000, v8;
	v4 =	vmul.f32 v14, v4;
	[tilespmem:s0+$0x20] =	vst v2  }
0x1f1: {  	v2 =	vshll.u32 v11, $0x10;
	v8 =	vmul.f32 v8, v23;
	[tilespmem:s0+$0x30] =	vst v21  }
0x1f2: {  	v14 =	vbroadcast v10, $0x2;
	v2 =	vmul.f32 v2, v16;
	[tilespmem:s2+$0x40] =	vst v4;
	v4 =	vand.u32 $0xFFFF0000, v11;
	v11 =	vld [tilespmem:s26+$0x20]  }
0x1f3: {  	v16 =	vbroadcast v10, $0x3;
	[tilespmem:s2+$0x50] =	vst v8;
	v4 =	vmul.f32 v4, v17;
	v8 =	vshll.u32 v18, $0x10  }
0x1f4: {  	v17 =	vld [tilespmem:s25+$0x30];
	[tilespmem:s2+$0xFFFFFF90] =	vst v2;
	v2 =	vand.u32 $0xFFFF0000, v18;
	v8 =	vmul.f32 v8, v14  }
0x1f5: {  	v18 =	vshll.u32 v22, $0x10;
	v14 =	vld [tilespmem:s22+$0xFFFFFFE0];
	v2 =	vmul.f32 v2, v16;
	[tilespmem:s2+$0xFFFFFFA0] =	vst v4  }
0x1f6: {  	v12 =	vmul.f32 v18, v12;
	v18 =	vbroadcast v20, $0x4;
	v4 =	vand.u32 $0xFFFF0000, v22;
	v16 =	vld [tilespmem:s25+$0xFFFFFFD0];
	[tilespmem:s0+$0xFFFFFF90] =	vst v8  }
0x1f7: {  	v4 =	vmul.f32 v4, v13;
	v13 =	vbroadcast v20, $0x5;
	[tilespmem:s0+$0xFFFFFFA0] =	vst v2;
	v8 =	vshll.u32 v11, $0x10  }
0x1f8: {  	v2 =	vbroadcast v15, $0x7;
	[tilespmem:s3+$0xFFFFFFB0] =	vst v12;
	v11 =	vand.u32 $0xFFFF0000, v11;
	v12 =	vld [tilespmem:s26+$0xFFFFFFD0];
	v8 =	vmul.f32 v8, v18  }
0x1f9: {  	v15 =	vand.u32 $0xFFFF0000, v17;
	[tilespmem:s3+$0xFFFFFFC0] =	vst v4;
	v4 =	vmul.f32 v11, v13  }
0x1fa: {  	v11 =	vshll.u32 v14, $0x10;
	v2 =	vmul.f32 v15, v2;
	[tilespmem:s0+$0x40] =	vst v8  }
0x1fb: {  	v8 =	vbroadcast v7, $0x5;
	v3 =	vmul.f32 v11, v3;
	[tilespmem:s0+$0x50] =	vst v4;
	v4 =	vshll.u32 v16, $0x10  }
0x1fc: {  	v11 =	vbroadcast v10, $0x4;
	[tilespmem:s2+$0x70] =	vst v2;
	v2 =	vld [tilespmem:s26+$0x30];
	v13 =	vand.u32 $0xFFFF0000, v16;
	v4 =	vmul.f32 v4, v19  }
0x1fd: {  	v15 =	vbroadcast v10, $0x5;
	v16 =	vld [tilespmem:s11+$0xFFFFFFE0];
	[tilespmem:s12+$0xFFFFFFD0] =	vst v3;
	v3 =	vmul.f32 v13, v8;
	v8 =	vshll.u32 v12, $0x10  }
0x1fe: {  	v8 =	vmul.f32 v8, v11;
	[tilespmem:s2+$0xFFFFFFB0] =	vst v4;
	v4 =	vand.u32 $0xFFFF0000, v12  }
0x1ff: {  	v11 =	vand.u32 $0xFFFF0000, v14;
	[tilespmem:s2+$0xFFFFFFC0] =	vst v3;
	v3 =	vmul.f32 v4, v15  }
0x200: {  	v1 =	vmul.f32 v11, v1;
	v11 =	vbroadcast v20, $0x7;
	v4 =	vshll.u32 v17, $0x10;
	v12 =	vld [tilespmem:s25+$0xFFFFFFE0];
	[tilespmem:s0+$0xFFFFFFB0] =	vst v8  }
0x201: {  	v4 =	vmul.f32 v4, v9;
	v8 =	vand.u32 $0xFFFF0000, v2;
	[tilespmem:s0+$0xFFFFFFC0] =	vst v3  }
0x202: {  	[tilespmem:s12+$0xFFFFFFE0] =	vst v1;
	v1 =	vshll.u32 v16, $0x10;
	v3 =	vmul.f32 v8, v11;
	v8 =	vld [tilespmem:s26+$0xFFFFFFE0]  }
0x203: {  	v9 =	vbroadcast v20, $0x6;
	v1 =	vmul.f32 v1, v5;
	[tilespmem:s2+$0x60] =	vst v4;
	v4 =	vand.u32 $0xFFFF0000, v16  }
0x204: {  	v2 =	vshll.u32 v2, $0x10;
	v5 =	vbroadcast v7, $0x6;
	[tilespmem:s0+$0x70] =	vst v3;
	v3 =	vmul.f32 v4, v6  }
0x205: {  	v2 =	vmul.f32 v2, v9;
	v4 =	vbroadcast v7, $0x7;
	[tilespmem:s3+$0xFFFFFFD0] =	vst v1;
	v1 =	vshll.u32 v12, $0x10  }
0x206: {  	v6 =	vbroadcast v10, $0x6;
	[tilespmem:s3+$0xFFFFFFE0] =	vst v3;
	v3 =	vand.u32 $0xFFFF0000, v12;
	v1 =	vmul.f32 v1, v5  }
0x207: {  	[tilespmem:s0+$0x60] =	vst v2;
	v5 =	vbroadcast v10, $0x7;
	v2 =	vmul.f32 v3, v4;
	v3 =	vshll.u32 v8, $0x10  }
0x208: {  	[tilespmem:s2+$0xFFFFFFD0] =	vst v1;
	v1 =	vand.u32 $0xFFFF0000, v8;
	v3 =	vmul.f32 v3, v6  }
0x209: {  	[tilespmem:s2+$0xFFFFFFE0] =	vst v2;
	v1 =	vmul.f32 v1, v5  }
0x20a: {  	s22 =	sshll.u32 s21, $0x1;
	[tilespmem:s0+$0xFFFFFFD0] =	vst v3  }
0x20b: {  	s1 =	smin.u32 s22, $0x79;
	s11 =	rddreg [dreg:$0x2];
	s12 =	simm.s32 $0x19230;
	[tilespmem:s0+$0xFFFFFFE0] =	vst v1  }
0x20c: {  	[spmem:s11] =	stream.indirect.scatter.add.f32 [tilespmem:s12], [sflag:$0x9], $0x90, s9, s13, $0xb8;
	[tilespmem:$0x1C9D0] =	vst v63  }
0x20d: {  	s3 =	smul.u32 $0x50, s1;
	_ =	swait.ge [sflag:s31], $0x2D00  }
0x20e: {  	s14 =	rddreg [dreg:$0x15]  }
0x20f: {  	s18 =	simm.s32 $0x1BF30;
	s0 =	sadd.s32 s3, s14  }
0x210: {  	[sflag:s31] =	ssyncset.done $0x0;
	s1 =	sshrl.u32 s0, $0x3;
	s0 =	sadd.s32 $0x28, s0  }
0x211: {  	[sflag:s31] =	ssyncadd.s32 $0xFFFFD300;
	s17 =	sadd.s32 s6, s1;
	s0 =	sshrl.u32 s0, $0x3  }
0x212: {  	[tilespmem:s18], [sflag:$0x7] =	stream.linear.gather [hbm4b:s17+s4], $0x28, $0x38;
	[tilespmem:$0x1C9D0] =	vst v63  }
0x213: {  	s24 =	simm.s32 $0x1BF58;
	s0 =	sadd.s32 s6, s0  }
0x214: {  	[tilespmem:s24], [sflag:$0x7] =	stream.linear.gather [hbm4b:s0+s4], $0x28, $0x38;
	[tilespmem:$0x1C9D0] =	vst v63  }
0x215: {  	s25 =	sadd.s32 s7, s1  }
0x216: {  	[tilespmem:s9], [sflag:$0x3] =	stream.linear.gather [hbm4b:s25+s4], $0x50, $0x38;
	[tilespmem:$0x1C9D0] =	vst v63  }
0x217: {  	_ =	swait.ge [sflag:s23], $0xC80  }
0x218: {  	[sflag:s23] =	ssyncset.done $0x0  }
0x219: {  	[sflag:s23] =	ssyncadd.s32 $0xFFFFF380  }
0x21a: {  	_ =	swait.ge [sflag:s23], $0xC80  }
0x21b: {  	[sflag:s23] =	ssyncset.done $0x0  }
0x21c: {  	s26 =	simm.s32 $0x2;
	[sflag:s23] =	ssyncadd.s32 $0xFFFFF380  }
0x21d: {  	_ =	swait.ge [sflag:s26], $0x500  }
0x21e: {  	[sflag:s26] =	ssyncset.done $0x0  }
0x21f: {  	[sflag:s26] =	ssyncadd.s32 $0xFFFFFB00  }
0x220: {  	_ =	swait.ge [sflag:s28], $0x28  }
0x221: {  	[sflag:s28] =	ssyncset.done $0x0  }
0x222: {  	[sflag:s28] =	ssyncadd.s32 $0xFFFFFFD8  }
0x223: {  	_ =	swait.ge [sflag:s28], $0x28  }
0x224: {  	[sflag:s28] =	ssyncset.done $0x0  }
0x225: {  	[sflag:s28] =	ssyncadd.s32 $0xFFFFFFD8  }
0x226: {  	_ =	swait.ge [sflag:s29], $0x50  }
0x227: {  	[sflag:s29] =	ssyncset.done $0x0  }
0x228: {  	s1 =	simm.s32 $0x16030;
	[sflag:s29] =	ssyncadd.s32 $0xFFFFFFB0  }
0x229: {  	[tilespmem:s1], [sflag:$0x5] =	stream.indirect.gather [hbm4b:s5+s10], $0x50, s18, s10, $0xb8;
	[tilespmem:$0x1C9D0] =	vst v63  }
0x22a: {  	s3 =	simm.s32 $0x16CB0  }
0x22b: {  	[tilespmem:s3], [sflag:$0x5] =	stream.indirect.gather [hbm4b:s5+s10], $0x50, s24, s10, $0xb8;
	[tilespmem:$0x1C9D0] =	vst v63  }
0x22c: {  	s11 =	simm.s32 $0x1BFD0;
	s17 =	simm.s32 $0x17980  }
0x22d: {  	[tilespmem:s11], [sflag:$0x1] =	stream.indirect.gather [hbm4b:s30+s13], $0x10, s9, s13, $0xb8;
	[tilespmem:$0x1C9D0] =	vst v63  }
0x22e: {  	s12 =	simm.s32 $0x1C4E0;
	v1 =	vld [tilespmem:s17+$0x40]  }
0x22f: {  	v2 =	vld [tilespmem:s12+$0x0];
	_ =	sdelay $0x3  }
0x230: {  	v1 =	vshll.u32 v1, $0x10  }
0x231: {  	v1 =	vadd.f32 v1, v2;
	_ =	sdelay $0x1  }
0x232: {  	v2 =	vld [tilespmem:s17+$0xFFFFFFF0];
	v4 =	vmul.f32 $2.000000030e-01, v1  }
0x233: {  	v3 =	vld [tilespmem:s12+$0xFFFFFFF0]  }
0x234: {  	v1 =	vmax.f32 v1, v4  }
0x235: {  	v1 =	vmul.f32 $1.442695020e+00, v1;
	_ =	sdelay $0x1  }
0x236: {  	v2 =	vshll.u32 v2, $0x10;
	(erf) = vpow2.f32 v1  }
0x237: {  	v2 =	vadd.f32 v2, v3;
	_ =	sdelay $0x1  }
0x238: {  	v1 =	vmul.f32 $2.000000030e-01, v2  }
0x239: {  	s11 =	simm.s32 $0x17A20  }
0x23a: {  	s14 =	simm.s32 $0x1C500;
	v1 =	vmax.f32 v2, v1;
	v2 =	vld [tilespmem:s11+$0x40]  }
0x23b: {  	v3 =	vld [tilespmem:s14+$0x0];
	v1 =	vmul.f32 $1.442695020e+00, v1;
	_ =	sdelay $0x1  }
0x23c: {  	(erf) = vpow2.f32 v1  }
0x23d: {  	s3 =	simm.s32 $0x192C0;
	v1 =	vld [tilespmem:s11+$0xFFFFFFF0];
	v8 =	vpop (erf)  }
0x23e: {  	v4 =	vld [tilespmem:s14+$0xFFFFFFF0];
	v2 =	vshll.u32 v2, $0x10;
	[tilespmem:s3+$0x80] =	vst v8  }
0x23f: {  	v2 =	vadd.f32 v2, v3;
	v3 =	vld [tilespmem:s17+$0x0];
	_ =	sdelay $0x1  }
0x240: {  	v5 =	vmul.f32 $2.000000030e-01, v2  }
0x241: {  	v1 =	vshll.u32 v1, $0x10  }
0x242: {  	v1 =	vadd.f32 v1, v4;
	v4 =	vbroadcast v8, $0x0;
	v2 =	vmax.f32 v2, v5  }
0x243: {  	v7 =	vbroadcast v8, $0x1;
	v2 =	vmul.f32 $1.442695020e+00, v2;
	v6 =	vshll.u32 v3, $0x10  }
0x244: {  	v5 =	vmul.f32 $2.000000030e-01, v1;
	v9 =	vpop (erf);
	v3 =	vand.u32 $0xFFFF0000, v3;
	v4 =	vmul.f32 v6, v4  }
0x245: {  	[tilespmem:s3+$0xFFFFFFF0] =	vst v9;
	(erf) = vpow2.f32 v2;
	v3 =	vmul.f32 v3, v7  }
0x246: {  	v2 =	vld [tilespmem:s17+$0xFFFFFFB0];
	[tilespmem:s3+$0x0] =	vst v4  }
0x247: {  	v12 =	vbroadcast v8, $0x6;
	v16 =	vbroadcast v8, $0x3;
	v1 =	vmax.f32 v1, v5;
	[tilespmem:s3+$0x10] =	vst v3  }
0x248: {  	v23 =	vbroadcast v8, $0x5;
	v1 =	vmul.f32 $1.442695020e+00, v1;
	v3 =	vld [tilespmem:s17+$0x10]  }
0x249: {  	v26 =	vbroadcast v8, $0x7;
	v5 =	vbroadcast v9, $0x1  }
0x24a: {  	s12 =	simm.s32 $0x17AC0;
	v11 =	vbroadcast v9, $0x2;
	(erf) = vpow2.f32 v1  }
0x24b: {  	s18 =	simm.s32 $0x1C520;
	v1 =	vbroadcast v9, $0x0;
	v4 =	vld [tilespmem:s12+$0x40];
	v6 =	vshll.u32 v2, $0x10;
	v2 =	vand.u32 $0xFFFF0000, v2  }
0x24c: {  	v10 =	vld [tilespmem:s18+$0x0];
	v14 =	vmul.f32 v2, v5;
	v2 =	vbroadcast v8, $0x2  }
0x24d: {  	v13 =	vld [tilespmem:s12+$0xFFFFFFF0];
	v17 =	vbroadcast v9, $0x3;
	v1 =	vmul.f32 v6, v1;
	v7 =	vshll.u32 v3, $0x10  }
0x24e: {  	v15 =	vld [tilespmem:s18+$0xFFFFFFF0];
	s14 =	simm.s32 $0x193E0;
	v5 =	vbroadcast v9, $0x4;
	v6 =	vpop (erf);
	[tilespmem:s3+$0xFFFFFF80] =	vst v14;
	v18 =	vmul.f32 v7, v2;
	v2 =	vand.u32 $0xFFFF0000, v3  }
0x24f: {  	v14 =	vbroadcast v8, $0x4;
	[tilespmem:s14+$0x80] =	vst v6;
	v19 =	vmul.f32 v2, v16  }
0x250: {  	v7 =	vbroadcast v9, $0x5;
	v3 =	vshll.u32 v4, $0x10;
	v4 =	vbroadcast v9, $0x7;
	v20 =	vld [tilespmem:s11+$0x0];
	[tilespmem:s3+$0x20] =	vst v18  }
0x251: {  	v21 =	vbroadcast v6, $0x0;
	v22 =	vbroadcast v6, $0x1;
	v3 =	vadd.f32 v3, v10;
	[tilespmem:s3+$0x30] =	vst v19  }
0x252: {  	v49 =	vbroadcast v6, $0x3;
	v55 =	vbroadcast v6, $0x7;
	v10 =	vshll.u32 v13, $0x10;
	v18 =	vld [tilespmem:s17+$0x20]  }
0x253: {  	v2 =	vbroadcast v9, $0x6;
	v9 =	vpop (erf);
	v10 =	vadd.f32 v10, v15;
	v13 =	vmul.f32 $2.000000030e-01, v3  }
0x254: {  	v16 =	vbroadcast v6, $0x6;
	v15 =	vbroadcast v9, $0x0;
	[tilespmem:s14+$0xFFFFFFF0] =	vst v9  }
0x255: {  	[tilespmem:s3+$0xFFFFFF70] =	vst v1;
	v19 =	vmul.f32 $2.000000030e-01, v10;
	v1 =	vld [tilespmem:s11+$0xFFFFFFB0];
	v3 =	vmax.f32 v3, v13;
	v13 =	vshll.u32 v20, $0x10  }
0x256: {  	v3 =	vmul.f32 $1.442695020e+00, v3;
	v20 =	vand.u32 $0xFFFF0000, v20;
	v13 =	vmul.f32 v13, v21  }
0x257: {  	v10 =	vmax.f32 v10, v19;
	v20 =	vmul.f32 v20, v22;
	v22 =	vshll.u32 v18, $0x10  }
0x258: {  	v21 =	vld [tilespmem:s17+$0xFFFFFFC0];
	(erf) = vpow2.f32 v3;
	[tilespmem:s14+$0x0] =	vst v13;
	v3 =	vand.u32 $0xFFFF0000, v18;
	v13 =	vmul.f32 v22, v14  }
0x259: {  	s26 =	simm.s32 $0x17B60;
	v10 =	vmul.f32 $1.442695020e+00, v10;
	[tilespmem:s14+$0x10] =	vst v20;
	v3 =	vmul.f32 v3, v23  }
0x25a: {  	v24 =	vld [tilespmem:s26+$0xFFFFFFF0];
	v18 =	vbroadcast v9, $0x2;
	v19 =	vshll.u32 v1, $0x10;
	v14 =	vbroadcast v9, $0x1;
	[tilespmem:s3+$0x40] =	vst v13  }
0x25b: {  	v1 =	vand.u32 $0xFFFF0000, v1;
	(erf) = vpow2.f32 v10;
	v13 =	vmul.f32 v19, v15;
	v15 =	vld [tilespmem:s11+$0x10];
	[tilespmem:s3+$0x50] =	vst v3  }
0x25c: {  	v10 =	vbroadcast v9, $0x4;
	v20 =	vmul.f32 v1, v14;
	v14 =	vld [tilespmem:s17+$0x30]  }
0x25d: {  	v22 =	vbroadcast v9, $0x3;
	v3 =	vshll.u32 v21, $0x10;
	v1 =	vand.u32 $0xFFFF0000, v21;
	v19 =	vld [tilespmem:s26+$0x40]  }
0x25e: {  	s25 =	simm.s32 $0x1C540;
	v21 =	vmul.f32 v3, v11;
	v17 =	vmul.f32 v1, v17  }
0x25f: {  	v24 =	vshll.u32 v24, $0x10;
	v23 =	vld [tilespmem:s25+$0x0];
	v11 =	vbroadcast v9, $0x5;
	v1 =	vbroadcast v6, $0x2  }
0x260: {  	v27 =	vld [tilespmem:s25+$0xFFFFFFF0];
	v3 =	vbroadcast v9, $0x6;
	[tilespmem:s3+$0xFFFFFFA0] =	vst v17;
	v17 =	vbroadcast v6, $0x5;
	v25 =	vshll.u32 v15, $0x10  }
0x261: {  	v15 =	vand.u32 $0xFFFF0000, v15;
	v25 =	vmul.f32 v25, v1;
	v50 =	vand.u32 $0xFFFF0000, v14  }
0x262: {  	s25 =	simm.s32 $0x19500;
	v8 =	vpop (erf);
	v1 =	vbroadcast v9, $0x7;
	v9 =	vshll.u32 v19, $0x10;
	v15 =	vmul.f32 v15, v49  }
0x263: {  	[tilespmem:s25+$0x80] =	vst v8;
	v19 =	vshll.u32 v14, $0x10;
	v14 =	vbroadcast v8, $0x6;
	v32 =	vbroadcast v8, $0x0  }
0x264: {  	v54 =	vbroadcast v8, $0x2;
	v57 =	vbroadcast v8, $0x3;
	v9 =	vadd.f32 v9, v23;
	v23 =	vld [tilespmem:s12+$0x0];
	[tilespmem:s14+$0x20] =	vst v25  }
0x265: {  	v63 =	vbroadcast v8, $0x5;
	[tilespmem:s14+$0x30] =	vst v15;
	v15 =	vmul.f32 v19, v12;
	v12 =	vadd.f32 v24, v27  }
0x266: {  	v26 =	vmul.f32 v50, v26;
	v24 =	vmul.f32 $2.000000030e-01, v9;
	v51 =	vld [tilespmem:s11+$0x20];
	v25 =	vpop (erf)  }
0x267: {  	[tilespmem:s14+$0xFFFFFF70] =	vst v13;
	v31 =	vmul.f32 $2.000000030e-01, v12;
	v27 =	vbroadcast v25, $0x0  }
0x268: {  	[tilespmem:s25+$0xFFFFFFF0] =	vst v25;
	v52 =	vbroadcast v25, $0x1;
	v9 =	vmax.f32 v9, v24;
	v24 =	vbroadcast v8, $0x1  }
0x269: {  	[tilespmem:s14+$0xFFFFFF80] =	vst v20;
	v30 =	vld [tilespmem:s12+$0xFFFFFFB0];
	v13 =	vshll.u32 v23, $0x10;
	v9 =	vmul.f32 $1.442695020e+00, v9;
	v20 =	vand.u32 $0xFFFF0000, v23  }
0x26a: {  	[tilespmem:s3+$0xFFFFFF90] =	vst v21;
	v21 =	vld [tilespmem:s11+$0xFFFFFFC0];
	v23 =	vbroadcast v6, $0x4;
	v12 =	vmax.f32 v12, v31;
	v13 =	vmul.f32 v13, v32  }
0x26b: {  	v53 =	vld [tilespmem:s17+$0xFFFFFFD0];
	v20 =	vmul.f32 v20, v24;
	v12 =	vmul.f32 $1.442695020e+00, v12;
	v24 =	vshll.u32 v51, $0x10  }
0x26c: {  	(erf) = vpow2.f32 v9;
	v9 =	vand.u32 $0xFFFF0000, v51;
	[tilespmem:s25+$0x0] =	vst v13;
	v13 =	vmul.f32 v24, v23  }
0x26d: {  	v19 =	vbroadcast v25, $0x2;
	[tilespmem:s25+$0x10] =	vst v20;
	v9 =	vmul.f32 v9, v17  }
0x26e: {  	v6 =	vbroadcast v25, $0x7;
	(erf) = vpow2.f32 v12;
	v23 =	vshll.u32 v30, $0x10;
	[tilespmem:s14+$0x40] =	vst v13  }
0x26f: {  	v12 =	vbroadcast v25, $0x4;
	[tilespmem:s14+$0x50] =	vst v9;
	v20 =	vmul.f32 v23, v27;
	v23 =	vld [tilespmem:s12+$0x10]  }
0x270: {  	s18 =	simm.s32 $0x1C560;
	v24 =	vshll.u32 v53, $0x10;
	v13 =	vshll.u32 v21, $0x10;
	v9 =	vand.u32 $0xFFFF0000, v21;
	v21 =	vld [tilespmem:s11+$0x30]  }
0x271: {  	s2 =	simm.s32 $0x17C00;
	[tilespmem:s3+$0x70] =	vst v26;
	v26 =	vld [tilespmem:s18+$0x0];
	v24 =	vmul.f32 v24, v5;
	v5 =	vbroadcast v25, $0x6;
	v17 =	vand.u32 $0xFFFF0000, v30  }
0x272: {  	[tilespmem:s3+$0x60] =	vst v15;
	v15 =	vand.u32 $0xFFFF0000, v53;
	v17 =	vmul.f32 v17, v52;
	v22 =	vmul.f32 v9, v22;
	v9 =	vld [tilespmem:s2+$0x40]  }
0x273: {  	v18 =	vmul.f32 v13, v18;
	[tilespmem:s25+$0xFFFFFF70] =	vst v20;
	v20 =	vmul.f32 v15, v7;
	v7 =	vld [tilespmem:s2+$0xFFFFFFF0]  }
0x274: {  	v56 =	vld [tilespmem:s18+$0xFFFFFFF0];
	v27 =	vbroadcast v25, $0x3;
	v13 =	vbroadcast v25, $0x5;
	[tilespmem:s25+$0xFFFFFF80] =	vst v17  }
0x275: {  	s0 =	simm.s32 $0x19620;
	[tilespmem:s14+$0xFFFFFF90] =	vst v18;
	v17 =	vshll.u32 v23, $0x10;
	v15 =	vpop (erf);
	v18 =	vand.u32 $0xFFFF0000, v21;
	v23 =	vand.u32 $0xFFFF0000, v23  }
0x276: {  	v21 =	vshll.u32 v21, $0x10;
	v17 =	vmul.f32 v17, v54;
	[tilespmem:s0+$0x80] =	vst v15;
	v23 =	vmul.f32 v23, v57  }
0x277: {  	[tilespmem:s14+$0xFFFFFFA0] =	vst v22;
	v9 =	vshll.u32 v9, $0x10;
	v18 =	vmul.f32 v18, v55;
	v21 =	vmul.f32 v21, v16;
	v25 =	vld [tilespmem:s26+$0x0]  }
0x278: {  	v33 =	vbroadcast v15, $0x1;
	[tilespmem:s25+$0x20] =	vst v17;
	v17 =	vadd.f32 v9, v26;
	v26 =	vshll.u32 v7, $0x10;
	v7 =	vpop (erf)  }
0x279: {  	v9 =	vbroadcast v15, $0x6;
	[tilespmem:s25+$0x30] =	vst v23;
	v22 =	vadd.f32 v26, v56;
	v26 =	vbroadcast v7, $0x0  }
0x27a: {  	v59 =	vld [tilespmem:s12+$0x20];
	[tilespmem:s0+$0xFFFFFFF0] =	vst v7;
	v60 =	vbroadcast v7, $0x1;
	v23 =	vmul.f32 $2.000000030e-01, v17  }
0x27b: {  	[tilespmem:s3+$0xFFFFFFB0] =	vst v24;
	v16 =	vbroadcast v7, $0x2;
	v24 =	vld [tilespmem:s26+$0xFFFFFFB0];
	v62 =	vmul.f32 $2.000000030e-01, v22  }
0x27c: {  	[tilespmem:s14+$0x70] =	vst v18;
	v17 =	vmax.f32 v17, v23;
	v23 =	vbroadcast v15, $0x0;
	v18 =	vand.u32 $0xFFFF0000, v25  }
0x27d: {  	v58 =	vld [tilespmem:s12+$0xFFFFFFC0];
	[tilespmem:s3+$0xFFFFFFC0] =	vst v20;
	v20 =	vshll.u32 v25, $0x10;
	v17 =	vmul.f32 $1.442695020e+00, v17;
	v18 =	vmul.f32 v18, v33  }
0x27e: {  	v20 =	vmul.f32 v20, v23;
	v23 =	vbroadcast v8, $0x4  }
0x27f: {  	[tilespmem:s14+$0x60] =	vst v21;
	v21 =	vshll.u32 v59, $0x10;
	(erf) = vpow2.f32 v17;
	v17 =	vand.u32 $0xFFFF0000, v59  }
0x280: {  	v25 =	vld [tilespmem:s11+$0xFFFFFFD0];
	[tilespmem:s0+$0x0] =	vst v20;
	v20 =	vmul.f32 v21, v23;
	v21 =	vmax.f32 v22, v62;
	v22 =	vshll.u32 v24, $0x10  }
0x281: {  	[tilespmem:s0+$0x10] =	vst v18;
	v18 =	vld [tilespmem:s17+$0xFFFFFFE0];
	v23 =	vmul.f32 v17, v63;
	v17 =	vand.u32 $0xFFFF0000, v24;
	v21 =	vmul.f32 $1.442695020e+00, v21  }
0x282: {  	v61 =	vshll.u32 v58, $0x10;
	v24 =	vmul.f32 v22, v26;
	[tilespmem:s25+$0x40] =	vst v20;
	v20 =	vmul.f32 v17, v60  }
0x283: {  	v22 =	vld [tilespmem:s26+$0x10];
	v17 =	vbroadcast v7, $0x3;
	[tilespmem:s25+$0x50] =	vst v23;
	v23 =	vmul.f32 v61, v19  }
0x284: {  	s1 =	simm.s32 $0x8;
	v26 =	vand.u32 $0xFFFF0000, v58;
	v19 =	vbroadcast v7, $0x4;
	(erf) = vpow2.f32 v21;
	[tilespmem:s0+$0xFFFFFF70] =	vst v24;
	v21 =	vld [tilespmem:s12+$0x30]  }
0x285: {  	s24 =	smov.u32 s30;
	s30 =	simm.s32 $0x17CA0;
	s17 =	simm.s32 $0x19620;
	v26 =	vmul.f32 v26, v27;
	v24 =	vshll.u32 v25, $0x10;
	v25 =	vand.u32 $0xFFFF0000, v25;
	[tilespmem:s0+$0xFFFFFF80] =	vst v20  }
.LBB2_9:
0x286: {  	v20 =	vld [tilespmem:s30+$0x40];
	s18 =	sadd.s32 $0x20, s18;
	v27 =	vbroadcast v7, $0x5;
	[tilespmem:s25+$0xFFFFFF90] =	vst v23;
	v23 =	vmul.f32 v24, v10;
	v24 =	vshll.u32 v18, $0x10;
	v10 =	vmovc v12  }
0x287: {  	v29 =	vbroadcast v15, $0x2;
	v25 =	vmul.f32 v25, v11;
	v11 =	vmovc v13;
	v28 =	vld [tilespmem:s18+$0x0];
	[tilespmem:s25+$0xFFFFFFA0] =	vst v26;
	v26 =	vand.u32 $0xFFFF0000, v18;
	v12 =	vmovc v19  }
0x288: {  	v31 =	vbroadcast v8, $0x7;
	v8 =	vmovc v15;
	v19 =	vbroadcast v7, $0x6;
	v18 =	vld [tilespmem:s30+$0xFFFFFFF0];
	v30 =	vshll.u32 v22, $0x10;
	[tilespmem:s14+$0xFFFFFFB0] =	vst v23;
	v13 =	vmovc v27  }
0x289: {  	s0 =	sadd.s32 $0x120, s0;
	v23 =	vld [tilespmem:s18+$0xFFFFFFF0];
	v15 =	vpop (erf);
	v27 =	vmul.f32 v30, v29;
	v29 =	vbroadcast v8, $0x3;
	v30 =	vand.u32 $0xFFFF0000, v21;
	[tilespmem:s14+$0xFFFFFFC0] =	vst v25  }
0x28a: {  	v32 =	vbroadcast v7, $0x7;
	v7 =	vand.u32 $0xFFFF0000, v22;
	[tilespmem:s0+$0x80] =	vst v15;
	v25 =	vld [tilespmem:s26+$0xFFFFFFC0];
	v22 =	vmul.f32 v30, v31  }
0x28b: {  	v30 =	vbroadcast v15, $0x6;
	v20 =	vshll.u32 v20, $0x10;
	[tilespmem:s17+$0x20] =	vst v27;
	v27 =	vmul.f32 v7, v29;
	v29 =	vld [tilespmem:s12+$0xFFFFFFD0]  }
0x28c: {  	v21 =	vshll.u32 v21, $0x10;
	v20 =	vadd.f32 v20, v28;
	v28 =	vld [tilespmem:s2+$0x0];
	[tilespmem:s25+$0x70] =	vst v22;
	v22 =	vmul.f32 v24, v2;
	v2 =	vmovc v3  }
0x28d: {  	s1 =	sadd.s32 $0x2, s1;
	v35 =	vmul.f32 v26, v4;
	v21 =	vmul.f32 v21, v14;
	v31 =	vshll.u32 v18, $0x10;
	v7 =	vpop (erf);
	[tilespmem:s17+$0x30] =	vst v27;
	v18 =	vld [tilespmem:s11+$0xFFFFFFE0];
	s11 =	smov.u32 s12;
	s12 =	smov.u32 s26  }
0x28e: {  	p0 =	slt.u32 s1, $0x4E;
	v3 =	vmovc v5;
	v5 =	vmovc v19;
	s26 =	smov.u32 s2;
	s2 =	smov.u32 s30;
	v23 =	vadd.f32 v31, v23;
	v24 =	vmul.f32 $2.000000030e-01, v20;
	[tilespmem:s0+$0xFFFFFFF0] =	vst v7;
	v26 =	vbroadcast v7, $0x0;
	v27 =	vld [tilespmem:s12+$0x20]  }
0x28f: {  	v4 =	vmovc v1;
	v1 =	vmovc v6;
	v31 =	vbroadcast v7, $0x1;
	v33 =	vbroadcast v7, $0x2;
	v19 =	vld [tilespmem:s26+$0xFFFFFFB0];
	v34 =	vshll.u32 v25, $0x10;
	[tilespmem:s3+$0xFFFFFFD0] =	vst v22  }
0x290: {  	v6 =	vmovc v32;
	v14 =	vmovc v9;
	v22 =	vmul.f32 $2.000000030e-01, v23;
	v20 =	vmax.f32 v20, v24;
	v24 =	vbroadcast v15, $0x0;
	[tilespmem:s3+$0xFFFFFFE0] =	vst v35;
	s3 =	smov.u32 s14;
	s14 =	smov.u32 s25;
	s25 =	smov.u32 s17  }
0x291: {  	v9 =	vmovc v30;
	v35 =	vbroadcast v15, $0x1;
	s17 =	smov.u32 s0;
	v20 =	vmul.f32 $1.442695020e+00, v20;
	v32 =	vshll.u32 v28, $0x10;
	[tilespmem:s14+$0x60] =	vst v21  }
0x292: {  	v21 =	vand.u32 $0xFFFF0000, v28;
	v28 =	vbroadcast v8, $0x4;
	v24 =	vmul.f32 v32, v24  }
0x293: {  	v21 =	vmul.f32 v21, v35;
	v32 =	vbroadcast v8, $0x5;
	v30 =	vshll.u32 v27, $0x10  }
0x294: {  	(erf) = vpow2.f32 v20;
	[tilespmem:s0+$0x0] =	vst v24;
	v20 =	vand.u32 $0xFFFF0000, v27;
	v24 =	vmul.f32 v30, v28  }
.Ltmp3:
0x295: {  	v22 =	vmax.f32 v23, v22;
	v23 =	vshll.u32 v19, $0x10;
	[tilespmem:s0+$0x10] =	vst v21;
	v20 =	vmul.f32 v20, v32;
	(pc) =	sbr.rel @p0 .LBB2_9-.Ltmp3, $4  }
0x296: {  	v19 =	vand.u32 $0xFFFF0000, v19;
	v21 =	vmul.f32 $1.442695020e+00, v22;
	v23 =	vmul.f32 v23, v26;
	[tilespmem:s25+$0x40] =	vst v24  }
0x297: {  	v25 =	vand.u32 $0xFFFF0000, v25;
	v27 =	vbroadcast v7, $0x3;
	v19 =	vmul.f32 v19, v31;
	v22 =	vld [tilespmem:s26+$0x10];
	[tilespmem:s25+$0x50] =	vst v20  }
0x298: {  	v24 =	vshll.u32 v29, $0x10;
	(erf) = vpow2.f32 v21;
	[tilespmem:s0+$0xFFFFFF70] =	vst v23;
	v23 =	vmul.f32 v34, v16;
	v21 =	vld [tilespmem:s12+$0x30];
	v16 =	vmovc v33  }
0x299: {  	s30 =	sadd.s32 $0xA0, s30;
	v26 =	vmul.f32 v25, v17;
	v25 =	vand.u32 $0xFFFF0000, v29;
	v17 =	vmovc v27;
	[tilespmem:s0+$0xFFFFFF80] =	vst v19;
	v19 =	vbroadcast v7, $0x4  }
0x29a: {  	_ =	sdelay $0x2  }
0x29b: {  	s0 =	sadd.s32 $0x120, s0;
	v20 =	vpop (erf)  }
0x29c: {  	[tilespmem:s0+$0x80] =	vst v20  }
0x29d: {  	v27 =	vld [tilespmem:s2+$0x0];
	_ =	sdelay $0x2  }
0x29e: {  	[tilespmem:s25+$0xFFFFFF90] =	vst v23  }
0x29f: {  	v41 =	vmul.f32 v24, v10;
	[tilespmem:s25+$0xFFFFFFA0] =	vst v26;
	v42 =	vbroadcast v20, $0x0;
	v10 =	vpop (erf)  }
0x2a0: {  	v11 =	vmul.f32 v25, v11;
	v44 =	vbroadcast v20, $0x1;
	[tilespmem:s0+$0xFFFFFFF0] =	vst v10;
	v43 =	vshll.u32 v27, $0x10  }
0x2a1: {  	v28 =	vbroadcast v15, $0x2;
	[tilespmem:s14+$0xFFFFFFB0] =	vst v41;
	v45 =	vld [tilespmem:s2+$0xFFFFFFB0];
	v27 =	vand.u32 $0xFFFF0000, v27;
	v24 =	vmul.f32 v43, v42  }
0x2a2: {  	v29 =	vbroadcast v15, $0x3;
	v46 =	vshll.u32 v22, $0x10;
	[tilespmem:s14+$0xFFFFFFC0] =	vst v11;
	v47 =	vmul.f32 v27, v44  }
0x2a3: {  	v48 =	vand.u32 $0xFFFF0000, v22;
	v25 =	vmul.f32 v46, v28;
	[tilespmem:s0+$0x0] =	vst v24  }
0x2a4: {  	v50 =	vshll.u32 v18, $0x10;
	v26 =	vld [tilespmem:s12+$0xFFFFFFD0];
	v22 =	vmul.f32 v48, v29;
	[tilespmem:s0+$0x10] =	vst v47  }
0x2a5: {  	v56 =	vand.u32 $0xFFFF0000, v18;
	v2 =	vmul.f32 v50, v2;
	[tilespmem:s17+$0x20] =	vst v25;
	v51 =	vbroadcast v10, $0x0;
	v52 =	vld [tilespmem:s2+$0x10]  }
0x2a6: {  	v4 =	vmul.f32 v56, v4;
	[tilespmem:s17+$0x30] =	vst v22;
	v53 =	vbroadcast v10, $0x1;
	v54 =	vshll.u32 v45, $0x10  }
0x2a7: {  	v8 =	vbroadcast v8, $0x7;
	[tilespmem:s3+$0xFFFFFFD0] =	vst v2;
	v55 =	vld [tilespmem:s26+$0x20];
	v23 =	vand.u32 $0xFFFF0000, v45;
	v22 =	vmul.f32 v54, v51  }
0x2a8: {  	v61 =	vbroadcast v15, $0x4;
	v49 =	vand.u32 $0xFFFF0000, v21;
	[tilespmem:s3+$0xFFFFFFE0] =	vst v4;
	v2 =	vmul.f32 v23, v53  }
0x2a9: {  	v57 =	vld [tilespmem:s26+$0xFFFFFFC0];
	v8 =	vmul.f32 v49, v8;
	v59 =	vbroadcast v20, $0x2;
	v34 =	vshll.u32 v26, $0x10;
	[tilespmem:s0+$0xFFFFFF70] =	vst v22  }
0x2aa: {  	v60 =	vbroadcast v20, $0x3;
	v12 =	vmul.f32 v34, v12;
	[tilespmem:s0+$0xFFFFFF80] =	vst v2;
	v2 =	vshll.u32 v52, $0x10  }
0x2ab: {  	v25 =	vbroadcast v15, $0x5;
	[tilespmem:s25+$0x70] =	vst v8;
	v62 =	vld [tilespmem:s2+$0xFFFFFFC0];
	v63 =	vand.u32 $0xFFFF0000, v52;
	v2 =	vmul.f32 v2, v59  }
0x2ac: {  	v58 =	vshll.u32 v21, $0x10;
	[tilespmem:s25+$0xFFFFFFB0] =	vst v12;
	v8 =	vand.u32 $0xFFFF0000, v55;
	v21 =	vmul.f32 v63, v60  }
0x2ad: {  	v33 =	vld [tilespmem:s11+$0xFFFFFFE0];
	v8 =	vmul.f32 v8, v25;
	v24 =	vshll.u32 v55, $0x10;
	[tilespmem:s0+$0x20] =	vst v2  }
0x2ae: {  	v4 =	vmul.f32 v24, v61;
	v2 =	vshll.u32 v57, $0x10;
	[tilespmem:s0+$0x30] =	vst v21  }
0x2af: {  	v28 =	vand.u32 $0xFFFF0000, v57;
	v27 =	vbroadcast v10, $0x2;
	[tilespmem:s17+$0x50] =	vst v8;
	v2 =	vmul.f32 v2, v16;
	v29 =	vld [tilespmem:s2+$0x20]  }
0x2b0: {  	v30 =	vbroadcast v10, $0x3;
	[tilespmem:s17+$0x40] =	vst v4;
	v4 =	vmul.f32 v28, v17;
	v31 =	vshll.u32 v62, $0x10  }
0x2b1: {  	v32 =	vld [tilespmem:s26+$0x30];
	v8 =	vmul.f32 v31, v27;
	[tilespmem:s17+$0xFFFFFF90] =	vst v2;
	v2 =	vand.u32 $0xFFFF0000, v62  }
0x2b2: {  	v43 =	vshll.u32 v33, $0x10;
	[tilespmem:s17+$0xFFFFFFA0] =	vst v4;
	v2 =	vmul.f32 v2, v30  }
0x2b3: {  	v37 =	vbroadcast v20, $0x4;
	v35 =	vand.u32 $0xFFFF0000, v26;
	v3 =	vmul.f32 v43, v3;
	v36 =	vld [tilespmem:s26+$0xFFFFFFD0];
	[tilespmem:s0+$0xFFFFFF90] =	vst v8  }
0x2b4: {  	v39 =	vbroadcast v20, $0x5;
	v4 =	vmul.f32 v35, v13;
	v38 =	vshll.u32 v29, $0x10;
	[tilespmem:s0+$0xFFFFFFA0] =	vst v2  }
0x2b5: {  	[tilespmem:s14+$0xFFFFFFD0] =	vst v3;
	v2 =	vbroadcast v15, $0x7;
	v11 =	vand.u32 $0xFFFF0000, v29;
	v8 =	vmul.f32 v38, v37;
	v40 =	vld [tilespmem:s2+$0xFFFFFFD0]  }
0x2b6: {  	[tilespmem:s25+$0xFFFFFFC0] =	vst v4;
	v41 =	vand.u32 $0xFFFF0000, v32;
	v42 =	vmul.f32 v11, v39  }
0x2b7: {  	v52 =	vand.u32 $0xFFFF0000, v33;
	v2 =	vmul.f32 v41, v2;
	[tilespmem:s0+$0x40] =	vst v8  }
0x2b8: {  	v44 =	vbroadcast v7, $0x5;
	v1 =	vmul.f32 v52, v1;
	v49 =	vld [tilespmem:s12+$0xFFFFFFE0];
	[tilespmem:s0+$0x50] =	vst v42;
	v45 =	vshll.u32 v36, $0x10  }
0x2b9: {  	v46 =	vbroadcast v10, $0x4;
	v47 =	vand.u32 $0xFFFF0000, v36;
	[tilespmem:s17+$0x70] =	vst v2;
	v2 =	vld [tilespmem:s2+$0x30];
	v4 =	vmul.f32 v45, v19  }
0x2ba: {  	v48 =	vbroadcast v10, $0x5;
	[tilespmem:s14+$0xFFFFFFE0] =	vst v1;
	v3 =	vmul.f32 v47, v44;
	v50 =	vshll.u32 v40, $0x10  }
0x2bb: {  	[tilespmem:s17+$0xFFFFFFB0] =	vst v4;
	v51 =	vand.u32 $0xFFFF0000, v40;
	v8 =	vmul.f32 v50, v46  }
0x2bc: {  	[tilespmem:s17+$0xFFFFFFC0] =	vst v3;
	v3 =	vmul.f32 v51, v48  }
0x2bd: {  	v14 =	vmul.f32 v58, v14;
	v54 =	vbroadcast v20, $0x7;
	v1 =	vshll.u32 v49, $0x10;
	v55 =	vld [tilespmem:s26+$0xFFFFFFE0];
	[tilespmem:s0+$0xFFFFFFB0] =	vst v8  }
0x2be: {  	v1 =	vmul.f32 v1, v5;
	v56 =	vand.u32 $0xFFFF0000, v2;
	[tilespmem:s0+$0xFFFFFFC0] =	vst v3  }
0x2bf: {  	[tilespmem:s25+$0x60] =	vst v14;
	v53 =	vshll.u32 v32, $0x10;
	v3 =	vmul.f32 v56, v54;
	v57 =	vld [tilespmem:s2+$0xFFFFFFE0]  }
0x2c0: {  	v58 =	vbroadcast v20, $0x6;
	v59 =	vand.u32 $0xFFFF0000, v49;
	[tilespmem:s25+$0xFFFFFFD0] =	vst v1;
	v4 =	vmul.f32 v53, v9  }
0x2c1: {  	v60 =	vbroadcast v7, $0x6;
	v2 =	vshll.u32 v2, $0x10;
	[tilespmem:s0+$0x70] =	vst v3;
	v3 =	vmul.f32 v59, v6  }
0x2c2: {  	v61 =	vbroadcast v7, $0x7;
	[tilespmem:s17+$0x60] =	vst v4;
	v2 =	vmul.f32 v2, v58;
	v1 =	vshll.u32 v55, $0x10  }
0x2c3: {  	v62 =	vbroadcast v10, $0x6;
	v1 =	vmul.f32 v1, v60;
	[tilespmem:s25+$0xFFFFFFE0] =	vst v3;
	v3 =	vand.u32 $0xFFFF0000, v55  }
0x2c4: {  	v63 =	vbroadcast v10, $0x7;
	[tilespmem:s0+$0x60] =	vst v2;
	v2 =	vmul.f32 v3, v61;
	v3 =	vshll.u32 v57, $0x10  }
0x2c5: {  	[tilespmem:s17+$0xFFFFFFD0] =	vst v1;
	v1 =	vand.u32 $0xFFFF0000, v57;
	v3 =	vmul.f32 v3, v62  }
0x2c6: {  	v1 =	vmul.f32 v1, v63;
	[tilespmem:s17+$0xFFFFFFE0] =	vst v2  }
0x2c7: {  	[tilespmem:s0+$0xFFFFFFD0] =	vst v3  }
0x2c8: {  	s1 =	smin.u32 s22, $0x78;
	s14 =	rddreg [dreg:$0x2];
	s17 =	simm.s32 $0x19230;
	[tilespmem:s0+$0xFFFFFFE0] =	vst v1  }
0x2c9: {  	[spmem:s14] =	stream.indirect.scatter.add.f32 [tilespmem:s17], [sflag:$0x9], $0x90, s19, s13, $0xb8;
	[tilespmem:$0x1C9D0] =	vst v63  }
0x2ca: {  	s12 =	smul.u32 $0x50, s1;
	_ =	swait.ge [sflag:s31], $0x2D00  }
0x2cb: {  	s18 =	rddreg [dreg:$0x16]  }
0x2cc: {  	s26 =	simm.s32 $0x1BF80;
	s0 =	sadd.s32 s12, s18  }
0x2cd: {  	[sflag:s31] =	ssyncset.done $0x0;
	s1 =	sshrl.u32 s0, $0x3;
	s0 =	sadd.s32 $0x28, s0  }
0x2ce: {  	[sflag:s31] =	ssyncadd.s32 $0xFFFFD300;
	s22 =	sadd.s32 s6, s1;
	s0 =	sshrl.u32 s0, $0x3  }
0x2cf: {  	[tilespmem:s26], [sflag:$0x8] =	stream.linear.gather [hbm4b:s22+s4], $0x28, $0x38;
	[tilespmem:$0x1C9D0] =	vst v63  }
0x2d0: {  	s2 =	simm.s32 $0x1BFA8;
	s0 =	sadd.s32 s6, s0  }
0x2d1: {  	[tilespmem:s2], [sflag:$0x8] =	stream.linear.gather [hbm4b:s0+s4], $0x28, $0x38;
	[tilespmem:$0x1C9D0] =	vst v63  }
0x2d2: {  	s25 =	sadd.s32 s7, s1  }
0x2d3: {  	[tilespmem:s19], [sflag:$0x4] =	stream.linear.gather [hbm4b:s25+s4], $0x50, $0x38;
	[tilespmem:$0x1C9D0] =	vst v63  }
0x2d4: {  	_ =	swait.ge [sflag:s15], $0xC80  }
0x2d5: {  	[sflag:s15] =	ssyncset.done $0x0  }
0x2d6: {  	[sflag:s15] =	ssyncadd.s32 $0xFFFFF380  }
0x2d7: {  	_ =	swait.ge [sflag:s15], $0xC80  }
0x2d8: {  	[sflag:s15] =	ssyncset.done $0x0  }
0x2d9: {  	[sflag:s15] =	ssyncadd.s32 $0xFFFFF380  }
0x2da: {  	_ =	swait.ge [sflag:s16], $0x500  }
0x2db: {  	[sflag:s16] =	ssyncset.done $0x0  }
0x2dc: {  	[sflag:s16] =	ssyncadd.s32 $0xFFFFFB00  }
0x2dd: {  	_ =	swait.ge [sflag:s8], $0x28  }
0x2de: {  	[sflag:s8] =	ssyncset.done $0x0  }
0x2df: {  	s21 =	sadd.s32 $0x1, s21;
	[sflag:s8] =	ssyncadd.s32 $0xFFFFFFD8  }
0x2e0: {  	p0 =	sne.s32 s21, $0x3E;
	_ =	swait.ge [sflag:s8], $0x28  }
.Ltmp4:
0x2e1: {  	[sflag:s8] =	ssyncset.done $0x0;
	(pc) =	sbr.rel @p0 .LBB2_6-.Ltmp4, $4  }
0x2e2: {  	[sflag:s8] =	ssyncadd.s32 $0xFFFFFFD8  }
0x2e3: {  	_ =	swait.ge [sflag:s20], $0x50  }
0x2e4: {  	[sflag:s20] =	ssyncset.done $0x0  }
0x2e5: {  	s30 =	smov.u32 s24;
	[sflag:s20] =	ssyncadd.s32 $0xFFFFFFB0  }
0x2e6: {  	s0 =	stileid.u32;
	[bflag:$0x0] =	sbarrier.arrive $0xFFFF  }
0x2e7: {  	s0 =	sshll.u32 s0, $0x6;
	s11 =	rddreg [dreg:$0x4]  }
0x2e8: {  	s2 =	rddreg [dreg:$0x17];
	s0 =	sor.u32 $0x1C09, s0;
	s1 =	sshrl.u32 s11, $0x3  }
0x2e9: {  	[hbm:s2], [sflag:s0] =	dma.local [spmem:s1], $0x2BF2  }
0x2ea: {  	_ =	swait.ge [sflag:s31], $0x2BF2  }
0x2eb: {  	s24 =	rddreg [dreg:$0x19]  }
0x2ec: {  	s25 =	rddreg [dreg:$0x18];
	s1 =	sadd.s32 $0x1, s24  }
0x2ed: {  	p0 =	sne.s32 s1, s25  }
.Ltmp5:
0x2ee: {  	_ = 	snop;
	(pc) =	sbr.rel @p0 .LBB2_1-.Ltmp5, $3  }
0x2ef: {  	_ =	sdelay $0x1  }
0x2f0: {  	[sflag:s31] =	ssyncset.done $0x0  }
0x2f1: {  	[sflag:s31] =	ssyncadd.s32 $0xFFFFD40E  }
0x2f2: {  	_ =	sfence.sel $0x180000  }
0x2f3: {  	[bflag:$0x0] =	sbarrier.arrive $0xFFFF  }
0x2f4: {  	_ =	strace $0x90000047  }
0x2f5: {  	s0 =	stileid.u32;
	[bflag:$0x2] =	sbarrier.arrive $0xFFFF  }
0x2f6: {  	p0 =	sne.s32 s0, $0x0;
	s0 =	rddreg [dreg:$0x3]  }
0x2f7: {  	s0 =	sadd.s32 @!p0 $0x100000, s0  }
0x2f8: {  	[sflag:s0] =	ssyncadd.tile.s32 @!p0 $0x1;
	_ =	shalt  }
.Lfunc_end2:
_tile_overlayer_lowered:
.L_overlay_start_2:
0x2f9: {  	(tag) =	ssettag $0x2  }
0x2fa: {  	s0 =	rddreg [dreg:$0x0];
	s2 =	stileid.u32  }
0x2fb: {  	s1 =	rddreg [dreg:$0x1];
	p0 =	sne.s32 s2, $0x0  }
0x2fc: {  	s3 =	rddreg [dreg:$0x2];
	[bflag:$0x3] =	sbarrier.arrive $0xFFFF;
	s2 =	simm.s32 @!p0 $0x1C09  }
0x2fd: {  	[timem:s3], [sflag:s2] =	dma.local @!p0 [hbm:s0], s1  }
0x2fe: {  	s0 =	simm.s32 @!p0 $0x9  }
0x2ff: {  	_ =	swait.ge @!p0 [sflag:s0], s1  }
0x300: {  	s1 =	ssub.s32 @!p0 $0x0, s1;
	[sflag:s0] =	ssyncset.done @!p0 $0x0  }
0x301: {  	[sflag:s0] =	ssyncadd.s32 @!p0 s1  }
0x302: {  	[bflag:$0x3] =	sbarrier.arrive $0xFFFF  }
0x303: {  	_ =	shalt  }

</sc_bundles>
